<compile_context>
chip_gen: v7x
topology: tpu7x:2x2x1
jax: 0.10.2.dev20260603
libtpu: 0.0.44.dev20260713+nightly
codegen_flags: <defaults>
</compile_context>

<pallas_src>
import functools

import jax
import jax.numpy as jnp
from jax import lax
from jax.experimental import pallas as pl
from jax.experimental.pallas import tpu as pltpu
from jax.experimental.pallas import tpu_sc as plsc

NC = 2
NS = 16
NW = NC * NS
LANE = 16


def _mesh():
    return plsc.VectorSubcoreMesh(
        core_axis_name="c", subcore_axis_name="s", num_cores=NC, num_subcores=NS
    )


def _make_hist(GPT, GTAIL, GG, NCHUNK, NPAD):
    G = GG * 8

    def body(row2d, col2d, out_src, out_dst, idx_v, hist_v):
        cid = lax.axis_index("c")
        sid = lax.axis_index("s")
        w = sid * NC + cid
        ones = jnp.full((LANE,), 1.0, jnp.float32)
        zeros = jnp.zeros((LANE,), jnp.float32)

        def scatter_row(r):
            for k in range(128 // LANE):
                idx16 = idx_v[r, pl.ds(k * LANE, LANE)]
                plsc.addupdate_scatter(hist_v, [idx16], ones)

        for ph, (src, dst) in enumerate(((row2d, out_src), (col2d, out_dst))):
            def zero_body(i, _):
                hist_v[pl.ds(i * LANE, LANE)] = zeros
                return 0

            lax.fori_loop(0, NPAD // LANE, zero_body, 0)

            def chunk_body(c, _):
                start = (w * GPT + c * GG) * 8
                pltpu.sync_copy(src.at[pl.ds(start, G)], idx_v)

                def row_body(r, _):
                    scatter_row(r)
                    return 0

                lax.fori_loop(0, G, row_body, 0)
                return 0

            lax.fori_loop(0, NCHUNK, chunk_body, 0)

            if GTAIL:
                @pl.when(w < GTAIL)
                def _():
                    start = (GPT * NW + w) * 8
                    pltpu.sync_copy(
                        src.at[pl.ds(start, 8)], idx_v.at[pl.ds(0, 8)]
                    )
                    for r in range(8):
                        scatter_row(r)

            pltpu.sync_copy(hist_v, dst.at[pl.ds(w * NPAD, NPAD)])

    part = jax.ShapeDtypeStruct((NW * NPAD,), jnp.float32)
    kern = functools.partial(
        pl.kernel,
        out_type=(part, part),
        mesh=_mesh(),
        scratch_types=[
            pltpu.VMEM((G, 128), jnp.int32),
            pltpu.VMEM((NPAD,), jnp.float32),
        ],
        compiler_params=pltpu.CompilerParams(needs_layout_passes=False, use_tc_tiling_on_sc=False),
        name="sc_degree_hist",
    )
    return kern(body)


def _make_gs(F, GPT, GTAIL, GG, NCHUNK, NPAD):
    G = GG * 8
    NPT = NPAD // NS

    def body(row2d, col2d, table, zeros_hbm, out, rowb, colb, rows_v, acc_sh,
             gsem, ssem):
        cid = lax.axis_index("c")
        sid = lax.axis_index("s")
        w = sid * NC + cid

        def do_row(j):
            pltpu.async_copy(
                table.at[rowb.at[j]], rows_v.at[pl.ds(j * 128, 128)], gsem
            ).wait()
            pltpu.async_copy(
                rows_v.at[pl.ds(j * 128, 128)], acc_sh.at[colb.at[j]], ssem,
                add=True,
            ).wait()

        def f_body(f, _):
            pltpu.sync_copy(zeros_hbm, acc_sh.at[pl.ds(sid * NPT, NPT)])
            plsc.subcore_barrier()

            def chunk_body(c, _):
                start = (w * GPT + c * GG) * 8
                pltpu.sync_copy(row2d.at[pl.ds(start, G)], rowb)
                pltpu.sync_copy(col2d.at[pl.ds(start, G)], colb)
                if F > 1:
                    off = f * NPAD

                    def add_body(r, _):
                        for k in range(128 // LANE):
                            sl = pl.ds(k * LANE, LANE)
                            rowb[r, sl] = rowb[r, sl] + off
                        return 0

                    lax.fori_loop(0, G, add_body, 0)
                for j in range(G):
                    do_row(j)
                return 0

            lax.fori_loop(0, NCHUNK, chunk_body, 0)

            if GTAIL:
                @pl.when(w < GTAIL)
                def _():
                    start = (GPT * NW + w) * 8
                    pltpu.sync_copy(
                        row2d.at[pl.ds(start, 8)], rowb.at[pl.ds(0, 8)]
                    )
                    pltpu.sync_copy(
                        col2d.at[pl.ds(start, 8)], colb.at[pl.ds(0, 8)]
                    )
                    if F > 1:
                        off = f * NPAD

                        def tadd_body(r, _):
                            for k in range(128 // LANE):
                                sl = pl.ds(k * LANE, LANE)
                                rowb[0, sl] = rowb[0, sl] + off
                            return 0

                        lax.fori_loop(0, 8, tadd_body, 0)
                    for j in range(8):
                        do_row(j)

            plsc.subcore_barrier()
            pltpu.sync_copy(
                acc_sh.at[pl.ds(sid * NPT, NPT)],
                out.at[pl.ds(f * (NC * NPAD) + cid * NPAD + sid * NPT, NPT)],
            )
            plsc.subcore_barrier()
            return 0

        lax.fori_loop(0, F, f_body, 0)

    kern = functools.partial(
        pl.kernel,
        out_type=jax.ShapeDtypeStruct((F * NC * NPAD, 16), jnp.float32),
        mesh=_mesh(),
        scratch_types=[
            pltpu.VMEM((G, 128), jnp.int32),
            pltpu.VMEM((G, 128), jnp.int32),
            pltpu.VMEM((G * 128, 16), jnp.float32),
            pltpu.VMEM_SHARED((NPAD, 16), jnp.float32),
            pltpu.SemaphoreType.DMA,
            pltpu.SemaphoreType.DMA,
        ],
        compiler_params=pltpu.CompilerParams(
            needs_layout_passes=False, use_tc_tiling_on_sc=False),
        name=f"sc_gather_scatter_f{F}",
    )
    return kern(body)


def _dense_a(src_parts, dst_parts, xr, NPAD, BN):
    grid = (NPAD // BN,)

    def body(sp_ref, dp_ref, x_ref, dinv_ref, indeg_ref, ds_ref, y16t_ref):
        ds = jnp.sum(sp_ref[...], axis=0, keepdims=True)
        indeg = jnp.sum(dp_ref[...], axis=0, keepdims=True)
        dinv = lax.rsqrt(indeg + 1.0)
        xv = x_ref[...]
        y1 = dinv * xv
        y2 = dinv * ds
        dinv_ref[...] = dinv
        indeg_ref[...] = indeg
        ds_ref[...] = ds
        y16t_ref[...] = jnp.concatenate(
            [y1, y2, jnp.zeros((14, BN), jnp.float32)], axis=0
        )

    row = jax.ShapeDtypeStruct((1, NPAD), jnp.float32)
    return pl.pallas_call(
        body,
        grid=grid,
        in_specs=[
            pl.BlockSpec((NW, BN), lambda i: (0, i)),
            pl.BlockSpec((NW, BN), lambda i: (0, i)),
            pl.BlockSpec((1, BN), lambda i: (0, i)),
        ],
        out_specs=[
            pl.BlockSpec((1, BN), lambda i: (0, i)),
            pl.BlockSpec((1, BN), lambda i: (0, i)),
            pl.BlockSpec((1, BN), lambda i: (0, i)),
            pl.BlockSpec((16, BN), lambda i: (0, i)),
        ],
        out_shape=[row, row, row, jax.ShapeDtypeStruct((16, NPAD), jnp.float32)],
    )(src_parts, dst_parts, xr)


def _dense_b(uvt, dinv, xr, dsr, W1T, b1c, N, NPAD, BN):
    grid = (NPAD // BN,)

    def body(uvt_ref, dinv_ref, x_ref, ds_ref, w1t_ref, b1_ref, a1t_ref):
        i = pl.program_id(0)
        uvt_v = uvt_ref[...]
        U = uvt_v[0, 0:1] + uvt_v[1, 0:1]
        V = uvt_v[0, 1:2] + uvt_v[1, 1:2]
        dinv = dinv_ref[...]
        P = dinv * (U + dinv * x_ref[...])
        Q = dinv * (V + dinv * ds_ref[...])
        w = w1t_ref[...]
        pre = w[:, 0:1] * P + w[:, 1:2] * Q + b1_ref[...]
        colid = i * BN + lax.broadcasted_iota(jnp.int32, (1, BN), 1)
        a1t_ref[...] = jnp.where(colid < N, jnp.maximum(pre, 0.0), 0.0)

    return pl.pallas_call(
        body,
        grid=grid,
        in_specs=[
            pl.BlockSpec((NC, 16, BN), lambda i: (0, 0, i)),
            pl.BlockSpec((1, BN), lambda i: (0, i)),
            pl.BlockSpec((1, BN), lambda i: (0, i)),
            pl.BlockSpec((1, BN), lambda i: (0, i)),
            pl.BlockSpec((128, 2), lambda i: (0, 0)),
            pl.BlockSpec((128, 1), lambda i: (0, 0)),
        ],
        out_specs=pl.BlockSpec((128, BN), lambda i: (0, i)),
        out_shape=jax.ShapeDtypeStruct((128, NPAD), jnp.float32),
    )(uvt, dinv, xr, dsr, W1T, b1c)


def _dense_c(nb0t, nb1t, a1t, indeg, W2lT, W2rT, Wv1T, Wv2T, b2lc, bv1c,
             bv2c, N, NPAD, BN):
    grid = (NPAD // BN,)

    def body(nb0_ref, nb1_ref, a1t_ref, indeg_ref, w2l_ref, w2r_ref,
             wv1_ref, wv2_ref, b2l_ref, bv1_ref, bv2_ref, out_ref):
        i = pl.program_id(0)
        cnt = indeg_ref[...]
        recip = 1.0 / jnp.maximum(cnt, 1.0)
        mean_t = (nb0_ref[...] + nb1_ref[...]) * recip
        a1t_v = a1t_ref[...]
        a2t = (
            jnp.dot(w2l_ref[...], mean_t, preferred_element_type=jnp.float32)
            + b2l_ref[...]
            + jnp.dot(w2r_ref[...], a1t_v, preferred_element_type=jnp.float32)
        )
        h = jnp.maximum(
            jnp.dot(wv1_ref[...], a2t, preferred_element_type=jnp.float32)
            + bv1_ref[...],
            0.0,
        )
        v = jnp.dot(wv2_ref[...], h, preferred_element_type=jnp.float32) \
            + bv2_ref[...]
        colid = i * BN + lax.broadcasted_iota(jnp.int32, (1, BN), 1)
        v = jnp.where(colid < N, v, 0.0)
        s = jnp.sum(v).reshape(1, 1)
        prev = jnp.where(i == 0, jnp.zeros((1, 1), jnp.float32), out_ref[...])
        out_ref[...] = prev + s

    return pl.pallas_call(
        body,
        grid=grid,
        in_specs=[
            pl.BlockSpec((128, BN), lambda i: (0, i)),
            pl.BlockSpec((128, BN), lambda i: (0, i)),
            pl.BlockSpec((128, BN), lambda i: (0, i)),
            pl.BlockSpec((1, BN), lambda i: (0, i)),
            pl.BlockSpec((128, 128), lambda i: (0, 0)),
            pl.BlockSpec((128, 128), lambda i: (0, 0)),
            pl.BlockSpec((64, 128), lambda i: (0, 0)),
            pl.BlockSpec((1, 64), lambda i: (0, 0)),
            pl.BlockSpec((128, 1), lambda i: (0, 0)),
            pl.BlockSpec((64, 1), lambda i: (0, 0)),
            pl.BlockSpec((1, 1), lambda i: (0, 0)),
        ],
        out_specs=pl.BlockSpec((1, 1), lambda i: (0, 0)),
        out_shape=jax.ShapeDtypeStruct((1, 1), jnp.float32),
    )(nb0t, nb1t, a1t, indeg, W2lT, W2rT, Wv1T, Wv2T, b2lc, bv1c, bv2c)


def kernel(x, edge_index, W1, b1, W2l, b2l, W2r, Wv1, bv1, Wv2, bv2):
    N = x.shape[0]
    E = edge_index.shape[1]
    assert E % 1024 == 0
    NPAD = ((N + 2047) // 2048) * 2048
    BN = 2048
    ROWS = E // 128
    GRP = ROWS // 8
    GPT = GRP // NW
    GTAIL = GRP % NW
    GG = 1
    NCHUNK = GPT // GG
    F = 8

    row2d = edge_index[0].reshape(ROWS, 128)
    col2d = edge_index[1].reshape(ROWS, 128)
    xr = jnp.pad(x[:, 0], (0, NPAD - N)).reshape(1, NPAD)

    sp, dp = _make_hist(GPT, GTAIL, GG, NCHUNK, NPAD)(row2d, col2d)
    sp = sp.reshape(NW, NPAD)
    dp = dp.reshape(NW, NPAD)
    dinv, indeg, dsr, y16t = _dense_a(sp, dp, xr, NPAD, BN)

    zrows = jnp.zeros((NPAD // NS, 16), jnp.float32)
    y16 = y16t.T
    uv = _make_gs(1, GPT, GTAIL, GG, NCHUNK, NPAD)(row2d, col2d, y16, zrows)
    uvt = uv.reshape(NC, NPAD, 16).transpose(0, 2, 1)

    a1t = _dense_b(uvt, dinv, xr, dsr, W1.T, b1.reshape(128, 1), N, NPAD, BN)
    a1s = a1t.reshape(F, 16, NPAD).transpose(0, 2, 1).reshape(F * NPAD, 16)

    nbf = _make_gs(F, GPT, GTAIL, GG, NCHUNK, NPAD)(row2d, col2d, a1s, zrows)
    nb4 = nbf.reshape(F, NC, NPAD, 16)
    nb0t = nb4[:, 0].transpose(0, 2, 1).reshape(128, NPAD)
    nb1t = nb4[:, 1].transpose(0, 2, 1).reshape(128, NPAD)

    out = _dense_c(
        nb0t, nb1t, a1t, indeg, W2l.T, W2r.T, Wv1.T, Wv2.T,
        b2l.reshape(128, 1), bv1.reshape(64, 1), bv2.reshape(1, 1),
        N, NPAD, BN,
    )
    return out[0, 0]

# --- scband reference (transcript-rebuilt; emitter-appended) ---
"""Pipeline reference for scband-critic-18056042512980 (READ-ONLY COPY).

The authoritative reference and input builder live on the scoring server;
editing this copy changes nothing except your own understanding.
"""

import jax, jax.numpy as jnp
import numpy as np


def setup_inputs(seed: int = 0) -> dict:
    key = jax.random.key(seed)
    N = 100000
    E = 6400000
    ks = jax.random.split(key, 12)
    x = jax.random.normal(ks[0], (N, 1), dtype=jnp.float32)
    edge_index = jax.random.randint(ks[1], (2, E), 0, N, dtype=jnp.int32)
    W1 = jax.random.normal(ks[2], (2, 128), dtype=jnp.float32) * 0.5
    b1 = jnp.zeros((128,), dtype=jnp.float32)
    W2l = jax.random.normal(ks[3], (128, 128), dtype=jnp.float32) * 0.08
    b2l = jnp.zeros((128,), dtype=jnp.float32)
    W2r = jax.random.normal(ks[4], (128, 128), dtype=jnp.float32) * 0.08
    Wv1 = jax.random.normal(ks[5], (128, 64), dtype=jnp.float32) * 0.08
    bv1 = jnp.zeros((64,), dtype=jnp.float32)
    Wv2 = jax.random.normal(ks[6], (64, 1), dtype=jnp.float32) * 0.1
    bv2 = jnp.zeros((1,), dtype=jnp.float32)
    return {"x": x, "edge_index": edge_index, "W1": W1, "b1": b1,
            "W2l": W2l, "b2l": b2l, "W2r": W2r,
            "Wv1": Wv1, "bv1": bv1, "Wv2": Wv2, "bv2": bv2}


def reference(x, edge_index, W1, b1, W2l, b2l, W2r, Wv1, bv1, Wv2, bv2):
    N = x.shape[0]
    row = edge_index[0]
    col = edge_index[1]
    # degree(edge_index[0], num_nodes): out-degree of source nodes
    deg_src = jnp.zeros((N,), x.dtype).at[row].add(1.0)
    h = jnp.concatenate([x, deg_src[:, None]], axis=-1)
    # GCNConv(2, 128): symmetric-normalized aggregation with self-loops
    h = h @ W1
    loop = jnp.arange(N, dtype=edge_index.dtype)
    row2 = jnp.concatenate([row, loop])
    col2 = jnp.concatenate([col, loop])
    deg = jnp.zeros((N,), h.dtype).at[col2].add(1.0)
    dinv = jnp.where(deg > 0, jax.lax.rsqrt(deg), 0.0)
    norm = dinv[row2] * dinv[col2]
    agg = jnp.zeros((N, h.shape[1]), h.dtype).at[col2].add(h[row2] * norm[:, None])
    a1 = jax.nn.relu(agg + b1)
    # SAGEConv(128, 128): mean aggregation of neighbors + root weight
    nb = jnp.zeros((N, 128), a1.dtype).at[col].add(a1[row])
    cnt = jnp.zeros((N,), a1.dtype).at[col].add(1.0)
    mean = nb / jnp.clip(cnt, 1.0, None)[:, None]
    a2 = mean @ W2l + b2l + a1 @ W2r
    # value head
    v = jax.nn.relu(a2 @ Wv1 + bv1) @ Wv2 + bv2
    return jnp.sum(v)

if __name__ == "__main__":
    import jax
    _d = setup_inputs()
    print(jax.jit(kernel)(*tuple(_d.values())))

</pallas_src>

<mosaic_0001>
#map = affine_map<(d0, d1) -> (0, 0)>
module attributes {stable_mosaic.version = 14 : i64} {
  func.func @sc_gather_scatter_f8(%arg0: i32, %arg1: i32, %arg2: memref<50000x128xi32, #tpu.memory_space<hbm>>, %arg3: memref<50000x128xi32, #tpu.memory_space<hbm>>, %arg4: memref<802816x16xf32, #tpu.memory_space<hbm>>, %arg5: memref<6272x16xf32, #tpu.memory_space<hbm>>, %arg6: memref<1605632x16xf32, #tpu.memory_space<hbm>>, %arg7: memref<8x128xi32, #tpu.memory_space<vmem>>, %arg8: memref<8x128xi32, #tpu.memory_space<vmem>>, %arg9: memref<1024x16xf32, #tpu.memory_space<vmem>>, %arg10: memref<100352x16xf32, #tpu.memory_space<vmem_shared>>, %arg11: memref<!tpu.dma_semaphore, #tpu.memory_space<semaphore_mem>>, %arg12: memref<!tpu.dma_semaphore, #tpu.memory_space<semaphore_mem>>) attributes {dimension_semantics = [#tpu.dimension_semantics<core_parallel>, #tpu.dimension_semantics<subcore_parallel>], iteration_bounds = array<i64: 2, 16>, scalar_prefetch = 0 : i64, scratch_operands = 6 : i64, tpu.core_type = #tpu.core_type<sc_vector_subcore>, window_params = [{transform_indices = #map}, {transform_indices = #map}, {transform_indices = #map}, {transform_indices = #map}, {transform_indices = #map}]} {
    %mul3A = arith.constant 2 : i32
    %mul3A_0 = arith.muli %arg1, %mul3A : i32
    %add3A = arith.addi %mul3A_0, %arg0 : i32
    %scan3A = arith.constant 0 : i32
    %scan3A_1 = arith.constant 0 : i32
    %scan3A_2 = arith.constant 8 : i32
    %scan3A_3 = arith.addi %scan3A_1, %scan3A_2 : i32
    %scan3A_4 = arith.constant 1 : i32
    %scan3A_5 = scf.for %scan3A_7 = %scan3A_1 to %scan3A_3 step %scan3A_4 iter_args(%scan3A_8 = %scan3A) -> (i32)  : i32 {
      %mul3A_9 = arith.constant 6272 : i32
      %mul3A_10 = arith.muli %arg1, %mul3A_9 : i32
      "tpu.region"() ({
        %run_scoped3A = tpu.sem_alloc : memref<!tpu.dma_semaphore, #tpu.memory_space<semaphore_mem>>
        %dma_start3A = arith.constant 0 : i32
        %dma_start3A_33 = tpu.memref_slice %arg10[%mul3A_10, %dma_start3A] : memref<100352x16xf32, #tpu.memory_space<vmem_shared>> -> memref<6272x16xf32, #tpu.memory_space<vmem_shared>>
        tpu.enqueue_dma source(%arg5 : memref<6272x16xf32, #tpu.memory_space<hbm>>) target(%dma_start3A_33 : memref<6272x16xf32, #tpu.memory_space<vmem_shared>>) target_semaphore(%run_scoped3A : memref<!tpu.dma_semaphore, #tpu.memory_space<semaphore_mem>>)
        %dma_wait3A = arith.constant 0 : i32
        %dma_wait3A_34 = tpu.memref_slice %arg10[%mul3A_10, %dma_wait3A] : memref<100352x16xf32, #tpu.memory_space<vmem_shared>> -> memref<6272x16xf32, #tpu.memory_space<vmem_shared>>
        tpu.wait_dma2 semaphore(%run_scoped3A : memref<!tpu.dma_semaphore, #tpu.memory_space<semaphore_mem>>) src(%arg5 : memref<6272x16xf32, #tpu.memory_space<hbm>>) dst(%dma_wait3A_34 : memref<6272x16xf32, #tpu.memory_space<vmem_shared>>)
        tpu.yield
      }) : () -> ()
      %barrier3A = arith.constant 0 : index
      tpu.barrier barrier_id(%barrier3A)
      %scan3A_11 = arith.constant 0 : i32
      %scan3A_12 = arith.constant 0 : i32
      %scan3A_13 = arith.constant 195 : i32
      %scan3A_14 = arith.addi %scan3A_12, %scan3A_13 : i32
      %scan3A_15 = arith.constant 1 : i32
      %scan3A_16 = scf.for %scan3A_33 = %scan3A_12 to %scan3A_14 step %scan3A_15 iter_args(%scan3A_34 = %scan3A_11) -> (i32)  : i32 {
        %mul3A_35 = arith.constant 195 : i32
        %mul3A_36 = arith.muli %add3A, %mul3A_35 : i32
        %mul3A_37 = arith.constant 1 : i32
        %mul3A_38 = arith.muli %scan3A_33, %mul3A_37 : i32
        %add3A_39 = arith.addi %mul3A_36, %mul3A_38 : i32
        %mul3A_40 = arith.constant 8 : i32
        %mul3A_41 = arith.muli %add3A_39, %mul3A_40 : i32
        "tpu.region"() ({
          %run_scoped3A = tpu.sem_alloc : memref<!tpu.dma_semaphore, #tpu.memory_space<semaphore_mem>>
          %dma_start3A_370 = arith.constant 0 : i32
          %dma_start3A_371 = tpu.memref_slice %arg2[%mul3A_41, %dma_start3A_370] : memref<50000x128xi32, #tpu.memory_space<hbm>> -> memref<8x128xi32, #tpu.memory_space<hbm>>
          %dma_start3A_372 = arith.constant 0 : i32
          %dma_start3A_373 = tpu.memref_slice %arg2[%mul3A_41, %dma_start3A_372] : memref<50000x128xi32, #tpu.memory_space<hbm>> -> memref<8x128xi32, #tpu.memory_space<hbm>>
          tpu.enqueue_dma source(%dma_start3A_373 : memref<8x128xi32, #tpu.memory_space<hbm>>) target(%arg7 : memref<8x128xi32, #tpu.memory_space<vmem>>) target_semaphore(%run_scoped3A : memref<!tpu.dma_semaphore, #tpu.memory_space<semaphore_mem>>)
          %dma_wait3A_374 = arith.constant 0 : i32
          %dma_wait3A_375 = tpu.memref_slice %arg2[%mul3A_41, %dma_wait3A_374] : memref<50000x128xi32, #tpu.memory_space<hbm>> -> memref<8x128xi32, #tpu.memory_space<hbm>>
          %dma_wait3A_376 = arith.constant 0 : i32
          %dma_wait3A_377 = tpu.memref_slice %arg2[%mul3A_41, %dma_wait3A_376] : memref<50000x128xi32, #tpu.memory_space<hbm>> -> memref<8x128xi32, #tpu.memory_space<hbm>>
          tpu.wait_dma2 semaphore(%run_scoped3A : memref<!tpu.dma_semaphore, #tpu.memory_space<semaphore_mem>>) src(%dma_wait3A_377 : memref<8x128xi32, #tpu.memory_space<hbm>>) dst(%arg7 : memref<8x128xi32, #tpu.memory_space<vmem>>)
          tpu.yield
        }) : () -> ()
        "tpu.region"() ({
          %run_scoped3A = tpu.sem_alloc : memref<!tpu.dma_semaphore, #tpu.memory_space<semaphore_mem>>
          %dma_start3A_370 = arith.constant 0 : i32
          %dma_start3A_371 = tpu.memref_slice %arg3[%mul3A_41, %dma_start3A_370] : memref<50000x128xi32, #tpu.memory_space<hbm>> -> memref<8x128xi32, #tpu.memory_space<hbm>>
          %dma_start3A_372 = arith.constant 0 : i32
          %dma_start3A_373 = tpu.memref_slice %arg3[%mul3A_41, %dma_start3A_372] : memref<50000x128xi32, #tpu.memory_space<hbm>> -> memref<8x128xi32, #tpu.memory_space<hbm>>
          tpu.enqueue_dma source(%dma_start3A_373 : memref<8x128xi32, #tpu.memory_space<hbm>>) target(%arg8 : memref<8x128xi32, #tpu.memory_space<vmem>>) target_semaphore(%run_scoped3A : memref<!tpu.dma_semaphore, #tpu.memory_space<semaphore_mem>>)
          %dma_wait3A_374 = arith.constant 0 : i32
          %dma_wait3A_375 = tpu.memref_slice %arg3[%mul3A_41, %dma_wait3A_374] : memref<50000x128xi32, #tpu.memory_space<hbm>> -> memref<8x128xi32, #tpu.memory_space<hbm>>
          %dma_wait3A_376 = arith.constant 0 : i32
          %dma_wait3A_377 = tpu.memref_slice %arg3[%mul3A_41, %dma_wait3A_376] : memref<50000x128xi32, #tpu.memory_space<hbm>> -> memref<8x128xi32, #tpu.memory_space<hbm>>
          tpu.wait_dma2 semaphore(%run_scoped3A : memref<!tpu.dma_semaphore, #tpu.memory_space<semaphore_mem>>) src(%dma_wait3A_377 : memref<8x128xi32, #tpu.memory_space<hbm>>) dst(%arg8 : memref<8x128xi32, #tpu.memory_space<vmem>>)
          tpu.yield
        }) : () -> ()
        %mul3A_42 = arith.constant 100352 : i32
        %mul3A_43 = arith.muli %scan3A_7, %mul3A_42 : i32
        %scan3A_44 = arith.constant 0 : i32
        %scan3A_45 = arith.constant 0 : i32
        %scan3A_46 = arith.constant 8 : i32
        %scan3A_47 = arith.addi %scan3A_45, %scan3A_46 : i32
        %scan3A_48 = arith.constant 1 : i32
        %scan3A_49 = scf.for %scan3A_370 = %scan3A_45 to %scan3A_47 step %scan3A_48 iter_args(%scan3A_371 = %scan3A_44) -> (i32)  : i32 {
          %get3A = arith.index_cast %scan3A_370 : i32 to index
          %get3A_372 = arith.constant 0 : index
          %get3A_373 = tpu.vector_load %arg7[%get3A, %get3A_372] {strides = array<i32>} : memref<8x128xi32, #tpu.memory_space<vmem>>, vector<16xi32>,
          %add3A_374 = vector.broadcast %mul3A_43 : i32 to vector<16xi32>
          %add3A_375 = arith.addi %get3A_373, %add3A_374 : vector<16xi32>
          %swap3A = arith.index_cast %scan3A_370 : i32 to index
          %swap3A_376 = arith.constant 0 : index
          %swap3A_377 = tpu.vector_load %arg7[%swap3A, %swap3A_376] {strides = array<i32>} : memref<8x128xi32, #tpu.memory_space<vmem>>, vector<16xi32>,
          tpu.vector_store %arg7[%swap3A, %swap3A_376], %add3A_375 {strides = array<i32>} : memref<8x128xi32, #tpu.memory_space<vmem>>, vector<16xi32>,
          %get3A_378 = arith.index_cast %scan3A_370 : i32 to index
          %get3A_379 = arith.constant 16 : index
          %get3A_380 = tpu.vector_load %arg7[%get3A_378, %get3A_379] {strides = array<i32>} : memref<8x128xi32, #tpu.memory_space<vmem>>, vector<16xi32>,
          %add3A_381 = vector.broadcast %mul3A_43 : i32 to vector<16xi32>
          %add3A_382 = arith.addi %get3A_380, %add3A_381 : vector<16xi32>
          %swap3A_383 = arith.index_cast %scan3A_370 : i32 to index
          %swap3A_384 = arith.constant 16 : index
          %swap3A_385 = tpu.vector_load %arg7[%swap3A_383, %swap3A_384] {strides = array<i32>} : memref<8x128xi32, #tpu.memory_space<vmem>>, vector<16xi32>,
          tpu.vector_store %arg7[%swap3A_383, %swap3A_384], %add3A_382 {strides = array<i32>} : memref<8x128xi32, #tpu.memory_space<vmem>>, vector<16xi32>,
          %get3A_386 = arith.index_cast %scan3A_370 : i32 to index
          %get3A_387 = arith.constant 32 : index
          %get3A_388 = tpu.vector_load %arg7[%get3A_386, %get3A_387] {strides = array<i32>} : memref<8x128xi32, #tpu.memory_space<vmem>>, vector<16xi32>,
          %add3A_389 = vector.broadcast %mul3A_43 : i32 to vector<16xi32>
          %add3A_390 = arith.addi %get3A_388, %add3A_389 : vector<16xi32>
          %swap3A_391 = arith.index_cast %scan3A_370 : i32 to index
          %swap3A_392 = arith.constant 32 : index
          %swap3A_393 = tpu.vector_load %arg7[%swap3A_391, %swap3A_392] {strides = array<i32>} : memref<8x128xi32, #tpu.memory_space<vmem>>, vector<16xi32>,
          tpu.vector_store %arg7[%swap3A_391, %swap3A_392], %add3A_390 {strides = array<i32>} : memref<8x128xi32, #tpu.memory_space<vmem>>, vector<16xi32>,
          %get3A_394 = arith.index_cast %scan3A_370 : i32 to index
          %get3A_395 = arith.constant 48 : index
          %get3A_396 = tpu.vector_load %arg7[%get3A_394, %get3A_395] {strides = array<i32>} : memref<8x128xi32, #tpu.memory_space<vmem>>, vector<16xi32>,
          %add3A_397 = vector.broadcast %mul3A_43 : i32 to vector<16xi32>
          %add3A_398 = arith.addi %get3A_396, %add3A_397 : vector<16xi32>
          %swap3A_399 = arith.index_cast %scan3A_370 : i32 to index
          %swap3A_400 = arith.constant 48 : index
          %swap3A_401 = tpu.vector_load %arg7[%swap3A_399, %swap3A_400] {strides = array<i32>} : memref<8x128xi32, #tpu.memory_space<vmem>>, vector<16xi32>,
          tpu.vector_store %arg7[%swap3A_399, %swap3A_400], %add3A_398 {strides = array<i32>} : memref<8x128xi32, #tpu.memory_space<vmem>>, vector<16xi32>,
          %get3A_402 = arith.index_cast %scan3A_370 : i32 to index
          %get3A_403 = arith.constant 64 : index
          %get3A_404 = tpu.vector_load %arg7[%get3A_402, %get3A_403] {strides = array<i32>} : memref<8x128xi32, #tpu.memory_space<vmem>>, vector<16xi32>,
          %add3A_405 = vector.broadcast %mul3A_43 : i32 to vector<16xi32>
          %add3A_406 = arith.addi %get3A_404, %add3A_405 : vector<16xi32>
          %swap3A_407 = arith.index_cast %scan3A_370 : i32 to index
          %swap3A_408 = arith.constant 64 : index
          %swap3A_409 = tpu.vector_load %arg7[%swap3A_407, %swap3A_408] {strides = array<i32>} : memref<8x128xi32, #tpu.memory_space<vmem>>, vector<16xi32>,
          tpu.vector_store %arg7[%swap3A_407, %swap3A_408], %add3A_406 {strides = array<i32>} : memref<8x128xi32, #tpu.memory_space<vmem>>, vector<16xi32>,
          %get3A_410 = arith.index_cast %scan3A_370 : i32 to index
          %get3A_411 = arith.constant 80 : index
          %get3A_412 = tpu.vector_load %arg7[%get3A_410, %get3A_411] {strides = array<i32>} : memref<8x128xi32, #tpu.memory_space<vmem>>, vector<16xi32>,
          %add3A_413 = vector.broadcast %mul3A_43 : i32 to vector<16xi32>
          %add3A_414 = arith.addi %get3A_412, %add3A_413 : vector<16xi32>
          %swap3A_415 = arith.index_cast %scan3A_370 : i32 to index
          %swap3A_416 = arith.constant 80 : index
          %swap3A_417 = tpu.vector_load %arg7[%swap3A_415, %swap3A_416] {strides = array<i32>} : memref<8x128xi32, #tpu.memory_space<vmem>>, vector<16xi32>,
          tpu.vector_store %arg7[%swap3A_415, %swap3A_416], %add3A_414 {strides = array<i32>} : memref<8x128xi32, #tpu.memory_space<vmem>>, vector<16xi32>,
          %get3A_418 = arith.index_cast %scan3A_370 : i32 to index
          %get3A_419 = arith.constant 96 : index
          %get3A_420 = tpu.vector_load %arg7[%get3A_418, %get3A_419] {strides = array<i32>} : memref<8x128xi32, #tpu.memory_space<vmem>>, vector<16xi32>,
          %add3A_421 = vector.broadcast %mul3A_43 : i32 to vector<16xi32>
          %add3A_422 = arith.addi %get3A_420, %add3A_421 : vector<16xi32>
          %swap3A_423 = arith.index_cast %scan3A_370 : i32 to index
          %swap3A_424 = arith.constant 96 : index
          %swap3A_425 = tpu.vector_load %arg7[%swap3A_423, %swap3A_424] {strides = array<i32>} : memref<8x128xi32, #tpu.memory_space<vmem>>, vector<16xi32>,
          tpu.vector_store %arg7[%swap3A_423, %swap3A_424], %add3A_422 {strides = array<i32>} : memref<8x128xi32, #tpu.memory_space<vmem>>, vector<16xi32>,
          %get3A_426 = arith.index_cast %scan3A_370 : i32 to index
          %get3A_427 = arith.constant 112 : index
          %get3A_428 = tpu.vector_load %arg7[%get3A_426, %get3A_427] {strides = array<i32>} : memref<8x128xi32, #tpu.memory_space<vmem>>, vector<16xi32>,
          %add3A_429 = vector.broadcast %mul3A_43 : i32 to vector<16xi32>
          %add3A_430 = arith.addi %get3A_428, %add3A_429 : vector<16xi32>
          %swap3A_431 = arith.index_cast %scan3A_370 : i32 to index
          %swap3A_432 = arith.constant 112 : index
          %swap3A_433 = tpu.vector_load %arg7[%swap3A_431, %swap3A_432] {strides = array<i32>} : memref<8x128xi32, #tpu.memory_space<vmem>>, vector<16xi32>,
          tpu.vector_store %arg7[%swap3A_431, %swap3A_432], %add3A_430 {strides = array<i32>} : memref<8x128xi32, #tpu.memory_space<vmem>>, vector<16xi32>,
          %scan3A_434 = arith.constant 0 : i32
          scf.yield %scan3A_434 : i32
        }
        %scan3A_50 = arith.constant 8 : i32
        %dma_start3A = arith.constant 0 : i32
        %dma_start3A_51 = arith.constant 0 : i32
        %dma_start3A_52 = arith.constant 0 : i32
        %dma_start3A_53 = tpu.memref_slice %arg9[%dma_start3A_51, %dma_start3A_52] : memref<1024x16xf32, #tpu.memory_space<vmem>> -> memref<128x16xf32, #tpu.memory_space<vmem>>
        %dma_start3A_54 = arith.constant 0 : i32
        %dma_start3A_55 = tpu.memref_slice %arg7[%dma_start3A, %dma_start3A_54] : memref<8x128xi32, #tpu.memory_space<vmem>> -> memref<1x128xi32, #tpu.memory_space<vmem>>
        %dma_start3A_56 = tpu.memref_squeeze %dma_start3A_55 : memref<1x128xi32, #tpu.memory_space<vmem>> -> memref<128xi32, #tpu.memory_space<vmem>>
        %dma_start3A_57 = arith.constant 0 : i32
        %dma_start3A_58 = arith.constant 0 : i32
        %dma_start3A_59 = tpu.memref_slice %arg4[%dma_start3A_57, %dma_start3A_58] : memref<802816x16xf32, #tpu.memory_space<hbm>> -> memref<802816x16xf32, #tpu.memory_space<hbm>>
        tpu.enqueue_indirect_dma source(%dma_start3A_59 : memref<802816x16xf32, #tpu.memory_space<hbm>>) target(%dma_start3A_53 : memref<128x16xf32, #tpu.memory_space<vmem>>) offsets(%dma_start3A_56 : memref<128xi32, #tpu.memory_space<vmem>>) semaphore(%arg11 : memref<!tpu.dma_semaphore, #tpu.memory_space<semaphore_mem>>)
        %dma_wait3A = arith.constant 0 : i32
        %dma_wait3A_60 = arith.constant 0 : i32
        %dma_wait3A_61 = arith.constant 0 : i32
        %dma_wait3A_62 = tpu.memref_slice %arg9[%dma_wait3A_60, %dma_wait3A_61] : memref<1024x16xf32, #tpu.memory_space<vmem>> -> memref<128x16xf32, #tpu.memory_space<vmem>>
        %dma_wait3A_63 = arith.constant 0 : i32
        %dma_wait3A_64 = tpu.memref_slice %arg7[%dma_wait3A, %dma_wait3A_63] : memref<8x128xi32, #tpu.memory_space<vmem>> -> memref<1x128xi32, #tpu.memory_space<vmem>>
        %dma_wait3A_65 = tpu.memref_squeeze %dma_wait3A_64 : memref<1x128xi32, #tpu.memory_space<vmem>> -> memref<128xi32, #tpu.memory_space<vmem>>
        %dma_wait3A_66 = arith.constant 0 : i32
        %dma_wait3A_67 = arith.constant 0 : i32
        %dma_wait3A_68 = tpu.memref_slice %arg4[%dma_wait3A_66, %dma_wait3A_67] : memref<802816x16xf32, #tpu.memory_space<hbm>> -> memref<802816x16xf32, #tpu.memory_space<hbm>>
        tpu.wait_indirect_dma semaphore(%arg11 : memref<!tpu.dma_semaphore, #tpu.memory_space<semaphore_mem>>) src(%dma_wait3A_68 : memref<802816x16xf32, #tpu.memory_space<hbm>>) dst(%dma_wait3A_62 : memref<128x16xf32, #tpu.memory_space<vmem>>)
        %dma_start3A_69 = arith.constant 0 : i32
        %dma_start3A_70 = arith.constant 0 : i32
        %dma_start3A_71 = arith.constant 0 : i32
        %dma_start3A_72 = tpu.memref_slice %arg9[%dma_start3A_70, %dma_start3A_71] : memref<1024x16xf32, #tpu.memory_space<vmem>> -> memref<128x16xf32, #tpu.memory_space<vmem>>
        %dma_start3A_73 = arith.constant 0 : i32
        %dma_start3A_74 = tpu.memref_slice %arg8[%dma_start3A_69, %dma_start3A_73] : memref<8x128xi32, #tpu.memory_space<vmem>> -> memref<1x128xi32, #tpu.memory_space<vmem>>
        %dma_start3A_75 = tpu.memref_squeeze %dma_start3A_74 : memref<1x128xi32, #tpu.memory_space<vmem>> -> memref<128xi32, #tpu.memory_space<vmem>>
        %dma_start3A_76 = arith.constant 0 : i32
        %dma_start3A_77 = arith.constant 0 : i32
        %dma_start3A_78 = tpu.memref_slice %arg10[%dma_start3A_76, %dma_start3A_77] : memref<100352x16xf32, #tpu.memory_space<vmem_shared>> -> memref<100352x16xf32, #tpu.memory_space<vmem_shared>>
        tpu.enqueue_indirect_dma source(%dma_start3A_72 : memref<128x16xf32, #tpu.memory_space<vmem>>) target(%dma_start3A_78 : memref<100352x16xf32, #tpu.memory_space<vmem_shared>>) offsets(%dma_start3A_75 : memref<128xi32, #tpu.memory_space<vmem>>) semaphore(%arg12 : memref<!tpu.dma_semaphore, #tpu.memory_space<semaphore_mem>>) {add = true}
        %dma_wait3A_79 = arith.constant 0 : i32
        %dma_wait3A_80 = arith.constant 0 : i32
        %dma_wait3A_81 = arith.constant 0 : i32
        %dma_wait3A_82 = tpu.memref_slice %arg9[%dma_wait3A_80, %dma_wait3A_81] : memref<1024x16xf32, #tpu.memory_space<vmem>> -> memref<128x16xf32, #tpu.memory_space<vmem>>
        %dma_wait3A_83 = arith.constant 0 : i32
        %dma_wait3A_84 = tpu.memref_slice %arg8[%dma_wait3A_79, %dma_wait3A_83] : memref<8x128xi32, #tpu.memory_space<vmem>> -> memref<1x128xi32, #tpu.memory_space<vmem>>
        %dma_wait3A_85 = tpu.memref_squeeze %dma_wait3A_84 : memref<1x128xi32, #tpu.memory_space<vmem>> -> memref<128xi32, #tpu.memory_space<vmem>>
        %dma_wait3A_86 = arith.constant 0 : i32
        %dma_wait3A_87 = arith.constant 0 : i32
        %dma_wait3A_88 = tpu.memref_slice %arg10[%dma_wait3A_86, %dma_wait3A_87] : memref<100352x16xf32, #tpu.memory_space<vmem_shared>> -> memref<100352x16xf32, #tpu.memory_space<vmem_shared>>
        tpu.wait_indirect_dma semaphore(%arg12 : memref<!tpu.dma_semaphore, #tpu.memory_space<semaphore_mem>>) src(%dma_wait3A_82 : memref<128x16xf32, #tpu.memory_space<vmem>>) dst(%dma_wait3A_88 : memref<100352x16xf32, #tpu.memory_space<vmem_shared>>)
        %dma_start3A_89 = arith.constant 1 : i32
        %dma_start3A_90 = arith.constant 128 : i32
        %dma_start3A_91 = arith.constant 0 : i32
        %dma_start3A_92 = tpu.memref_slice %arg9[%dma_start3A_90, %dma_start3A_91] : memref<1024x16xf32, #tpu.memory_space<vmem>> -> memref<128x16xf32, #tpu.memory_space<vmem>>
        %dma_start3A_93 = arith.constant 0 : i32
        %dma_start3A_94 = tpu.memref_slice %arg7[%dma_start3A_89, %dma_start3A_93] : memref<8x128xi32, #tpu.memory_space<vmem>> -> memref<1x128xi32, #tpu.memory_space<vmem>>
        %dma_start3A_95 = tpu.memref_squeeze %dma_start3A_94 : memref<1x128xi32, #tpu.memory_space<vmem>> -> memref<128xi32, #tpu.memory_space<vmem>>
        %dma_start3A_96 = arith.constant 0 : i32
        %dma_start3A_97 = arith.constant 0 : i32
        %dma_start3A_98 = tpu.memref_slice %arg4[%dma_start3A_96, %dma_start3A_97] : memref<802816x16xf32, #tpu.memory_space<hbm>> -> memref<802816x16xf32, #tpu.memory_space<hbm>>
        tpu.enqueue_indirect_dma source(%dma_start3A_98 : memref<802816x16xf32, #tpu.memory_space<hbm>>) target(%dma_start3A_92 : memref<128x16xf32, #tpu.memory_space<vmem>>) offsets(%dma_start3A_95 : memref<128xi32, #tpu.memory_space<vmem>>) semaphore(%arg11 : memref<!tpu.dma_semaphore, #tpu.memory_space<semaphore_mem>>)
        %dma_wait3A_99 = arith.constant 1 : i32
        %dma_wait3A_100 = arith.constant 128 : i32
        %dma_wait3A_101 = arith.constant 0 : i32
        %dma_wait3A_102 = tpu.memref_slice %arg9[%dma_wait3A_100, %dma_wait3A_101] : memref<1024x16xf32, #tpu.memory_space<vmem>> -> memref<128x16xf32, #tpu.memory_space<vmem>>
        %dma_wait3A_103 = arith.constant 0 : i32
        %dma_wait3A_104 = tpu.memref_slice %arg7[%dma_wait3A_99, %dma_wait3A_103] : memref<8x128xi32, #tpu.memory_space<vmem>> -> memref<1x128xi32, #tpu.memory_space<vmem>>
        %dma_wait3A_105 = tpu.memref_squeeze %dma_wait3A_104 : memref<1x128xi32, #tpu.memory_space<vmem>> -> memref<128xi32, #tpu.memory_space<vmem>>
        %dma_wait3A_106 = arith.constant 0 : i32
        %dma_wait3A_107 = arith.constant 0 : i32
        %dma_wait3A_108 = tpu.memref_slice %arg4[%dma_wait3A_106, %dma_wait3A_107] : memref<802816x16xf32, #tpu.memory_space<hbm>> -> memref<802816x16xf32, #tpu.memory_space<hbm>>
        tpu.wait_indirect_dma semaphore(%arg11 : memref<!tpu.dma_semaphore, #tpu.memory_space<semaphore_mem>>) src(%dma_wait3A_108 : memref<802816x16xf32, #tpu.memory_space<hbm>>) dst(%dma_wait3A_102 : memref<128x16xf32, #tpu.memory_space<vmem>>)
        %dma_start3A_109 = arith.constant 1 : i32
        %dma_start3A_110 = arith.constant 128 : i32
        %dma_start3A_111 = arith.constant 0 : i32
        %dma_start3A_112 = tpu.memref_slice %arg9[%dma_start3A_110, %dma_start3A_111] : memref<1024x16xf32, #tpu.memory_space<vmem>> -> memref<128x16xf32, #tpu.memory_space<vmem>>
        %dma_start3A_113 = arith.constant 0 : i32
        %dma_start3A_114 = tpu.memref_slice %arg8[%dma_start3A_109, %dma_start3A_113] : memref<8x128xi32, #tpu.memory_space<vmem>> -> memref<1x128xi32, #tpu.memory_space<vmem>>
        %dma_start3A_115 = tpu.memref_squeeze %dma_start3A_114 : memref<1x128xi32, #tpu.memory_space<vmem>> -> memref<128xi32, #tpu.memory_space<vmem>>
        %dma_start3A_116 = arith.constant 0 : i32
        %dma_start3A_117 = arith.constant 0 : i32
        %dma_start3A_118 = tpu.memref_slice %arg10[%dma_start3A_116, %dma_start3A_117] : memref<100352x16xf32, #tpu.memory_space<vmem_shared>> -> memref<100352x16xf32, #tpu.memory_space<vmem_shared>>
        tpu.enqueue_indirect_dma source(%dma_start3A_112 : memref<128x16xf32, #tpu.memory_space<vmem>>) target(%dma_start3A_118 : memref<100352x16xf32, #tpu.memory_space<vmem_shared>>) offsets(%dma_start3A_115 : memref<128xi32, #tpu.memory_space<vmem>>) semaphore(%arg12 : memref<!tpu.dma_semaphore, #tpu.memory_space<semaphore_mem>>) {add = true}
        %dma_wait3A_119 = arith.constant 1 : i32
        %dma_wait3A_120 = arith.constant 128 : i32
        %dma_wait3A_121 = arith.constant 0 : i32
        %dma_wait3A_122 = tpu.memref_slice %arg9[%dma_wait3A_120, %dma_wait3A_121] : memref<1024x16xf32, #tpu.memory_space<vmem>> -> memref<128x16xf32, #tpu.memory_space<vmem>>
        %dma_wait3A_123 = arith.constant 0 : i32
        %dma_wait3A_124 = tpu.memref_slice %arg8[%dma_wait3A_119, %dma_wait3A_123] : memref<8x128xi32, #tpu.memory_space<vmem>> -> memref<1x128xi32, #tpu.memory_space<vmem>>
        %dma_wait3A_125 = tpu.memref_squeeze %dma_wait3A_124 : memref<1x128xi32, #tpu.memory_space<vmem>> -> memref<128xi32, #tpu.memory_space<vmem>>
        %dma_wait3A_126 = arith.constant 0 : i32
        %dma_wait3A_127 = arith.constant 0 : i32
        %dma_wait3A_128 = tpu.memref_slice %arg10[%dma_wait3A_126, %dma_wait3A_127] : memref<100352x16xf32, #tpu.memory_space<vmem_shared>> -> memref<100352x16xf32, #tpu.memory_space<vmem_shared>>
        tpu.wait_indirect_dma semaphore(%arg12 : memref<!tpu.dma_semaphore, #tpu.memory_space<semaphore_mem>>) src(%dma_wait3A_122 : memref<128x16xf32, #tpu.memory_space<vmem>>) dst(%dma_wait3A_128 : memref<100352x16xf32, #tpu.memory_space<vmem_shared>>)
        %dma_start3A_129 = arith.constant 2 : i32
        %dma_start3A_130 = arith.constant 256 : i32
        %dma_start3A_131 = arith.constant 0 : i32
        %dma_start3A_132 = tpu.memref_slice %arg9[%dma_start3A_130, %dma_start3A_131] : memref<1024x16xf32, #tpu.memory_space<vmem>> -> memref<128x16xf32, #tpu.memory_space<vmem>>
        %dma_start3A_133 = arith.constant 0 : i32
        %dma_start3A_134 = tpu.memref_slice %arg7[%dma_start3A_129, %dma_start3A_133] : memref<8x128xi32, #tpu.memory_space<vmem>> -> memref<1x128xi32, #tpu.memory_space<vmem>>
        %dma_start3A_135 = tpu.memref_squeeze %dma_start3A_134 : memref<1x128xi32, #tpu.memory_space<vmem>> -> memref<128xi32, #tpu.memory_space<vmem>>
        %dma_start3A_136 = arith.constant 0 : i32
        %dma_start3A_137 = arith.constant 0 : i32
        %dma_start3A_138 = tpu.memref_slice %arg4[%dma_start3A_136, %dma_start3A_137] : memref<802816x16xf32, #tpu.memory_space<hbm>> -> memref<802816x16xf32, #tpu.memory_space<hbm>>
        tpu.enqueue_indirect_dma source(%dma_start3A_138 : memref<802816x16xf32, #tpu.memory_space<hbm>>) target(%dma_start3A_132 : memref<128x16xf32, #tpu.memory_space<vmem>>) offsets(%dma_start3A_135 : memref<128xi32, #tpu.memory_space<vmem>>) semaphore(%arg11 : memref<!tpu.dma_semaphore, #tpu.memory_space<semaphore_mem>>)
        %dma_wait3A_139 = arith.constant 2 : i32
        %dma_wait3A_140 = arith.constant 256 : i32
        %dma_wait3A_141 = arith.constant 0 : i32
        %dma_wait3A_142 = tpu.memref_slice %arg9[%dma_wait3A_140, %dma_wait3A_141] : memref<1024x16xf32, #tpu.memory_space<vmem>> -> memref<128x16xf32, #tpu.memory_space<vmem>>
        %dma_wait3A_143 = arith.constant 0 : i32
        %dma_wait3A_144 = tpu.memref_slice %arg7[%dma_wait3A_139, %dma_wait3A_143] : memref<8x128xi32, #tpu.memory_space<vmem>> -> memref<1x128xi32, #tpu.memory_space<vmem>>
        %dma_wait3A_145 = tpu.memref_squeeze %dma_wait3A_144 : memref<1x128xi32, #tpu.memory_space<vmem>> -> memref<128xi32, #tpu.memory_space<vmem>>
        %dma_wait3A_146 = arith.constant 0 : i32
        %dma_wait3A_147 = arith.constant 0 : i32
        %dma_wait3A_148 = tpu.memref_slice %arg4[%dma_wait3A_146, %dma_wait3A_147] : memref<802816x16xf32, #tpu.memory_space<hbm>> -> memref<802816x16xf32, #tpu.memory_space<hbm>>
        tpu.wait_indirect_dma semaphore(%arg11 : memref<!tpu.dma_semaphore, #tpu.memory_space<semaphore_mem>>) src(%dma_wait3A_148 : memref<802816x16xf32, #tpu.memory_space<hbm>>) dst(%dma_wait3A_142 : memref<128x16xf32, #tpu.memory_space<vmem>>)
        %dma_start3A_149 = arith.constant 2 : i32
        %dma_start3A_150 = arith.constant 256 : i32
        %dma_start3A_151 = arith.constant 0 : i32
        %dma_start3A_152 = tpu.memref_slice %arg9[%dma_start3A_150, %dma_start3A_151] : memref<1024x16xf32, #tpu.memory_space<vmem>> -> memref<128x16xf32, #tpu.memory_space<vmem>>
        %dma_start3A_153 = arith.constant 0 : i32
        %dma_start3A_154 = tpu.memref_slice %arg8[%dma_start3A_149, %dma_start3A_153] : memref<8x128xi32, #tpu.memory_space<vmem>> -> memref<1x128xi32, #tpu.memory_space<vmem>>
        %dma_start3A_155 = tpu.memref_squeeze %dma_start3A_154 : memref<1x128xi32, #tpu.memory_space<vmem>> -> memref<128xi32, #tpu.memory_space<vmem>>
        %dma_start3A_156 = arith.constant 0 : i32
        %dma_start3A_157 = arith.constant 0 : i32
        %dma_start3A_158 = tpu.memref_slice %arg10[%dma_start3A_156, %dma_start3A_157] : memref<100352x16xf32, #tpu.memory_space<vmem_shared>> -> memref<100352x16xf32, #tpu.memory_space<vmem_shared>>
        tpu.enqueue_indirect_dma source(%dma_start3A_152 : memref<128x16xf32, #tpu.memory_space<vmem>>) target(%dma_start3A_158 : memref<100352x16xf32, #tpu.memory_space<vmem_shared>>) offsets(%dma_start3A_155 : memref<128xi32, #tpu.memory_space<vmem>>) semaphore(%arg12 : memref<!tpu.dma_semaphore, #tpu.memory_space<semaphore_mem>>) {add = true}
        %dma_wait3A_159 = arith.constant 2 : i32
        %dma_wait3A_160 = arith.constant 256 : i32
        %dma_wait3A_161 = arith.constant 0 : i32
        %dma_wait3A_162 = tpu.memref_slice %arg9[%dma_wait3A_160, %dma_wait3A_161] : memref<1024x16xf32, #tpu.memory_space<vmem>> -> memref<128x16xf32, #tpu.memory_space<vmem>>
        %dma_wait3A_163 = arith.constant 0 : i32
        %dma_wait3A_164 = tpu.memref_slice %arg8[%dma_wait3A_159, %dma_wait3A_163] : memref<8x128xi32, #tpu.memory_space<vmem>> -> memref<1x128xi32, #tpu.memory_space<vmem>>
        %dma_wait3A_165 = tpu.memref_squeeze %dma_wait3A_164 : memref<1x128xi32, #tpu.memory_space<vmem>> -> memref<128xi32, #tpu.memory_space<vmem>>
        %dma_wait3A_166 = arith.constant 0 : i32
        %dma_wait3A_167 = arith.constant 0 : i32
        %dma_wait3A_168 = tpu.memref_slice %arg10[%dma_wait3A_166, %dma_wait3A_167] : memref<100352x16xf32, #tpu.memory_space<vmem_shared>> -> memref<100352x16xf32, #tpu.memory_space<vmem_shared>>
        tpu.wait_indirect_dma semaphore(%arg12 : memref<!tpu.dma_semaphore, #tpu.memory_space<semaphore_mem>>) src(%dma_wait3A_162 : memref<128x16xf32, #tpu.memory_space<vmem>>) dst(%dma_wait3A_168 : memref<100352x16xf32, #tpu.memory_space<vmem_shared>>)
        %dma_start3A_169 = arith.constant 3 : i32
        %dma_start3A_170 = arith.constant 384 : i32
        %dma_start3A_171 = arith.constant 0 : i32
        %dma_start3A_172 = tpu.memref_slice %arg9[%dma_start3A_170, %dma_start3A_171] : memref<1024x16xf32, #tpu.memory_space<vmem>> -> memref<128x16xf32, #tpu.memory_space<vmem>>
        %dma_start3A_173 = arith.constant 0 : i32
        %dma_start3A_174 = tpu.memref_slice %arg7[%dma_start3A_169, %dma_start3A_173] : memref<8x128xi32, #tpu.memory_space<vmem>> -> memref<1x128xi32, #tpu.memory_space<vmem>>
        %dma_start3A_175 = tpu.memref_squeeze %dma_start3A_174 : memref<1x128xi32, #tpu.memory_space<vmem>> -> memref<128xi32, #tpu.memory_space<vmem>>
        %dma_start3A_176 = arith.constant 0 : i32
        %dma_start3A_177 = arith.constant 0 : i32
        %dma_start3A_178 = tpu.memref_slice %arg4[%dma_start3A_176, %dma_start3A_177] : memref<802816x16xf32, #tpu.memory_space<hbm>> -> memref<802816x16xf32, #tpu.memory_space<hbm>>
        tpu.enqueue_indirect_dma source(%dma_start3A_178 : memref<802816x16xf32, #tpu.memory_space<hbm>>) target(%dma_start3A_172 : memref<128x16xf32, #tpu.memory_space<vmem>>) offsets(%dma_start3A_175 : memref<128xi32, #tpu.memory_space<vmem>>) semaphore(%arg11 : memref<!tpu.dma_semaphore, #tpu.memory_space<semaphore_mem>>)
        %dma_wait3A_179 = arith.constant 3 : i32
        %dma_wait3A_180 = arith.constant 384 : i32
        %dma_wait3A_181 = arith.constant 0 : i32
        %dma_wait3A_182 = tpu.memref_slice %arg9[%dma_wait3A_180, %dma_wait3A_181] : memref<1024x16xf32, #tpu.memory_space<vmem>> -> memref<128x16xf32, #tpu.memory_space<vmem>>
        %dma_wait3A_183 = arith.constant 0 : i32
        %dma_wait3A_184 = tpu.memref_slice %arg7[%dma_wait3A_179, %dma_wait3A_183] : memref<8x128xi32, #tpu.memory_space<vmem>> -> memref<1x128xi32, #tpu.memory_space<vmem>>
        %dma_wait3A_185 = tpu.memref_squeeze %dma_wait3A_184 : memref<1x128xi32, #tpu.memory_space<vmem>> -> memref<128xi32, #tpu.memory_space<vmem>>
        %dma_wait3A_186 = arith.constant 0 : i32
        %dma_wait3A_187 = arith.constant 0 : i32
        %dma_wait3A_188 = tpu.memref_slice %arg4[%dma_wait3A_186, %dma_wait3A_187] : memref<802816x16xf32, #tpu.memory_space<hbm>> -> memref<802816x16xf32, #tpu.memory_space<hbm>>
        tpu.wait_indirect_dma semaphore(%arg11 : memref<!tpu.dma_semaphore, #tpu.memory_space<semaphore_mem>>) src(%dma_wait3A_188 : memref<802816x16xf32, #tpu.memory_space<hbm>>) dst(%dma_wait3A_182 : memref<128x16xf32, #tpu.memory_space<vmem>>)
        %dma_start3A_189 = arith.constant 3 : i32
        %dma_start3A_190 = arith.constant 384 : i32
        %dma_start3A_191 = arith.constant 0 : i32
        %dma_start3A_192 = tpu.memref_slice %arg9[%dma_start3A_190, %dma_start3A_191] : memref<1024x16xf32, #tpu.memory_space<vmem>> -> memref<128x16xf32, #tpu.memory_space<vmem>>
        %dma_start3A_193 = arith.constant 0 : i32
        %dma_start3A_194 = tpu.memref_slice %arg8[%dma_start3A_189, %dma_start3A_193] : memref<8x128xi32, #tpu.memory_space<vmem>> -> memref<1x128xi32, #tpu.memory_space<vmem>>
        %dma_start3A_195 = tpu.memref_squeeze %dma_start3A_194 : memref<1x128xi32, #tpu.memory_space<vmem>> -> memref<128xi32, #tpu.memory_space<vmem>>
        %dma_start3A_196 = arith.constant 0 : i32
        %dma_start3A_197 = arith.constant 0 : i32
        %dma_start3A_198 = tpu.memref_slice %arg10[%dma_start3A_196, %dma_start3A_197] : memref<100352x16xf32, #tpu.memory_space<vmem_shared>> -> memref<100352x16xf32, #tpu.memory_space<vmem_shared>>
        tpu.enqueue_indirect_dma source(%dma_start3A_192 : memref<128x16xf32, #tpu.memory_space<vmem>>) target(%dma_start3A_198 : memref<100352x16xf32, #tpu.memory_space<vmem_shared>>) offsets(%dma_start3A_195 : memref<128xi32, #tpu.memory_space<vmem>>) semaphore(%arg12 : memref<!tpu.dma_semaphore, #tpu.memory_space<semaphore_mem>>) {add = true}
        %dma_wait3A_199 = arith.constant 3 : i32
        %dma_wait3A_200 = arith.constant 384 : i32
        %dma_wait3A_201 = arith.constant 0 : i32
        %dma_wait3A_202 = tpu.memref_slice %arg9[%dma_wait3A_200, %dma_wait3A_201] : memref<1024x16xf32, #tpu.memory_space<vmem>> -> memref<128x16xf32, #tpu.memory_space<vmem>>
        %dma_wait3A_203 = arith.constant 0 : i32
        %dma_wait3A_204 = tpu.memref_slice %arg8[%dma_wait3A_199, %dma_wait3A_203] : memref<8x128xi32, #tpu.memory_space<vmem>> -> memref<1x128xi32, #tpu.memory_space<vmem>>
        %dma_wait3A_205 = tpu.memref_squeeze %dma_wait3A_204 : memref<1x128xi32, #tpu.memory_space<vmem>> -> memref<128xi32, #tpu.memory_space<vmem>>
        %dma_wait3A_206 = arith.constant 0 : i32
        %dma_wait3A_207 = arith.constant 0 : i32
        %dma_wait3A_208 = tpu.memref_slice %arg10[%dma_wait3A_206, %dma_wait3A_207] : memref<100352x16xf32, #tpu.memory_space<vmem_shared>> -> memref<100352x16xf32, #tpu.memory_space<vmem_shared>>
        tpu.wait_indirect_dma semaphore(%arg12 : memref<!tpu.dma_semaphore, #tpu.memory_space<semaphore_mem>>) src(%dma_wait3A_202 : memref<128x16xf32, #tpu.memory_space<vmem>>) dst(%dma_wait3A_208 : memref<100352x16xf32, #tpu.memory_space<vmem_shared>>)
        %dma_start3A_209 = arith.constant 4 : i32
        %dma_start3A_210 = arith.constant 512 : i32
        %dma_start3A_211 = arith.constant 0 : i32
        %dma_start3A_212 = tpu.memref_slice %arg9[%dma_start3A_210, %dma_start3A_211] : memref<1024x16xf32, #tpu.memory_space<vmem>> -> memref<128x16xf32, #tpu.memory_space<vmem>>
        %dma_start3A_213 = arith.constant 0 : i32
        %dma_start3A_214 = tpu.memref_slice %arg7[%dma_start3A_209, %dma_start3A_213] : memref<8x128xi32, #tpu.memory_space<vmem>> -> memref<1x128xi32, #tpu.memory_space<vmem>>
        %dma_start3A_215 = tpu.memref_squeeze %dma_start3A_214 : memref<1x128xi32, #tpu.memory_space<vmem>> -> memref<128xi32, #tpu.memory_space<vmem>>
        %dma_start3A_216 = arith.constant 0 : i32
        %dma_start3A_217 = arith.constant 0 : i32
        %dma_start3A_218 = tpu.memref_slice %arg4[%dma_start3A_216, %dma_start3A_217] : memref<802816x16xf32, #tpu.memory_space<hbm>> -> memref<802816x16xf32, #tpu.memory_space<hbm>>
        tpu.enqueue_indirect_dma source(%dma_start3A_218 : memref<802816x16xf32, #tpu.memory_space<hbm>>) target(%dma_start3A_212 : memref<128x16xf32, #tpu.memory_space<vmem>>) offsets(%dma_start3A_215 : memref<128xi32, #tpu.memory_space<vmem>>) semaphore(%arg11 : memref<!tpu.dma_semaphore, #tpu.memory_space<semaphore_mem>>)
        %dma_wait3A_219 = arith.constant 4 : i32
        %dma_wait3A_220 = arith.constant 512 : i32
        %dma_wait3A_221 = arith.constant 0 : i32
        %dma_wait3A_222 = tpu.memref_slice %arg9[%dma_wait3A_220, %dma_wait3A_221] : memref<1024x16xf32, #tpu.memory_space<vmem>> -> memref<128x16xf32, #tpu.memory_space<vmem>>
        %dma_wait3A_223 = arith.constant 0 : i32
        %dma_wait3A_224 = tpu.memref_slice %arg7[%dma_wait3A_219, %dma_wait3A_223] : memref<8x128xi32, #tpu.memory_space<vmem>> -> memref<1x128xi32, #tpu.memory_space<vmem>>
        %dma_wait3A_225 = tpu.memref_squeeze %dma_wait3A_224 : memref<1x128xi32, #tpu.memory_space<vmem>> -> memref<128xi32, #tpu.memory_space<vmem>>
        %dma_wait3A_226 = arith.constant 0 : i32
        %dma_wait3A_227 = arith.constant 0 : i32
        %dma_wait3A_228 = tpu.memref_slice %arg4[%dma_wait3A_226, %dma_wait3A_227] : memref<802816x16xf32, #tpu.memory_space<hbm>> -> memref<802816x16xf32, #tpu.memory_space<hbm>>
        tpu.wait_indirect_dma semaphore(%arg11 : memref<!tpu.dma_semaphore, #tpu.memory_space<semaphore_mem>>) src(%dma_wait3A_228 : memref<802816x16xf32, #tpu.memory_space<hbm>>) dst(%dma_wait3A_222 : memref<128x16xf32, #tpu.memory_space<vmem>>)
        %dma_start3A_229 = arith.constant 4 : i32
        %dma_start3A_230 = arith.constant 512 : i32
        %dma_start3A_231 = arith.constant 0 : i32
        %dma_start3A_232 = tpu.memref_slice %arg9[%dma_start3A_230, %dma_start3A_231] : memref<1024x16xf32, #tpu.memory_space<vmem>> -> memref<128x16xf32, #tpu.memory_space<vmem>>
        %dma_start3A_233 = arith.constant 0 : i32
        %dma_start3A_234 = tpu.memref_slice %arg8[%dma_start3A_229, %dma_start3A_233] : memref<8x128xi32, #tpu.memory_space<vmem>> -> memref<1x128xi32, #tpu.memory_space<vmem>>
        %dma_start3A_235 = tpu.memref_squeeze %dma_start3A_234 : memref<1x128xi32, #tpu.memory_space<vmem>> -> memref<128xi32, #tpu.memory_space<vmem>>
        %dma_start3A_236 = arith.constant 0 : i32
        %dma_start3A_237 = arith.constant 0 : i32
        %dma_start3A_238 = tpu.memref_slice %arg10[%dma_start3A_236, %dma_start3A_237] : memref<100352x16xf32, #tpu.memory_space<vmem_shared>> -> memref<100352x16xf32, #tpu.memory_space<vmem_shared>>
        tpu.enqueue_indirect_dma source(%dma_start3A_232 : memref<128x16xf32, #tpu.memory_space<vmem>>) target(%dma_start3A_238 : memref<100352x16xf32, #tpu.memory_space<vmem_shared>>) offsets(%dma_start3A_235 : memref<128xi32, #tpu.memory_space<vmem>>) semaphore(%arg12 : memref<!tpu.dma_semaphore, #tpu.memory_space<semaphore_mem>>) {add = true}
        %dma_wait3A_239 = arith.constant 4 : i32
        %dma_wait3A_240 = arith.constant 512 : i32
        %dma_wait3A_241 = arith.constant 0 : i32
        %dma_wait3A_242 = tpu.memref_slice %arg9[%dma_wait3A_240, %dma_wait3A_241] : memref<1024x16xf32, #tpu.memory_space<vmem>> -> memref<128x16xf32, #tpu.memory_space<vmem>>
        %dma_wait3A_243 = arith.constant 0 : i32
        %dma_wait3A_244 = tpu.memref_slice %arg8[%dma_wait3A_239, %dma_wait3A_243] : memref<8x128xi32, #tpu.memory_space<vmem>> -> memref<1x128xi32, #tpu.memory_space<vmem>>
        %dma_wait3A_245 = tpu.memref_squeeze %dma_wait3A_244 : memref<1x128xi32, #tpu.memory_space<vmem>> -> memref<128xi32, #tpu.memory_space<vmem>>
        %dma_wait3A_246 = arith.constant 0 : i32
        %dma_wait3A_247 = arith.constant 0 : i32
        %dma_wait3A_248 = tpu.memref_slice %arg10[%dma_wait3A_246, %dma_wait3A_247] : memref<100352x16xf32, #tpu.memory_space<vmem_shared>> -> memref<100352x16xf32, #tpu.memory_space<vmem_shared>>
        tpu.wait_indirect_dma semaphore(%arg12 : memref<!tpu.dma_semaphore, #tpu.memory_space<semaphore_mem>>) src(%dma_wait3A_242 : memref<128x16xf32, #tpu.memory_space<vmem>>) dst(%dma_wait3A_248 : memref<100352x16xf32, #tpu.memory_space<vmem_shared>>)
        %dma_start3A_249 = arith.constant 5 : i32
        %dma_start3A_250 = arith.constant 640 : i32
        %dma_start3A_251 = arith.constant 0 : i32
        %dma_start3A_252 = tpu.memref_slice %arg9[%dma_start3A_250, %dma_start3A_251] : memref<1024x16xf32, #tpu.memory_space<vmem>> -> memref<128x16xf32, #tpu.memory_space<vmem>>
        %dma_start3A_253 = arith.constant 0 : i32
        %dma_start3A_254 = tpu.memref_slice %arg7[%dma_start3A_249, %dma_start3A_253] : memref<8x128xi32, #tpu.memory_space<vmem>> -> memref<1x128xi32, #tpu.memory_space<vmem>>
        %dma_start3A_255 = tpu.memref_squeeze %dma_start3A_254 : memref<1x128xi32, #tpu.memory_space<vmem>> -> memref<128xi32, #tpu.memory_space<vmem>>
        %dma_start3A_256 = arith.constant 0 : i32
        %dma_start3A_257 = arith.constant 0 : i32
        %dma_start3A_258 = tpu.memref_slice %arg4[%dma_start3A_256, %dma_start3A_257] : memref<802816x16xf32, #tpu.memory_space<hbm>> -> memref<802816x16xf32, #tpu.memory_space<hbm>>
        tpu.enqueue_indirect_dma source(%dma_start3A_258 : memref<802816x16xf32, #tpu.memory_space<hbm>>) target(%dma_start3A_252 : memref<128x16xf32, #tpu.memory_space<vmem>>) offsets(%dma_start3A_255 : memref<128xi32, #tpu.memory_space<vmem>>) semaphore(%arg11 : memref<!tpu.dma_semaphore, #tpu.memory_space<semaphore_mem>>)
        %dma_wait3A_259 = arith.constant 5 : i32
        %dma_wait3A_260 = arith.constant 640 : i32
        %dma_wait3A_261 = arith.constant 0 : i32
        %dma_wait3A_262 = tpu.memref_slice %arg9[%dma_wait3A_260, %dma_wait3A_261] : memref<1024x16xf32, #tpu.memory_space<vmem>> -> memref<128x16xf32, #tpu.memory_space<vmem>>
        %dma_wait3A_263 = arith.constant 0 : i32
        %dma_wait3A_264 = tpu.memref_slice %arg7[%dma_wait3A_259, %dma_wait3A_263] : memref<8x128xi32, #tpu.memory_space<vmem>> -> memref<1x128xi32, #tpu.memory_space<vmem>>
        %dma_wait3A_265 = tpu.memref_squeeze %dma_wait3A_264 : memref<1x128xi32, #tpu.memory_space<vmem>> -> memref<128xi32, #tpu.memory_space<vmem>>
        %dma_wait3A_266 = arith.constant 0 : i32
        %dma_wait3A_267 = arith.constant 0 : i32
        %dma_wait3A_268 = tpu.memref_slice %arg4[%dma_wait3A_266, %dma_wait3A_267] : memref<802816x16xf32, #tpu.memory_space<hbm>> -> memref<802816x16xf32, #tpu.memory_space<hbm>>
        tpu.wait_indirect_dma semaphore(%arg11 : memref<!tpu.dma_semaphore, #tpu.memory_space<semaphore_mem>>) src(%dma_wait3A_268 : memref<802816x16xf32, #tpu.memory_space<hbm>>) dst(%dma_wait3A_262 : memref<128x16xf32, #tpu.memory_space<vmem>>)
        %dma_start3A_269 = arith.constant 5 : i32
        %dma_start3A_270 = arith.constant 640 : i32
        %dma_start3A_271 = arith.constant 0 : i32
        %dma_start3A_272 = tpu.memref_slice %arg9[%dma_start3A_270, %dma_start3A_271] : memref<1024x16xf32, #tpu.memory_space<vmem>> -> memref<128x16xf32, #tpu.memory_space<vmem>>
        %dma_start3A_273 = arith.constant 0 : i32
        %dma_start3A_274 = tpu.memref_slice %arg8[%dma_start3A_269, %dma_start3A_273] : memref<8x128xi32, #tpu.memory_space<vmem>> -> memref<1x128xi32, #tpu.memory_space<vmem>>
        %dma_start3A_275 = tpu.memref_squeeze %dma_start3A_274 : memref<1x128xi32, #tpu.memory_space<vmem>> -> memref<128xi32, #tpu.memory_space<vmem>>
        %dma_start3A_276 = arith.constant 0 : i32
        %dma_start3A_277 = arith.constant 0 : i32
        %dma_start3A_278 = tpu.memref_slice %arg10[%dma_start3A_276, %dma_start3A_277] : memref<100352x16xf32, #tpu.memory_space<vmem_shared>> -> memref<100352x16xf32, #tpu.memory_space<vmem_shared>>
        tpu.enqueue_indirect_dma source(%dma_start3A_272 : memref<128x16xf32, #tpu.memory_space<vmem>>) target(%dma_start3A_278 : memref<100352x16xf32, #tpu.memory_space<vmem_shared>>) offsets(%dma_start3A_275 : memref<128xi32, #tpu.memory_space<vmem>>) semaphore(%arg12 : memref<!tpu.dma_semaphore, #tpu.memory_space<semaphore_mem>>) {add = true}
        %dma_wait3A_279 = arith.constant 5 : i32
        %dma_wait3A_280 = arith.constant 640 : i32
        %dma_wait3A_281 = arith.constant 0 : i32
        %dma_wait3A_282 = tpu.memref_slice %arg9[%dma_wait3A_280, %dma_wait3A_281] : memref<1024x16xf32, #tpu.memory_space<vmem>> -> memref<128x16xf32, #tpu.memory_space<vmem>>
        %dma_wait3A_283 = arith.constant 0 : i32
        %dma_wait3A_284 = tpu.memref_slice %arg8[%dma_wait3A_279, %dma_wait3A_283] : memref<8x128xi32, #tpu.memory_space<vmem>> -> memref<1x128xi32, #tpu.memory_space<vmem>>
        %dma_wait3A_285 = tpu.memref_squeeze %dma_wait3A_284 : memref<1x128xi32, #tpu.memory_space<vmem>> -> memref<128xi32, #tpu.memory_space<vmem>>
        %dma_wait3A_286 = arith.constant 0 : i32
        %dma_wait3A_287 = arith.constant 0 : i32
        %dma_wait3A_288 = tpu.memref_slice %arg10[%dma_wait3A_286, %dma_wait3A_287] : memref<100352x16xf32, #tpu.memory_space<vmem_shared>> -> memref<100352x16xf32, #tpu.memory_space<vmem_shared>>
        tpu.wait_indirect_dma semaphore(%arg12 : memref<!tpu.dma_semaphore, #tpu.memory_space<semaphore_mem>>) src(%dma_wait3A_282 : memref<128x16xf32, #tpu.memory_space<vmem>>) dst(%dma_wait3A_288 : memref<100352x16xf32, #tpu.memory_space<vmem_shared>>)
        %dma_start3A_289 = arith.constant 6 : i32
        %dma_start3A_290 = arith.constant 768 : i32
        %dma_start3A_291 = arith.constant 0 : i32
        %dma_start3A_292 = tpu.memref_slice %arg9[%dma_start3A_290, %dma_start3A_291] : memref<1024x16xf32, #tpu.memory_space<vmem>> -> memref<128x16xf32, #tpu.memory_space<vmem>>
        %dma_start3A_293 = arith.constant 0 : i32
        %dma_start3A_294 = tpu.memref_slice %arg7[%dma_start3A_289, %dma_start3A_293] : memref<8x128xi32, #tpu.memory_space<vmem>> -> memref<1x128xi32, #tpu.memory_space<vmem>>
        %dma_start3A_295 = tpu.memref_squeeze %dma_start3A_294 : memref<1x128xi32, #tpu.memory_space<vmem>> -> memref<128xi32, #tpu.memory_space<vmem>>
        %dma_start3A_296 = arith.constant 0 : i32
        %dma_start3A_297 = arith.constant 0 : i32
        %dma_start3A_298 = tpu.memref_slice %arg4[%dma_start3A_296, %dma_start3A_297] : memref<802816x16xf32, #tpu.memory_space<hbm>> -> memref<802816x16xf32, #tpu.memory_space<hbm>>
        tpu.enqueue_indirect_dma source(%dma_start3A_298 : memref<802816x16xf32, #tpu.memory_space<hbm>>) target(%dma_start3A_292 : memref<128x16xf32, #tpu.memory_space<vmem>>) offsets(%dma_start3A_295 : memref<128xi32, #tpu.memory_space<vmem>>) semaphore(%arg11 : memref<!tpu.dma_semaphore, #tpu.memory_space<semaphore_mem>>)
        %dma_wait3A_299 = arith.constant 6 : i32
        %dma_wait3A_300 = arith.constant 768 : i32
        %dma_wait3A_301 = arith.constant 0 : i32
        %dma_wait3A_302 = tpu.memref_slice %arg9[%dma_wait3A_300, %dma_wait3A_301] : memref<1024x16xf32, #tpu.memory_space<vmem>> -> memref<128x16xf32, #tpu.memory_space<vmem>>
        %dma_wait3A_303 = arith.constant 0 : i32
        %dma_wait3A_304 = tpu.memref_slice %arg7[%dma_wait3A_299, %dma_wait3A_303] : memref<8x128xi32, #tpu.memory_space<vmem>> -> memref<1x128xi32, #tpu.memory_space<vmem>>
        %dma_wait3A_305 = tpu.memref_squeeze %dma_wait3A_304 : memref<1x128xi32, #tpu.memory_space<vmem>> -> memref<128xi32, #tpu.memory_space<vmem>>
        %dma_wait3A_306 = arith.constant 0 : i32
        %dma_wait3A_307 = arith.constant 0 : i32
        %dma_wait3A_308 = tpu.memref_slice %arg4[%dma_wait3A_306, %dma_wait3A_307] : memref<802816x16xf32, #tpu.memory_space<hbm>> -> memref<802816x16xf32, #tpu.memory_space<hbm>>
        tpu.wait_indirect_dma semaphore(%arg11 : memref<!tpu.dma_semaphore, #tpu.memory_space<semaphore_mem>>) src(%dma_wait3A_308 : memref<802816x16xf32, #tpu.memory_space<hbm>>) dst(%dma_wait3A_302 : memref<128x16xf32, #tpu.memory_space<vmem>>)
        %dma_start3A_309 = arith.constant 6 : i32
        %dma_start3A_310 = arith.constant 768 : i32
        %dma_start3A_311 = arith.constant 0 : i32
        %dma_start3A_312 = tpu.memref_slice %arg9[%dma_start3A_310, %dma_start3A_311] : memref<1024x16xf32, #tpu.memory_space<vmem>> -> memref<128x16xf32, #tpu.memory_space<vmem>>
        %dma_start3A_313 = arith.constant 0 : i32
        %dma_start3A_314 = tpu.memref_slice %arg8[%dma_start3A_309, %dma_start3A_313] : memref<8x128xi32, #tpu.memory_space<vmem>> -> memref<1x128xi32, #tpu.memory_space<vmem>>
        %dma_start3A_315 = tpu.memref_squeeze %dma_start3A_314 : memref<1x128xi32, #tpu.memory_space<vmem>> -> memref<128xi32, #tpu.memory_space<vmem>>
        %dma_start3A_316 = arith.constant 0 : i32
        %dma_start3A_317 = arith.constant 0 : i32
        %dma_start3A_318 = tpu.memref_slice %arg10[%dma_start3A_316, %dma_start3A_317] : memref<100352x16xf32, #tpu.memory_space<vmem_shared>> -> memref<100352x16xf32, #tpu.memory_space<vmem_shared>>
        tpu.enqueue_indirect_dma source(%dma_start3A_312 : memref<128x16xf32, #tpu.memory_space<vmem>>) target(%dma_start3A_318 : memref<100352x16xf32, #tpu.memory_space<vmem_shared>>) offsets(%dma_start3A_315 : memref<128xi32, #tpu.memory_space<vmem>>) semaphore(%arg12 : memref<!tpu.dma_semaphore, #tpu.memory_space<semaphore_mem>>) {add = true}
        %dma_wait3A_319 = arith.constant 6 : i32
        %dma_wait3A_320 = arith.constant 768 : i32
        %dma_wait3A_321 = arith.constant 0 : i32
        %dma_wait3A_322 = tpu.memref_slice %arg9[%dma_wait3A_320, %dma_wait3A_321] : memref<1024x16xf32, #tpu.memory_space<vmem>> -> memref<128x16xf32, #tpu.memory_space<vmem>>
        %dma_wait3A_323 = arith.constant 0 : i32
        %dma_wait3A_324 = tpu.memref_slice %arg8[%dma_wait3A_319, %dma_wait3A_323] : memref<8x128xi32, #tpu.memory_space<vmem>> -> memref<1x128xi32, #tpu.memory_space<vmem>>
        %dma_wait3A_325 = tpu.memref_squeeze %dma_wait3A_324 : memref<1x128xi32, #tpu.memory_space<vmem>> -> memref<128xi32, #tpu.memory_space<vmem>>
        %dma_wait3A_326 = arith.constant 0 : i32
        %dma_wait3A_327 = arith.constant 0 : i32
        %dma_wait3A_328 = tpu.memref_slice %arg10[%dma_wait3A_326, %dma_wait3A_327] : memref<100352x16xf32, #tpu.memory_space<vmem_shared>> -> memref<100352x16xf32, #tpu.memory_space<vmem_shared>>
        tpu.wait_indirect_dma semaphore(%arg12 : memref<!tpu.dma_semaphore, #tpu.memory_space<semaphore_mem>>) src(%dma_wait3A_322 : memref<128x16xf32, #tpu.memory_space<vmem>>) dst(%dma_wait3A_328 : memref<100352x16xf32, #tpu.memory_space<vmem_shared>>)
        %dma_start3A_329 = arith.constant 7 : i32
        %dma_start3A_330 = arith.constant 896 : i32
        %dma_start3A_331 = arith.constant 0 : i32
        %dma_start3A_332 = tpu.memref_slice %arg9[%dma_start3A_330, %dma_start3A_331] : memref<1024x16xf32, #tpu.memory_space<vmem>> -> memref<128x16xf32, #tpu.memory_space<vmem>>
        %dma_start3A_333 = arith.constant 0 : i32
        %dma_start3A_334 = tpu.memref_slice %arg7[%dma_start3A_329, %dma_start3A_333] : memref<8x128xi32, #tpu.memory_space<vmem>> -> memref<1x128xi32, #tpu.memory_space<vmem>>
        %dma_start3A_335 = tpu.memref_squeeze %dma_start3A_334 : memref<1x128xi32, #tpu.memory_space<vmem>> -> memref<128xi32, #tpu.memory_space<vmem>>
        %dma_start3A_336 = arith.constant 0 : i32
        %dma_start3A_337 = arith.constant 0 : i32
        %dma_start3A_338 = tpu.memref_slice %arg4[%dma_start3A_336, %dma_start3A_337] : memref<802816x16xf32, #tpu.memory_space<hbm>> -> memref<802816x16xf32, #tpu.memory_space<hbm>>
        tpu.enqueue_indirect_dma source(%dma_start3A_338 : memref<802816x16xf32, #tpu.memory_space<hbm>>) target(%dma_start3A_332 : memref<128x16xf32, #tpu.memory_space<vmem>>) offsets(%dma_start3A_335 : memref<128xi32, #tpu.memory_space<vmem>>) semaphore(%arg11 : memref<!tpu.dma_semaphore, #tpu.memory_space<semaphore_mem>>)
        %dma_wait3A_339 = arith.constant 7 : i32
        %dma_wait3A_340 = arith.constant 896 : i32
        %dma_wait3A_341 = arith.constant 0 : i32
        %dma_wait3A_342 = tpu.memref_slice %arg9[%dma_wait3A_340, %dma_wait3A_341] : memref<1024x16xf32, #tpu.memory_space<vmem>> -> memref<128x16xf32, #tpu.memory_space<vmem>>
        %dma_wait3A_343 = arith.constant 0 : i32
        %dma_wait3A_344 = tpu.memref_slice %arg7[%dma_wait3A_339, %dma_wait3A_343] : memref<8x128xi32, #tpu.memory_space<vmem>> -> memref<1x128xi32, #tpu.memory_space<vmem>>
        %dma_wait3A_345 = tpu.memref_squeeze %dma_wait3A_344 : memref<1x128xi32, #tpu.memory_space<vmem>> -> memref<128xi32, #tpu.memory_space<vmem>>
        %dma_wait3A_346 = arith.constant 0 : i32
        %dma_wait3A_347 = arith.constant 0 : i32
        %dma_wait3A_348 = tpu.memref_slice %arg4[%dma_wait3A_346, %dma_wait3A_347] : memref<802816x16xf32, #tpu.memory_space<hbm>> -> memref<802816x16xf32, #tpu.memory_space<hbm>>
        tpu.wait_indirect_dma semaphore(%arg11 : memref<!tpu.dma_semaphore, #tpu.memory_space<semaphore_mem>>) src(%dma_wait3A_348 : memref<802816x16xf32, #tpu.memory_space<hbm>>) dst(%dma_wait3A_342 : memref<128x16xf32, #tpu.memory_space<vmem>>)
        %dma_start3A_349 = arith.constant 7 : i32
        %dma_start3A_350 = arith.constant 896 : i32
        %dma_start3A_351 = arith.constant 0 : i32
        %dma_start3A_352 = tpu.memref_slice %arg9[%dma_start3A_350, %dma_start3A_351] : memref<1024x16xf32, #tpu.memory_space<vmem>> -> memref<128x16xf32, #tpu.memory_space<vmem>>
        %dma_start3A_353 = arith.constant 0 : i32
        %dma_start3A_354 = tpu.memref_slice %arg8[%dma_start3A_349, %dma_start3A_353] : memref<8x128xi32, #tpu.memory_space<vmem>> -> memref<1x128xi32, #tpu.memory_space<vmem>>
        %dma_start3A_355 = tpu.memref_squeeze %dma_start3A_354 : memref<1x128xi32, #tpu.memory_space<vmem>> -> memref<128xi32, #tpu.memory_space<vmem>>
        %dma_start3A_356 = arith.constant 0 : i32
        %dma_start3A_357 = arith.constant 0 : i32
        %dma_start3A_358 = tpu.memref_slice %arg10[%dma_start3A_356, %dma_start3A_357] : memref<100352x16xf32, #tpu.memory_space<vmem_shared>> -> memref<100352x16xf32, #tpu.memory_space<vmem_shared>>
        tpu.enqueue_indirect_dma source(%dma_start3A_352 : memref<128x16xf32, #tpu.memory_space<vmem>>) target(%dma_start3A_358 : memref<100352x16xf32, #tpu.memory_space<vmem_shared>>) offsets(%dma_start3A_355 : memref<128xi32, #tpu.memory_space<vmem>>) semaphore(%arg12 : memref<!tpu.dma_semaphore, #tpu.memory_space<semaphore_mem>>) {add = true}
        %dma_wait3A_359 = arith.constant 7 : i32
        %dma_wait3A_360 = arith.constant 896 : i32
        %dma_wait3A_361 = arith.constant 0 : i32
        %dma_wait3A_362 = tpu.memref_slice %arg9[%dma_wait3A_360, %dma_wait3A_361] : memref<1024x16xf32, #tpu.memory_space<vmem>> -> memref<128x16xf32, #tpu.memory_space<vmem>>
        %dma_wait3A_363 = arith.constant 0 : i32
        %dma_wait3A_364 = tpu.memref_slice %arg8[%dma_wait3A_359, %dma_wait3A_363] : memref<8x128xi32, #tpu.memory_space<vmem>> -> memref<1x128xi32, #tpu.memory_space<vmem>>
        %dma_wait3A_365 = tpu.memref_squeeze %dma_wait3A_364 : memref<1x128xi32, #tpu.memory_space<vmem>> -> memref<128xi32, #tpu.memory_space<vmem>>
        %dma_wait3A_366 = arith.constant 0 : i32
        %dma_wait3A_367 = arith.constant 0 : i32
        %dma_wait3A_368 = tpu.memref_slice %arg10[%dma_wait3A_366, %dma_wait3A_367] : memref<100352x16xf32, #tpu.memory_space<vmem_shared>> -> memref<100352x16xf32, #tpu.memory_space<vmem_shared>>
        tpu.wait_indirect_dma semaphore(%arg12 : memref<!tpu.dma_semaphore, #tpu.memory_space<semaphore_mem>>) src(%dma_wait3A_362 : memref<128x16xf32, #tpu.memory_space<vmem>>) dst(%dma_wait3A_368 : memref<100352x16xf32, #tpu.memory_space<vmem_shared>>)
        %scan3A_369 = arith.constant 0 : i32
        scf.yield %scan3A_369 : i32
      }
      %scan3A_17 = arith.constant 195 : i32
      %lt3A = arith.constant 10 : i32
      %lt3A_18 = arith.cmpi slt, %add3A, %lt3A : i32
      %convert_element_type3A = arith.extui %lt3A_18 : i1 to i32
      %cond3A = arith.constant 0 : i32
      %cond3A_19 = arith.cmpi ne, %convert_element_type3A, %cond3A : i32
      scf.if %cond3A_19 {
        %add3A_33 = arith.constant 6240 : i32
        %add3A_34 = arith.addi %add3A_33, %add3A : i32
        %mul3A_35 = arith.constant 8 : i32
        %mul3A_36 = arith.muli %add3A_34, %mul3A_35 : i32
        "tpu.region"() ({
          %run_scoped3A = tpu.sem_alloc : memref<!tpu.dma_semaphore, #tpu.memory_space<semaphore_mem>>
          %dma_start3A_364 = arith.constant 0 : i32
          %dma_start3A_365 = arith.constant 0 : i32
          %dma_start3A_366 = tpu.memref_slice %arg7[%dma_start3A_364, %dma_start3A_365] : memref<8x128xi32, #tpu.memory_space<vmem>> -> memref<8x128xi32, #tpu.memory_space<vmem>>
          %dma_start3A_367 = arith.constant 0 : i32
          %dma_start3A_368 = tpu.memref_slice %arg2[%mul3A_36, %dma_start3A_367] : memref<50000x128xi32, #tpu.memory_space<hbm>> -> memref<8x128xi32, #tpu.memory_space<hbm>>
          %dma_start3A_369 = arith.constant 0 : i32
          %dma_start3A_370 = arith.constant 0 : i32
          %dma_start3A_371 = tpu.memref_slice %arg7[%dma_start3A_369, %dma_start3A_370] : memref<8x128xi32, #tpu.memory_space<vmem>> -> memref<8x128xi32, #tpu.memory_space<vmem>>
          %dma_start3A_372 = arith.constant 0 : i32
          %dma_start3A_373 = tpu.memref_slice %arg2[%mul3A_36, %dma_start3A_372] : memref<50000x128xi32, #tpu.memory_space<hbm>> -> memref<8x128xi32, #tpu.memory_space<hbm>>
          tpu.enqueue_dma source(%dma_start3A_373 : memref<8x128xi32, #tpu.memory_space<hbm>>) target(%dma_start3A_371 : memref<8x128xi32, #tpu.memory_space<vmem>>) target_semaphore(%run_scoped3A : memref<!tpu.dma_semaphore, #tpu.memory_space<semaphore_mem>>)
          %dma_wait3A_374 = arith.constant 0 : i32
          %dma_wait3A_375 = arith.constant 0 : i32
          %dma_wait3A_376 = tpu.memref_slice %arg7[%dma_wait3A_374, %dma_wait3A_375] : memref<8x128xi32, #tpu.memory_space<vmem>> -> memref<8x128xi32, #tpu.memory_space<vmem>>
          %dma_wait3A_377 = arith.constant 0 : i32
          %dma_wait3A_378 = tpu.memref_slice %arg2[%mul3A_36, %dma_wait3A_377] : memref<50000x128xi32, #tpu.memory_space<hbm>> -> memref<8x128xi32, #tpu.memory_space<hbm>>
          %dma_wait3A_379 = arith.constant 0 : i32
          %dma_wait3A_380 = arith.constant 0 : i32
          %dma_wait3A_381 = tpu.memref_slice %arg7[%dma_wait3A_379, %dma_wait3A_380] : memref<8x128xi32, #tpu.memory_space<vmem>> -> memref<8x128xi32, #tpu.memory_space<vmem>>
          %dma_wait3A_382 = arith.constant 0 : i32
          %dma_wait3A_383 = tpu.memref_slice %arg2[%mul3A_36, %dma_wait3A_382] : memref<50000x128xi32, #tpu.memory_space<hbm>> -> memref<8x128xi32, #tpu.memory_space<hbm>>
          tpu.wait_dma2 semaphore(%run_scoped3A : memref<!tpu.dma_semaphore, #tpu.memory_space<semaphore_mem>>) src(%dma_wait3A_383 : memref<8x128xi32, #tpu.memory_space<hbm>>) dst(%dma_wait3A_381 : memref<8x128xi32, #tpu.memory_space<vmem>>)
          tpu.yield
        }) : () -> ()
        "tpu.region"() ({
          %run_scoped3A = tpu.sem_alloc : memref<!tpu.dma_semaphore, #tpu.memory_space<semaphore_mem>>
          %dma_start3A_364 = arith.constant 0 : i32
          %dma_start3A_365 = arith.constant 0 : i32
          %dma_start3A_366 = tpu.memref_slice %arg8[%dma_start3A_364, %dma_start3A_365] : memref<8x128xi32, #tpu.memory_space<vmem>> -> memref<8x128xi32, #tpu.memory_space<vmem>>
          %dma_start3A_367 = arith.constant 0 : i32
          %dma_start3A_368 = tpu.memref_slice %arg3[%mul3A_36, %dma_start3A_367] : memref<50000x128xi32, #tpu.memory_space<hbm>> -> memref<8x128xi32, #tpu.memory_space<hbm>>
          %dma_start3A_369 = arith.constant 0 : i32
          %dma_start3A_370 = arith.constant 0 : i32
          %dma_start3A_371 = tpu.memref_slice %arg8[%dma_start3A_369, %dma_start3A_370] : memref<8x128xi32, #tpu.memory_space<vmem>> -> memref<8x128xi32, #tpu.memory_space<vmem>>
          %dma_start3A_372 = arith.constant 0 : i32
          %dma_start3A_373 = tpu.memref_slice %arg3[%mul3A_36, %dma_start3A_372] : memref<50000x128xi32, #tpu.memory_space<hbm>> -> memref<8x128xi32, #tpu.memory_space<hbm>>
          tpu.enqueue_dma source(%dma_start3A_373 : memref<8x128xi32, #tpu.memory_space<hbm>>) target(%dma_start3A_371 : memref<8x128xi32, #tpu.memory_space<vmem>>) target_semaphore(%run_scoped3A : memref<!tpu.dma_semaphore, #tpu.memory_space<semaphore_mem>>)
          %dma_wait3A_374 = arith.constant 0 : i32
          %dma_wait3A_375 = arith.constant 0 : i32
          %dma_wait3A_376 = tpu.memref_slice %arg8[%dma_wait3A_374, %dma_wait3A_375] : memref<8x128xi32, #tpu.memory_space<vmem>> -> memref<8x128xi32, #tpu.memory_space<vmem>>
          %dma_wait3A_377 = arith.constant 0 : i32
          %dma_wait3A_378 = tpu.memref_slice %arg3[%mul3A_36, %dma_wait3A_377] : memref<50000x128xi32, #tpu.memory_space<hbm>> -> memref<8x128xi32, #tpu.memory_space<hbm>>
          %dma_wait3A_379 = arith.constant 0 : i32
          %dma_wait3A_380 = arith.constant 0 : i32
          %dma_wait3A_381 = tpu.memref_slice %arg8[%dma_wait3A_379, %dma_wait3A_380] : memref<8x128xi32, #tpu.memory_space<vmem>> -> memref<8x128xi32, #tpu.memory_space<vmem>>
          %dma_wait3A_382 = arith.constant 0 : i32
          %dma_wait3A_383 = tpu.memref_slice %arg3[%mul3A_36, %dma_wait3A_382] : memref<50000x128xi32, #tpu.memory_space<hbm>> -> memref<8x128xi32, #tpu.memory_space<hbm>>
          tpu.wait_dma2 semaphore(%run_scoped3A : memref<!tpu.dma_semaphore, #tpu.memory_space<semaphore_mem>>) src(%dma_wait3A_383 : memref<8x128xi32, #tpu.memory_space<hbm>>) dst(%dma_wait3A_381 : memref<8x128xi32, #tpu.memory_space<vmem>>)
          tpu.yield
        }) : () -> ()
        %mul3A_37 = arith.constant 100352 : i32
        %mul3A_38 = arith.muli %scan3A_7, %mul3A_37 : i32
        %scan3A_39 = arith.constant 0 : i32
        %scan3A_40 = arith.constant 0 : i32
        %scan3A_41 = arith.constant 8 : i32
        %scan3A_42 = arith.addi %scan3A_40, %scan3A_41 : i32
        %scan3A_43 = arith.constant 1 : i32
        %scan3A_44 = scf.for %scan3A_364 = %scan3A_40 to %scan3A_42 step %scan3A_43 iter_args(%scan3A_365 = %scan3A_39) -> (i32)  : i32 {
          %get3A = arith.constant 0 : i32
          %get3A_366 = arith.index_cast %get3A : i32 to index
          %get3A_367 = arith.constant 0 : index
          %get3A_368 = tpu.vector_load %arg7[%get3A_366, %get3A_367] {strides = array<i32>} : memref<8x128xi32, #tpu.memory_space<vmem>>, vector<16xi32>,
          %add3A_369 = vector.broadcast %mul3A_38 : i32 to vector<16xi32>
          %add3A_370 = arith.addi %get3A_368, %add3A_369 : vector<16xi32>
          %swap3A = arith.constant 0 : i32
          %swap3A_371 = arith.index_cast %swap3A : i32 to index
          %swap3A_372 = arith.constant 0 : index
          %swap3A_373 = tpu.vector_load %arg7[%swap3A_371, %swap3A_372] {strides = array<i32>} : memref<8x128xi32, #tpu.memory_space<vmem>>, vector<16xi32>,
          tpu.vector_store %arg7[%swap3A_371, %swap3A_372], %add3A_370 {strides = array<i32>} : memref<8x128xi32, #tpu.memory_space<vmem>>, vector<16xi32>,
          %get3A_374 = arith.constant 0 : i32
          %get3A_375 = arith.index_cast %get3A_374 : i32 to index
          %get3A_376 = arith.constant 16 : index
          %get3A_377 = tpu.vector_load %arg7[%get3A_375, %get3A_376] {strides = array<i32>} : memref<8x128xi32, #tpu.memory_space<vmem>>, vector<16xi32>,
          %add3A_378 = vector.broadcast %mul3A_38 : i32 to vector<16xi32>
          %add3A_379 = arith.addi %get3A_377, %add3A_378 : vector<16xi32>
          %swap3A_380 = arith.constant 0 : i32
          %swap3A_381 = arith.index_cast %swap3A_380 : i32 to index
          %swap3A_382 = arith.constant 16 : index
          %swap3A_383 = tpu.vector_load %arg7[%swap3A_381, %swap3A_382] {strides = array<i32>} : memref<8x128xi32, #tpu.memory_space<vmem>>, vector<16xi32>,
          tpu.vector_store %arg7[%swap3A_381, %swap3A_382], %add3A_379 {strides = array<i32>} : memref<8x128xi32, #tpu.memory_space<vmem>>, vector<16xi32>,
          %get3A_384 = arith.constant 0 : i32
          %get3A_385 = arith.index_cast %get3A_384 : i32 to index
          %get3A_386 = arith.constant 32 : index
          %get3A_387 = tpu.vector_load %arg7[%get3A_385, %get3A_386] {strides = array<i32>} : memref<8x128xi32, #tpu.memory_space<vmem>>, vector<16xi32>,
          %add3A_388 = vector.broadcast %mul3A_38 : i32 to vector<16xi32>
          %add3A_389 = arith.addi %get3A_387, %add3A_388 : vector<16xi32>
          %swap3A_390 = arith.constant 0 : i32
          %swap3A_391 = arith.index_cast %swap3A_390 : i32 to index
          %swap3A_392 = arith.constant 32 : index
          %swap3A_393 = tpu.vector_load %arg7[%swap3A_391, %swap3A_392] {strides = array<i32>} : memref<8x128xi32, #tpu.memory_space<vmem>>, vector<16xi32>,
          tpu.vector_store %arg7[%swap3A_391, %swap3A_392], %add3A_389 {strides = array<i32>} : memref<8x128xi32, #tpu.memory_space<vmem>>, vector<16xi32>,
          %get3A_394 = arith.constant 0 : i32
          %get3A_395 = arith.index_cast %get3A_394 : i32 to index
          %get3A_396 = arith.constant 48 : index
          %get3A_397 = tpu.vector_load %arg7[%get3A_395, %get3A_396] {strides = array<i32>} : memref<8x128xi32, #tpu.memory_space<vmem>>, vector<16xi32>,
          %add3A_398 = vector.broadcast %mul3A_38 : i32 to vector<16xi32>
          %add3A_399 = arith.addi %get3A_397, %add3A_398 : vector<16xi32>
          %swap3A_400 = arith.constant 0 : i32
          %swap3A_401 = arith.index_cast %swap3A_400 : i32 to index
          %swap3A_402 = arith.constant 48 : index
          %swap3A_403 = tpu.vector_load %arg7[%swap3A_401, %swap3A_402] {strides = array<i32>} : memref<8x128xi32, #tpu.memory_space<vmem>>, vector<16xi32>,
          tpu.vector_store %arg7[%swap3A_401, %swap3A_402], %add3A_399 {strides = array<i32>} : memref<8x128xi32, #tpu.memory_space<vmem>>, vector<16xi32>,
          %get3A_404 = arith.constant 0 : i32
          %get3A_405 = arith.index_cast %get3A_404 : i32 to index
          %get3A_406 = arith.constant 64 : index
          %get3A_407 = tpu.vector_load %arg7[%get3A_405, %get3A_406] {strides = array<i32>} : memref<8x128xi32, #tpu.memory_space<vmem>>, vector<16xi32>,
          %add3A_408 = vector.broadcast %mul3A_38 : i32 to vector<16xi32>
          %add3A_409 = arith.addi %get3A_407, %add3A_408 : vector<16xi32>
          %swap3A_410 = arith.constant 0 : i32
          %swap3A_411 = arith.index_cast %swap3A_410 : i32 to index
          %swap3A_412 = arith.constant 64 : index
          %swap3A_413 = tpu.vector_load %arg7[%swap3A_411, %swap3A_412] {strides = array<i32>} : memref<8x128xi32, #tpu.memory_space<vmem>>, vector<16xi32>,
          tpu.vector_store %arg7[%swap3A_411, %swap3A_412], %add3A_409 {strides = array<i32>} : memref<8x128xi32, #tpu.memory_space<vmem>>, vector<16xi32>,
          %get3A_414 = arith.constant 0 : i32
          %get3A_415 = arith.index_cast %get3A_414 : i32 to index
          %get3A_416 = arith.constant 80 : index
          %get3A_417 = tpu.vector_load %arg7[%get3A_415, %get3A_416] {strides = array<i32>} : memref<8x128xi32, #tpu.memory_space<vmem>>, vector<16xi32>,
          %add3A_418 = vector.broadcast %mul3A_38 : i32 to vector<16xi32>
          %add3A_419 = arith.addi %get3A_417, %add3A_418 : vector<16xi32>
          %swap3A_420 = arith.constant 0 : i32
          %swap3A_421 = arith.index_cast %swap3A_420 : i32 to index
          %swap3A_422 = arith.constant 80 : index
          %swap3A_423 = tpu.vector_load %arg7[%swap3A_421, %swap3A_422] {strides = array<i32>} : memref<8x128xi32, #tpu.memory_space<vmem>>, vector<16xi32>,
          tpu.vector_store %arg7[%swap3A_421, %swap3A_422], %add3A_419 {strides = array<i32>} : memref<8x128xi32, #tpu.memory_space<vmem>>, vector<16xi32>,
          %get3A_424 = arith.constant 0 : i32
          %get3A_425 = arith.index_cast %get3A_424 : i32 to index
          %get3A_426 = arith.constant 96 : index
          %get3A_427 = tpu.vector_load %arg7[%get3A_425, %get3A_426] {strides = array<i32>} : memref<8x128xi32, #tpu.memory_space<vmem>>, vector<16xi32>,
          %add3A_428 = vector.broadcast %mul3A_38 : i32 to vector<16xi32>
          %add3A_429 = arith.addi %get3A_427, %add3A_428 : vector<16xi32>
          %swap3A_430 = arith.constant 0 : i32
          %swap3A_431 = arith.index_cast %swap3A_430 : i32 to index
          %swap3A_432 = arith.constant 96 : index
          %swap3A_433 = tpu.vector_load %arg7[%swap3A_431, %swap3A_432] {strides = array<i32>} : memref<8x128xi32, #tpu.memory_space<vmem>>, vector<16xi32>,
          tpu.vector_store %arg7[%swap3A_431, %swap3A_432], %add3A_429 {strides = array<i32>} : memref<8x128xi32, #tpu.memory_space<vmem>>, vector<16xi32>,
          %get3A_434 = arith.constant 0 : i32
          %get3A_435 = arith.index_cast %get3A_434 : i32 to index
          %get3A_436 = arith.constant 112 : index
          %get3A_437 = tpu.vector_load %arg7[%get3A_435, %get3A_436] {strides = array<i32>} : memref<8x128xi32, #tpu.memory_space<vmem>>, vector<16xi32>,
          %add3A_438 = vector.broadcast %mul3A_38 : i32 to vector<16xi32>
          %add3A_439 = arith.addi %get3A_437, %add3A_438 : vector<16xi32>
          %swap3A_440 = arith.constant 0 : i32
          %swap3A_441 = arith.index_cast %swap3A_440 : i32 to index
          %swap3A_442 = arith.constant 112 : index
          %swap3A_443 = tpu.vector_load %arg7[%swap3A_441, %swap3A_442] {strides = array<i32>} : memref<8x128xi32, #tpu.memory_space<vmem>>, vector<16xi32>,
          tpu.vector_store %arg7[%swap3A_441, %swap3A_442], %add3A_439 {strides = array<i32>} : memref<8x128xi32, #tpu.memory_space<vmem>>, vector<16xi32>,
          %scan3A_444 = arith.constant 0 : i32
          scf.yield %scan3A_444 : i32
        }
        %scan3A_45 = arith.constant 8 : i32
        %dma_start3A = arith.constant 0 : i32
        %dma_start3A_46 = arith.constant 0 : i32
        %dma_start3A_47 = arith.constant 0 : i32
        %dma_start3A_48 = tpu.memref_slice %arg9[%dma_start3A_46, %dma_start3A_47] : memref<1024x16xf32, #tpu.memory_space<vmem>> -> memref<128x16xf32, #tpu.memory_space<vmem>>
        %dma_start3A_49 = arith.constant 0 : i32
        %dma_start3A_50 = tpu.memref_slice %arg7[%dma_start3A, %dma_start3A_49] : memref<8x128xi32, #tpu.memory_space<vmem>> -> memref<1x128xi32, #tpu.memory_space<vmem>>
        %dma_start3A_51 = tpu.memref_squeeze %dma_start3A_50 : memref<1x128xi32, #tpu.memory_space<vmem>> -> memref<128xi32, #tpu.memory_space<vmem>>
        %dma_start3A_52 = arith.constant 0 : i32
        %dma_start3A_53 = arith.constant 0 : i32
        %dma_start3A_54 = tpu.memref_slice %arg4[%dma_start3A_52, %dma_start3A_53] : memref<802816x16xf32, #tpu.memory_space<hbm>> -> memref<802816x16xf32, #tpu.memory_space<hbm>>
        tpu.enqueue_indirect_dma source(%dma_start3A_54 : memref<802816x16xf32, #tpu.memory_space<hbm>>) target(%dma_start3A_48 : memref<128x16xf32, #tpu.memory_space<vmem>>) offsets(%dma_start3A_51 : memref<128xi32, #tpu.memory_space<vmem>>) semaphore(%arg11 : memref<!tpu.dma_semaphore, #tpu.memory_space<semaphore_mem>>)
        %dma_wait3A = arith.constant 0 : i32
        %dma_wait3A_55 = arith.constant 0 : i32
        %dma_wait3A_56 = arith.constant 0 : i32
        %dma_wait3A_57 = tpu.memref_slice %arg9[%dma_wait3A_55, %dma_wait3A_56] : memref<1024x16xf32, #tpu.memory_space<vmem>> -> memref<128x16xf32, #tpu.memory_space<vmem>>
        %dma_wait3A_58 = arith.constant 0 : i32
        %dma_wait3A_59 = tpu.memref_slice %arg7[%dma_wait3A, %dma_wait3A_58] : memref<8x128xi32, #tpu.memory_space<vmem>> -> memref<1x128xi32, #tpu.memory_space<vmem>>
        %dma_wait3A_60 = tpu.memref_squeeze %dma_wait3A_59 : memref<1x128xi32, #tpu.memory_space<vmem>> -> memref<128xi32, #tpu.memory_space<vmem>>
        %dma_wait3A_61 = arith.constant 0 : i32
        %dma_wait3A_62 = arith.constant 0 : i32
        %dma_wait3A_63 = tpu.memref_slice %arg4[%dma_wait3A_61, %dma_wait3A_62] : memref<802816x16xf32, #tpu.memory_space<hbm>> -> memref<802816x16xf32, #tpu.memory_space<hbm>>
        tpu.wait_indirect_dma semaphore(%arg11 : memref<!tpu.dma_semaphore, #tpu.memory_space<semaphore_mem>>) src(%dma_wait3A_63 : memref<802816x16xf32, #tpu.memory_space<hbm>>) dst(%dma_wait3A_57 : memref<128x16xf32, #tpu.memory_space<vmem>>)
        %dma_start3A_64 = arith.constant 0 : i32
        %dma_start3A_65 = arith.constant 0 : i32
        %dma_start3A_66 = arith.constant 0 : i32
        %dma_start3A_67 = tpu.memref_slice %arg9[%dma_start3A_65, %dma_start3A_66] : memref<1024x16xf32, #tpu.memory_space<vmem>> -> memref<128x16xf32, #tpu.memory_space<vmem>>
        %dma_start3A_68 = arith.constant 0 : i32
        %dma_start3A_69 = tpu.memref_slice %arg8[%dma_start3A_64, %dma_start3A_68] : memref<8x128xi32, #tpu.memory_space<vmem>> -> memref<1x128xi32, #tpu.memory_space<vmem>>
        %dma_start3A_70 = tpu.memref_squeeze %dma_start3A_69 : memref<1x128xi32, #tpu.memory_space<vmem>> -> memref<128xi32, #tpu.memory_space<vmem>>
        %dma_start3A_71 = arith.constant 0 : i32
        %dma_start3A_72 = arith.constant 0 : i32
        %dma_start3A_73 = tpu.memref_slice %arg10[%dma_start3A_71, %dma_start3A_72] : memref<100352x16xf32, #tpu.memory_space<vmem_shared>> -> memref<100352x16xf32, #tpu.memory_space<vmem_shared>>
        tpu.enqueue_indirect_dma source(%dma_start3A_67 : memref<128x16xf32, #tpu.memory_space<vmem>>) target(%dma_start3A_73 : memref<100352x16xf32, #tpu.memory_space<vmem_shared>>) offsets(%dma_start3A_70 : memref<128xi32, #tpu.memory_space<vmem>>) semaphore(%arg12 : memref<!tpu.dma_semaphore, #tpu.memory_space<semaphore_mem>>) {add = true}
        %dma_wait3A_74 = arith.constant 0 : i32
        %dma_wait3A_75 = arith.constant 0 : i32
        %dma_wait3A_76 = arith.constant 0 : i32
        %dma_wait3A_77 = tpu.memref_slice %arg9[%dma_wait3A_75, %dma_wait3A_76] : memref<1024x16xf32, #tpu.memory_space<vmem>> -> memref<128x16xf32, #tpu.memory_space<vmem>>
        %dma_wait3A_78 = arith.constant 0 : i32
        %dma_wait3A_79 = tpu.memref_slice %arg8[%dma_wait3A_74, %dma_wait3A_78] : memref<8x128xi32, #tpu.memory_space<vmem>> -> memref<1x128xi32, #tpu.memory_space<vmem>>
        %dma_wait3A_80 = tpu.memref_squeeze %dma_wait3A_79 : memref<1x128xi32, #tpu.memory_space<vmem>> -> memref<128xi32, #tpu.memory_space<vmem>>
        %dma_wait3A_81 = arith.constant 0 : i32
        %dma_wait3A_82 = arith.constant 0 : i32
        %dma_wait3A_83 = tpu.memref_slice %arg10[%dma_wait3A_81, %dma_wait3A_82] : memref<100352x16xf32, #tpu.memory_space<vmem_shared>> -> memref<100352x16xf32, #tpu.memory_space<vmem_shared>>
        tpu.wait_indirect_dma semaphore(%arg12 : memref<!tpu.dma_semaphore, #tpu.memory_space<semaphore_mem>>) src(%dma_wait3A_77 : memref<128x16xf32, #tpu.memory_space<vmem>>) dst(%dma_wait3A_83 : memref<100352x16xf32, #tpu.memory_space<vmem_shared>>)
        %dma_start3A_84 = arith.constant 1 : i32
        %dma_start3A_85 = arith.constant 128 : i32
        %dma_start3A_86 = arith.constant 0 : i32
        %dma_start3A_87 = tpu.memref_slice %arg9[%dma_start3A_85, %dma_start3A_86] : memref<1024x16xf32, #tpu.memory_space<vmem>> -> memref<128x16xf32, #tpu.memory_space<vmem>>
        %dma_start3A_88 = arith.constant 0 : i32
        %dma_start3A_89 = tpu.memref_slice %arg7[%dma_start3A_84, %dma_start3A_88] : memref<8x128xi32, #tpu.memory_space<vmem>> -> memref<1x128xi32, #tpu.memory_space<vmem>>
        %dma_start3A_90 = tpu.memref_squeeze %dma_start3A_89 : memref<1x128xi32, #tpu.memory_space<vmem>> -> memref<128xi32, #tpu.memory_space<vmem>>
        %dma_start3A_91 = arith.constant 0 : i32
        %dma_start3A_92 = arith.constant 0 : i32
        %dma_start3A_93 = tpu.memref_slice %arg4[%dma_start3A_91, %dma_start3A_92] : memref<802816x16xf32, #tpu.memory_space<hbm>> -> memref<802816x16xf32, #tpu.memory_space<hbm>>
        tpu.enqueue_indirect_dma source(%dma_start3A_93 : memref<802816x16xf32, #tpu.memory_space<hbm>>) target(%dma_start3A_87 : memref<128x16xf32, #tpu.memory_space<vmem>>) offsets(%dma_start3A_90 : memref<128xi32, #tpu.memory_space<vmem>>) semaphore(%arg11 : memref<!tpu.dma_semaphore, #tpu.memory_space<semaphore_mem>>)
        %dma_wait3A_94 = arith.constant 1 : i32
        %dma_wait3A_95 = arith.constant 128 : i32
        %dma_wait3A_96 = arith.constant 0 : i32
        %dma_wait3A_97 = tpu.memref_slice %arg9[%dma_wait3A_95, %dma_wait3A_96] : memref<1024x16xf32, #tpu.memory_space<vmem>> -> memref<128x16xf32, #tpu.memory_space<vmem>>
        %dma_wait3A_98 = arith.constant 0 : i32
        %dma_wait3A_99 = tpu.memref_slice %arg7[%dma_wait3A_94, %dma_wait3A_98] : memref<8x128xi32, #tpu.memory_space<vmem>> -> memref<1x128xi32, #tpu.memory_space<vmem>>
        %dma_wait3A_100 = tpu.memref_squeeze %dma_wait3A_99 : memref<1x128xi32, #tpu.memory_space<vmem>> -> memref<128xi32, #tpu.memory_space<vmem>>
        %dma_wait3A_101 = arith.constant 0 : i32
        %dma_wait3A_102 = arith.constant 0 : i32
        %dma_wait3A_103 = tpu.memref_slice %arg4[%dma_wait3A_101, %dma_wait3A_102] : memref<802816x16xf32, #tpu.memory_space<hbm>> -> memref<802816x16xf32, #tpu.memory_space<hbm>>
        tpu.wait_indirect_dma semaphore(%arg11 : memref<!tpu.dma_semaphore, #tpu.memory_space<semaphore_mem>>) src(%dma_wait3A_103 : memref<802816x16xf32, #tpu.memory_space<hbm>>) dst(%dma_wait3A_97 : memref<128x16xf32, #tpu.memory_space<vmem>>)
        %dma_start3A_104 = arith.constant 1 : i32
        %dma_start3A_105 = arith.constant 128 : i32
        %dma_start3A_106 = arith.constant 0 : i32
        %dma_start3A_107 = tpu.memref_slice %arg9[%dma_start3A_105, %dma_start3A_106] : memref<1024x16xf32, #tpu.memory_space<vmem>> -> memref<128x16xf32, #tpu.memory_space<vmem>>
        %dma_start3A_108 = arith.constant 0 : i32
        %dma_start3A_109 = tpu.memref_slice %arg8[%dma_start3A_104, %dma_start3A_108] : memref<8x128xi32, #tpu.memory_space<vmem>> -> memref<1x128xi32, #tpu.memory_space<vmem>>
        %dma_start3A_110 = tpu.memref_squeeze %dma_start3A_109 : memref<1x128xi32, #tpu.memory_space<vmem>> -> memref<128xi32, #tpu.memory_space<vmem>>
        %dma_start3A_111 = arith.constant 0 : i32
        %dma_start3A_112 = arith.constant 0 : i32
        %dma_start3A_113 = tpu.memref_slice %arg10[%dma_start3A_111, %dma_start3A_112] : memref<100352x16xf32, #tpu.memory_space<vmem_shared>> -> memref<100352x16xf32, #tpu.memory_space<vmem_shared>>
        tpu.enqueue_indirect_dma source(%dma_start3A_107 : memref<128x16xf32, #tpu.memory_space<vmem>>) target(%dma_start3A_113 : memref<100352x16xf32, #tpu.memory_space<vmem_shared>>) offsets(%dma_start3A_110 : memref<128xi32, #tpu.memory_space<vmem>>) semaphore(%arg12 : memref<!tpu.dma_semaphore, #tpu.memory_space<semaphore_mem>>) {add = true}
        %dma_wait3A_114 = arith.constant 1 : i32
        %dma_wait3A_115 = arith.constant 128 : i32
        %dma_wait3A_116 = arith.constant 0 : i32
        %dma_wait3A_117 = tpu.memref_slice %arg9[%dma_wait3A_115, %dma_wait3A_116] : memref<1024x16xf32, #tpu.memory_space<vmem>> -> memref<128x16xf32, #tpu.memory_space<vmem>>
        %dma_wait3A_118 = arith.constant 0 : i32
        %dma_wait3A_119 = tpu.memref_slice %arg8[%dma_wait3A_114, %dma_wait3A_118] : memref<8x128xi32, #tpu.memory_space<vmem>> -> memref<1x128xi32, #tpu.memory_space<vmem>>
        %dma_wait3A_120 = tpu.memref_squeeze %dma_wait3A_119 : memref<1x128xi32, #tpu.memory_space<vmem>> -> memref<128xi32, #tpu.memory_space<vmem>>
        %dma_wait3A_121 = arith.constant 0 : i32
        %dma_wait3A_122 = arith.constant 0 : i32
        %dma_wait3A_123 = tpu.memref_slice %arg10[%dma_wait3A_121, %dma_wait3A_122] : memref<100352x16xf32, #tpu.memory_space<vmem_shared>> -> memref<100352x16xf32, #tpu.memory_space<vmem_shared>>
        tpu.wait_indirect_dma semaphore(%arg12 : memref<!tpu.dma_semaphore, #tpu.memory_space<semaphore_mem>>) src(%dma_wait3A_117 : memref<128x16xf32, #tpu.memory_space<vmem>>) dst(%dma_wait3A_123 : memref<100352x16xf32, #tpu.memory_space<vmem_shared>>)
        %dma_start3A_124 = arith.constant 2 : i32
        %dma_start3A_125 = arith.constant 256 : i32
        %dma_start3A_126 = arith.constant 0 : i32
        %dma_start3A_127 = tpu.memref_slice %arg9[%dma_start3A_125, %dma_start3A_126] : memref<1024x16xf32, #tpu.memory_space<vmem>> -> memref<128x16xf32, #tpu.memory_space<vmem>>
        %dma_start3A_128 = arith.constant 0 : i32
        %dma_start3A_129 = tpu.memref_slice %arg7[%dma_start3A_124, %dma_start3A_128] : memref<8x128xi32, #tpu.memory_space<vmem>> -> memref<1x128xi32, #tpu.memory_space<vmem>>
        %dma_start3A_130 = tpu.memref_squeeze %dma_start3A_129 : memref<1x128xi32, #tpu.memory_space<vmem>> -> memref<128xi32, #tpu.memory_space<vmem>>
        %dma_start3A_131 = arith.constant 0 : i32
        %dma_start3A_132 = arith.constant 0 : i32
        %dma_start3A_133 = tpu.memref_slice %arg4[%dma_start3A_131, %dma_start3A_132] : memref<802816x16xf32, #tpu.memory_space<hbm>> -> memref<802816x16xf32, #tpu.memory_space<hbm>>
        tpu.enqueue_indirect_dma source(%dma_start3A_133 : memref<802816x16xf32, #tpu.memory_space<hbm>>) target(%dma_start3A_127 : memref<128x16xf32, #tpu.memory_space<vmem>>) offsets(%dma_start3A_130 : memref<128xi32, #tpu.memory_space<vmem>>) semaphore(%arg11 : memref<!tpu.dma_semaphore, #tpu.memory_space<semaphore_mem>>)
        %dma_wait3A_134 = arith.constant 2 : i32
        %dma_wait3A_135 = arith.constant 256 : i32
        %dma_wait3A_136 = arith.constant 0 : i32
        %dma_wait3A_137 = tpu.memref_slice %arg9[%dma_wait3A_135, %dma_wait3A_136] : memref<1024x16xf32, #tpu.memory_space<vmem>> -> memref<128x16xf32, #tpu.memory_space<vmem>>
        %dma_wait3A_138 = arith.constant 0 : i32
        %dma_wait3A_139 = tpu.memref_slice %arg7[%dma_wait3A_134, %dma_wait3A_138] : memref<8x128xi32, #tpu.memory_space<vmem>> -> memref<1x128xi32, #tpu.memory_space<vmem>>
        %dma_wait3A_140 = tpu.memref_squeeze %dma_wait3A_139 : memref<1x128xi32, #tpu.memory_space<vmem>> -> memref<128xi32, #tpu.memory_space<vmem>>
        %dma_wait3A_141 = arith.constant 0 : i32
        %dma_wait3A_142 = arith.constant 0 : i32
        %dma_wait3A_143 = tpu.memref_slice %arg4[%dma_wait3A_141, %dma_wait3A_142] : memref<802816x16xf32, #tpu.memory_space<hbm>> -> memref<802816x16xf32, #tpu.memory_space<hbm>>
        tpu.wait_indirect_dma semaphore(%arg11 : memref<!tpu.dma_semaphore, #tpu.memory_space<semaphore_mem>>) src(%dma_wait3A_143 : memref<802816x16xf32, #tpu.memory_space<hbm>>) dst(%dma_wait3A_137 : memref<128x16xf32, #tpu.memory_space<vmem>>)
        %dma_start3A_144 = arith.constant 2 : i32
        %dma_start3A_145 = arith.constant 256 : i32
        %dma_start3A_146 = arith.constant 0 : i32
        %dma_start3A_147 = tpu.memref_slice %arg9[%dma_start3A_145, %dma_start3A_146] : memref<1024x16xf32, #tpu.memory_space<vmem>> -> memref<128x16xf32, #tpu.memory_space<vmem>>
        %dma_start3A_148 = arith.constant 0 : i32
        %dma_start3A_149 = tpu.memref_slice %arg8[%dma_start3A_144, %dma_start3A_148] : memref<8x128xi32, #tpu.memory_space<vmem>> -> memref<1x128xi32, #tpu.memory_space<vmem>>
        %dma_start3A_150 = tpu.memref_squeeze %dma_start3A_149 : memref<1x128xi32, #tpu.memory_space<vmem>> -> memref<128xi32, #tpu.memory_space<vmem>>
        %dma_start3A_151 = arith.constant 0 : i32
        %dma_start3A_152 = arith.constant 0 : i32
        %dma_start3A_153 = tpu.memref_slice %arg10[%dma_start3A_151, %dma_start3A_152] : memref<100352x16xf32, #tpu.memory_space<vmem_shared>> -> memref<100352x16xf32, #tpu.memory_space<vmem_shared>>
        tpu.enqueue_indirect_dma source(%dma_start3A_147 : memref<128x16xf32, #tpu.memory_space<vmem>>) target(%dma_start3A_153 : memref<100352x16xf32, #tpu.memory_space<vmem_shared>>) offsets(%dma_start3A_150 : memref<128xi32, #tpu.memory_space<vmem>>) semaphore(%arg12 : memref<!tpu.dma_semaphore, #tpu.memory_space<semaphore_mem>>) {add = true}
        %dma_wait3A_154 = arith.constant 2 : i32
        %dma_wait3A_155 = arith.constant 256 : i32
        %dma_wait3A_156 = arith.constant 0 : i32
        %dma_wait3A_157 = tpu.memref_slice %arg9[%dma_wait3A_155, %dma_wait3A_156] : memref<1024x16xf32, #tpu.memory_space<vmem>> -> memref<128x16xf32, #tpu.memory_space<vmem>>
        %dma_wait3A_158 = arith.constant 0 : i32
        %dma_wait3A_159 = tpu.memref_slice %arg8[%dma_wait3A_154, %dma_wait3A_158] : memref<8x128xi32, #tpu.memory_space<vmem>> -> memref<1x128xi32, #tpu.memory_space<vmem>>
        %dma_wait3A_160 = tpu.memref_squeeze %dma_wait3A_159 : memref<1x128xi32, #tpu.memory_space<vmem>> -> memref<128xi32, #tpu.memory_space<vmem>>
        %dma_wait3A_161 = arith.constant 0 : i32
        %dma_wait3A_162 = arith.constant 0 : i32
        %dma_wait3A_163 = tpu.memref_slice %arg10[%dma_wait3A_161, %dma_wait3A_162] : memref<100352x16xf32, #tpu.memory_space<vmem_shared>> -> memref<100352x16xf32, #tpu.memory_space<vmem_shared>>
        tpu.wait_indirect_dma semaphore(%arg12 : memref<!tpu.dma_semaphore, #tpu.memory_space<semaphore_mem>>) src(%dma_wait3A_157 : memref<128x16xf32, #tpu.memory_space<vmem>>) dst(%dma_wait3A_163 : memref<100352x16xf32, #tpu.memory_space<vmem_shared>>)
        %dma_start3A_164 = arith.constant 3 : i32
        %dma_start3A_165 = arith.constant 384 : i32
        %dma_start3A_166 = arith.constant 0 : i32
        %dma_start3A_167 = tpu.memref_slice %arg9[%dma_start3A_165, %dma_start3A_166] : memref<1024x16xf32, #tpu.memory_space<vmem>> -> memref<128x16xf32, #tpu.memory_space<vmem>>
        %dma_start3A_168 = arith.constant 0 : i32
        %dma_start3A_169 = tpu.memref_slice %arg7[%dma_start3A_164, %dma_start3A_168] : memref<8x128xi32, #tpu.memory_space<vmem>> -> memref<1x128xi32, #tpu.memory_space<vmem>>
        %dma_start3A_170 = tpu.memref_squeeze %dma_start3A_169 : memref<1x128xi32, #tpu.memory_space<vmem>> -> memref<128xi32, #tpu.memory_space<vmem>>
        %dma_start3A_171 = arith.constant 0 : i32
        %dma_start3A_172 = arith.constant 0 : i32
        %dma_start3A_173 = tpu.memref_slice %arg4[%dma_start3A_171, %dma_start3A_172] : memref<802816x16xf32, #tpu.memory_space<hbm>> -> memref<802816x16xf32, #tpu.memory_space<hbm>>
        tpu.enqueue_indirect_dma source(%dma_start3A_173 : memref<802816x16xf32, #tpu.memory_space<hbm>>) target(%dma_start3A_167 : memref<128x16xf32, #tpu.memory_space<vmem>>) offsets(%dma_start3A_170 : memref<128xi32, #tpu.memory_space<vmem>>) semaphore(%arg11 : memref<!tpu.dma_semaphore, #tpu.memory_space<semaphore_mem>>)
        %dma_wait3A_174 = arith.constant 3 : i32
        %dma_wait3A_175 = arith.constant 384 : i32
        %dma_wait3A_176 = arith.constant 0 : i32
        %dma_wait3A_177 = tpu.memref_slice %arg9[%dma_wait3A_175, %dma_wait3A_176] : memref<1024x16xf32, #tpu.memory_space<vmem>> -> memref<128x16xf32, #tpu.memory_space<vmem>>
        %dma_wait3A_178 = arith.constant 0 : i32
        %dma_wait3A_179 = tpu.memref_slice %arg7[%dma_wait3A_174, %dma_wait3A_178] : memref<8x128xi32, #tpu.memory_space<vmem>> -> memref<1x128xi32, #tpu.memory_space<vmem>>
        %dma_wait3A_180 = tpu.memref_squeeze %dma_wait3A_179 : memref<1x128xi32, #tpu.memory_space<vmem>> -> memref<128xi32, #tpu.memory_space<vmem>>
        %dma_wait3A_181 = arith.constant 0 : i32
        %dma_wait3A_182 = arith.constant 0 : i32
        %dma_wait3A_183 = tpu.memref_slice %arg4[%dma_wait3A_181, %dma_wait3A_182] : memref<802816x16xf32, #tpu.memory_space<hbm>> -> memref<802816x16xf32, #tpu.memory_space<hbm>>
        tpu.wait_indirect_dma semaphore(%arg11 : memref<!tpu.dma_semaphore, #tpu.memory_space<semaphore_mem>>) src(%dma_wait3A_183 : memref<802816x16xf32, #tpu.memory_space<hbm>>) dst(%dma_wait3A_177 : memref<128x16xf32, #tpu.memory_space<vmem>>)
        %dma_start3A_184 = arith.constant 3 : i32
        %dma_start3A_185 = arith.constant 384 : i32
        %dma_start3A_186 = arith.constant 0 : i32
        %dma_start3A_187 = tpu.memref_slice %arg9[%dma_start3A_185, %dma_start3A_186] : memref<1024x16xf32, #tpu.memory_space<vmem>> -> memref<128x16xf32, #tpu.memory_space<vmem>>
        %dma_start3A_188 = arith.constant 0 : i32
        %dma_start3A_189 = tpu.memref_slice %arg8[%dma_start3A_184, %dma_start3A_188] : memref<8x128xi32, #tpu.memory_space<vmem>> -> memref<1x128xi32, #tpu.memory_space<vmem>>
        %dma_start3A_190 = tpu.memref_squeeze %dma_start3A_189 : memref<1x128xi32, #tpu.memory_space<vmem>> -> memref<128xi32, #tpu.memory_space<vmem>>
        %dma_start3A_191 = arith.constant 0 : i32
        %dma_start3A_192 = arith.constant 0 : i32
        %dma_start3A_193 = tpu.memref_slice %arg10[%dma_start3A_191, %dma_start3A_192] : memref<100352x16xf32, #tpu.memory_space<vmem_shared>> -> memref<100352x16xf32, #tpu.memory_space<vmem_shared>>
        tpu.enqueue_indirect_dma source(%dma_start3A_187 : memref<128x16xf32, #tpu.memory_space<vmem>>) target(%dma_start3A_193 : memref<100352x16xf32, #tpu.memory_space<vmem_shared>>) offsets(%dma_start3A_190 : memref<128xi32, #tpu.memory_space<vmem>>) semaphore(%arg12 : memref<!tpu.dma_semaphore, #tpu.memory_space<semaphore_mem>>) {add = true}
        %dma_wait3A_194 = arith.constant 3 : i32
        %dma_wait3A_195 = arith.constant 384 : i32
        %dma_wait3A_196 = arith.constant 0 : i32
        %dma_wait3A_197 = tpu.memref_slice %arg9[%dma_wait3A_195, %dma_wait3A_196] : memref<1024x16xf32, #tpu.memory_space<vmem>> -> memref<128x16xf32, #tpu.memory_space<vmem>>
        %dma_wait3A_198 = arith.constant 0 : i32
        %dma_wait3A_199 = tpu.memref_slice %arg8[%dma_wait3A_194, %dma_wait3A_198] : memref<8x128xi32, #tpu.memory_space<vmem>> -> memref<1x128xi32, #tpu.memory_space<vmem>>
        %dma_wait3A_200 = tpu.memref_squeeze %dma_wait3A_199 : memref<1x128xi32, #tpu.memory_space<vmem>> -> memref<128xi32, #tpu.memory_space<vmem>>
        %dma_wait3A_201 = arith.constant 0 : i32
        %dma_wait3A_202 = arith.constant 0 : i32
        %dma_wait3A_203 = tpu.memref_slice %arg10[%dma_wait3A_201, %dma_wait3A_202] : memref<100352x16xf32, #tpu.memory_space<vmem_shared>> -> memref<100352x16xf32, #tpu.memory_space<vmem_shared>>
        tpu.wait_indirect_dma semaphore(%arg12 : memref<!tpu.dma_semaphore, #tpu.memory_space<semaphore_mem>>) src(%dma_wait3A_197 : memref<128x16xf32, #tpu.memory_space<vmem>>) dst(%dma_wait3A_203 : memref<100352x16xf32, #tpu.memory_space<vmem_shared>>)
        %dma_start3A_204 = arith.constant 4 : i32
        %dma_start3A_205 = arith.constant 512 : i32
        %dma_start3A_206 = arith.constant 0 : i32
        %dma_start3A_207 = tpu.memref_slice %arg9[%dma_start3A_205, %dma_start3A_206] : memref<1024x16xf32, #tpu.memory_space<vmem>> -> memref<128x16xf32, #tpu.memory_space<vmem>>
        %dma_start3A_208 = arith.constant 0 : i32
        %dma_start3A_209 = tpu.memref_slice %arg7[%dma_start3A_204, %dma_start3A_208] : memref<8x128xi32, #tpu.memory_space<vmem>> -> memref<1x128xi32, #tpu.memory_space<vmem>>
        %dma_start3A_210 = tpu.memref_squeeze %dma_start3A_209 : memref<1x128xi32, #tpu.memory_space<vmem>> -> memref<128xi32, #tpu.memory_space<vmem>>
        %dma_start3A_211 = arith.constant 0 : i32
        %dma_start3A_212 = arith.constant 0 : i32
        %dma_start3A_213 = tpu.memref_slice %arg4[%dma_start3A_211, %dma_start3A_212] : memref<802816x16xf32, #tpu.memory_space<hbm>> -> memref<802816x16xf32, #tpu.memory_space<hbm>>
        tpu.enqueue_indirect_dma source(%dma_start3A_213 : memref<802816x16xf32, #tpu.memory_space<hbm>>) target(%dma_start3A_207 : memref<128x16xf32, #tpu.memory_space<vmem>>) offsets(%dma_start3A_210 : memref<128xi32, #tpu.memory_space<vmem>>) semaphore(%arg11 : memref<!tpu.dma_semaphore, #tpu.memory_space<semaphore_mem>>)
        %dma_wait3A_214 = arith.constant 4 : i32
        %dma_wait3A_215 = arith.constant 512 : i32
        %dma_wait3A_216 = arith.constant 0 : i32
        %dma_wait3A_217 = tpu.memref_slice %arg9[%dma_wait3A_215, %dma_wait3A_216] : memref<1024x16xf32, #tpu.memory_space<vmem>> -> memref<128x16xf32, #tpu.memory_space<vmem>>
        %dma_wait3A_218 = arith.constant 0 : i32
        %dma_wait3A_219 = tpu.memref_slice %arg7[%dma_wait3A_214, %dma_wait3A_218] : memref<8x128xi32, #tpu.memory_space<vmem>> -> memref<1x128xi32, #tpu.memory_space<vmem>>
        %dma_wait3A_220 = tpu.memref_squeeze %dma_wait3A_219 : memref<1x128xi32, #tpu.memory_space<vmem>> -> memref<128xi32, #tpu.memory_space<vmem>>
        %dma_wait3A_221 = arith.constant 0 : i32
        %dma_wait3A_222 = arith.constant 0 : i32
        %dma_wait3A_223 = tpu.memref_slice %arg4[%dma_wait3A_221, %dma_wait3A_222] : memref<802816x16xf32, #tpu.memory_space<hbm>> -> memref<802816x16xf32, #tpu.memory_space<hbm>>
        tpu.wait_indirect_dma semaphore(%arg11 : memref<!tpu.dma_semaphore, #tpu.memory_space<semaphore_mem>>) src(%dma_wait3A_223 : memref<802816x16xf32, #tpu.memory_space<hbm>>) dst(%dma_wait3A_217 : memref<128x16xf32, #tpu.memory_space<vmem>>)
        %dma_start3A_224 = arith.constant 4 : i32
        %dma_start3A_225 = arith.constant 512 : i32
        %dma_start3A_226 = arith.constant 0 : i32
        %dma_start3A_227 = tpu.memref_slice %arg9[%dma_start3A_225, %dma_start3A_226] : memref<1024x16xf32, #tpu.memory_space<vmem>> -> memref<128x16xf32, #tpu.memory_space<vmem>>
        %dma_start3A_228 = arith.constant 0 : i32
        %dma_start3A_229 = tpu.memref_slice %arg8[%dma_start3A_224, %dma_start3A_228] : memref<8x128xi32, #tpu.memory_space<vmem>> -> memref<1x128xi32, #tpu.memory_space<vmem>>
        %dma_start3A_230 = tpu.memref_squeeze %dma_start3A_229 : memref<1x128xi32, #tpu.memory_space<vmem>> -> memref<128xi32, #tpu.memory_space<vmem>>
        %dma_start3A_231 = arith.constant 0 : i32
        %dma_start3A_232 = arith.constant 0 : i32
        %dma_start3A_233 = tpu.memref_slice %arg10[%dma_start3A_231, %dma_start3A_232] : memref<100352x16xf32, #tpu.memory_space<vmem_shared>> -> memref<100352x16xf32, #tpu.memory_space<vmem_shared>>
        tpu.enqueue_indirect_dma source(%dma_start3A_227 : memref<128x16xf32, #tpu.memory_space<vmem>>) target(%dma_start3A_233 : memref<100352x16xf32, #tpu.memory_space<vmem_shared>>) offsets(%dma_start3A_230 : memref<128xi32, #tpu.memory_space<vmem>>) semaphore(%arg12 : memref<!tpu.dma_semaphore, #tpu.memory_space<semaphore_mem>>) {add = true}
        %dma_wait3A_234 = arith.constant 4 : i32
        %dma_wait3A_235 = arith.constant 512 : i32
        %dma_wait3A_236 = arith.constant 0 : i32
        %dma_wait3A_237 = tpu.memref_slice %arg9[%dma_wait3A_235, %dma_wait3A_236] : memref<1024x16xf32, #tpu.memory_space<vmem>> -> memref<128x16xf32, #tpu.memory_space<vmem>>
        %dma_wait3A_238 = arith.constant 0 : i32
        %dma_wait3A_239 = tpu.memref_slice %arg8[%dma_wait3A_234, %dma_wait3A_238] : memref<8x128xi32, #tpu.memory_space<vmem>> -> memref<1x128xi32, #tpu.memory_space<vmem>>
        %dma_wait3A_240 = tpu.memref_squeeze %dma_wait3A_239 : memref<1x128xi32, #tpu.memory_space<vmem>> -> memref<128xi32, #tpu.memory_space<vmem>>
        %dma_wait3A_241 = arith.constant 0 : i32
        %dma_wait3A_242 = arith.constant 0 : i32
        %dma_wait3A_243 = tpu.memref_slice %arg10[%dma_wait3A_241, %dma_wait3A_242] : memref<100352x16xf32, #tpu.memory_space<vmem_shared>> -> memref<100352x16xf32, #tpu.memory_space<vmem_shared>>
        tpu.wait_indirect_dma semaphore(%arg12 : memref<!tpu.dma_semaphore, #tpu.memory_space<semaphore_mem>>) src(%dma_wait3A_237 : memref<128x16xf32, #tpu.memory_space<vmem>>) dst(%dma_wait3A_243 : memref<100352x16xf32, #tpu.memory_space<vmem_shared>>)
        %dma_start3A_244 = arith.constant 5 : i32
        %dma_start3A_245 = arith.constant 640 : i32
        %dma_start3A_246 = arith.constant 0 : i32
        %dma_start3A_247 = tpu.memref_slice %arg9[%dma_start3A_245, %dma_start3A_246] : memref<1024x16xf32, #tpu.memory_space<vmem>> -> memref<128x16xf32, #tpu.memory_space<vmem>>
        %dma_start3A_248 = arith.constant 0 : i32
        %dma_start3A_249 = tpu.memref_slice %arg7[%dma_start3A_244, %dma_start3A_248] : memref<8x128xi32, #tpu.memory_space<vmem>> -> memref<1x128xi32, #tpu.memory_space<vmem>>
        %dma_start3A_250 = tpu.memref_squeeze %dma_start3A_249 : memref<1x128xi32, #tpu.memory_space<vmem>> -> memref<128xi32, #tpu.memory_space<vmem>>
        %dma_start3A_251 = arith.constant 0 : i32
        %dma_start3A_252 = arith.constant 0 : i32
        %dma_start3A_253 = tpu.memref_slice %arg4[%dma_start3A_251, %dma_start3A_252] : memref<802816x16xf32, #tpu.memory_space<hbm>> -> memref<802816x16xf32, #tpu.memory_space<hbm>>
        tpu.enqueue_indirect_dma source(%dma_start3A_253 : memref<802816x16xf32, #tpu.memory_space<hbm>>) target(%dma_start3A_247 : memref<128x16xf32, #tpu.memory_space<vmem>>) offsets(%dma_start3A_250 : memref<128xi32, #tpu.memory_space<vmem>>) semaphore(%arg11 : memref<!tpu.dma_semaphore, #tpu.memory_space<semaphore_mem>>)
        %dma_wait3A_254 = arith.constant 5 : i32
        %dma_wait3A_255 = arith.constant 640 : i32
        %dma_wait3A_256 = arith.constant 0 : i32
        %dma_wait3A_257 = tpu.memref_slice %arg9[%dma_wait3A_255, %dma_wait3A_256] : memref<1024x16xf32, #tpu.memory_space<vmem>> -> memref<128x16xf32, #tpu.memory_space<vmem>>
        %dma_wait3A_258 = arith.constant 0 : i32
        %dma_wait3A_259 = tpu.memref_slice %arg7[%dma_wait3A_254, %dma_wait3A_258] : memref<8x128xi32, #tpu.memory_space<vmem>> -> memref<1x128xi32, #tpu.memory_space<vmem>>
        %dma_wait3A_260 = tpu.memref_squeeze %dma_wait3A_259 : memref<1x128xi32, #tpu.memory_space<vmem>> -> memref<128xi32, #tpu.memory_space<vmem>>
        %dma_wait3A_261 = arith.constant 0 : i32
        %dma_wait3A_262 = arith.constant 0 : i32
        %dma_wait3A_263 = tpu.memref_slice %arg4[%dma_wait3A_261, %dma_wait3A_262] : memref<802816x16xf32, #tpu.memory_space<hbm>> -> memref<802816x16xf32, #tpu.memory_space<hbm>>
        tpu.wait_indirect_dma semaphore(%arg11 : memref<!tpu.dma_semaphore, #tpu.memory_space<semaphore_mem>>) src(%dma_wait3A_263 : memref<802816x16xf32, #tpu.memory_space<hbm>>) dst(%dma_wait3A_257 : memref<128x16xf32, #tpu.memory_space<vmem>>)
        %dma_start3A_264 = arith.constant 5 : i32
        %dma_start3A_265 = arith.constant 640 : i32
        %dma_start3A_266 = arith.constant 0 : i32
        %dma_start3A_267 = tpu.memref_slice %arg9[%dma_start3A_265, %dma_start3A_266] : memref<1024x16xf32, #tpu.memory_space<vmem>> -> memref<128x16xf32, #tpu.memory_space<vmem>>
        %dma_start3A_268 = arith.constant 0 : i32
        %dma_start3A_269 = tpu.memref_slice %arg8[%dma_start3A_264, %dma_start3A_268] : memref<8x128xi32, #tpu.memory_space<vmem>> -> memref<1x128xi32, #tpu.memory_space<vmem>>
        %dma_start3A_270 = tpu.memref_squeeze %dma_start3A_269 : memref<1x128xi32, #tpu.memory_space<vmem>> -> memref<128xi32, #tpu.memory_space<vmem>>
        %dma_start3A_271 = arith.constant 0 : i32
        %dma_start3A_272 = arith.constant 0 : i32
        %dma_start3A_273 = tpu.memref_slice %arg10[%dma_start3A_271, %dma_start3A_272] : memref<100352x16xf32, #tpu.memory_space<vmem_shared>> -> memref<100352x16xf32, #tpu.memory_space<vmem_shared>>
        tpu.enqueue_indirect_dma source(%dma_start3A_267 : memref<128x16xf32, #tpu.memory_space<vmem>>) target(%dma_start3A_273 : memref<100352x16xf32, #tpu.memory_space<vmem_shared>>) offsets(%dma_start3A_270 : memref<128xi32, #tpu.memory_space<vmem>>) semaphore(%arg12 : memref<!tpu.dma_semaphore, #tpu.memory_space<semaphore_mem>>) {add = true}
        %dma_wait3A_274 = arith.constant 5 : i32
        %dma_wait3A_275 = arith.constant 640 : i32
        %dma_wait3A_276 = arith.constant 0 : i32
        %dma_wait3A_277 = tpu.memref_slice %arg9[%dma_wait3A_275, %dma_wait3A_276] : memref<1024x16xf32, #tpu.memory_space<vmem>> -> memref<128x16xf32, #tpu.memory_space<vmem>>
        %dma_wait3A_278 = arith.constant 0 : i32
        %dma_wait3A_279 = tpu.memref_slice %arg8[%dma_wait3A_274, %dma_wait3A_278] : memref<8x128xi32, #tpu.memory_space<vmem>> -> memref<1x128xi32, #tpu.memory_space<vmem>>
        %dma_wait3A_280 = tpu.memref_squeeze %dma_wait3A_279 : memref<1x128xi32, #tpu.memory_space<vmem>> -> memref<128xi32, #tpu.memory_space<vmem>>
        %dma_wait3A_281 = arith.constant 0 : i32
        %dma_wait3A_282 = arith.constant 0 : i32
        %dma_wait3A_283 = tpu.memref_slice %arg10[%dma_wait3A_281, %dma_wait3A_282] : memref<100352x16xf32, #tpu.memory_space<vmem_shared>> -> memref<100352x16xf32, #tpu.memory_space<vmem_shared>>
        tpu.wait_indirect_dma semaphore(%arg12 : memref<!tpu.dma_semaphore, #tpu.memory_space<semaphore_mem>>) src(%dma_wait3A_277 : memref<128x16xf32, #tpu.memory_space<vmem>>) dst(%dma_wait3A_283 : memref<100352x16xf32, #tpu.memory_space<vmem_shared>>)
        %dma_start3A_284 = arith.constant 6 : i32
        %dma_start3A_285 = arith.constant 768 : i32
        %dma_start3A_286 = arith.constant 0 : i32
        %dma_start3A_287 = tpu.memref_slice %arg9[%dma_start3A_285, %dma_start3A_286] : memref<1024x16xf32, #tpu.memory_space<vmem>> -> memref<128x16xf32, #tpu.memory_space<vmem>>
        %dma_start3A_288 = arith.constant 0 : i32
        %dma_start3A_289 = tpu.memref_slice %arg7[%dma_start3A_284, %dma_start3A_288] : memref<8x128xi32, #tpu.memory_space<vmem>> -> memref<1x128xi32, #tpu.memory_space<vmem>>
        %dma_start3A_290 = tpu.memref_squeeze %dma_start3A_289 : memref<1x128xi32, #tpu.memory_space<vmem>> -> memref<128xi32, #tpu.memory_space<vmem>>
        %dma_start3A_291 = arith.constant 0 : i32
        %dma_start3A_292 = arith.constant 0 : i32
        %dma_start3A_293 = tpu.memref_slice %arg4[%dma_start3A_291, %dma_start3A_292] : memref<802816x16xf32, #tpu.memory_space<hbm>> -> memref<802816x16xf32, #tpu.memory_space<hbm>>
        tpu.enqueue_indirect_dma source(%dma_start3A_293 : memref<802816x16xf32, #tpu.memory_space<hbm>>) target(%dma_start3A_287 : memref<128x16xf32, #tpu.memory_space<vmem>>) offsets(%dma_start3A_290 : memref<128xi32, #tpu.memory_space<vmem>>) semaphore(%arg11 : memref<!tpu.dma_semaphore, #tpu.memory_space<semaphore_mem>>)
        %dma_wait3A_294 = arith.constant 6 : i32
        %dma_wait3A_295 = arith.constant 768 : i32
        %dma_wait3A_296 = arith.constant 0 : i32
        %dma_wait3A_297 = tpu.memref_slice %arg9[%dma_wait3A_295, %dma_wait3A_296] : memref<1024x16xf32, #tpu.memory_space<vmem>> -> memref<128x16xf32, #tpu.memory_space<vmem>>
        %dma_wait3A_298 = arith.constant 0 : i32
        %dma_wait3A_299 = tpu.memref_slice %arg7[%dma_wait3A_294, %dma_wait3A_298] : memref<8x128xi32, #tpu.memory_space<vmem>> -> memref<1x128xi32, #tpu.memory_space<vmem>>
        %dma_wait3A_300 = tpu.memref_squeeze %dma_wait3A_299 : memref<1x128xi32, #tpu.memory_space<vmem>> -> memref<128xi32, #tpu.memory_space<vmem>>
        %dma_wait3A_301 = arith.constant 0 : i32
        %dma_wait3A_302 = arith.constant 0 : i32
        %dma_wait3A_303 = tpu.memref_slice %arg4[%dma_wait3A_301, %dma_wait3A_302] : memref<802816x16xf32, #tpu.memory_space<hbm>> -> memref<802816x16xf32, #tpu.memory_space<hbm>>
        tpu.wait_indirect_dma semaphore(%arg11 : memref<!tpu.dma_semaphore, #tpu.memory_space<semaphore_mem>>) src(%dma_wait3A_303 : memref<802816x16xf32, #tpu.memory_space<hbm>>) dst(%dma_wait3A_297 : memref<128x16xf32, #tpu.memory_space<vmem>>)
        %dma_start3A_304 = arith.constant 6 : i32
        %dma_start3A_305 = arith.constant 768 : i32
        %dma_start3A_306 = arith.constant 0 : i32
        %dma_start3A_307 = tpu.memref_slice %arg9[%dma_start3A_305, %dma_start3A_306] : memref<1024x16xf32, #tpu.memory_space<vmem>> -> memref<128x16xf32, #tpu.memory_space<vmem>>
        %dma_start3A_308 = arith.constant 0 : i32
        %dma_start3A_309 = tpu.memref_slice %arg8[%dma_start3A_304, %dma_start3A_308] : memref<8x128xi32, #tpu.memory_space<vmem>> -> memref<1x128xi32, #tpu.memory_space<vmem>>
        %dma_start3A_310 = tpu.memref_squeeze %dma_start3A_309 : memref<1x128xi32, #tpu.memory_space<vmem>> -> memref<128xi32, #tpu.memory_space<vmem>>
        %dma_start3A_311 = arith.constant 0 : i32
        %dma_start3A_312 = arith.constant 0 : i32
        %dma_start3A_313 = tpu.memref_slice %arg10[%dma_start3A_311, %dma_start3A_312] : memref<100352x16xf32, #tpu.memory_space<vmem_shared>> -> memref<100352x16xf32, #tpu.memory_space<vmem_shared>>
        tpu.enqueue_indirect_dma source(%dma_start3A_307 : memref<128x16xf32, #tpu.memory_space<vmem>>) target(%dma_start3A_313 : memref<100352x16xf32, #tpu.memory_space<vmem_shared>>) offsets(%dma_start3A_310 : memref<128xi32, #tpu.memory_space<vmem>>) semaphore(%arg12 : memref<!tpu.dma_semaphore, #tpu.memory_space<semaphore_mem>>) {add = true}
        %dma_wait3A_314 = arith.constant 6 : i32
        %dma_wait3A_315 = arith.constant 768 : i32
        %dma_wait3A_316 = arith.constant 0 : i32
        %dma_wait3A_317 = tpu.memref_slice %arg9[%dma_wait3A_315, %dma_wait3A_316] : memref<1024x16xf32, #tpu.memory_space<vmem>> -> memref<128x16xf32, #tpu.memory_space<vmem>>
        %dma_wait3A_318 = arith.constant 0 : i32
        %dma_wait3A_319 = tpu.memref_slice %arg8[%dma_wait3A_314, %dma_wait3A_318] : memref<8x128xi32, #tpu.memory_space<vmem>> -> memref<1x128xi32, #tpu.memory_space<vmem>>
        %dma_wait3A_320 = tpu.memref_squeeze %dma_wait3A_319 : memref<1x128xi32, #tpu.memory_space<vmem>> -> memref<128xi32, #tpu.memory_space<vmem>>
        %dma_wait3A_321 = arith.constant 0 : i32
        %dma_wait3A_322 = arith.constant 0 : i32
        %dma_wait3A_323 = tpu.memref_slice %arg10[%dma_wait3A_321, %dma_wait3A_322] : memref<100352x16xf32, #tpu.memory_space<vmem_shared>> -> memref<100352x16xf32, #tpu.memory_space<vmem_shared>>
        tpu.wait_indirect_dma semaphore(%arg12 : memref<!tpu.dma_semaphore, #tpu.memory_space<semaphore_mem>>) src(%dma_wait3A_317 : memref<128x16xf32, #tpu.memory_space<vmem>>) dst(%dma_wait3A_323 : memref<100352x16xf32, #tpu.memory_space<vmem_shared>>)
        %dma_start3A_324 = arith.constant 7 : i32
        %dma_start3A_325 = arith.constant 896 : i32
        %dma_start3A_326 = arith.constant 0 : i32
        %dma_start3A_327 = tpu.memref_slice %arg9[%dma_start3A_325, %dma_start3A_326] : memref<1024x16xf32, #tpu.memory_space<vmem>> -> memref<128x16xf32, #tpu.memory_space<vmem>>
        %dma_start3A_328 = arith.constant 0 : i32
        %dma_start3A_329 = tpu.memref_slice %arg7[%dma_start3A_324, %dma_start3A_328] : memref<8x128xi32, #tpu.memory_space<vmem>> -> memref<1x128xi32, #tpu.memory_space<vmem>>
        %dma_start3A_330 = tpu.memref_squeeze %dma_start3A_329 : memref<1x128xi32, #tpu.memory_space<vmem>> -> memref<128xi32, #tpu.memory_space<vmem>>
        %dma_start3A_331 = arith.constant 0 : i32
        %dma_start3A_332 = arith.constant 0 : i32
        %dma_start3A_333 = tpu.memref_slice %arg4[%dma_start3A_331, %dma_start3A_332] : memref<802816x16xf32, #tpu.memory_space<hbm>> -> memref<802816x16xf32, #tpu.memory_space<hbm>>
        tpu.enqueue_indirect_dma source(%dma_start3A_333 : memref<802816x16xf32, #tpu.memory_space<hbm>>) target(%dma_start3A_327 : memref<128x16xf32, #tpu.memory_space<vmem>>) offsets(%dma_start3A_330 : memref<128xi32, #tpu.memory_space<vmem>>) semaphore(%arg11 : memref<!tpu.dma_semaphore, #tpu.memory_space<semaphore_mem>>)
        %dma_wait3A_334 = arith.constant 7 : i32
        %dma_wait3A_335 = arith.constant 896 : i32
        %dma_wait3A_336 = arith.constant 0 : i32
        %dma_wait3A_337 = tpu.memref_slice %arg9[%dma_wait3A_335, %dma_wait3A_336] : memref<1024x16xf32, #tpu.memory_space<vmem>> -> memref<128x16xf32, #tpu.memory_space<vmem>>
        %dma_wait3A_338 = arith.constant 0 : i32
        %dma_wait3A_339 = tpu.memref_slice %arg7[%dma_wait3A_334, %dma_wait3A_338] : memref<8x128xi32, #tpu.memory_space<vmem>> -> memref<1x128xi32, #tpu.memory_space<vmem>>
        %dma_wait3A_340 = tpu.memref_squeeze %dma_wait3A_339 : memref<1x128xi32, #tpu.memory_space<vmem>> -> memref<128xi32, #tpu.memory_space<vmem>>
        %dma_wait3A_341 = arith.constant 0 : i32
        %dma_wait3A_342 = arith.constant 0 : i32
        %dma_wait3A_343 = tpu.memref_slice %arg4[%dma_wait3A_341, %dma_wait3A_342] : memref<802816x16xf32, #tpu.memory_space<hbm>> -> memref<802816x16xf32, #tpu.memory_space<hbm>>
        tpu.wait_indirect_dma semaphore(%arg11 : memref<!tpu.dma_semaphore, #tpu.memory_space<semaphore_mem>>) src(%dma_wait3A_343 : memref<802816x16xf32, #tpu.memory_space<hbm>>) dst(%dma_wait3A_337 : memref<128x16xf32, #tpu.memory_space<vmem>>)
        %dma_start3A_344 = arith.constant 7 : i32
        %dma_start3A_345 = arith.constant 896 : i32
        %dma_start3A_346 = arith.constant 0 : i32
        %dma_start3A_347 = tpu.memref_slice %arg9[%dma_start3A_345, %dma_start3A_346] : memref<1024x16xf32, #tpu.memory_space<vmem>> -> memref<128x16xf32, #tpu.memory_space<vmem>>
        %dma_start3A_348 = arith.constant 0 : i32
        %dma_start3A_349 = tpu.memref_slice %arg8[%dma_start3A_344, %dma_start3A_348] : memref<8x128xi32, #tpu.memory_space<vmem>> -> memref<1x128xi32, #tpu.memory_space<vmem>>
        %dma_start3A_350 = tpu.memref_squeeze %dma_start3A_349 : memref<1x128xi32, #tpu.memory_space<vmem>> -> memref<128xi32, #tpu.memory_space<vmem>>
        %dma_start3A_351 = arith.constant 0 : i32
        %dma_start3A_352 = arith.constant 0 : i32
        %dma_start3A_353 = tpu.memref_slice %arg10[%dma_start3A_351, %dma_start3A_352] : memref<100352x16xf32, #tpu.memory_space<vmem_shared>> -> memref<100352x16xf32, #tpu.memory_space<vmem_shared>>
        tpu.enqueue_indirect_dma source(%dma_start3A_347 : memref<128x16xf32, #tpu.memory_space<vmem>>) target(%dma_start3A_353 : memref<100352x16xf32, #tpu.memory_space<vmem_shared>>) offsets(%dma_start3A_350 : memref<128xi32, #tpu.memory_space<vmem>>) semaphore(%arg12 : memref<!tpu.dma_semaphore, #tpu.memory_space<semaphore_mem>>) {add = true}
        %dma_wait3A_354 = arith.constant 7 : i32
        %dma_wait3A_355 = arith.constant 896 : i32
        %dma_wait3A_356 = arith.constant 0 : i32
        %dma_wait3A_357 = tpu.memref_slice %arg9[%dma_wait3A_355, %dma_wait3A_356] : memref<1024x16xf32, #tpu.memory_space<vmem>> -> memref<128x16xf32, #tpu.memory_space<vmem>>
        %dma_wait3A_358 = arith.constant 0 : i32
        %dma_wait3A_359 = tpu.memref_slice %arg8[%dma_wait3A_354, %dma_wait3A_358] : memref<8x128xi32, #tpu.memory_space<vmem>> -> memref<1x128xi32, #tpu.memory_space<vmem>>
        %dma_wait3A_360 = tpu.memref_squeeze %dma_wait3A_359 : memref<1x128xi32, #tpu.memory_space<vmem>> -> memref<128xi32, #tpu.memory_space<vmem>>
        %dma_wait3A_361 = arith.constant 0 : i32
        %dma_wait3A_362 = arith.constant 0 : i32
        %dma_wait3A_363 = tpu.memref_slice %arg10[%dma_wait3A_361, %dma_wait3A_362] : memref<100352x16xf32, #tpu.memory_space<vmem_shared>> -> memref<100352x16xf32, #tpu.memory_space<vmem_shared>>
        tpu.wait_indirect_dma semaphore(%arg12 : memref<!tpu.dma_semaphore, #tpu.memory_space<semaphore_mem>>) src(%dma_wait3A_357 : memref<128x16xf32, #tpu.memory_space<vmem>>) dst(%dma_wait3A_363 : memref<100352x16xf32, #tpu.memory_space<vmem_shared>>)
      } else {
      }
      %barrier3A_20 = arith.constant 0 : index
      tpu.barrier barrier_id(%barrier3A_20)
      %mul3A_21 = arith.constant 6272 : i32
      %mul3A_22 = arith.muli %arg1, %mul3A_21 : i32
      %mul3A_23 = arith.constant 200704 : i32
      %mul3A_24 = arith.muli %scan3A_7, %mul3A_23 : i32
      %mul3A_25 = arith.constant 100352 : i32
      %mul3A_26 = arith.muli %arg0, %mul3A_25 : i32
      %add3A_27 = arith.addi %mul3A_24, %mul3A_26 : i32
      %mul3A_28 = arith.constant 6272 : i32
      %mul3A_29 = arith.muli %arg1, %mul3A_28 : i32
      %add3A_30 = arith.addi %add3A_27, %mul3A_29 : i32
      "tpu.region"() ({
        %run_scoped3A = tpu.sem_alloc : memref<!tpu.dma_semaphore, #tpu.memory_space<semaphore_mem>>
        %dma_start3A = arith.constant 0 : i32
        %dma_start3A_33 = tpu.memref_slice %arg6[%add3A_30, %dma_start3A] : memref<1605632x16xf32, #tpu.memory_space<hbm>> -> memref<6272x16xf32, #tpu.memory_space<hbm>>
        %dma_start3A_34 = arith.constant 0 : i32
        %dma_start3A_35 = tpu.memref_slice %arg10[%mul3A_22, %dma_start3A_34] : memref<100352x16xf32, #tpu.memory_space<vmem_shared>> -> memref<6272x16xf32, #tpu.memory_space<vmem_shared>>
        tpu.enqueue_dma source(%dma_start3A_35 : memref<6272x16xf32, #tpu.memory_space<vmem_shared>>) target(%dma_start3A_33 : memref<6272x16xf32, #tpu.memory_space<hbm>>) target_semaphore(%run_scoped3A : memref<!tpu.dma_semaphore, #tpu.memory_space<semaphore_mem>>)
        %dma_wait3A = arith.constant 0 : i32
        %dma_wait3A_36 = tpu.memref_slice %arg6[%add3A_30, %dma_wait3A] : memref<1605632x16xf32, #tpu.memory_space<hbm>> -> memref<6272x16xf32, #tpu.memory_space<hbm>>
        %dma_wait3A_37 = arith.constant 0 : i32
        %dma_wait3A_38 = tpu.memref_slice %arg10[%mul3A_22, %dma_wait3A_37] : memref<100352x16xf32, #tpu.memory_space<vmem_shared>> -> memref<6272x16xf32, #tpu.memory_space<vmem_shared>>
        tpu.wait_dma2 semaphore(%run_scoped3A : memref<!tpu.dma_semaphore, #tpu.memory_space<semaphore_mem>>) src(%dma_wait3A_38 : memref<6272x16xf32, #tpu.memory_space<vmem_shared>>) dst(%dma_wait3A_36 : memref<6272x16xf32, #tpu.memory_space<hbm>>)
        tpu.yield
      }) : () -> ()
      %barrier3A_31 = arith.constant 0 : index
      tpu.barrier barrier_id(%barrier3A_31)
      %scan3A_32 = arith.constant 0 : i32
      scf.yield %scan3A_32 : i32
    }
    %scan3A_6 = arith.constant 8 : i32
    return
  }
}

#map = affine_map<(d0, d1) -> (0, 0)>
#map1 = affine_map<(d0, d1) -> (0)>
module attributes {stable_mosaic.version = 14 : i64} {
  func.func @sc_degree_hist(%arg0: i32, %arg1: i32, %arg2: memref<50000x128xi32, #tpu.memory_space<hbm>>, %arg3: memref<50000x128xi32, #tpu.memory_space<hbm>>, %arg4: memref<3211264xf32, #tpu.memory_space<hbm>>, %arg5: memref<3211264xf32, #tpu.memory_space<hbm>>, %arg6: memref<8x128xi32, #tpu.memory_space<vmem>>, %arg7: memref<100352xf32, #tpu.memory_space<vmem>>) attributes {dimension_semantics = [#tpu.dimension_semantics<core_parallel>, #tpu.dimension_semantics<subcore_parallel>], iteration_bounds = array<i64: 2, 16>, scalar_prefetch = 0 : i64, scratch_operands = 2 : i64, tpu.core_type = #tpu.core_type<sc_vector_subcore>, window_params = [{transform_indices = #map}, {transform_indices = #map}, {transform_indices = #map1}, {transform_indices = #map1}]} {
    %mul3A = arith.constant 2 : i32
    %mul3A_0 = arith.muli %arg1, %mul3A : i32
    %add3A = arith.addi %mul3A_0, %arg0 : i32
    %broadcast_in_dim3A = arith.constant 1.000000e+00 : f32
    %broadcast_in_dim3A_1 = vector.broadcast %broadcast_in_dim3A : f32 to vector<16xf32>
    %broadcast_in_dim3A_2 = arith.constant 0.000000e+00 : f32
    %broadcast_in_dim3A_3 = vector.broadcast %broadcast_in_dim3A_2 : f32 to vector<16xf32>
    %scan3A = arith.constant 0 : i32
    %scan3A_4 = arith.constant 0 : i32
    %scan3A_5 = arith.constant 6272 : i32
    %scan3A_6 = arith.addi %scan3A_4, %scan3A_5 : i32
    %scan3A_7 = arith.constant 1 : i32
    %scan3A_8 = scf.for %scan3A_42 = %scan3A_4 to %scan3A_6 step %scan3A_7 iter_args(%scan3A_43 = %scan3A) -> (i32)  : i32 {
      %mul3A_44 = arith.constant 16 : i32
      %mul3A_45 = arith.muli %scan3A_42, %mul3A_44 : i32
      %swap3A = arith.index_cast %mul3A_45 : i32 to index
      %swap3A_46 = tpu.vector_load %arg7[%swap3A] {strides = array<i32>} : memref<100352xf32, #tpu.memory_space<vmem>>, vector<16xf32>,
      tpu.vector_store %arg7[%swap3A], %broadcast_in_dim3A_3 {strides = array<i32>} : memref<100352xf32, #tpu.memory_space<vmem>>, vector<16xf32>,
      %scan3A_47 = arith.constant 0 : i32
      scf.yield %scan3A_47 : i32
    }
    %scan3A_9 = arith.constant 6272 : i32
    %scan3A_10 = arith.constant 0 : i32
    %scan3A_11 = arith.constant 0 : i32
    %scan3A_12 = arith.constant 195 : i32
    %scan3A_13 = arith.addi %scan3A_11, %scan3A_12 : i32
    %scan3A_14 = arith.constant 1 : i32
    %scan3A_15 = scf.for %scan3A_42 = %scan3A_11 to %scan3A_13 step %scan3A_14 iter_args(%scan3A_43 = %scan3A_10) -> (i32)  : i32 {
      %mul3A_44 = arith.constant 195 : i32
      %mul3A_45 = arith.muli %add3A, %mul3A_44 : i32
      %mul3A_46 = arith.constant 1 : i32
      %mul3A_47 = arith.muli %scan3A_42, %mul3A_46 : i32
      %add3A_48 = arith.addi %mul3A_45, %mul3A_47 : i32
      %mul3A_49 = arith.constant 8 : i32
      %mul3A_50 = arith.muli %add3A_48, %mul3A_49 : i32
      "tpu.region"() ({
        %run_scoped3A = tpu.sem_alloc : memref<!tpu.dma_semaphore, #tpu.memory_space<semaphore_mem>>
        %dma_start3A = arith.constant 0 : i32
        %dma_start3A_59 = tpu.memref_slice %arg2[%mul3A_50, %dma_start3A] : memref<50000x128xi32, #tpu.memory_space<hbm>> -> memref<8x128xi32, #tpu.memory_space<hbm>>
        %dma_start3A_60 = arith.constant 0 : i32
        %dma_start3A_61 = tpu.memref_slice %arg2[%mul3A_50, %dma_start3A_60] : memref<50000x128xi32, #tpu.memory_space<hbm>> -> memref<8x128xi32, #tpu.memory_space<hbm>>
        tpu.enqueue_dma source(%dma_start3A_61 : memref<8x128xi32, #tpu.memory_space<hbm>>) target(%arg6 : memref<8x128xi32, #tpu.memory_space<vmem>>) target_semaphore(%run_scoped3A : memref<!tpu.dma_semaphore, #tpu.memory_space<semaphore_mem>>)
        %dma_wait3A = arith.constant 0 : i32
        %dma_wait3A_62 = tpu.memref_slice %arg2[%mul3A_50, %dma_wait3A] : memref<50000x128xi32, #tpu.memory_space<hbm>> -> memref<8x128xi32, #tpu.memory_space<hbm>>
        %dma_wait3A_63 = arith.constant 0 : i32
        %dma_wait3A_64 = tpu.memref_slice %arg2[%mul3A_50, %dma_wait3A_63] : memref<50000x128xi32, #tpu.memory_space<hbm>> -> memref<8x128xi32, #tpu.memory_space<hbm>>
        tpu.wait_dma2 semaphore(%run_scoped3A : memref<!tpu.dma_semaphore, #tpu.memory_space<semaphore_mem>>) src(%dma_wait3A_64 : memref<8x128xi32, #tpu.memory_space<hbm>>) dst(%arg6 : memref<8x128xi32, #tpu.memory_space<vmem>>)
        tpu.yield
      }) : () -> ()
      %scan3A_51 = arith.constant 0 : i32
      %scan3A_52 = arith.constant 0 : i32
      %scan3A_53 = arith.constant 8 : i32
      %scan3A_54 = arith.addi %scan3A_52, %scan3A_53 : i32
      %scan3A_55 = arith.constant 1 : i32
      %scan3A_56 = scf.for %scan3A_59 = %scan3A_52 to %scan3A_54 step %scan3A_55 iter_args(%scan3A_60 = %scan3A_51) -> (i32)  : i32 {
        %get3A = arith.index_cast %scan3A_59 : i32 to index
        %get3A_61 = arith.constant 0 : index
        %get3A_62 = tpu.vector_load %arg6[%get3A, %get3A_61] {strides = array<i32>} : memref<8x128xi32, #tpu.memory_space<vmem>>, vector<16xi32>,
        tpu.vector_store_idx %arg7[%get3A_62], %broadcast_in_dim3A_1 {add = true} : memref<100352xf32, #tpu.memory_space<vmem>>[vector<16xi32>], vector<16xf32>,
        %get3A_63 = arith.index_cast %scan3A_59 : i32 to index
        %get3A_64 = arith.constant 16 : index
        %get3A_65 = tpu.vector_load %arg6[%get3A_63, %get3A_64] {strides = array<i32>} : memref<8x128xi32, #tpu.memory_space<vmem>>, vector<16xi32>,
        tpu.vector_store_idx %arg7[%get3A_65], %broadcast_in_dim3A_1 {add = true} : memref<100352xf32, #tpu.memory_space<vmem>>[vector<16xi32>], vector<16xf32>,
        %get3A_66 = arith.index_cast %scan3A_59 : i32 to index
        %get3A_67 = arith.constant 32 : index
        %get3A_68 = tpu.vector_load %arg6[%get3A_66, %get3A_67] {strides = array<i32>} : memref<8x128xi32, #tpu.memory_space<vmem>>, vector<16xi32>,
        tpu.vector_store_idx %arg7[%get3A_68], %broadcast_in_dim3A_1 {add = true} : memref<100352xf32, #tpu.memory_space<vmem>>[vector<16xi32>], vector<16xf32>,
        %get3A_69 = arith.index_cast %scan3A_59 : i32 to index
        %get3A_70 = arith.constant 48 : index
        %get3A_71 = tpu.vector_load %arg6[%get3A_69, %get3A_70] {strides = array<i32>} : memref<8x128xi32, #tpu.memory_space<vmem>>, vector<16xi32>,
        tpu.vector_store_idx %arg7[%get3A_71], %broadcast_in_dim3A_1 {add = true} : memref<100352xf32, #tpu.memory_space<vmem>>[vector<16xi32>], vector<16xf32>,
        %get3A_72 = arith.index_cast %scan3A_59 : i32 to index
        %get3A_73 = arith.constant 64 : index
        %get3A_74 = tpu.vector_load %arg6[%get3A_72, %get3A_73] {strides = array<i32>} : memref<8x128xi32, #tpu.memory_space<vmem>>, vector<16xi32>,
        tpu.vector_store_idx %arg7[%get3A_74], %broadcast_in_dim3A_1 {add = true} : memref<100352xf32, #tpu.memory_space<vmem>>[vector<16xi32>], vector<16xf32>,
        %get3A_75 = arith.index_cast %scan3A_59 : i32 to index
        %get3A_76 = arith.constant 80 : index
        %get3A_77 = tpu.vector_load %arg6[%get3A_75, %get3A_76] {strides = array<i32>} : memref<8x128xi32, #tpu.memory_space<vmem>>, vector<16xi32>,
        tpu.vector_store_idx %arg7[%get3A_77], %broadcast_in_dim3A_1 {add = true} : memref<100352xf32, #tpu.memory_space<vmem>>[vector<16xi32>], vector<16xf32>,
        %get3A_78 = arith.index_cast %scan3A_59 : i32 to index
        %get3A_79 = arith.constant 96 : index
        %get3A_80 = tpu.vector_load %arg6[%get3A_78, %get3A_79] {strides = array<i32>} : memref<8x128xi32, #tpu.memory_space<vmem>>, vector<16xi32>,
        tpu.vector_store_idx %arg7[%get3A_80], %broadcast_in_dim3A_1 {add = true} : memref<100352xf32, #tpu.memory_space<vmem>>[vector<16xi32>], vector<16xf32>,
        %get3A_81 = arith.index_cast %scan3A_59 : i32 to index
        %get3A_82 = arith.constant 112 : index
        %get3A_83 = tpu.vector_load %arg6[%get3A_81, %get3A_82] {strides = array<i32>} : memref<8x128xi32, #tpu.memory_space<vmem>>, vector<16xi32>,
        tpu.vector_store_idx %arg7[%get3A_83], %broadcast_in_dim3A_1 {add = true} : memref<100352xf32, #tpu.memory_space<vmem>>[vector<16xi32>], vector<16xf32>,
        %scan3A_84 = arith.constant 0 : i32
        scf.yield %scan3A_84 : i32
      }
      %scan3A_57 = arith.constant 8 : i32
      %scan3A_58 = arith.constant 0 : i32
      scf.yield %scan3A_58 : i32
    }
    %scan3A_16 = arith.constant 195 : i32
    %lt3A = arith.constant 10 : i32
    %lt3A_17 = arith.cmpi slt, %add3A, %lt3A : i32
    %convert_element_type3A = arith.extui %lt3A_17 : i1 to i32
    %cond3A = arith.constant 0 : i32
    %cond3A_18 = arith.cmpi ne, %convert_element_type3A, %cond3A : i32
    scf.if %cond3A_18 {
      %add3A_42 = arith.constant 6240 : i32
      %add3A_43 = arith.addi %add3A_42, %add3A : i32
      %mul3A_44 = arith.constant 8 : i32
      %mul3A_45 = arith.muli %add3A_43, %mul3A_44 : i32
      "tpu.region"() ({
        %run_scoped3A = tpu.sem_alloc : memref<!tpu.dma_semaphore, #tpu.memory_space<semaphore_mem>>
        %dma_start3A = arith.constant 0 : i32
        %dma_start3A_301 = arith.constant 0 : i32
        %dma_start3A_302 = tpu.memref_slice %arg6[%dma_start3A, %dma_start3A_301] : memref<8x128xi32, #tpu.memory_space<vmem>> -> memref<8x128xi32, #tpu.memory_space<vmem>>
        %dma_start3A_303 = arith.constant 0 : i32
        %dma_start3A_304 = tpu.memref_slice %arg2[%mul3A_45, %dma_start3A_303] : memref<50000x128xi32, #tpu.memory_space<hbm>> -> memref<8x128xi32, #tpu.memory_space<hbm>>
        %dma_start3A_305 = arith.constant 0 : i32
        %dma_start3A_306 = arith.constant 0 : i32
        %dma_start3A_307 = tpu.memref_slice %arg6[%dma_start3A_305, %dma_start3A_306] : memref<8x128xi32, #tpu.memory_space<vmem>> -> memref<8x128xi32, #tpu.memory_space<vmem>>
        %dma_start3A_308 = arith.constant 0 : i32
        %dma_start3A_309 = tpu.memref_slice %arg2[%mul3A_45, %dma_start3A_308] : memref<50000x128xi32, #tpu.memory_space<hbm>> -> memref<8x128xi32, #tpu.memory_space<hbm>>
        tpu.enqueue_dma source(%dma_start3A_309 : memref<8x128xi32, #tpu.memory_space<hbm>>) target(%dma_start3A_307 : memref<8x128xi32, #tpu.memory_space<vmem>>) target_semaphore(%run_scoped3A : memref<!tpu.dma_semaphore, #tpu.memory_space<semaphore_mem>>)
        %dma_wait3A = arith.constant 0 : i32
        %dma_wait3A_310 = arith.constant 0 : i32
        %dma_wait3A_311 = tpu.memref_slice %arg6[%dma_wait3A, %dma_wait3A_310] : memref<8x128xi32, #tpu.memory_space<vmem>> -> memref<8x128xi32, #tpu.memory_space<vmem>>
        %dma_wait3A_312 = arith.constant 0 : i32
        %dma_wait3A_313 = tpu.memref_slice %arg2[%mul3A_45, %dma_wait3A_312] : memref<50000x128xi32, #tpu.memory_space<hbm>> -> memref<8x128xi32, #tpu.memory_space<hbm>>
        %dma_wait3A_314 = arith.constant 0 : i32
        %dma_wait3A_315 = arith.constant 0 : i32
        %dma_wait3A_316 = tpu.memref_slice %arg6[%dma_wait3A_314, %dma_wait3A_315] : memref<8x128xi32, #tpu.memory_space<vmem>> -> memref<8x128xi32, #tpu.memory_space<vmem>>
        %dma_wait3A_317 = arith.constant 0 : i32
        %dma_wait3A_318 = tpu.memref_slice %arg2[%mul3A_45, %dma_wait3A_317] : memref<50000x128xi32, #tpu.memory_space<hbm>> -> memref<8x128xi32, #tpu.memory_space<hbm>>
        tpu.wait_dma2 semaphore(%run_scoped3A : memref<!tpu.dma_semaphore, #tpu.memory_space<semaphore_mem>>) src(%dma_wait3A_318 : memref<8x128xi32, #tpu.memory_space<hbm>>) dst(%dma_wait3A_316 : memref<8x128xi32, #tpu.memory_space<vmem>>)
        tpu.yield
      }) : () -> ()
      %get3A = arith.constant 0 : i32
      %get3A_46 = arith.index_cast %get3A : i32 to index
      %get3A_47 = arith.constant 0 : index
      %get3A_48 = tpu.vector_load %arg6[%get3A_46, %get3A_47] {strides = array<i32>} : memref<8x128xi32, #tpu.memory_space<vmem>>, vector<16xi32>,
      tpu.vector_store_idx %arg7[%get3A_48], %broadcast_in_dim3A_1 {add = true} : memref<100352xf32, #tpu.memory_space<vmem>>[vector<16xi32>], vector<16xf32>,
      %get3A_49 = arith.constant 0 : i32
      %get3A_50 = arith.index_cast %get3A_49 : i32 to index
      %get3A_51 = arith.constant 16 : index
      %get3A_52 = tpu.vector_load %arg6[%get3A_50, %get3A_51] {strides = array<i32>} : memref<8x128xi32, #tpu.memory_space<vmem>>, vector<16xi32>,
      tpu.vector_store_idx %arg7[%get3A_52], %broadcast_in_dim3A_1 {add = true} : memref<100352xf32, #tpu.memory_space<vmem>>[vector<16xi32>], vector<16xf32>,
      %get3A_53 = arith.constant 0 : i32
      %get3A_54 = arith.index_cast %get3A_53 : i32 to index
      %get3A_55 = arith.constant 32 : index
      %get3A_56 = tpu.vector_load %arg6[%get3A_54, %get3A_55] {strides = array<i32>} : memref<8x128xi32, #tpu.memory_space<vmem>>, vector<16xi32>,
      tpu.vector_store_idx %arg7[%get3A_56], %broadcast_in_dim3A_1 {add = true} : memref<100352xf32, #tpu.memory_space<vmem>>[vector<16xi32>], vector<16xf32>,
      %get3A_57 = arith.constant 0 : i32
      %get3A_58 = arith.index_cast %get3A_57 : i32 to index
      %get3A_59 = arith.constant 48 : index
      %get3A_60 = tpu.vector_load %arg6[%get3A_58, %get3A_59] {strides = array<i32>} : memref<8x128xi32, #tpu.memory_space<vmem>>, vector<16xi32>,
      tpu.vector_store_idx %arg7[%get3A_60], %broadcast_in_dim3A_1 {add = true} : memref<100352xf32, #tpu.memory_space<vmem>>[vector<16xi32>], vector<16xf32>,
      %get3A_61 = arith.constant 0 : i32
      %get3A_62 = arith.index_cast %get3A_61 : i32 to index
      %get3A_63 = arith.constant 64 : index
      %get3A_64 = tpu.vector_load %arg6[%get3A_62, %get3A_63] {strides = array<i32>} : memref<8x128xi32, #tpu.memory_space<vmem>>, vector<16xi32>,
      tpu.vector_store_idx %arg7[%get3A_64], %broadcast_in_dim3A_1 {add = true} : memref<100352xf32, #tpu.memory_space<vmem>>[vector<16xi32>], vector<16xf32>,
      %get3A_65 = arith.constant 0 : i32
      %get3A_66 = arith.index_cast %get3A_65 : i32 to index
      %get3A_67 = arith.constant 80 : index
      %get3A_68 = tpu.vector_load %arg6[%get3A_66, %get3A_67] {strides = array<i32>} : memref<8x128xi32, #tpu.memory_space<vmem>>, vector<16xi32>,
      tpu.vector_store_idx %arg7[%get3A_68], %broadcast_in_dim3A_1 {add = true} : memref<100352xf32, #tpu.memory_space<vmem>>[vector<16xi32>], vector<16xf32>,
      %get3A_69 = arith.constant 0 : i32
      %get3A_70 = arith.index_cast %get3A_69 : i32 to index
      %get3A_71 = arith.constant 96 : index
      %get3A_72 = tpu.vector_load %arg6[%get3A_70, %get3A_71] {strides = array<i32>} : memref<8x128xi32, #tpu.memory_space<vmem>>, vector<16xi32>,
      tpu.vector_store_idx %arg7[%get3A_72], %broadcast_in_dim3A_1 {add = true} : memref<100352xf32, #tpu.memory_space<vmem>>[vector<16xi32>], vector<16xf32>,
      %get3A_73 = arith.constant 0 : i32
      %get3A_74 = arith.index_cast %get3A_73 : i32 to index
      %get3A_75 = arith.constant 112 : index
      %get3A_76 = tpu.vector_load %arg6[%get3A_74, %get3A_75] {strides = array<i32>} : memref<8x128xi32, #tpu.memory_space<vmem>>, vector<16xi32>,
      tpu.vector_store_idx %arg7[%get3A_76], %broadcast_in_dim3A_1 {add = true} : memref<100352xf32, #tpu.memory_space<vmem>>[vector<16xi32>], vector<16xf32>,
      %get3A_77 = arith.constant 1 : i32
      %get3A_78 = arith.index_cast %get3A_77 : i32 to index
      %get3A_79 = arith.constant 0 : index
      %get3A_80 = tpu.vector_load %arg6[%get3A_78, %get3A_79] {strides = array<i32>} : memref<8x128xi32, #tpu.memory_space<vmem>>, vector<16xi32>,
      tpu.vector_store_idx %arg7[%get3A_80], %broadcast_in_dim3A_1 {add = true} : memref<100352xf32, #tpu.memory_space<vmem>>[vector<16xi32>], vector<16xf32>,
      %get3A_81 = arith.constant 1 : i32
      %get3A_82 = arith.index_cast %get3A_81 : i32 to index
      %get3A_83 = arith.constant 16 : index
      %get3A_84 = tpu.vector_load %arg6[%get3A_82, %get3A_83] {strides = array<i32>} : memref<8x128xi32, #tpu.memory_space<vmem>>, vector<16xi32>,
      tpu.vector_store_idx %arg7[%get3A_84], %broadcast_in_dim3A_1 {add = true} : memref<100352xf32, #tpu.memory_space<vmem>>[vector<16xi32>], vector<16xf32>,
      %get3A_85 = arith.constant 1 : i32
      %get3A_86 = arith.index_cast %get3A_85 : i32 to index
      %get3A_87 = arith.constant 32 : index
      %get3A_88 = tpu.vector_load %arg6[%get3A_86, %get3A_87] {strides = array<i32>} : memref<8x128xi32, #tpu.memory_space<vmem>>, vector<16xi32>,
      tpu.vector_store_idx %arg7[%get3A_88], %broadcast_in_dim3A_1 {add = true} : memref<100352xf32, #tpu.memory_space<vmem>>[vector<16xi32>], vector<16xf32>,
      %get3A_89 = arith.constant 1 : i32
      %get3A_90 = arith.index_cast %get3A_89 : i32 to index
      %get3A_91 = arith.constant 48 : index
      %get3A_92 = tpu.vector_load %arg6[%get3A_90, %get3A_91] {strides = array<i32>} : memref<8x128xi32, #tpu.memory_space<vmem>>, vector<16xi32>,
      tpu.vector_store_idx %arg7[%get3A_92], %broadcast_in_dim3A_1 {add = true} : memref<100352xf32, #tpu.memory_space<vmem>>[vector<16xi32>], vector<16xf32>,
      %get3A_93 = arith.constant 1 : i32
      %get3A_94 = arith.index_cast %get3A_93 : i32 to index
      %get3A_95 = arith.constant 64 : index
      %get3A_96 = tpu.vector_load %arg6[%get3A_94, %get3A_95] {strides = array<i32>} : memref<8x128xi32, #tpu.memory_space<vmem>>, vector<16xi32>,
      tpu.vector_store_idx %arg7[%get3A_96], %broadcast_in_dim3A_1 {add = true} : memref<100352xf32, #tpu.memory_space<vmem>>[vector<16xi32>], vector<16xf32>,
      %get3A_97 = arith.constant 1 : i32
      %get3A_98 = arith.index_cast %get3A_97 : i32 to index
      %get3A_99 = arith.constant 80 : index
      %get3A_100 = tpu.vector_load %arg6[%get3A_98, %get3A_99] {strides = array<i32>} : memref<8x128xi32, #tpu.memory_space<vmem>>, vector<16xi32>,
      tpu.vector_store_idx %arg7[%get3A_100], %broadcast_in_dim3A_1 {add = true} : memref<100352xf32, #tpu.memory_space<vmem>>[vector<16xi32>], vector<16xf32>,
      %get3A_101 = arith.constant 1 : i32
      %get3A_102 = arith.index_cast %get3A_101 : i32 to index
      %get3A_103 = arith.constant 96 : index
      %get3A_104 = tpu.vector_load %arg6[%get3A_102, %get3A_103] {strides = array<i32>} : memref<8x128xi32, #tpu.memory_space<vmem>>, vector<16xi32>,
      tpu.vector_store_idx %arg7[%get3A_104], %broadcast_in_dim3A_1 {add = true} : memref<100352xf32, #tpu.memory_space<vmem>>[vector<16xi32>], vector<16xf32>,
      %get3A_105 = arith.constant 1 : i32
      %get3A_106 = arith.index_cast %get3A_105 : i32 to index
      %get3A_107 = arith.constant 112 : index
      %get3A_108 = tpu.vector_load %arg6[%get3A_106, %get3A_107] {strides = array<i32>} : memref<8x128xi32, #tpu.memory_space<vmem>>, vector<16xi32>,
      tpu.vector_store_idx %arg7[%get3A_108], %broadcast_in_dim3A_1 {add = true} : memref<100352xf32, #tpu.memory_space<vmem>>[vector<16xi32>], vector<16xf32>,
      %get3A_109 = arith.constant 2 : i32
      %get3A_110 = arith.index_cast %get3A_109 : i32 to index
      %get3A_111 = arith.constant 0 : index
      %get3A_112 = tpu.vector_load %arg6[%get3A_110, %get3A_111] {strides = array<i32>} : memref<8x128xi32, #tpu.memory_space<vmem>>, vector<16xi32>,
      tpu.vector_store_idx %arg7[%get3A_112], %broadcast_in_dim3A_1 {add = true} : memref<100352xf32, #tpu.memory_space<vmem>>[vector<16xi32>], vector<16xf32>,
      %get3A_113 = arith.constant 2 : i32
      %get3A_114 = arith.index_cast %get3A_113 : i32 to index
      %get3A_115 = arith.constant 16 : index
      %get3A_116 = tpu.vector_load %arg6[%get3A_114, %get3A_115] {strides = array<i32>} : memref<8x128xi32, #tpu.memory_space<vmem>>, vector<16xi32>,
      tpu.vector_store_idx %arg7[%get3A_116], %broadcast_in_dim3A_1 {add = true} : memref<100352xf32, #tpu.memory_space<vmem>>[vector<16xi32>], vector<16xf32>,
      %get3A_117 = arith.constant 2 : i32
      %get3A_118 = arith.index_cast %get3A_117 : i32 to index
      %get3A_119 = arith.constant 32 : index
      %get3A_120 = tpu.vector_load %arg6[%get3A_118, %get3A_119] {strides = array<i32>} : memref<8x128xi32, #tpu.memory_space<vmem>>, vector<16xi32>,
      tpu.vector_store_idx %arg7[%get3A_120], %broadcast_in_dim3A_1 {add = true} : memref<100352xf32, #tpu.memory_space<vmem>>[vector<16xi32>], vector<16xf32>,
      %get3A_121 = arith.constant 2 : i32
      %get3A_122 = arith.index_cast %get3A_121 : i32 to index
      %get3A_123 = arith.constant 48 : index
      %get3A_124 = tpu.vector_load %arg6[%get3A_122, %get3A_123] {strides = array<i32>} : memref<8x128xi32, #tpu.memory_space<vmem>>, vector<16xi32>,
      tpu.vector_store_idx %arg7[%get3A_124], %broadcast_in_dim3A_1 {add = true} : memref<100352xf32, #tpu.memory_space<vmem>>[vector<16xi32>], vector<16xf32>,
      %get3A_125 = arith.constant 2 : i32
      %get3A_126 = arith.index_cast %get3A_125 : i32 to index
      %get3A_127 = arith.constant 64 : index
      %get3A_128 = tpu.vector_load %arg6[%get3A_126, %get3A_127] {strides = array<i32>} : memref<8x128xi32, #tpu.memory_space<vmem>>, vector<16xi32>,
      tpu.vector_store_idx %arg7[%get3A_128], %broadcast_in_dim3A_1 {add = true} : memref<100352xf32, #tpu.memory_space<vmem>>[vector<16xi32>], vector<16xf32>,
      %get3A_129 = arith.constant 2 : i32
      %get3A_130 = arith.index_cast %get3A_129 : i32 to index
      %get3A_131 = arith.constant 80 : index
      %get3A_132 = tpu.vector_load %arg6[%get3A_130, %get3A_131] {strides = array<i32>} : memref<8x128xi32, #tpu.memory_space<vmem>>, vector<16xi32>,
      tpu.vector_store_idx %arg7[%get3A_132], %broadcast_in_dim3A_1 {add = true} : memref<100352xf32, #tpu.memory_space<vmem>>[vector<16xi32>], vector<16xf32>,
      %get3A_133 = arith.constant 2 : i32
      %get3A_134 = arith.index_cast %get3A_133 : i32 to index
      %get3A_135 = arith.constant 96 : index
      %get3A_136 = tpu.vector_load %arg6[%get3A_134, %get3A_135] {strides = array<i32>} : memref<8x128xi32, #tpu.memory_space<vmem>>, vector<16xi32>,
      tpu.vector_store_idx %arg7[%get3A_136], %broadcast_in_dim3A_1 {add = true} : memref<100352xf32, #tpu.memory_space<vmem>>[vector<16xi32>], vector<16xf32>,
      %get3A_137 = arith.constant 2 : i32
      %get3A_138 = arith.index_cast %get3A_137 : i32 to index
      %get3A_139 = arith.constant 112 : index
      %get3A_140 = tpu.vector_load %arg6[%get3A_138, %get3A_139] {strides = array<i32>} : memref<8x128xi32, #tpu.memory_space<vmem>>, vector<16xi32>,
      tpu.vector_store_idx %arg7[%get3A_140], %broadcast_in_dim3A_1 {add = true} : memref<100352xf32, #tpu.memory_space<vmem>>[vector<16xi32>], vector<16xf32>,
      %get3A_141 = arith.constant 3 : i32
      %get3A_142 = arith.index_cast %get3A_141 : i32 to index
      %get3A_143 = arith.constant 0 : index
      %get3A_144 = tpu.vector_load %arg6[%get3A_142, %get3A_143] {strides = array<i32>} : memref<8x128xi32, #tpu.memory_space<vmem>>, vector<16xi32>,
      tpu.vector_store_idx %arg7[%get3A_144], %broadcast_in_dim3A_1 {add = true} : memref<100352xf32, #tpu.memory_space<vmem>>[vector<16xi32>], vector<16xf32>,
      %get3A_145 = arith.constant 3 : i32
      %get3A_146 = arith.index_cast %get3A_145 : i32 to index
      %get3A_147 = arith.constant 16 : index
      %get3A_148 = tpu.vector_load %arg6[%get3A_146, %get3A_147] {strides = array<i32>} : memref<8x128xi32, #tpu.memory_space<vmem>>, vector<16xi32>,
      tpu.vector_store_idx %arg7[%get3A_148], %broadcast_in_dim3A_1 {add = true} : memref<100352xf32, #tpu.memory_space<vmem>>[vector<16xi32>], vector<16xf32>,
      %get3A_149 = arith.constant 3 : i32
      %get3A_150 = arith.index_cast %get3A_149 : i32 to index
      %get3A_151 = arith.constant 32 : index
      %get3A_152 = tpu.vector_load %arg6[%get3A_150, %get3A_151] {strides = array<i32>} : memref<8x128xi32, #tpu.memory_space<vmem>>, vector<16xi32>,
      tpu.vector_store_idx %arg7[%get3A_152], %broadcast_in_dim3A_1 {add = true} : memref<100352xf32, #tpu.memory_space<vmem>>[vector<16xi32>], vector<16xf32>,
      %get3A_153 = arith.constant 3 : i32
      %get3A_154 = arith.index_cast %get3A_153 : i32 to index
      %get3A_155 = arith.constant 48 : index
      %get3A_156 = tpu.vector_load %arg6[%get3A_154, %get3A_155] {strides = array<i32>} : memref<8x128xi32, #tpu.memory_space<vmem>>, vector<16xi32>,
      tpu.vector_store_idx %arg7[%get3A_156], %broadcast_in_dim3A_1 {add = true} : memref<100352xf32, #tpu.memory_space<vmem>>[vector<16xi32>], vector<16xf32>,
      %get3A_157 = arith.constant 3 : i32
      %get3A_158 = arith.index_cast %get3A_157 : i32 to index
      %get3A_159 = arith.constant 64 : index
      %get3A_160 = tpu.vector_load %arg6[%get3A_158, %get3A_159] {strides = array<i32>} : memref<8x128xi32, #tpu.memory_space<vmem>>, vector<16xi32>,
      tpu.vector_store_idx %arg7[%get3A_160], %broadcast_in_dim3A_1 {add = true} : memref<100352xf32, #tpu.memory_space<vmem>>[vector<16xi32>], vector<16xf32>,
      %get3A_161 = arith.constant 3 : i32
      %get3A_162 = arith.index_cast %get3A_161 : i32 to index
      %get3A_163 = arith.constant 80 : index
      %get3A_164 = tpu.vector_load %arg6[%get3A_162, %get3A_163] {strides = array<i32>} : memref<8x128xi32, #tpu.memory_space<vmem>>, vector<16xi32>,
      tpu.vector_store_idx %arg7[%get3A_164], %broadcast_in_dim3A_1 {add = true} : memref<100352xf32, #tpu.memory_space<vmem>>[vector<16xi32>], vector<16xf32>,
      %get3A_165 = arith.constant 3 : i32
      %get3A_166 = arith.index_cast %get3A_165 : i32 to index
      %get3A_167 = arith.constant 96 : index
      %get3A_168 = tpu.vector_load %arg6[%get3A_166, %get3A_167] {strides = array<i32>} : memref<8x128xi32, #tpu.memory_space<vmem>>, vector<16xi32>,
      tpu.vector_store_idx %arg7[%get3A_168], %broadcast_in_dim3A_1 {add = true} : memref<100352xf32, #tpu.memory_space<vmem>>[vector<16xi32>], vector<16xf32>,
      %get3A_169 = arith.constant 3 : i32
      %get3A_170 = arith.index_cast %get3A_169 : i32 to index
      %get3A_171 = arith.constant 112 : index
      %get3A_172 = tpu.vector_load %arg6[%get3A_170, %get3A_171] {strides = array<i32>} : memref<8x128xi32, #tpu.memory_space<vmem>>, vector<16xi32>,
      tpu.vector_store_idx %arg7[%get3A_172], %broadcast_in_dim3A_1 {add = true} : memref<100352xf32, #tpu.memory_space<vmem>>[vector<16xi32>], vector<16xf32>,
      %get3A_173 = arith.constant 4 : i32
      %get3A_174 = arith.index_cast %get3A_173 : i32 to index
      %get3A_175 = arith.constant 0 : index
      %get3A_176 = tpu.vector_load %arg6[%get3A_174, %get3A_175] {strides = array<i32>} : memref<8x128xi32, #tpu.memory_space<vmem>>, vector<16xi32>,
      tpu.vector_store_idx %arg7[%get3A_176], %broadcast_in_dim3A_1 {add = true} : memref<100352xf32, #tpu.memory_space<vmem>>[vector<16xi32>], vector<16xf32>,
      %get3A_177 = arith.constant 4 : i32
      %get3A_178 = arith.index_cast %get3A_177 : i32 to index
      %get3A_179 = arith.constant 16 : index
      %get3A_180 = tpu.vector_load %arg6[%get3A_178, %get3A_179] {strides = array<i32>} : memref<8x128xi32, #tpu.memory_space<vmem>>, vector<16xi32>,
      tpu.vector_store_idx %arg7[%get3A_180], %broadcast_in_dim3A_1 {add = true} : memref<100352xf32, #tpu.memory_space<vmem>>[vector<16xi32>], vector<16xf32>,
      %get3A_181 = arith.constant 4 : i32
      %get3A_182 = arith.index_cast %get3A_181 : i32 to index
      %get3A_183 = arith.constant 32 : index
      %get3A_184 = tpu.vector_load %arg6[%get3A_182, %get3A_183] {strides = array<i32>} : memref<8x128xi32, #tpu.memory_space<vmem>>, vector<16xi32>,
      tpu.vector_store_idx %arg7[%get3A_184], %broadcast_in_dim3A_1 {add = true} : memref<100352xf32, #tpu.memory_space<vmem>>[vector<16xi32>], vector<16xf32>,
      %get3A_185 = arith.constant 4 : i32
      %get3A_186 = arith.index_cast %get3A_185 : i32 to index
      %get3A_187 = arith.constant 48 : index
      %get3A_188 = tpu.vector_load %arg6[%get3A_186, %get3A_187] {strides = array<i32>} : memref<8x128xi32, #tpu.memory_space<vmem>>, vector<16xi32>,
      tpu.vector_store_idx %arg7[%get3A_188], %broadcast_in_dim3A_1 {add = true} : memref<100352xf32, #tpu.memory_space<vmem>>[vector<16xi32>], vector<16xf32>,
      %get3A_189 = arith.constant 4 : i32
      %get3A_190 = arith.index_cast %get3A_189 : i32 to index
      %get3A_191 = arith.constant 64 : index
      %get3A_192 = tpu.vector_load %arg6[%get3A_190, %get3A_191] {strides = array<i32>} : memref<8x128xi32, #tpu.memory_space<vmem>>, vector<16xi32>,
      tpu.vector_store_idx %arg7[%get3A_192], %broadcast_in_dim3A_1 {add = true} : memref<100352xf32, #tpu.memory_space<vmem>>[vector<16xi32>], vector<16xf32>,
      %get3A_193 = arith.constant 4 : i32
      %get3A_194 = arith.index_cast %get3A_193 : i32 to index
      %get3A_195 = arith.constant 80 : index
      %get3A_196 = tpu.vector_load %arg6[%get3A_194, %get3A_195] {strides = array<i32>} : memref<8x128xi32, #tpu.memory_space<vmem>>, vector<16xi32>,
      tpu.vector_store_idx %arg7[%get3A_196], %broadcast_in_dim3A_1 {add = true} : memref<100352xf32, #tpu.memory_space<vmem>>[vector<16xi32>], vector<16xf32>,
      %get3A_197 = arith.constant 4 : i32
      %get3A_198 = arith.index_cast %get3A_197 : i32 to index
      %get3A_199 = arith.constant 96 : index
      %get3A_200 = tpu.vector_load %arg6[%get3A_198, %get3A_199] {strides = array<i32>} : memref<8x128xi32, #tpu.memory_space<vmem>>, vector<16xi32>,
      tpu.vector_store_idx %arg7[%get3A_200], %broadcast_in_dim3A_1 {add = true} : memref<100352xf32, #tpu.memory_space<vmem>>[vector<16xi32>], vector<16xf32>,
      %get3A_201 = arith.constant 4 : i32
      %get3A_202 = arith.index_cast %get3A_201 : i32 to index
      %get3A_203 = arith.constant 112 : index
      %get3A_204 = tpu.vector_load %arg6[%get3A_202, %get3A_203] {strides = array<i32>} : memref<8x128xi32, #tpu.memory_space<vmem>>, vector<16xi32>,
      tpu.vector_store_idx %arg7[%get3A_204], %broadcast_in_dim3A_1 {add = true} : memref<100352xf32, #tpu.memory_space<vmem>>[vector<16xi32>], vector<16xf32>,
      %get3A_205 = arith.constant 5 : i32
      %get3A_206 = arith.index_cast %get3A_205 : i32 to index
      %get3A_207 = arith.constant 0 : index
      %get3A_208 = tpu.vector_load %arg6[%get3A_206, %get3A_207] {strides = array<i32>} : memref<8x128xi32, #tpu.memory_space<vmem>>, vector<16xi32>,
      tpu.vector_store_idx %arg7[%get3A_208], %broadcast_in_dim3A_1 {add = true} : memref<100352xf32, #tpu.memory_space<vmem>>[vector<16xi32>], vector<16xf32>,
      %get3A_209 = arith.constant 5 : i32
      %get3A_210 = arith.index_cast %get3A_209 : i32 to index
      %get3A_211 = arith.constant 16 : index
      %get3A_212 = tpu.vector_load %arg6[%get3A_210, %get3A_211] {strides = array<i32>} : memref<8x128xi32, #tpu.memory_space<vmem>>, vector<16xi32>,
      tpu.vector_store_idx %arg7[%get3A_212], %broadcast_in_dim3A_1 {add = true} : memref<100352xf32, #tpu.memory_space<vmem>>[vector<16xi32>], vector<16xf32>,
      %get3A_213 = arith.constant 5 : i32
      %get3A_214 = arith.index_cast %get3A_213 : i32 to index
      %get3A_215 = arith.constant 32 : index
      %get3A_216 = tpu.vector_load %arg6[%get3A_214, %get3A_215] {strides = array<i32>} : memref<8x128xi32, #tpu.memory_space<vmem>>, vector<16xi32>,
      tpu.vector_store_idx %arg7[%get3A_216], %broadcast_in_dim3A_1 {add = true} : memref<100352xf32, #tpu.memory_space<vmem>>[vector<16xi32>], vector<16xf32>,
      %get3A_217 = arith.constant 5 : i32
      %get3A_218 = arith.index_cast %get3A_217 : i32 to index
      %get3A_219 = arith.constant 48 : index
      %get3A_220 = tpu.vector_load %arg6[%get3A_218, %get3A_219] {strides = array<i32>} : memref<8x128xi32, #tpu.memory_space<vmem>>, vector<16xi32>,
      tpu.vector_store_idx %arg7[%get3A_220], %broadcast_in_dim3A_1 {add = true} : memref<100352xf32, #tpu.memory_space<vmem>>[vector<16xi32>], vector<16xf32>,
      %get3A_221 = arith.constant 5 : i32
      %get3A_222 = arith.index_cast %get3A_221 : i32 to index
      %get3A_223 = arith.constant 64 : index
      %get3A_224 = tpu.vector_load %arg6[%get3A_222, %get3A_223] {strides = array<i32>} : memref<8x128xi32, #tpu.memory_space<vmem>>, vector<16xi32>,
      tpu.vector_store_idx %arg7[%get3A_224], %broadcast_in_dim3A_1 {add = true} : memref<100352xf32, #tpu.memory_space<vmem>>[vector<16xi32>], vector<16xf32>,
      %get3A_225 = arith.constant 5 : i32
      %get3A_226 = arith.index_cast %get3A_225 : i32 to index
      %get3A_227 = arith.constant 80 : index
      %get3A_228 = tpu.vector_load %arg6[%get3A_226, %get3A_227] {strides = array<i32>} : memref<8x128xi32, #tpu.memory_space<vmem>>, vector<16xi32>,
      tpu.vector_store_idx %arg7[%get3A_228], %broadcast_in_dim3A_1 {add = true} : memref<100352xf32, #tpu.memory_space<vmem>>[vector<16xi32>], vector<16xf32>,
      %get3A_229 = arith.constant 5 : i32
      %get3A_230 = arith.index_cast %get3A_229 : i32 to index
      %get3A_231 = arith.constant 96 : index
      %get3A_232 = tpu.vector_load %arg6[%get3A_230, %get3A_231] {strides = array<i32>} : memref<8x128xi32, #tpu.memory_space<vmem>>, vector<16xi32>,
      tpu.vector_store_idx %arg7[%get3A_232], %broadcast_in_dim3A_1 {add = true} : memref<100352xf32, #tpu.memory_space<vmem>>[vector<16xi32>], vector<16xf32>,
      %get3A_233 = arith.constant 5 : i32
      %get3A_234 = arith.index_cast %get3A_233 : i32 to index
      %get3A_235 = arith.constant 112 : index
      %get3A_236 = tpu.vector_load %arg6[%get3A_234, %get3A_235] {strides = array<i32>} : memref<8x128xi32, #tpu.memory_space<vmem>>, vector<16xi32>,
      tpu.vector_store_idx %arg7[%get3A_236], %broadcast_in_dim3A_1 {add = true} : memref<100352xf32, #tpu.memory_space<vmem>>[vector<16xi32>], vector<16xf32>,
      %get3A_237 = arith.constant 6 : i32
      %get3A_238 = arith.index_cast %get3A_237 : i32 to index
      %get3A_239 = arith.constant 0 : index
      %get3A_240 = tpu.vector_load %arg6[%get3A_238, %get3A_239] {strides = array<i32>} : memref<8x128xi32, #tpu.memory_space<vmem>>, vector<16xi32>,
      tpu.vector_store_idx %arg7[%get3A_240], %broadcast_in_dim3A_1 {add = true} : memref<100352xf32, #tpu.memory_space<vmem>>[vector<16xi32>], vector<16xf32>,
      %get3A_241 = arith.constant 6 : i32
      %get3A_242 = arith.index_cast %get3A_241 : i32 to index
      %get3A_243 = arith.constant 16 : index
      %get3A_244 = tpu.vector_load %arg6[%get3A_242, %get3A_243] {strides = array<i32>} : memref<8x128xi32, #tpu.memory_space<vmem>>, vector<16xi32>,
      tpu.vector_store_idx %arg7[%get3A_244], %broadcast_in_dim3A_1 {add = true} : memref<100352xf32, #tpu.memory_space<vmem>>[vector<16xi32>], vector<16xf32>,
      %get3A_245 = arith.constant 6 : i32
      %get3A_246 = arith.index_cast %get3A_245 : i32 to index
      %get3A_247 = arith.constant 32 : index
      %get3A_248 = tpu.vector_load %arg6[%get3A_246, %get3A_247] {strides = array<i32>} : memref<8x128xi32, #tpu.memory_space<vmem>>, vector<16xi32>,
      tpu.vector_store_idx %arg7[%get3A_248], %broadcast_in_dim3A_1 {add = true} : memref<100352xf32, #tpu.memory_space<vmem>>[vector<16xi32>], vector<16xf32>,
      %get3A_249 = arith.constant 6 : i32
      %get3A_250 = arith.index_cast %get3A_249 : i32 to index
      %get3A_251 = arith.constant 48 : index
      %get3A_252 = tpu.vector_load %arg6[%get3A_250, %get3A_251] {strides = array<i32>} : memref<8x128xi32, #tpu.memory_space<vmem>>, vector<16xi32>,
      tpu.vector_store_idx %arg7[%get3A_252], %broadcast_in_dim3A_1 {add = true} : memref<100352xf32, #tpu.memory_space<vmem>>[vector<16xi32>], vector<16xf32>,
      %get3A_253 = arith.constant 6 : i32
      %get3A_254 = arith.index_cast %get3A_253 : i32 to index
      %get3A_255 = arith.constant 64 : index
      %get3A_256 = tpu.vector_load %arg6[%get3A_254, %get3A_255] {strides = array<i32>} : memref<8x128xi32, #tpu.memory_space<vmem>>, vector<16xi32>,
      tpu.vector_store_idx %arg7[%get3A_256], %broadcast_in_dim3A_1 {add = true} : memref<100352xf32, #tpu.memory_space<vmem>>[vector<16xi32>], vector<16xf32>,
      %get3A_257 = arith.constant 6 : i32
      %get3A_258 = arith.index_cast %get3A_257 : i32 to index
      %get3A_259 = arith.constant 80 : index
      %get3A_260 = tpu.vector_load %arg6[%get3A_258, %get3A_259] {strides = array<i32>} : memref<8x128xi32, #tpu.memory_space<vmem>>, vector<16xi32>,
      tpu.vector_store_idx %arg7[%get3A_260], %broadcast_in_dim3A_1 {add = true} : memref<100352xf32, #tpu.memory_space<vmem>>[vector<16xi32>], vector<16xf32>,
      %get3A_261 = arith.constant 6 : i32
      %get3A_262 = arith.index_cast %get3A_261 : i32 to index
      %get3A_263 = arith.constant 96 : index
      %get3A_264 = tpu.vector_load %arg6[%get3A_262, %get3A_263] {strides = array<i32>} : memref<8x128xi32, #tpu.memory_space<vmem>>, vector<16xi32>,
      tpu.vector_store_idx %arg7[%get3A_264], %broadcast_in_dim3A_1 {add = true} : memref<100352xf32, #tpu.memory_space<vmem>>[vector<16xi32>], vector<16xf32>,
      %get3A_265 = arith.constant 6 : i32
      %get3A_266 = arith.index_cast %get3A_265 : i32 to index
      %get3A_267 = arith.constant 112 : index
      %get3A_268 = tpu.vector_load %arg6[%get3A_266, %get3A_267] {strides = array<i32>} : memref<8x128xi32, #tpu.memory_space<vmem>>, vector<16xi32>,
      tpu.vector_store_idx %arg7[%get3A_268], %broadcast_in_dim3A_1 {add = true} : memref<100352xf32, #tpu.memory_space<vmem>>[vector<16xi32>], vector<16xf32>,
      %get3A_269 = arith.constant 7 : i32
      %get3A_270 = arith.index_cast %get3A_269 : i32 to index
      %get3A_271 = arith.constant 0 : index
      %get3A_272 = tpu.vector_load %arg6[%get3A_270, %get3A_271] {strides = array<i32>} : memref<8x128xi32, #tpu.memory_space<vmem>>, vector<16xi32>,
      tpu.vector_store_idx %arg7[%get3A_272], %broadcast_in_dim3A_1 {add = true} : memref<100352xf32, #tpu.memory_space<vmem>>[vector<16xi32>], vector<16xf32>,
      %get3A_273 = arith.constant 7 : i32
      %get3A_274 = arith.index_cast %get3A_273 : i32 to index
      %get3A_275 = arith.constant 16 : index
      %get3A_276 = tpu.vector_load %arg6[%get3A_274, %get3A_275] {strides = array<i32>} : memref<8x128xi32, #tpu.memory_space<vmem>>, vector<16xi32>,
      tpu.vector_store_idx %arg7[%get3A_276], %broadcast_in_dim3A_1 {add = true} : memref<100352xf32, #tpu.memory_space<vmem>>[vector<16xi32>], vector<16xf32>,
      %get3A_277 = arith.constant 7 : i32
      %get3A_278 = arith.index_cast %get3A_277 : i32 to index
      %get3A_279 = arith.constant 32 : index
      %get3A_280 = tpu.vector_load %arg6[%get3A_278, %get3A_279] {strides = array<i32>} : memref<8x128xi32, #tpu.memory_space<vmem>>, vector<16xi32>,
      tpu.vector_store_idx %arg7[%get3A_280], %broadcast_in_dim3A_1 {add = true} : memref<100352xf32, #tpu.memory_space<vmem>>[vector<16xi32>], vector<16xf32>,
      %get3A_281 = arith.constant 7 : i32
      %get3A_282 = arith.index_cast %get3A_281 : i32 to index
      %get3A_283 = arith.constant 48 : index
      %get3A_284 = tpu.vector_load %arg6[%get3A_282, %get3A_283] {strides = array<i32>} : memref<8x128xi32, #tpu.memory_space<vmem>>, vector<16xi32>,
      tpu.vector_store_idx %arg7[%get3A_284], %broadcast_in_dim3A_1 {add = true} : memref<100352xf32, #tpu.memory_space<vmem>>[vector<16xi32>], vector<16xf32>,
      %get3A_285 = arith.constant 7 : i32
      %get3A_286 = arith.index_cast %get3A_285 : i32 to index
      %get3A_287 = arith.constant 64 : index
      %get3A_288 = tpu.vector_load %arg6[%get3A_286, %get3A_287] {strides = array<i32>} : memref<8x128xi32, #tpu.memory_space<vmem>>, vector<16xi32>,
      tpu.vector_store_idx %arg7[%get3A_288], %broadcast_in_dim3A_1 {add = true} : memref<100352xf32, #tpu.memory_space<vmem>>[vector<16xi32>], vector<16xf32>,
      %get3A_289 = arith.constant 7 : i32
      %get3A_290 = arith.index_cast %get3A_289 : i32 to index
      %get3A_291 = arith.constant 80 : index
      %get3A_292 = tpu.vector_load %arg6[%get3A_290, %get3A_291] {strides = array<i32>} : memref<8x128xi32, #tpu.memory_space<vmem>>, vector<16xi32>,
      tpu.vector_store_idx %arg7[%get3A_292], %broadcast_in_dim3A_1 {add = true} : memref<100352xf32, #tpu.memory_space<vmem>>[vector<16xi32>], vector<16xf32>,
      %get3A_293 = arith.constant 7 : i32
      %get3A_294 = arith.index_cast %get3A_293 : i32 to index
      %get3A_295 = arith.constant 96 : index
      %get3A_296 = tpu.vector_load %arg6[%get3A_294, %get3A_295] {strides = array<i32>} : memref<8x128xi32, #tpu.memory_space<vmem>>, vector<16xi32>,
      tpu.vector_store_idx %arg7[%get3A_296], %broadcast_in_dim3A_1 {add = true} : memref<100352xf32, #tpu.memory_space<vmem>>[vector<16xi32>], vector<16xf32>,
      %get3A_297 = arith.constant 7 : i32
      %get3A_298 = arith.index_cast %get3A_297 : i32 to index
      %get3A_299 = arith.constant 112 : index
      %get3A_300 = tpu.vector_load %arg6[%get3A_298, %get3A_299] {strides = array<i32>} : memref<8x128xi32, #tpu.memory_space<vmem>>, vector<16xi32>,
      tpu.vector_store_idx %arg7[%get3A_300], %broadcast_in_dim3A_1 {add = true} : memref<100352xf32, #tpu.memory_space<vmem>>[vector<16xi32>], vector<16xf32>,
    } else {
    }
    %mul3A_19 = arith.constant 100352 : i32
    %mul3A_20 = arith.muli %add3A, %mul3A_19 : i32
    "tpu.region"() ({
      %run_scoped3A = tpu.sem_alloc : memref<!tpu.dma_semaphore, #tpu.memory_space<semaphore_mem>>
      %dma_start3A = tpu.memref_slice %arg4[%mul3A_20] : memref<3211264xf32, #tpu.memory_space<hbm>> -> memref<100352xf32, #tpu.memory_space<hbm>>
      %dma_start3A_42 = tpu.memref_slice %arg4[%mul3A_20] : memref<3211264xf32, #tpu.memory_space<hbm>> -> memref<100352xf32, #tpu.memory_space<hbm>>
      tpu.enqueue_dma source(%arg7 : memref<100352xf32, #tpu.memory_space<vmem>>) target(%dma_start3A_42 : memref<100352xf32, #tpu.memory_space<hbm>>) target_semaphore(%run_scoped3A : memref<!tpu.dma_semaphore, #tpu.memory_space<semaphore_mem>>)
      %dma_wait3A = tpu.memref_slice %arg4[%mul3A_20] : memref<3211264xf32, #tpu.memory_space<hbm>> -> memref<100352xf32, #tpu.memory_space<hbm>>
      %dma_wait3A_43 = tpu.memref_slice %arg4[%mul3A_20] : memref<3211264xf32, #tpu.memory_space<hbm>> -> memref<100352xf32, #tpu.memory_space<hbm>>
      tpu.wait_dma2 semaphore(%run_scoped3A : memref<!tpu.dma_semaphore, #tpu.memory_space<semaphore_mem>>) src(%arg7 : memref<100352xf32, #tpu.memory_space<vmem>>) dst(%dma_wait3A_43 : memref<100352xf32, #tpu.memory_space<hbm>>)
      tpu.yield
    }) : () -> ()
    %scan3A_21 = arith.constant 0 : i32
    %scan3A_22 = arith.constant 0 : i32
    %scan3A_23 = arith.constant 6272 : i32
    %scan3A_24 = arith.addi %scan3A_22, %scan3A_23 : i32
    %scan3A_25 = arith.constant 1 : i32
    %scan3A_26 = scf.for %scan3A_42 = %scan3A_22 to %scan3A_24 step %scan3A_25 iter_args(%scan3A_43 = %scan3A_21) -> (i32)  : i32 {
      %mul3A_44 = arith.constant 16 : i32
      %mul3A_45 = arith.muli %scan3A_42, %mul3A_44 : i32
      %swap3A = arith.index_cast %mul3A_45 : i32 to index
      %swap3A_46 = tpu.vector_load %arg7[%swap3A] {strides = array<i32>} : memref<100352xf32, #tpu.memory_space<vmem>>, vector<16xf32>,
      tpu.vector_store %arg7[%swap3A], %broadcast_in_dim3A_3 {strides = array<i32>} : memref<100352xf32, #tpu.memory_space<vmem>>, vector<16xf32>,
      %scan3A_47 = arith.constant 0 : i32
      scf.yield %scan3A_47 : i32
    }
    %scan3A_27 = arith.constant 6272 : i32
    %scan3A_28 = arith.constant 0 : i32
    %scan3A_29 = arith.constant 0 : i32
    %scan3A_30 = arith.constant 195 : i32
    %scan3A_31 = arith.addi %scan3A_29, %scan3A_30 : i32
    %scan3A_32 = arith.constant 1 : i32
    %scan3A_33 = scf.for %scan3A_42 = %scan3A_29 to %scan3A_31 step %scan3A_32 iter_args(%scan3A_43 = %scan3A_28) -> (i32)  : i32 {
      %mul3A_44 = arith.constant 195 : i32
      %mul3A_45 = arith.muli %add3A, %mul3A_44 : i32
      %mul3A_46 = arith.constant 1 : i32
      %mul3A_47 = arith.muli %scan3A_42, %mul3A_46 : i32
      %add3A_48 = arith.addi %mul3A_45, %mul3A_47 : i32
      %mul3A_49 = arith.constant 8 : i32
      %mul3A_50 = arith.muli %add3A_48, %mul3A_49 : i32
      "tpu.region"() ({
        %run_scoped3A = tpu.sem_alloc : memref<!tpu.dma_semaphore, #tpu.memory_space<semaphore_mem>>
        %dma_start3A = arith.constant 0 : i32
        %dma_start3A_59 = tpu.memref_slice %arg3[%mul3A_50, %dma_start3A] : memref<50000x128xi32, #tpu.memory_space<hbm>> -> memref<8x128xi32, #tpu.memory_space<hbm>>
        %dma_start3A_60 = arith.constant 0 : i32
        %dma_start3A_61 = tpu.memref_slice %arg3[%mul3A_50, %dma_start3A_60] : memref<50000x128xi32, #tpu.memory_space<hbm>> -> memref<8x128xi32, #tpu.memory_space<hbm>>
        tpu.enqueue_dma source(%dma_start3A_61 : memref<8x128xi32, #tpu.memory_space<hbm>>) target(%arg6 : memref<8x128xi32, #tpu.memory_space<vmem>>) target_semaphore(%run_scoped3A : memref<!tpu.dma_semaphore, #tpu.memory_space<semaphore_mem>>)
        %dma_wait3A = arith.constant 0 : i32
        %dma_wait3A_62 = tpu.memref_slice %arg3[%mul3A_50, %dma_wait3A] : memref<50000x128xi32, #tpu.memory_space<hbm>> -> memref<8x128xi32, #tpu.memory_space<hbm>>
        %dma_wait3A_63 = arith.constant 0 : i32
        %dma_wait3A_64 = tpu.memref_slice %arg3[%mul3A_50, %dma_wait3A_63] : memref<50000x128xi32, #tpu.memory_space<hbm>> -> memref<8x128xi32, #tpu.memory_space<hbm>>
        tpu.wait_dma2 semaphore(%run_scoped3A : memref<!tpu.dma_semaphore, #tpu.memory_space<semaphore_mem>>) src(%dma_wait3A_64 : memref<8x128xi32, #tpu.memory_space<hbm>>) dst(%arg6 : memref<8x128xi32, #tpu.memory_space<vmem>>)
        tpu.yield
      }) : () -> ()
      %scan3A_51 = arith.constant 0 : i32
      %scan3A_52 = arith.constant 0 : i32
      %scan3A_53 = arith.constant 8 : i32
      %scan3A_54 = arith.addi %scan3A_52, %scan3A_53 : i32
      %scan3A_55 = arith.constant 1 : i32
      %scan3A_56 = scf.for %scan3A_59 = %scan3A_52 to %scan3A_54 step %scan3A_55 iter_args(%scan3A_60 = %scan3A_51) -> (i32)  : i32 {
        %get3A = arith.index_cast %scan3A_59 : i32 to index
        %get3A_61 = arith.constant 0 : index
        %get3A_62 = tpu.vector_load %arg6[%get3A, %get3A_61] {strides = array<i32>} : memref<8x128xi32, #tpu.memory_space<vmem>>, vector<16xi32>,
        tpu.vector_store_idx %arg7[%get3A_62], %broadcast_in_dim3A_1 {add = true} : memref<100352xf32, #tpu.memory_space<vmem>>[vector<16xi32>], vector<16xf32>,
        %get3A_63 = arith.index_cast %scan3A_59 : i32 to index
        %get3A_64 = arith.constant 16 : index
        %get3A_65 = tpu.vector_load %arg6[%get3A_63, %get3A_64] {strides = array<i32>} : memref<8x128xi32, #tpu.memory_space<vmem>>, vector<16xi32>,
        tpu.vector_store_idx %arg7[%get3A_65], %broadcast_in_dim3A_1 {add = true} : memref<100352xf32, #tpu.memory_space<vmem>>[vector<16xi32>], vector<16xf32>,
        %get3A_66 = arith.index_cast %scan3A_59 : i32 to index
        %get3A_67 = arith.constant 32 : index
        %get3A_68 = tpu.vector_load %arg6[%get3A_66, %get3A_67] {strides = array<i32>} : memref<8x128xi32, #tpu.memory_space<vmem>>, vector<16xi32>,
        tpu.vector_store_idx %arg7[%get3A_68], %broadcast_in_dim3A_1 {add = true} : memref<100352xf32, #tpu.memory_space<vmem>>[vector<16xi32>], vector<16xf32>,
        %get3A_69 = arith.index_cast %scan3A_59 : i32 to index
        %get3A_70 = arith.constant 48 : index
        %get3A_71 = tpu.vector_load %arg6[%get3A_69, %get3A_70] {strides = array<i32>} : memref<8x128xi32, #tpu.memory_space<vmem>>, vector<16xi32>,
        tpu.vector_store_idx %arg7[%get3A_71], %broadcast_in_dim3A_1 {add = true} : memref<100352xf32, #tpu.memory_space<vmem>>[vector<16xi32>], vector<16xf32>,
        %get3A_72 = arith.index_cast %scan3A_59 : i32 to index
        %get3A_73 = arith.constant 64 : index
        %get3A_74 = tpu.vector_load %arg6[%get3A_72, %get3A_73] {strides = array<i32>} : memref<8x128xi32, #tpu.memory_space<vmem>>, vector<16xi32>,
        tpu.vector_store_idx %arg7[%get3A_74], %broadcast_in_dim3A_1 {add = true} : memref<100352xf32, #tpu.memory_space<vmem>>[vector<16xi32>], vector<16xf32>,
        %get3A_75 = arith.index_cast %scan3A_59 : i32 to index
        %get3A_76 = arith.constant 80 : index
        %get3A_77 = tpu.vector_load %arg6[%get3A_75, %get3A_76] {strides = array<i32>} : memref<8x128xi32, #tpu.memory_space<vmem>>, vector<16xi32>,
        tpu.vector_store_idx %arg7[%get3A_77], %broadcast_in_dim3A_1 {add = true} : memref<100352xf32, #tpu.memory_space<vmem>>[vector<16xi32>], vector<16xf32>,
        %get3A_78 = arith.index_cast %scan3A_59 : i32 to index
        %get3A_79 = arith.constant 96 : index
        %get3A_80 = tpu.vector_load %arg6[%get3A_78, %get3A_79] {strides = array<i32>} : memref<8x128xi32, #tpu.memory_space<vmem>>, vector<16xi32>,
        tpu.vector_store_idx %arg7[%get3A_80], %broadcast_in_dim3A_1 {add = true} : memref<100352xf32, #tpu.memory_space<vmem>>[vector<16xi32>], vector<16xf32>,
        %get3A_81 = arith.index_cast %scan3A_59 : i32 to index
        %get3A_82 = arith.constant 112 : index
        %get3A_83 = tpu.vector_load %arg6[%get3A_81, %get3A_82] {strides = array<i32>} : memref<8x128xi32, #tpu.memory_space<vmem>>, vector<16xi32>,
        tpu.vector_store_idx %arg7[%get3A_83], %broadcast_in_dim3A_1 {add = true} : memref<100352xf32, #tpu.memory_space<vmem>>[vector<16xi32>], vector<16xf32>,
        %scan3A_84 = arith.constant 0 : i32
        scf.yield %scan3A_84 : i32
      }
      %scan3A_57 = arith.constant 8 : i32
      %scan3A_58 = arith.constant 0 : i32
      scf.yield %scan3A_58 : i32
    }
    %scan3A_34 = arith.constant 195 : i32
    %lt3A_35 = arith.constant 10 : i32
    %lt3A_36 = arith.cmpi slt, %add3A, %lt3A_35 : i32
    %convert_element_type3A_37 = arith.extui %lt3A_36 : i1 to i32
    %cond3A_38 = arith.constant 0 : i32
    %cond3A_39 = arith.cmpi ne, %convert_element_type3A_37, %cond3A_38 : i32
    scf.if %cond3A_39 {
      %add3A_42 = arith.constant 6240 : i32
      %add3A_43 = arith.addi %add3A_42, %add3A : i32
      %mul3A_44 = arith.constant 8 : i32
      %mul3A_45 = arith.muli %add3A_43, %mul3A_44 : i32
      "tpu.region"() ({
        %run_scoped3A = tpu.sem_alloc : memref<!tpu.dma_semaphore, #tpu.memory_space<semaphore_mem>>
        %dma_start3A = arith.constant 0 : i32
        %dma_start3A_301 = arith.constant 0 : i32
        %dma_start3A_302 = tpu.memref_slice %arg6[%dma_start3A, %dma_start3A_301] : memref<8x128xi32, #tpu.memory_space<vmem>> -> memref<8x128xi32, #tpu.memory_space<vmem>>
        %dma_start3A_303 = arith.constant 0 : i32
        %dma_start3A_304 = tpu.memref_slice %arg3[%mul3A_45, %dma_start3A_303] : memref<50000x128xi32, #tpu.memory_space<hbm>> -> memref<8x128xi32, #tpu.memory_space<hbm>>
        %dma_start3A_305 = arith.constant 0 : i32
        %dma_start3A_306 = arith.constant 0 : i32
        %dma_start3A_307 = tpu.memref_slice %arg6[%dma_start3A_305, %dma_start3A_306] : memref<8x128xi32, #tpu.memory_space<vmem>> -> memref<8x128xi32, #tpu.memory_space<vmem>>
        %dma_start3A_308 = arith.constant 0 : i32
        %dma_start3A_309 = tpu.memref_slice %arg3[%mul3A_45, %dma_start3A_308] : memref<50000x128xi32, #tpu.memory_space<hbm>> -> memref<8x128xi32, #tpu.memory_space<hbm>>
        tpu.enqueue_dma source(%dma_start3A_309 : memref<8x128xi32, #tpu.memory_space<hbm>>) target(%dma_start3A_307 : memref<8x128xi32, #tpu.memory_space<vmem>>) target_semaphore(%run_scoped3A : memref<!tpu.dma_semaphore, #tpu.memory_space<semaphore_mem>>)
        %dma_wait3A = arith.constant 0 : i32
        %dma_wait3A_310 = arith.constant 0 : i32
        %dma_wait3A_311 = tpu.memref_slice %arg6[%dma_wait3A, %dma_wait3A_310] : memref<8x128xi32, #tpu.memory_space<vmem>> -> memref<8x128xi32, #tpu.memory_space<vmem>>
        %dma_wait3A_312 = arith.constant 0 : i32
        %dma_wait3A_313 = tpu.memref_slice %arg3[%mul3A_45, %dma_wait3A_312] : memref<50000x128xi32, #tpu.memory_space<hbm>> -> memref<8x128xi32, #tpu.memory_space<hbm>>
        %dma_wait3A_314 = arith.constant 0 : i32
        %dma_wait3A_315 = arith.constant 0 : i32
        %dma_wait3A_316 = tpu.memref_slice %arg6[%dma_wait3A_314, %dma_wait3A_315] : memref<8x128xi32, #tpu.memory_space<vmem>> -> memref<8x128xi32, #tpu.memory_space<vmem>>
        %dma_wait3A_317 = arith.constant 0 : i32
        %dma_wait3A_318 = tpu.memref_slice %arg3[%mul3A_45, %dma_wait3A_317] : memref<50000x128xi32, #tpu.memory_space<hbm>> -> memref<8x128xi32, #tpu.memory_space<hbm>>
        tpu.wait_dma2 semaphore(%run_scoped3A : memref<!tpu.dma_semaphore, #tpu.memory_space<semaphore_mem>>) src(%dma_wait3A_318 : memref<8x128xi32, #tpu.memory_space<hbm>>) dst(%dma_wait3A_316 : memref<8x128xi32, #tpu.memory_space<vmem>>)
        tpu.yield
      }) : () -> ()
      %get3A = arith.constant 0 : i32
      %get3A_46 = arith.index_cast %get3A : i32 to index
      %get3A_47 = arith.constant 0 : index
      %get3A_48 = tpu.vector_load %arg6[%get3A_46, %get3A_47] {strides = array<i32>} : memref<8x128xi32, #tpu.memory_space<vmem>>, vector<16xi32>,
      tpu.vector_store_idx %arg7[%get3A_48], %broadcast_in_dim3A_1 {add = true} : memref<100352xf32, #tpu.memory_space<vmem>>[vector<16xi32>], vector<16xf32>,
      %get3A_49 = arith.constant 0 : i32
      %get3A_50 = arith.index_cast %get3A_49 : i32 to index
      %get3A_51 = arith.constant 16 : index
      %get3A_52 = tpu.vector_load %arg6[%get3A_50, %get3A_51] {strides = array<i32>} : memref<8x128xi32, #tpu.memory_space<vmem>>, vector<16xi32>,
      tpu.vector_store_idx %arg7[%get3A_52], %broadcast_in_dim3A_1 {add = true} : memref<100352xf32, #tpu.memory_space<vmem>>[vector<16xi32>], vector<16xf32>,
      %get3A_53 = arith.constant 0 : i32
      %get3A_54 = arith.index_cast %get3A_53 : i32 to index
      %get3A_55 = arith.constant 32 : index
      %get3A_56 = tpu.vector_load %arg6[%get3A_54, %get3A_55] {strides = array<i32>} : memref<8x128xi32, #tpu.memory_space<vmem>>, vector<16xi32>,
      tpu.vector_store_idx %arg7[%get3A_56], %broadcast_in_dim3A_1 {add = true} : memref<100352xf32, #tpu.memory_space<vmem>>[vector<16xi32>], vector<16xf32>,
      %get3A_57 = arith.constant 0 : i32
      %get3A_58 = arith.index_cast %get3A_57 : i32 to index
      %get3A_59 = arith.constant 48 : index
      %get3A_60 = tpu.vector_load %arg6[%get3A_58, %get3A_59] {strides = array<i32>} : memref<8x128xi32, #tpu.memory_space<vmem>>, vector<16xi32>,
      tpu.vector_store_idx %arg7[%get3A_60], %broadcast_in_dim3A_1 {add = true} : memref<100352xf32, #tpu.memory_space<vmem>>[vector<16xi32>], vector<16xf32>,
      %get3A_61 = arith.constant 0 : i32
      %get3A_62 = arith.index_cast %get3A_61 : i32 to index
      %get3A_63 = arith.constant 64 : index
      %get3A_64 = tpu.vector_load %arg6[%get3A_62, %get3A_63] {strides = array<i32>} : memref<8x128xi32, #tpu.memory_space<vmem>>, vector<16xi32>,
      tpu.vector_store_idx %arg7[%get3A_64], %broadcast_in_dim3A_1 {add = true} : memref<100352xf32, #tpu.memory_space<vmem>>[vector<16xi32>], vector<16xf32>,
      %get3A_65 = arith.constant 0 : i32
      %get3A_66 = arith.index_cast %get3A_65 : i32 to index
      %get3A_67 = arith.constant 80 : index
      %get3A_68 = tpu.vector_load %arg6[%get3A_66, %get3A_67] {strides = array<i32>} : memref<8x128xi32, #tpu.memory_space<vmem>>, vector<16xi32>,
      tpu.vector_store_idx %arg7[%get3A_68], %broadcast_in_dim3A_1 {add = true} : memref<100352xf32, #tpu.memory_space<vmem>>[vector<16xi32>], vector<16xf32>,
      %get3A_69 = arith.constant 0 : i32
      %get3A_70 = arith.index_cast %get3A_69 : i32 to index
      %get3A_71 = arith.constant 96 : index
      %get3A_72 = tpu.vector_load %arg6[%get3A_70, %get3A_71] {strides = array<i32>} : memref<8x128xi32, #tpu.memory_space<vmem>>, vector<16xi32>,
      tpu.vector_store_idx %arg7[%get3A_72], %broadcast_in_dim3A_1 {add = true} : memref<100352xf32, #tpu.memory_space<vmem>>[vector<16xi32>], vector<16xf32>,
      %get3A_73 = arith.constant 0 : i32
      %get3A_74 = arith.index_cast %get3A_73 : i32 to index
      %get3A_75 = arith.constant 112 : index
      %get3A_76 = tpu.vector_load %arg6[%get3A_74, %get3A_75] {strides = array<i32>} : memref<8x128xi32, #tpu.memory_space<vmem>>, vector<16xi32>,
      tpu.vector_store_idx %arg7[%get3A_76], %broadcast_in_dim3A_1 {add = true} : memref<100352xf32, #tpu.memory_space<vmem>>[vector<16xi32>], vector<16xf32>,
      %get3A_77 = arith.constant 1 : i32
      %get3A_78 = arith.index_cast %get3A_77 : i32 to index
      %get3A_79 = arith.constant 0 : index
      %get3A_80 = tpu.vector_load %arg6[%get3A_78, %get3A_79] {strides = array<i32>} : memref<8x128xi32, #tpu.memory_space<vmem>>, vector<16xi32>,
      tpu.vector_store_idx %arg7[%get3A_80], %broadcast_in_dim3A_1 {add = true} : memref<100352xf32, #tpu.memory_space<vmem>>[vector<16xi32>], vector<16xf32>,
      %get3A_81 = arith.constant 1 : i32
      %get3A_82 = arith.index_cast %get3A_81 : i32 to index
      %get3A_83 = arith.constant 16 : index
      %get3A_84 = tpu.vector_load %arg6[%get3A_82, %get3A_83] {strides = array<i32>} : memref<8x128xi32, #tpu.memory_space<vmem>>, vector<16xi32>,
      tpu.vector_store_idx %arg7[%get3A_84], %broadcast_in_dim3A_1 {add = true} : memref<100352xf32, #tpu.memory_space<vmem>>[vector<16xi32>], vector<16xf32>,
      %get3A_85 = arith.constant 1 : i32
      %get3A_86 = arith.index_cast %get3A_85 : i32 to index
      %get3A_87 = arith.constant 32 : index
      %get3A_88 = tpu.vector_load %arg6[%get3A_86, %get3A_87] {strides = array<i32>} : memref<8x128xi32, #tpu.memory_space<vmem>>, vector<16xi32>,
      tpu.vector_store_idx %arg7[%get3A_88], %broadcast_in_dim3A_1 {add = true} : memref<100352xf32, #tpu.memory_space<vmem>>[vector<16xi32>], vector<16xf32>,
      %get3A_89 = arith.constant 1 : i32
      %get3A_90 = arith.index_cast %get3A_89 : i32 to index
      %get3A_91 = arith.constant 48 : index
      %get3A_92 = tpu.vector_load %arg6[%get3A_90, %get3A_91] {strides = array<i32>} : memref<8x128xi32, #tpu.memory_space<vmem>>, vector<16xi32>,
      tpu.vector_store_idx %arg7[%get3A_92], %broadcast_in_dim3A_1 {add = true} : memref<100352xf32, #tpu.memory_space<vmem>>[vector<16xi32>], vector<16xf32>,
      %get3A_93 = arith.constant 1 : i32
      %get3A_94 = arith.index_cast %get3A_93 : i32 to index
      %get3A_95 = arith.constant 64 : index
      %get3A_96 = tpu.vector_load %arg6[%get3A_94, %get3A_95] {strides = array<i32>} : memref<8x128xi32, #tpu.memory_space<vmem>>, vector<16xi32>,
      tpu.vector_store_idx %arg7[%get3A_96], %broadcast_in_dim3A_1 {add = true} : memref<100352xf32, #tpu.memory_space<vmem>>[vector<16xi32>], vector<16xf32>,
      %get3A_97 = arith.constant 1 : i32
      %get3A_98 = arith.index_cast %get3A_97 : i32 to index
      %get3A_99 = arith.constant 80 : index
      %get3A_100 = tpu.vector_load %arg6[%get3A_98, %get3A_99] {strides = array<i32>} : memref<8x128xi32, #tpu.memory_space<vmem>>, vector<16xi32>,
      tpu.vector_store_idx %arg7[%get3A_100], %broadcast_in_dim3A_1 {add = true} : memref<100352xf32, #tpu.memory_space<vmem>>[vector<16xi32>], vector<16xf32>,
      %get3A_101 = arith.constant 1 : i32
      %get3A_102 = arith.index_cast %get3A_101 : i32 to index
      %get3A_103 = arith.constant 96 : index
      %get3A_104 = tpu.vector_load %arg6[%get3A_102, %get3A_103] {strides = array<i32>} : memref<8x128xi32, #tpu.memory_space<vmem>>, vector<16xi32>,
      tpu.vector_store_idx %arg7[%get3A_104], %broadcast_in_dim3A_1 {add = true} : memref<100352xf32, #tpu.memory_space<vmem>>[vector<16xi32>], vector<16xf32>,
      %get3A_105 = arith.constant 1 : i32
      %get3A_106 = arith.index_cast %get3A_105 : i32 to index
      %get3A_107 = arith.constant 112 : index
      %get3A_108 = tpu.vector_load %arg6[%get3A_106, %get3A_107] {strides = array<i32>} : memref<8x128xi32, #tpu.memory_space<vmem>>, vector<16xi32>,
      tpu.vector_store_idx %arg7[%get3A_108], %broadcast_in_dim3A_1 {add = true} : memref<100352xf32, #tpu.memory_space<vmem>>[vector<16xi32>], vector<16xf32>,
      %get3A_109 = arith.constant 2 : i32
      %get3A_110 = arith.index_cast %get3A_109 : i32 to index
      %get3A_111 = arith.constant 0 : index
      %get3A_112 = tpu.vector_load %arg6[%get3A_110, %get3A_111] {strides = array<i32>} : memref<8x128xi32, #tpu.memory_space<vmem>>, vector<16xi32>,
      tpu.vector_store_idx %arg7[%get3A_112], %broadcast_in_dim3A_1 {add = true} : memref<100352xf32, #tpu.memory_space<vmem>>[vector<16xi32>], vector<16xf32>,
      %get3A_113 = arith.constant 2 : i32
      %get3A_114 = arith.index_cast %get3A_113 : i32 to index
      %get3A_115 = arith.constant 16 : index
      %get3A_116 = tpu.vector_load %arg6[%get3A_114, %get3A_115] {strides = array<i32>} : memref<8x128xi32, #tpu.memory_space<vmem>>, vector<16xi32>,
      tpu.vector_store_idx %arg7[%get3A_116], %broadcast_in_dim3A_1 {add = true} : memref<100352xf32, #tpu.memory_space<vmem>>[vector<16xi32>], vector<16xf32>,
      %get3A_117 = arith.constant 2 : i32
      %get3A_118 = arith.index_cast %get3A_117 : i32 to index
      %get3A_119 = arith.constant 32 : index
      %get3A_120 = tpu.vector_load %arg6[%get3A_118, %get3A_119] {strides = array<i32>} : memref<8x128xi32, #tpu.memory_space<vmem>>, vector<16xi32>,
      tpu.vector_store_idx %arg7[%get3A_120], %broadcast_in_dim3A_1 {add = true} : memref<100352xf32, #tpu.memory_space<vmem>>[vector<16xi32>], vector<16xf32>,
      %get3A_121 = arith.constant 2 : i32
      %get3A_122 = arith.index_cast %get3A_121 : i32 to index
      %get3A_123 = arith.constant 48 : index
      %get3A_124 = tpu.vector_load %arg6[%get3A_122, %get3A_123] {strides = array<i32>} : memref<8x128xi32, #tpu.memory_space<vmem>>, vector<16xi32>,
      tpu.vector_store_idx %arg7[%get3A_124], %broadcast_in_dim3A_1 {add = true} : memref<100352xf32, #tpu.memory_space<vmem>>[vector<16xi32>], vector<16xf32>,
      %get3A_125 = arith.constant 2 : i32
      %get3A_126 = arith.index_cast %get3A_125 : i32 to index
      %get3A_127 = arith.constant 64 : index
      %get3A_128 = tpu.vector_load %arg6[%get3A_126, %get3A_127] {strides = array<i32>} : memref<8x128xi32, #tpu.memory_space<vmem>>, vector<16xi32>,
      tpu.vector_store_idx %arg7[%get3A_128], %broadcast_in_dim3A_1 {add = true} : memref<100352xf32, #tpu.memory_space<vmem>>[vector<16xi32>], vector<16xf32>,
      %get3A_129 = arith.constant 2 : i32
      %get3A_130 = arith.index_cast %get3A_129 : i32 to index
      %get3A_131 = arith.constant 80 : index
      %get3A_132 = tpu.vector_load %arg6[%get3A_130, %get3A_131] {strides = array<i32>} : memref<8x128xi32, #tpu.memory_space<vmem>>, vector<16xi32>,
      tpu.vector_store_idx %arg7[%get3A_132], %broadcast_in_dim3A_1 {add = true} : memref<100352xf32, #tpu.memory_space<vmem>>[vector<16xi32>], vector<16xf32>,
      %get3A_133 = arith.constant 2 : i32
      %get3A_134 = arith.index_cast %get3A_133 : i32 to index
      %get3A_135 = arith.constant 96 : index
      %get3A_136 = tpu.vector_load %arg6[%get3A_134, %get3A_135] {strides = array<i32>} : memref<8x128xi32, #tpu.memory_space<vmem>>, vector<16xi32>,
      tpu.vector_store_idx %arg7[%get3A_136], %broadcast_in_dim3A_1 {add = true} : memref<100352xf32, #tpu.memory_space<vmem>>[vector<16xi32>], vector<16xf32>,
      %get3A_137 = arith.constant 2 : i32
      %get3A_138 = arith.index_cast %get3A_137 : i32 to index
      %get3A_139 = arith.constant 112 : index
      %get3A_140 = tpu.vector_load %arg6[%get3A_138, %get3A_139] {strides = array<i32>} : memref<8x128xi32, #tpu.memory_space<vmem>>, vector<16xi32>,
      tpu.vector_store_idx %arg7[%get3A_140], %broadcast_in_dim3A_1 {add = true} : memref<100352xf32, #tpu.memory_space<vmem>>[vector<16xi32>], vector<16xf32>,
      %get3A_141 = arith.constant 3 : i32
      %get3A_142 = arith.index_cast %get3A_141 : i32 to index
      %get3A_143 = arith.constant 0 : index
      %get3A_144 = tpu.vector_load %arg6[%get3A_142, %get3A_143] {strides = array<i32>} : memref<8x128xi32, #tpu.memory_space<vmem>>, vector<16xi32>,
      tpu.vector_store_idx %arg7[%get3A_144], %broadcast_in_dim3A_1 {add = true} : memref<100352xf32, #tpu.memory_space<vmem>>[vector<16xi32>], vector<16xf32>,
      %get3A_145 = arith.constant 3 : i32
      %get3A_146 = arith.index_cast %get3A_145 : i32 to index
      %get3A_147 = arith.constant 16 : index
      %get3A_148 = tpu.vector_load %arg6[%get3A_146, %get3A_147] {strides = array<i32>} : memref<8x128xi32, #tpu.memory_space<vmem>>, vector<16xi32>,
      tpu.vector_store_idx %arg7[%get3A_148], %broadcast_in_dim3A_1 {add = true} : memref<100352xf32, #tpu.memory_space<vmem>>[vector<16xi32>], vector<16xf32>,
      %get3A_149 = arith.constant 3 : i32
      %get3A_150 = arith.index_cast %get3A_149 : i32 to index
      %get3A_151 = arith.constant 32 : index
      %get3A_152 = tpu.vector_load %arg6[%get3A_150, %get3A_151] {strides = array<i32>} : memref<8x128xi32, #tpu.memory_space<vmem>>, vector<16xi32>,
      tpu.vector_store_idx %arg7[%get3A_152], %broadcast_in_dim3A_1 {add = true} : memref<100352xf32, #tpu.memory_space<vmem>>[vector<16xi32>], vector<16xf32>,
      %get3A_153 = arith.constant 3 : i32
      %get3A_154 = arith.index_cast %get3A_153 : i32 to index
      %get3A_155 = arith.constant 48 : index
      %get3A_156 = tpu.vector_load %arg6[%get3A_154, %get3A_155] {strides = array<i32>} : memref<8x128xi32, #tpu.memory_space<vmem>>, vector<16xi32>,
      tpu.vector_store_idx %arg7[%get3A_156], %broadcast_in_dim3A_1 {add = true} : memref<100352xf32, #tpu.memory_space<vmem>>[vector<16xi32>], vector<16xf32>,
      %get3A_157 = arith.constant 3 : i32
      %get3A_158 = arith.index_cast %get3A_157 : i32 to index
      %get3A_159 = arith.constant 64 : index
      %get3A_160 = tpu.vector_load %arg6[%get3A_158, %get3A_159] {strides = array<i32>} : memref<8x128xi32, #tpu.memory_space<vmem>>, vector<16xi32>,
      tpu.vector_store_idx %arg7[%get3A_160], %broadcast_in_dim3A_1 {add = true} : memref<100352xf32, #tpu.memory_space<vmem>>[vector<16xi32>], vector<16xf32>,
      %get3A_161 = arith.constant 3 : i32
      %get3A_162 = arith.index_cast %get3A_161 : i32 to index
      %get3A_163 = arith.constant 80 : index
      %get3A_164 = tpu.vector_load %arg6[%get3A_162, %get3A_163] {strides = array<i32>} : memref<8x128xi32, #tpu.memory_space<vmem>>, vector<16xi32>,
      tpu.vector_store_idx %arg7[%get3A_164], %broadcast_in_dim3A_1 {add = true} : memref<100352xf32, #tpu.memory_space<vmem>>[vector<16xi32>], vector<16xf32>,
      %get3A_165 = arith.constant 3 : i32
      %get3A_166 = arith.index_cast %get3A_165 : i32 to index
      %get3A_167 = arith.constant 96 : index
      %get3A_168 = tpu.vector_load %arg6[%get3A_166, %get3A_167] {strides = array<i32>} : memref<8x128xi32, #tpu.memory_space<vmem>>, vector<16xi32>,
      tpu.vector_store_idx %arg7[%get3A_168], %broadcast_in_dim3A_1 {add = true} : memref<100352xf32, #tpu.memory_space<vmem>>[vector<16xi32>], vector<16xf32>,
      %get3A_169 = arith.constant 3 : i32
      %get3A_170 = arith.index_cast %get3A_169 : i32 to index
      %get3A_171 = arith.constant 112 : index
      %get3A_172 = tpu.vector_load %arg6[%get3A_170, %get3A_171] {strides = array<i32>} : memref<8x128xi32, #tpu.memory_space<vmem>>, vector<16xi32>,
      tpu.vector_store_idx %arg7[%get3A_172], %broadcast_in_dim3A_1 {add = true} : memref<100352xf32, #tpu.memory_space<vmem>>[vector<16xi32>], vector<16xf32>,
      %get3A_173 = arith.constant 4 : i32
      %get3A_174 = arith.index_cast %get3A_173 : i32 to index
      %get3A_175 = arith.constant 0 : index
      %get3A_176 = tpu.vector_load %arg6[%get3A_174, %get3A_175] {strides = array<i32>} : memref<8x128xi32, #tpu.memory_space<vmem>>, vector<16xi32>,
      tpu.vector_store_idx %arg7[%get3A_176], %broadcast_in_dim3A_1 {add = true} : memref<100352xf32, #tpu.memory_space<vmem>>[vector<16xi32>], vector<16xf32>,
      %get3A_177 = arith.constant 4 : i32
      %get3A_178 = arith.index_cast %get3A_177 : i32 to index
      %get3A_179 = arith.constant 16 : index
      %get3A_180 = tpu.vector_load %arg6[%get3A_178, %get3A_179] {strides = array<i32>} : memref<8x128xi32, #tpu.memory_space<vmem>>, vector<16xi32>,
      tpu.vector_store_idx %arg7[%get3A_180], %broadcast_in_dim3A_1 {add = true} : memref<100352xf32, #tpu.memory_space<vmem>>[vector<16xi32>], vector<16xf32>,
      %get3A_181 = arith.constant 4 : i32
      %get3A_182 = arith.index_cast %get3A_181 : i32 to index
      %get3A_183 = arith.constant 32 : index
      %get3A_184 = tpu.vector_load %arg6[%get3A_182, %get3A_183] {strides = array<i32>} : memref<8x128xi32, #tpu.memory_space<vmem>>, vector<16xi32>,
      tpu.vector_store_idx %arg7[%get3A_184], %broadcast_in_dim3A_1 {add = true} : memref<100352xf32, #tpu.memory_space<vmem>>[vector<16xi32>], vector<16xf32>,
      %get3A_185 = arith.constant 4 : i32
      %get3A_186 = arith.index_cast %get3A_185 : i32 to index
      %get3A_187 = arith.constant 48 : index
      %get3A_188 = tpu.vector_load %arg6[%get3A_186, %get3A_187] {strides = array<i32>} : memref<8x128xi32, #tpu.memory_space<vmem>>, vector<16xi32>,
      tpu.vector_store_idx %arg7[%get3A_188], %broadcast_in_dim3A_1 {add = true} : memref<100352xf32, #tpu.memory_space<vmem>>[vector<16xi32>], vector<16xf32>,
      %get3A_189 = arith.constant 4 : i32
      %get3A_190 = arith.index_cast %get3A_189 : i32 to index
      %get3A_191 = arith.constant 64 : index
      %get3A_192 = tpu.vector_load %arg6[%get3A_190, %get3A_191] {strides = array<i32>} : memref<8x128xi32, #tpu.memory_space<vmem>>, vector<16xi32>,
      tpu.vector_store_idx %arg7[%get3A_192], %broadcast_in_dim3A_1 {add = true} : memref<100352xf32, #tpu.memory_space<vmem>>[vector<16xi32>], vector<16xf32>,
      %get3A_193 = arith.constant 4 : i32
      %get3A_194 = arith.index_cast %get3A_193 : i32 to index
      %get3A_195 = arith.constant 80 : index
      %get3A_196 = tpu.vector_load %arg6[%get3A_194, %get3A_195] {strides = array<i32>} : memref<8x128xi32, #tpu.memory_space<vmem>>, vector<16xi32>,
      tpu.vector_store_idx %arg7[%get3A_196], %broadcast_in_dim3A_1 {add = true} : memref<100352xf32, #tpu.memory_space<vmem>>[vector<16xi32>], vector<16xf32>,
      %get3A_197 = arith.constant 4 : i32
      %get3A_198 = arith.index_cast %get3A_197 : i32 to index
      %get3A_199 = arith.constant 96 : index
      %get3A_200 = tpu.vector_load %arg6[%get3A_198, %get3A_199] {strides = array<i32>} : memref<8x128xi32, #tpu.memory_space<vmem>>, vector<16xi32>,
      tpu.vector_store_idx %arg7[%get3A_200], %broadcast_in_dim3A_1 {add = true} : memref<100352xf32, #tpu.memory_space<vmem>>[vector<16xi32>], vector<16xf32>,
      %get3A_201 = arith.constant 4 : i32
      %get3A_202 = arith.index_cast %get3A_201 : i32 to index
      %get3A_203 = arith.constant 112 : index
      %get3A_204 = tpu.vector_load %arg6[%get3A_202, %get3A_203] {strides = array<i32>} : memref<8x128xi32, #tpu.memory_space<vmem>>, vector<16xi32>,
      tpu.vector_store_idx %arg7[%get3A_204], %broadcast_in_dim3A_1 {add = true} : memref<100352xf32, #tpu.memory_space<vmem>>[vector<16xi32>], vector<16xf32>,
      %get3A_205 = arith.constant 5 : i32
      %get3A_206 = arith.index_cast %get3A_205 : i32 to index
      %get3A_207 = arith.constant 0 : index
      %get3A_208 = tpu.vector_load %arg6[%get3A_206, %get3A_207] {strides = array<i32>} : memref<8x128xi32, #tpu.memory_space<vmem>>, vector<16xi32>,
      tpu.vector_store_idx %arg7[%get3A_208], %broadcast_in_dim3A_1 {add = true} : memref<100352xf32, #tpu.memory_space<vmem>>[vector<16xi32>], vector<16xf32>,
      %get3A_209 = arith.constant 5 : i32
      %get3A_210 = arith.index_cast %get3A_209 : i32 to index
      %get3A_211 = arith.constant 16 : index
      %get3A_212 = tpu.vector_load %arg6[%get3A_210, %get3A_211] {strides = array<i32>} : memref<8x128xi32, #tpu.memory_space<vmem>>, vector<16xi32>,
      tpu.vector_store_idx %arg7[%get3A_212], %broadcast_in_dim3A_1 {add = true} : memref<100352xf32, #tpu.memory_space<vmem>>[vector<16xi32>], vector<16xf32>,
      %get3A_213 = arith.constant 5 : i32
      %get3A_214 = arith.index_cast %get3A_213 : i32 to index
      %get3A_215 = arith.constant 32 : index
      %get3A_216 = tpu.vector_load %arg6[%get3A_214, %get3A_215] {strides = array<i32>} : memref<8x128xi32, #tpu.memory_space<vmem>>, vector<16xi32>,
      tpu.vector_store_idx %arg7[%get3A_216], %broadcast_in_dim3A_1 {add = true} : memref<100352xf32, #tpu.memory_space<vmem>>[vector<16xi32>], vector<16xf32>,
      %get3A_217 = arith.constant 5 : i32
      %get3A_218 = arith.index_cast %get3A_217 : i32 to index
      %get3A_219 = arith.constant 48 : index
      %get3A_220 = tpu.vector_load %arg6[%get3A_218, %get3A_219] {strides = array<i32>} : memref<8x128xi32, #tpu.memory_space<vmem>>, vector<16xi32>,
      tpu.vector_store_idx %arg7[%get3A_220], %broadcast_in_dim3A_1 {add = true} : memref<100352xf32, #tpu.memory_space<vmem>>[vector<16xi32>], vector<16xf32>,
      %get3A_221 = arith.constant 5 : i32
      %get3A_222 = arith.index_cast %get3A_221 : i32 to index
      %get3A_223 = arith.constant 64 : index
      %get3A_224 = tpu.vector_load %arg6[%get3A_222, %get3A_223] {strides = array<i32>} : memref<8x128xi32, #tpu.memory_space<vmem>>, vector<16xi32>,
      tpu.vector_store_idx %arg7[%get3A_224], %broadcast_in_dim3A_1 {add = true} : memref<100352xf32, #tpu.memory_space<vmem>>[vector<16xi32>], vector<16xf32>,
      %get3A_225 = arith.constant 5 : i32
      %get3A_226 = arith.index_cast %get3A_225 : i32 to index
      %get3A_227 = arith.constant 80 : index
      %get3A_228 = tpu.vector_load %arg6[%get3A_226, %get3A_227] {strides = array<i32>} : memref<8x128xi32, #tpu.memory_space<vmem>>, vector<16xi32>,
      tpu.vector_store_idx %arg7[%get3A_228], %broadcast_in_dim3A_1 {add = true} : memref<100352xf32, #tpu.memory_space<vmem>>[vector<16xi32>], vector<16xf32>,
      %get3A_229 = arith.constant 5 : i32
      %get3A_230 = arith.index_cast %get3A_229 : i32 to index
      %get3A_231 = arith.constant 96 : index
      %get3A_232 = tpu.vector_load %arg6[%get3A_230, %get3A_231] {strides = array<i32>} : memref<8x128xi32, #tpu.memory_space<vmem>>, vector<16xi32>,
      tpu.vector_store_idx %arg7[%get3A_232], %broadcast_in_dim3A_1 {add = true} : memref<100352xf32, #tpu.memory_space<vmem>>[vector<16xi32>], vector<16xf32>,
      %get3A_233 = arith.constant 5 : i32
      %get3A_234 = arith.index_cast %get3A_233 : i32 to index
      %get3A_235 = arith.constant 112 : index
      %get3A_236 = tpu.vector_load %arg6[%get3A_234, %get3A_235] {strides = array<i32>} : memref<8x128xi32, #tpu.memory_space<vmem>>, vector<16xi32>,
      tpu.vector_store_idx %arg7[%get3A_236], %broadcast_in_dim3A_1 {add = true} : memref<100352xf32, #tpu.memory_space<vmem>>[vector<16xi32>], vector<16xf32>,
      %get3A_237 = arith.constant 6 : i32
      %get3A_238 = arith.index_cast %get3A_237 : i32 to index
      %get3A_239 = arith.constant 0 : index
      %get3A_240 = tpu.vector_load %arg6[%get3A_238, %get3A_239] {strides = array<i32>} : memref<8x128xi32, #tpu.memory_space<vmem>>, vector<16xi32>,
      tpu.vector_store_idx %arg7[%get3A_240], %broadcast_in_dim3A_1 {add = true} : memref<100352xf32, #tpu.memory_space<vmem>>[vector<16xi32>], vector<16xf32>,
      %get3A_241 = arith.constant 6 : i32
      %get3A_242 = arith.index_cast %get3A_241 : i32 to index
      %get3A_243 = arith.constant 16 : index
      %get3A_244 = tpu.vector_load %arg6[%get3A_242, %get3A_243] {strides = array<i32>} : memref<8x128xi32, #tpu.memory_space<vmem>>, vector<16xi32>,
      tpu.vector_store_idx %arg7[%get3A_244], %broadcast_in_dim3A_1 {add = true} : memref<100352xf32, #tpu.memory_space<vmem>>[vector<16xi32>], vector<16xf32>,
      %get3A_245 = arith.constant 6 : i32
      %get3A_246 = arith.index_cast %get3A_245 : i32 to index
      %get3A_247 = arith.constant 32 : index
      %get3A_248 = tpu.vector_load %arg6[%get3A_246, %get3A_247] {strides = array<i32>} : memref<8x128xi32, #tpu.memory_space<vmem>>, vector<16xi32>,
      tpu.vector_store_idx %arg7[%get3A_248], %broadcast_in_dim3A_1 {add = true} : memref<100352xf32, #tpu.memory_space<vmem>>[vector<16xi32>], vector<16xf32>,
      %get3A_249 = arith.constant 6 : i32
      %get3A_250 = arith.index_cast %get3A_249 : i32 to index
      %get3A_251 = arith.constant 48 : index
      %get3A_252 = tpu.vector_load %arg6[%get3A_250, %get3A_251] {strides = array<i32>} : memref<8x128xi32, #tpu.memory_space<vmem>>, vector<16xi32>,
      tpu.vector_store_idx %arg7[%get3A_252], %broadcast_in_dim3A_1 {add = true} : memref<100352xf32, #tpu.memory_space<vmem>>[vector<16xi32>], vector<16xf32>,
      %get3A_253 = arith.constant 6 : i32
      %get3A_254 = arith.index_cast %get3A_253 : i32 to index
      %get3A_255 = arith.constant 64 : index
      %get3A_256 = tpu.vector_load %arg6[%get3A_254, %get3A_255] {strides = array<i32>} : memref<8x128xi32, #tpu.memory_space<vmem>>, vector<16xi32>,
      tpu.vector_store_idx %arg7[%get3A_256], %broadcast_in_dim3A_1 {add = true} : memref<100352xf32, #tpu.memory_space<vmem>>[vector<16xi32>], vector<16xf32>,
      %get3A_257 = arith.constant 6 : i32
      %get3A_258 = arith.index_cast %get3A_257 : i32 to index
      %get3A_259 = arith.constant 80 : index
      %get3A_260 = tpu.vector_load %arg6[%get3A_258, %get3A_259] {strides = array<i32>} : memref<8x128xi32, #tpu.memory_space<vmem>>, vector<16xi32>,
      tpu.vector_store_idx %arg7[%get3A_260], %broadcast_in_dim3A_1 {add = true} : memref<100352xf32, #tpu.memory_space<vmem>>[vector<16xi32>], vector<16xf32>,
      %get3A_261 = arith.constant 6 : i32
      %get3A_262 = arith.index_cast %get3A_261 : i32 to index
      %get3A_263 = arith.constant 96 : index
      %get3A_264 = tpu.vector_load %arg6[%get3A_262, %get3A_263] {strides = array<i32>} : memref<8x128xi32, #tpu.memory_space<vmem>>, vector<16xi32>,
      tpu.vector_store_idx %arg7[%get3A_264], %broadcast_in_dim3A_1 {add = true} : memref<100352xf32, #tpu.memory_space<vmem>>[vector<16xi32>], vector<16xf32>,
      %get3A_265 = arith.constant 6 : i32
      %get3A_266 = arith.index_cast %get3A_265 : i32 to index
      %get3A_267 = arith.constant 112 : index
      %get3A_268 = tpu.vector_load %arg6[%get3A_266, %get3A_267] {strides = array<i32>} : memref<8x128xi32, #tpu.memory_space<vmem>>, vector<16xi32>,
      tpu.vector_store_idx %arg7[%get3A_268], %broadcast_in_dim3A_1 {add = true} : memref<100352xf32, #tpu.memory_space<vmem>>[vector<16xi32>], vector<16xf32>,
      %get3A_269 = arith.constant 7 : i32
      %get3A_270 = arith.index_cast %get3A_269 : i32 to index
      %get3A_271 = arith.constant 0 : index
      %get3A_272 = tpu.vector_load %arg6[%get3A_270, %get3A_271] {strides = array<i32>} : memref<8x128xi32, #tpu.memory_space<vmem>>, vector<16xi32>,
      tpu.vector_store_idx %arg7[%get3A_272], %broadcast_in_dim3A_1 {add = true} : memref<100352xf32, #tpu.memory_space<vmem>>[vector<16xi32>], vector<16xf32>,
      %get3A_273 = arith.constant 7 : i32
      %get3A_274 = arith.index_cast %get3A_273 : i32 to index
      %get3A_275 = arith.constant 16 : index
      %get3A_276 = tpu.vector_load %arg6[%get3A_274, %get3A_275] {strides = array<i32>} : memref<8x128xi32, #tpu.memory_space<vmem>>, vector<16xi32>,
      tpu.vector_store_idx %arg7[%get3A_276], %broadcast_in_dim3A_1 {add = true} : memref<100352xf32, #tpu.memory_space<vmem>>[vector<16xi32>], vector<16xf32>,
      %get3A_277 = arith.constant 7 : i32
      %get3A_278 = arith.index_cast %get3A_277 : i32 to index
      %get3A_279 = arith.constant 32 : index
      %get3A_280 = tpu.vector_load %arg6[%get3A_278, %get3A_279] {strides = array<i32>} : memref<8x128xi32, #tpu.memory_space<vmem>>, vector<16xi32>,
      tpu.vector_store_idx %arg7[%get3A_280], %broadcast_in_dim3A_1 {add = true} : memref<100352xf32, #tpu.memory_space<vmem>>[vector<16xi32>], vector<16xf32>,
      %get3A_281 = arith.constant 7 : i32
      %get3A_282 = arith.index_cast %get3A_281 : i32 to index
      %get3A_283 = arith.constant 48 : index
      %get3A_284 = tpu.vector_load %arg6[%get3A_282, %get3A_283] {strides = array<i32>} : memref<8x128xi32, #tpu.memory_space<vmem>>, vector<16xi32>,
      tpu.vector_store_idx %arg7[%get3A_284], %broadcast_in_dim3A_1 {add = true} : memref<100352xf32, #tpu.memory_space<vmem>>[vector<16xi32>], vector<16xf32>,
      %get3A_285 = arith.constant 7 : i32
      %get3A_286 = arith.index_cast %get3A_285 : i32 to index
      %get3A_287 = arith.constant 64 : index
      %get3A_288 = tpu.vector_load %arg6[%get3A_286, %get3A_287] {strides = array<i32>} : memref<8x128xi32, #tpu.memory_space<vmem>>, vector<16xi32>,
      tpu.vector_store_idx %arg7[%get3A_288], %broadcast_in_dim3A_1 {add = true} : memref<100352xf32, #tpu.memory_space<vmem>>[vector<16xi32>], vector<16xf32>,
      %get3A_289 = arith.constant 7 : i32
      %get3A_290 = arith.index_cast %get3A_289 : i32 to index
      %get3A_291 = arith.constant 80 : index
      %get3A_292 = tpu.vector_load %arg6[%get3A_290, %get3A_291] {strides = array<i32>} : memref<8x128xi32, #tpu.memory_space<vmem>>, vector<16xi32>,
      tpu.vector_store_idx %arg7[%get3A_292], %broadcast_in_dim3A_1 {add = true} : memref<100352xf32, #tpu.memory_space<vmem>>[vector<16xi32>], vector<16xf32>,
      %get3A_293 = arith.constant 7 : i32
      %get3A_294 = arith.index_cast %get3A_293 : i32 to index
      %get3A_295 = arith.constant 96 : index
      %get3A_296 = tpu.vector_load %arg6[%get3A_294, %get3A_295] {strides = array<i32>} : memref<8x128xi32, #tpu.memory_space<vmem>>, vector<16xi32>,
      tpu.vector_store_idx %arg7[%get3A_296], %broadcast_in_dim3A_1 {add = true} : memref<100352xf32, #tpu.memory_space<vmem>>[vector<16xi32>], vector<16xf32>,
      %get3A_297 = arith.constant 7 : i32
      %get3A_298 = arith.index_cast %get3A_297 : i32 to index
      %get3A_299 = arith.constant 112 : index
      %get3A_300 = tpu.vector_load %arg6[%get3A_298, %get3A_299] {strides = array<i32>} : memref<8x128xi32, #tpu.memory_space<vmem>>, vector<16xi32>,
      tpu.vector_store_idx %arg7[%get3A_300], %broadcast_in_dim3A_1 {add = true} : memref<100352xf32, #tpu.memory_space<vmem>>[vector<16xi32>], vector<16xf32>,
    } else {
    }
    %mul3A_40 = arith.constant 100352 : i32
    %mul3A_41 = arith.muli %add3A, %mul3A_40 : i32
    "tpu.region"() ({
      %run_scoped3A = tpu.sem_alloc : memref<!tpu.dma_semaphore, #tpu.memory_space<semaphore_mem>>
      %dma_start3A = tpu.memref_slice %arg5[%mul3A_41] : memref<3211264xf32, #tpu.memory_space<hbm>> -> memref<100352xf32, #tpu.memory_space<hbm>>
      %dma_start3A_42 = tpu.memref_slice %arg5[%mul3A_41] : memref<3211264xf32, #tpu.memory_space<hbm>> -> memref<100352xf32, #tpu.memory_space<hbm>>
      tpu.enqueue_dma source(%arg7 : memref<100352xf32, #tpu.memory_space<vmem>>) target(%dma_start3A_42 : memref<100352xf32, #tpu.memory_space<hbm>>) target_semaphore(%run_scoped3A : memref<!tpu.dma_semaphore, #tpu.memory_space<semaphore_mem>>)
      %dma_wait3A = tpu.memref_slice %arg5[%mul3A_41] : memref<3211264xf32, #tpu.memory_space<hbm>> -> memref<100352xf32, #tpu.memory_space<hbm>>
      %dma_wait3A_43 = tpu.memref_slice %arg5[%mul3A_41] : memref<3211264xf32, #tpu.memory_space<hbm>> -> memref<100352xf32, #tpu.memory_space<hbm>>
      tpu.wait_dma2 semaphore(%run_scoped3A : memref<!tpu.dma_semaphore, #tpu.memory_space<semaphore_mem>>) src(%arg7 : memref<100352xf32, #tpu.memory_space<vmem>>) dst(%dma_wait3A_43 : memref<100352xf32, #tpu.memory_space<hbm>>)
      tpu.yield
    }) : () -> ()
    return
  }
}

#map = affine_map<(d0, d1) -> (0, 0)>
module attributes {stable_mosaic.version = 14 : i64} {
  func.func @sc_gather_scatter_f1(%arg0: i32, %arg1: i32, %arg2: memref<50000x128xi32, #tpu.memory_space<hbm>>, %arg3: memref<50000x128xi32, #tpu.memory_space<hbm>>, %arg4: memref<100352x16xf32, #tpu.memory_space<hbm>>, %arg5: memref<6272x16xf32, #tpu.memory_space<hbm>>, %arg6: memref<200704x16xf32, #tpu.memory_space<hbm>>, %arg7: memref<8x128xi32, #tpu.memory_space<vmem>>, %arg8: memref<8x128xi32, #tpu.memory_space<vmem>>, %arg9: memref<1024x16xf32, #tpu.memory_space<vmem>>, %arg10: memref<100352x16xf32, #tpu.memory_space<vmem_shared>>, %arg11: memref<!tpu.dma_semaphore, #tpu.memory_space<semaphore_mem>>, %arg12: memref<!tpu.dma_semaphore, #tpu.memory_space<semaphore_mem>>) attributes {dimension_semantics = [#tpu.dimension_semantics<core_parallel>, #tpu.dimension_semantics<subcore_parallel>], iteration_bounds = array<i64: 2, 16>, scalar_prefetch = 0 : i64, scratch_operands = 6 : i64, tpu.core_type = #tpu.core_type<sc_vector_subcore>, window_params = [{transform_indices = #map}, {transform_indices = #map}, {transform_indices = #map}, {transform_indices = #map}, {transform_indices = #map}]} {
    %mul3A = arith.constant 2 : i32
    %mul3A_0 = arith.muli %arg1, %mul3A : i32
    %add3A = arith.addi %mul3A_0, %arg0 : i32
    %scan3A = arith.constant 0 : i32
    %scan3A_1 = arith.constant 0 : i32
    %mul3A_2 = arith.constant 6272 : i32
    %mul3A_3 = arith.muli %arg1, %mul3A_2 : i32
    "tpu.region"() ({
      %run_scoped3A = tpu.sem_alloc : memref<!tpu.dma_semaphore, #tpu.memory_space<semaphore_mem>>
      %dma_start3A = arith.constant 0 : i32
      %dma_start3A_27 = tpu.memref_slice %arg10[%mul3A_3, %dma_start3A] : memref<100352x16xf32, #tpu.memory_space<vmem_shared>> -> memref<6272x16xf32, #tpu.memory_space<vmem_shared>>
      tpu.enqueue_dma source(%arg5 : memref<6272x16xf32, #tpu.memory_space<hbm>>) target(%dma_start3A_27 : memref<6272x16xf32, #tpu.memory_space<vmem_shared>>) target_semaphore(%run_scoped3A : memref<!tpu.dma_semaphore, #tpu.memory_space<semaphore_mem>>)
      %dma_wait3A = arith.constant 0 : i32
      %dma_wait3A_28 = tpu.memref_slice %arg10[%mul3A_3, %dma_wait3A] : memref<100352x16xf32, #tpu.memory_space<vmem_shared>> -> memref<6272x16xf32, #tpu.memory_space<vmem_shared>>
      tpu.wait_dma2 semaphore(%run_scoped3A : memref<!tpu.dma_semaphore, #tpu.memory_space<semaphore_mem>>) src(%arg5 : memref<6272x16xf32, #tpu.memory_space<hbm>>) dst(%dma_wait3A_28 : memref<6272x16xf32, #tpu.memory_space<vmem_shared>>)
      tpu.yield
    }) : () -> ()
    %barrier3A = arith.constant 0 : index
    tpu.barrier barrier_id(%barrier3A)
    %scan3A_4 = arith.constant 0 : i32
    %scan3A_5 = arith.constant 0 : i32
    %scan3A_6 = arith.constant 195 : i32
    %scan3A_7 = arith.addi %scan3A_5, %scan3A_6 : i32
    %scan3A_8 = arith.constant 1 : i32
    %scan3A_9 = scf.for %scan3A_27 = %scan3A_5 to %scan3A_7 step %scan3A_8 iter_args(%scan3A_28 = %scan3A_4) -> (i32)  : i32 {
      %mul3A_29 = arith.constant 195 : i32
      %mul3A_30 = arith.muli %add3A, %mul3A_29 : i32
      %mul3A_31 = arith.constant 1 : i32
      %mul3A_32 = arith.muli %scan3A_27, %mul3A_31 : i32
      %add3A_33 = arith.addi %mul3A_30, %mul3A_32 : i32
      %mul3A_34 = arith.constant 8 : i32
      %mul3A_35 = arith.muli %add3A_33, %mul3A_34 : i32
      "tpu.region"() ({
        %run_scoped3A = tpu.sem_alloc : memref<!tpu.dma_semaphore, #tpu.memory_space<semaphore_mem>>
        %dma_start3A_355 = arith.constant 0 : i32
        %dma_start3A_356 = tpu.memref_slice %arg2[%mul3A_35, %dma_start3A_355] : memref<50000x128xi32, #tpu.memory_space<hbm>> -> memref<8x128xi32, #tpu.memory_space<hbm>>
        %dma_start3A_357 = arith.constant 0 : i32
        %dma_start3A_358 = tpu.memref_slice %arg2[%mul3A_35, %dma_start3A_357] : memref<50000x128xi32, #tpu.memory_space<hbm>> -> memref<8x128xi32, #tpu.memory_space<hbm>>
        tpu.enqueue_dma source(%dma_start3A_358 : memref<8x128xi32, #tpu.memory_space<hbm>>) target(%arg7 : memref<8x128xi32, #tpu.memory_space<vmem>>) target_semaphore(%run_scoped3A : memref<!tpu.dma_semaphore, #tpu.memory_space<semaphore_mem>>)
        %dma_wait3A_359 = arith.constant 0 : i32
        %dma_wait3A_360 = tpu.memref_slice %arg2[%mul3A_35, %dma_wait3A_359] : memref<50000x128xi32, #tpu.memory_space<hbm>> -> memref<8x128xi32, #tpu.memory_space<hbm>>
        %dma_wait3A_361 = arith.constant 0 : i32
        %dma_wait3A_362 = tpu.memref_slice %arg2[%mul3A_35, %dma_wait3A_361] : memref<50000x128xi32, #tpu.memory_space<hbm>> -> memref<8x128xi32, #tpu.memory_space<hbm>>
        tpu.wait_dma2 semaphore(%run_scoped3A : memref<!tpu.dma_semaphore, #tpu.memory_space<semaphore_mem>>) src(%dma_wait3A_362 : memref<8x128xi32, #tpu.memory_space<hbm>>) dst(%arg7 : memref<8x128xi32, #tpu.memory_space<vmem>>)
        tpu.yield
      }) : () -> ()
      "tpu.region"() ({
        %run_scoped3A = tpu.sem_alloc : memref<!tpu.dma_semaphore, #tpu.memory_space<semaphore_mem>>
        %dma_start3A_355 = arith.constant 0 : i32
        %dma_start3A_356 = tpu.memref_slice %arg3[%mul3A_35, %dma_start3A_355] : memref<50000x128xi32, #tpu.memory_space<hbm>> -> memref<8x128xi32, #tpu.memory_space<hbm>>
        %dma_start3A_357 = arith.constant 0 : i32
        %dma_start3A_358 = tpu.memref_slice %arg3[%mul3A_35, %dma_start3A_357] : memref<50000x128xi32, #tpu.memory_space<hbm>> -> memref<8x128xi32, #tpu.memory_space<hbm>>
        tpu.enqueue_dma source(%dma_start3A_358 : memref<8x128xi32, #tpu.memory_space<hbm>>) target(%arg8 : memref<8x128xi32, #tpu.memory_space<vmem>>) target_semaphore(%run_scoped3A : memref<!tpu.dma_semaphore, #tpu.memory_space<semaphore_mem>>)
        %dma_wait3A_359 = arith.constant 0 : i32
        %dma_wait3A_360 = tpu.memref_slice %arg3[%mul3A_35, %dma_wait3A_359] : memref<50000x128xi32, #tpu.memory_space<hbm>> -> memref<8x128xi32, #tpu.memory_space<hbm>>
        %dma_wait3A_361 = arith.constant 0 : i32
        %dma_wait3A_362 = tpu.memref_slice %arg3[%mul3A_35, %dma_wait3A_361] : memref<50000x128xi32, #tpu.memory_space<hbm>> -> memref<8x128xi32, #tpu.memory_space<hbm>>
        tpu.wait_dma2 semaphore(%run_scoped3A : memref<!tpu.dma_semaphore, #tpu.memory_space<semaphore_mem>>) src(%dma_wait3A_362 : memref<8x128xi32, #tpu.memory_space<hbm>>) dst(%arg8 : memref<8x128xi32, #tpu.memory_space<vmem>>)
        tpu.yield
      }) : () -> ()
      %dma_start3A = arith.constant 0 : i32
      %dma_start3A_36 = arith.constant 0 : i32
      %dma_start3A_37 = arith.constant 0 : i32
      %dma_start3A_38 = tpu.memref_slice %arg9[%dma_start3A_36, %dma_start3A_37] : memref<1024x16xf32, #tpu.memory_space<vmem>> -> memref<128x16xf32, #tpu.memory_space<vmem>>
      %dma_start3A_39 = arith.constant 0 : i32
      %dma_start3A_40 = tpu.memref_slice %arg7[%dma_start3A, %dma_start3A_39] : memref<8x128xi32, #tpu.memory_space<vmem>> -> memref<1x128xi32, #tpu.memory_space<vmem>>
      %dma_start3A_41 = tpu.memref_squeeze %dma_start3A_40 : memref<1x128xi32, #tpu.memory_space<vmem>> -> memref<128xi32, #tpu.memory_space<vmem>>
      %dma_start3A_42 = arith.constant 0 : i32
      %dma_start3A_43 = arith.constant 0 : i32
      %dma_start3A_44 = tpu.memref_slice %arg4[%dma_start3A_42, %dma_start3A_43] : memref<100352x16xf32, #tpu.memory_space<hbm>> -> memref<100352x16xf32, #tpu.memory_space<hbm>>
      tpu.enqueue_indirect_dma source(%dma_start3A_44 : memref<100352x16xf32, #tpu.memory_space<hbm>>) target(%dma_start3A_38 : memref<128x16xf32, #tpu.memory_space<vmem>>) offsets(%dma_start3A_41 : memref<128xi32, #tpu.memory_space<vmem>>) semaphore(%arg11 : memref<!tpu.dma_semaphore, #tpu.memory_space<semaphore_mem>>)
      %dma_wait3A = arith.constant 0 : i32
      %dma_wait3A_45 = arith.constant 0 : i32
      %dma_wait3A_46 = arith.constant 0 : i32
      %dma_wait3A_47 = tpu.memref_slice %arg9[%dma_wait3A_45, %dma_wait3A_46] : memref<1024x16xf32, #tpu.memory_space<vmem>> -> memref<128x16xf32, #tpu.memory_space<vmem>>
      %dma_wait3A_48 = arith.constant 0 : i32
      %dma_wait3A_49 = tpu.memref_slice %arg7[%dma_wait3A, %dma_wait3A_48] : memref<8x128xi32, #tpu.memory_space<vmem>> -> memref<1x128xi32, #tpu.memory_space<vmem>>
      %dma_wait3A_50 = tpu.memref_squeeze %dma_wait3A_49 : memref<1x128xi32, #tpu.memory_space<vmem>> -> memref<128xi32, #tpu.memory_space<vmem>>
      %dma_wait3A_51 = arith.constant 0 : i32
      %dma_wait3A_52 = arith.constant 0 : i32
      %dma_wait3A_53 = tpu.memref_slice %arg4[%dma_wait3A_51, %dma_wait3A_52] : memref<100352x16xf32, #tpu.memory_space<hbm>> -> memref<100352x16xf32, #tpu.memory_space<hbm>>
      tpu.wait_indirect_dma semaphore(%arg11 : memref<!tpu.dma_semaphore, #tpu.memory_space<semaphore_mem>>) src(%dma_wait3A_53 : memref<100352x16xf32, #tpu.memory_space<hbm>>) dst(%dma_wait3A_47 : memref<128x16xf32, #tpu.memory_space<vmem>>)
      %dma_start3A_54 = arith.constant 0 : i32
      %dma_start3A_55 = arith.constant 0 : i32
      %dma_start3A_56 = arith.constant 0 : i32
      %dma_start3A_57 = tpu.memref_slice %arg9[%dma_start3A_55, %dma_start3A_56] : memref<1024x16xf32, #tpu.memory_space<vmem>> -> memref<128x16xf32, #tpu.memory_space<vmem>>
      %dma_start3A_58 = arith.constant 0 : i32
      %dma_start3A_59 = tpu.memref_slice %arg8[%dma_start3A_54, %dma_start3A_58] : memref<8x128xi32, #tpu.memory_space<vmem>> -> memref<1x128xi32, #tpu.memory_space<vmem>>
      %dma_start3A_60 = tpu.memref_squeeze %dma_start3A_59 : memref<1x128xi32, #tpu.memory_space<vmem>> -> memref<128xi32, #tpu.memory_space<vmem>>
      %dma_start3A_61 = arith.constant 0 : i32
      %dma_start3A_62 = arith.constant 0 : i32
      %dma_start3A_63 = tpu.memref_slice %arg10[%dma_start3A_61, %dma_start3A_62] : memref<100352x16xf32, #tpu.memory_space<vmem_shared>> -> memref<100352x16xf32, #tpu.memory_space<vmem_shared>>
      tpu.enqueue_indirect_dma source(%dma_start3A_57 : memref<128x16xf32, #tpu.memory_space<vmem>>) target(%dma_start3A_63 : memref<100352x16xf32, #tpu.memory_space<vmem_shared>>) offsets(%dma_start3A_60 : memref<128xi32, #tpu.memory_space<vmem>>) semaphore(%arg12 : memref<!tpu.dma_semaphore, #tpu.memory_space<semaphore_mem>>) {add = true}
      %dma_wait3A_64 = arith.constant 0 : i32
      %dma_wait3A_65 = arith.constant 0 : i32
      %dma_wait3A_66 = arith.constant 0 : i32
      %dma_wait3A_67 = tpu.memref_slice %arg9[%dma_wait3A_65, %dma_wait3A_66] : memref<1024x16xf32, #tpu.memory_space<vmem>> -> memref<128x16xf32, #tpu.memory_space<vmem>>
      %dma_wait3A_68 = arith.constant 0 : i32
      %dma_wait3A_69 = tpu.memref_slice %arg8[%dma_wait3A_64, %dma_wait3A_68] : memref<8x128xi32, #tpu.memory_space<vmem>> -> memref<1x128xi32, #tpu.memory_space<vmem>>
      %dma_wait3A_70 = tpu.memref_squeeze %dma_wait3A_69 : memref<1x128xi32, #tpu.memory_space<vmem>> -> memref<128xi32, #tpu.memory_space<vmem>>
      %dma_wait3A_71 = arith.constant 0 : i32
      %dma_wait3A_72 = arith.constant 0 : i32
      %dma_wait3A_73 = tpu.memref_slice %arg10[%dma_wait3A_71, %dma_wait3A_72] : memref<100352x16xf32, #tpu.memory_space<vmem_shared>> -> memref<100352x16xf32, #tpu.memory_space<vmem_shared>>
      tpu.wait_indirect_dma semaphore(%arg12 : memref<!tpu.dma_semaphore, #tpu.memory_space<semaphore_mem>>) src(%dma_wait3A_67 : memref<128x16xf32, #tpu.memory_space<vmem>>) dst(%dma_wait3A_73 : memref<100352x16xf32, #tpu.memory_space<vmem_shared>>)
      %dma_start3A_74 = arith.constant 1 : i32
      %dma_start3A_75 = arith.constant 128 : i32
      %dma_start3A_76 = arith.constant 0 : i32
      %dma_start3A_77 = tpu.memref_slice %arg9[%dma_start3A_75, %dma_start3A_76] : memref<1024x16xf32, #tpu.memory_space<vmem>> -> memref<128x16xf32, #tpu.memory_space<vmem>>
      %dma_start3A_78 = arith.constant 0 : i32
      %dma_start3A_79 = tpu.memref_slice %arg7[%dma_start3A_74, %dma_start3A_78] : memref<8x128xi32, #tpu.memory_space<vmem>> -> memref<1x128xi32, #tpu.memory_space<vmem>>
      %dma_start3A_80 = tpu.memref_squeeze %dma_start3A_79 : memref<1x128xi32, #tpu.memory_space<vmem>> -> memref<128xi32, #tpu.memory_space<vmem>>
      %dma_start3A_81 = arith.constant 0 : i32
      %dma_start3A_82 = arith.constant 0 : i32
      %dma_start3A_83 = tpu.memref_slice %arg4[%dma_start3A_81, %dma_start3A_82] : memref<100352x16xf32, #tpu.memory_space<hbm>> -> memref<100352x16xf32, #tpu.memory_space<hbm>>
      tpu.enqueue_indirect_dma source(%dma_start3A_83 : memref<100352x16xf32, #tpu.memory_space<hbm>>) target(%dma_start3A_77 : memref<128x16xf32, #tpu.memory_space<vmem>>) offsets(%dma_start3A_80 : memref<128xi32, #tpu.memory_space<vmem>>) semaphore(%arg11 : memref<!tpu.dma_semaphore, #tpu.memory_space<semaphore_mem>>)
      %dma_wait3A_84 = arith.constant 1 : i32
      %dma_wait3A_85 = arith.constant 128 : i32
      %dma_wait3A_86 = arith.constant 0 : i32
      %dma_wait3A_87 = tpu.memref_slice %arg9[%dma_wait3A_85, %dma_wait3A_86] : memref<1024x16xf32, #tpu.memory_space<vmem>> -> memref<128x16xf32, #tpu.memory_space<vmem>>
      %dma_wait3A_88 = arith.constant 0 : i32
      %dma_wait3A_89 = tpu.memref_slice %arg7[%dma_wait3A_84, %dma_wait3A_88] : memref<8x128xi32, #tpu.memory_space<vmem>> -> memref<1x128xi32, #tpu.memory_space<vmem>>
      %dma_wait3A_90 = tpu.memref_squeeze %dma_wait3A_89 : memref<1x128xi32, #tpu.memory_space<vmem>> -> memref<128xi32, #tpu.memory_space<vmem>>
      %dma_wait3A_91 = arith.constant 0 : i32
      %dma_wait3A_92 = arith.constant 0 : i32
      %dma_wait3A_93 = tpu.memref_slice %arg4[%dma_wait3A_91, %dma_wait3A_92] : memref<100352x16xf32, #tpu.memory_space<hbm>> -> memref<100352x16xf32, #tpu.memory_space<hbm>>
      tpu.wait_indirect_dma semaphore(%arg11 : memref<!tpu.dma_semaphore, #tpu.memory_space<semaphore_mem>>) src(%dma_wait3A_93 : memref<100352x16xf32, #tpu.memory_space<hbm>>) dst(%dma_wait3A_87 : memref<128x16xf32, #tpu.memory_space<vmem>>)
      %dma_start3A_94 = arith.constant 1 : i32
      %dma_start3A_95 = arith.constant 128 : i32
      %dma_start3A_96 = arith.constant 0 : i32
      %dma_start3A_97 = tpu.memref_slice %arg9[%dma_start3A_95, %dma_start3A_96] : memref<1024x16xf32, #tpu.memory_space<vmem>> -> memref<128x16xf32, #tpu.memory_space<vmem>>
      %dma_start3A_98 = arith.constant 0 : i32
      %dma_start3A_99 = tpu.memref_slice %arg8[%dma_start3A_94, %dma_start3A_98] : memref<8x128xi32, #tpu.memory_space<vmem>> -> memref<1x128xi32, #tpu.memory_space<vmem>>
      %dma_start3A_100 = tpu.memref_squeeze %dma_start3A_99 : memref<1x128xi32, #tpu.memory_space<vmem>> -> memref<128xi32, #tpu.memory_space<vmem>>
      %dma_start3A_101 = arith.constant 0 : i32
      %dma_start3A_102 = arith.constant 0 : i32
      %dma_start3A_103 = tpu.memref_slice %arg10[%dma_start3A_101, %dma_start3A_102] : memref<100352x16xf32, #tpu.memory_space<vmem_shared>> -> memref<100352x16xf32, #tpu.memory_space<vmem_shared>>
      tpu.enqueue_indirect_dma source(%dma_start3A_97 : memref<128x16xf32, #tpu.memory_space<vmem>>) target(%dma_start3A_103 : memref<100352x16xf32, #tpu.memory_space<vmem_shared>>) offsets(%dma_start3A_100 : memref<128xi32, #tpu.memory_space<vmem>>) semaphore(%arg12 : memref<!tpu.dma_semaphore, #tpu.memory_space<semaphore_mem>>) {add = true}
      %dma_wait3A_104 = arith.constant 1 : i32
      %dma_wait3A_105 = arith.constant 128 : i32
      %dma_wait3A_106 = arith.constant 0 : i32
      %dma_wait3A_107 = tpu.memref_slice %arg9[%dma_wait3A_105, %dma_wait3A_106] : memref<1024x16xf32, #tpu.memory_space<vmem>> -> memref<128x16xf32, #tpu.memory_space<vmem>>
      %dma_wait3A_108 = arith.constant 0 : i32
      %dma_wait3A_109 = tpu.memref_slice %arg8[%dma_wait3A_104, %dma_wait3A_108] : memref<8x128xi32, #tpu.memory_space<vmem>> -> memref<1x128xi32, #tpu.memory_space<vmem>>
      %dma_wait3A_110 = tpu.memref_squeeze %dma_wait3A_109 : memref<1x128xi32, #tpu.memory_space<vmem>> -> memref<128xi32, #tpu.memory_space<vmem>>
      %dma_wait3A_111 = arith.constant 0 : i32
      %dma_wait3A_112 = arith.constant 0 : i32
      %dma_wait3A_113 = tpu.memref_slice %arg10[%dma_wait3A_111, %dma_wait3A_112] : memref<100352x16xf32, #tpu.memory_space<vmem_shared>> -> memref<100352x16xf32, #tpu.memory_space<vmem_shared>>
      tpu.wait_indirect_dma semaphore(%arg12 : memref<!tpu.dma_semaphore, #tpu.memory_space<semaphore_mem>>) src(%dma_wait3A_107 : memref<128x16xf32, #tpu.memory_space<vmem>>) dst(%dma_wait3A_113 : memref<100352x16xf32, #tpu.memory_space<vmem_shared>>)
      %dma_start3A_114 = arith.constant 2 : i32
      %dma_start3A_115 = arith.constant 256 : i32
      %dma_start3A_116 = arith.constant 0 : i32
      %dma_start3A_117 = tpu.memref_slice %arg9[%dma_start3A_115, %dma_start3A_116] : memref<1024x16xf32, #tpu.memory_space<vmem>> -> memref<128x16xf32, #tpu.memory_space<vmem>>
      %dma_start3A_118 = arith.constant 0 : i32
      %dma_start3A_119 = tpu.memref_slice %arg7[%dma_start3A_114, %dma_start3A_118] : memref<8x128xi32, #tpu.memory_space<vmem>> -> memref<1x128xi32, #tpu.memory_space<vmem>>
      %dma_start3A_120 = tpu.memref_squeeze %dma_start3A_119 : memref<1x128xi32, #tpu.memory_space<vmem>> -> memref<128xi32, #tpu.memory_space<vmem>>
      %dma_start3A_121 = arith.constant 0 : i32
      %dma_start3A_122 = arith.constant 0 : i32
      %dma_start3A_123 = tpu.memref_slice %arg4[%dma_start3A_121, %dma_start3A_122] : memref<100352x16xf32, #tpu.memory_space<hbm>> -> memref<100352x16xf32, #tpu.memory_space<hbm>>
      tpu.enqueue_indirect_dma source(%dma_start3A_123 : memref<100352x16xf32, #tpu.memory_space<hbm>>) target(%dma_start3A_117 : memref<128x16xf32, #tpu.memory_space<vmem>>) offsets(%dma_start3A_120 : memref<128xi32, #tpu.memory_space<vmem>>) semaphore(%arg11 : memref<!tpu.dma_semaphore, #tpu.memory_space<semaphore_mem>>)
      %dma_wait3A_124 = arith.constant 2 : i32
      %dma_wait3A_125 = arith.constant 256 : i32
      %dma_wait3A_126 = arith.constant 0 : i32
      %dma_wait3A_127 = tpu.memref_slice %arg9[%dma_wait3A_125, %dma_wait3A_126] : memref<1024x16xf32, #tpu.memory_space<vmem>> -> memref<128x16xf32, #tpu.memory_space<vmem>>
      %dma_wait3A_128 = arith.constant 0 : i32
      %dma_wait3A_129 = tpu.memref_slice %arg7[%dma_wait3A_124, %dma_wait3A_128] : memref<8x128xi32, #tpu.memory_space<vmem>> -> memref<1x128xi32, #tpu.memory_space<vmem>>
      %dma_wait3A_130 = tpu.memref_squeeze %dma_wait3A_129 : memref<1x128xi32, #tpu.memory_space<vmem>> -> memref<128xi32, #tpu.memory_space<vmem>>
      %dma_wait3A_131 = arith.constant 0 : i32
      %dma_wait3A_132 = arith.constant 0 : i32
      %dma_wait3A_133 = tpu.memref_slice %arg4[%dma_wait3A_131, %dma_wait3A_132] : memref<100352x16xf32, #tpu.memory_space<hbm>> -> memref<100352x16xf32, #tpu.memory_space<hbm>>
      tpu.wait_indirect_dma semaphore(%arg11 : memref<!tpu.dma_semaphore, #tpu.memory_space<semaphore_mem>>) src(%dma_wait3A_133 : memref<100352x16xf32, #tpu.memory_space<hbm>>) dst(%dma_wait3A_127 : memref<128x16xf32, #tpu.memory_space<vmem>>)
      %dma_start3A_134 = arith.constant 2 : i32
      %dma_start3A_135 = arith.constant 256 : i32
      %dma_start3A_136 = arith.constant 0 : i32
      %dma_start3A_137 = tpu.memref_slice %arg9[%dma_start3A_135, %dma_start3A_136] : memref<1024x16xf32, #tpu.memory_space<vmem>> -> memref<128x16xf32, #tpu.memory_space<vmem>>
      %dma_start3A_138 = arith.constant 0 : i32
      %dma_start3A_139 = tpu.memref_slice %arg8[%dma_start3A_134, %dma_start3A_138] : memref<8x128xi32, #tpu.memory_space<vmem>> -> memref<1x128xi32, #tpu.memory_space<vmem>>
      %dma_start3A_140 = tpu.memref_squeeze %dma_start3A_139 : memref<1x128xi32, #tpu.memory_space<vmem>> -> memref<128xi32, #tpu.memory_space<vmem>>
      %dma_start3A_141 = arith.constant 0 : i32
      %dma_start3A_142 = arith.constant 0 : i32
      %dma_start3A_143 = tpu.memref_slice %arg10[%dma_start3A_141, %dma_start3A_142] : memref<100352x16xf32, #tpu.memory_space<vmem_shared>> -> memref<100352x16xf32, #tpu.memory_space<vmem_shared>>
      tpu.enqueue_indirect_dma source(%dma_start3A_137 : memref<128x16xf32, #tpu.memory_space<vmem>>) target(%dma_start3A_143 : memref<100352x16xf32, #tpu.memory_space<vmem_shared>>) offsets(%dma_start3A_140 : memref<128xi32, #tpu.memory_space<vmem>>) semaphore(%arg12 : memref<!tpu.dma_semaphore, #tpu.memory_space<semaphore_mem>>) {add = true}
      %dma_wait3A_144 = arith.constant 2 : i32
      %dma_wait3A_145 = arith.constant 256 : i32
      %dma_wait3A_146 = arith.constant 0 : i32
      %dma_wait3A_147 = tpu.memref_slice %arg9[%dma_wait3A_145, %dma_wait3A_146] : memref<1024x16xf32, #tpu.memory_space<vmem>> -> memref<128x16xf32, #tpu.memory_space<vmem>>
      %dma_wait3A_148 = arith.constant 0 : i32
      %dma_wait3A_149 = tpu.memref_slice %arg8[%dma_wait3A_144, %dma_wait3A_148] : memref<8x128xi32, #tpu.memory_space<vmem>> -> memref<1x128xi32, #tpu.memory_space<vmem>>
      %dma_wait3A_150 = tpu.memref_squeeze %dma_wait3A_149 : memref<1x128xi32, #tpu.memory_space<vmem>> -> memref<128xi32, #tpu.memory_space<vmem>>
      %dma_wait3A_151 = arith.constant 0 : i32
      %dma_wait3A_152 = arith.constant 0 : i32
      %dma_wait3A_153 = tpu.memref_slice %arg10[%dma_wait3A_151, %dma_wait3A_152] : memref<100352x16xf32, #tpu.memory_space<vmem_shared>> -> memref<100352x16xf32, #tpu.memory_space<vmem_shared>>
      tpu.wait_indirect_dma semaphore(%arg12 : memref<!tpu.dma_semaphore, #tpu.memory_space<semaphore_mem>>) src(%dma_wait3A_147 : memref<128x16xf32, #tpu.memory_space<vmem>>) dst(%dma_wait3A_153 : memref<100352x16xf32, #tpu.memory_space<vmem_shared>>)
      %dma_start3A_154 = arith.constant 3 : i32
      %dma_start3A_155 = arith.constant 384 : i32
      %dma_start3A_156 = arith.constant 0 : i32
      %dma_start3A_157 = tpu.memref_slice %arg9[%dma_start3A_155, %dma_start3A_156] : memref<1024x16xf32, #tpu.memory_space<vmem>> -> memref<128x16xf32, #tpu.memory_space<vmem>>
      %dma_start3A_158 = arith.constant 0 : i32
      %dma_start3A_159 = tpu.memref_slice %arg7[%dma_start3A_154, %dma_start3A_158] : memref<8x128xi32, #tpu.memory_space<vmem>> -> memref<1x128xi32, #tpu.memory_space<vmem>>
      %dma_start3A_160 = tpu.memref_squeeze %dma_start3A_159 : memref<1x128xi32, #tpu.memory_space<vmem>> -> memref<128xi32, #tpu.memory_space<vmem>>
      %dma_start3A_161 = arith.constant 0 : i32
      %dma_start3A_162 = arith.constant 0 : i32
      %dma_start3A_163 = tpu.memref_slice %arg4[%dma_start3A_161, %dma_start3A_162] : memref<100352x16xf32, #tpu.memory_space<hbm>> -> memref<100352x16xf32, #tpu.memory_space<hbm>>
      tpu.enqueue_indirect_dma source(%dma_start3A_163 : memref<100352x16xf32, #tpu.memory_space<hbm>>) target(%dma_start3A_157 : memref<128x16xf32, #tpu.memory_space<vmem>>) offsets(%dma_start3A_160 : memref<128xi32, #tpu.memory_space<vmem>>) semaphore(%arg11 : memref<!tpu.dma_semaphore, #tpu.memory_space<semaphore_mem>>)
      %dma_wait3A_164 = arith.constant 3 : i32
      %dma_wait3A_165 = arith.constant 384 : i32
      %dma_wait3A_166 = arith.constant 0 : i32
      %dma_wait3A_167 = tpu.memref_slice %arg9[%dma_wait3A_165, %dma_wait3A_166] : memref<1024x16xf32, #tpu.memory_space<vmem>> -> memref<128x16xf32, #tpu.memory_space<vmem>>
      %dma_wait3A_168 = arith.constant 0 : i32
      %dma_wait3A_169 = tpu.memref_slice %arg7[%dma_wait3A_164, %dma_wait3A_168] : memref<8x128xi32, #tpu.memory_space<vmem>> -> memref<1x128xi32, #tpu.memory_space<vmem>>
      %dma_wait3A_170 = tpu.memref_squeeze %dma_wait3A_169 : memref<1x128xi32, #tpu.memory_space<vmem>> -> memref<128xi32, #tpu.memory_space<vmem>>
      %dma_wait3A_171 = arith.constant 0 : i32
      %dma_wait3A_172 = arith.constant 0 : i32
      %dma_wait3A_173 = tpu.memref_slice %arg4[%dma_wait3A_171, %dma_wait3A_172] : memref<100352x16xf32, #tpu.memory_space<hbm>> -> memref<100352x16xf32, #tpu.memory_space<hbm>>
      tpu.wait_indirect_dma semaphore(%arg11 : memref<!tpu.dma_semaphore, #tpu.memory_space<semaphore_mem>>) src(%dma_wait3A_173 : memref<100352x16xf32, #tpu.memory_space<hbm>>) dst(%dma_wait3A_167 : memref<128x16xf32, #tpu.memory_space<vmem>>)
      %dma_start3A_174 = arith.constant 3 : i32
      %dma_start3A_175 = arith.constant 384 : i32
      %dma_start3A_176 = arith.constant 0 : i32
      %dma_start3A_177 = tpu.memref_slice %arg9[%dma_start3A_175, %dma_start3A_176] : memref<1024x16xf32, #tpu.memory_space<vmem>> -> memref<128x16xf32, #tpu.memory_space<vmem>>
      %dma_start3A_178 = arith.constant 0 : i32
      %dma_start3A_179 = tpu.memref_slice %arg8[%dma_start3A_174, %dma_start3A_178] : memref<8x128xi32, #tpu.memory_space<vmem>> -> memref<1x128xi32, #tpu.memory_space<vmem>>
      %dma_start3A_180 = tpu.memref_squeeze %dma_start3A_179 : memref<1x128xi32, #tpu.memory_space<vmem>> -> memref<128xi32, #tpu.memory_space<vmem>>
      %dma_start3A_181 = arith.constant 0 : i32
      %dma_start3A_182 = arith.constant 0 : i32
      %dma_start3A_183 = tpu.memref_slice %arg10[%dma_start3A_181, %dma_start3A_182] : memref<100352x16xf32, #tpu.memory_space<vmem_shared>> -> memref<100352x16xf32, #tpu.memory_space<vmem_shared>>
      tpu.enqueue_indirect_dma source(%dma_start3A_177 : memref<128x16xf32, #tpu.memory_space<vmem>>) target(%dma_start3A_183 : memref<100352x16xf32, #tpu.memory_space<vmem_shared>>) offsets(%dma_start3A_180 : memref<128xi32, #tpu.memory_space<vmem>>) semaphore(%arg12 : memref<!tpu.dma_semaphore, #tpu.memory_space<semaphore_mem>>) {add = true}
      %dma_wait3A_184 = arith.constant 3 : i32
      %dma_wait3A_185 = arith.constant 384 : i32
      %dma_wait3A_186 = arith.constant 0 : i32
      %dma_wait3A_187 = tpu.memref_slice %arg9[%dma_wait3A_185, %dma_wait3A_186] : memref<1024x16xf32, #tpu.memory_space<vmem>> -> memref<128x16xf32, #tpu.memory_space<vmem>>
      %dma_wait3A_188 = arith.constant 0 : i32
      %dma_wait3A_189 = tpu.memref_slice %arg8[%dma_wait3A_184, %dma_wait3A_188] : memref<8x128xi32, #tpu.memory_space<vmem>> -> memref<1x128xi32, #tpu.memory_space<vmem>>
      %dma_wait3A_190 = tpu.memref_squeeze %dma_wait3A_189 : memref<1x128xi32, #tpu.memory_space<vmem>> -> memref<128xi32, #tpu.memory_space<vmem>>
      %dma_wait3A_191 = arith.constant 0 : i32
      %dma_wait3A_192 = arith.constant 0 : i32
      %dma_wait3A_193 = tpu.memref_slice %arg10[%dma_wait3A_191, %dma_wait3A_192] : memref<100352x16xf32, #tpu.memory_space<vmem_shared>> -> memref<100352x16xf32, #tpu.memory_space<vmem_shared>>
      tpu.wait_indirect_dma semaphore(%arg12 : memref<!tpu.dma_semaphore, #tpu.memory_space<semaphore_mem>>) src(%dma_wait3A_187 : memref<128x16xf32, #tpu.memory_space<vmem>>) dst(%dma_wait3A_193 : memref<100352x16xf32, #tpu.memory_space<vmem_shared>>)
      %dma_start3A_194 = arith.constant 4 : i32
      %dma_start3A_195 = arith.constant 512 : i32
      %dma_start3A_196 = arith.constant 0 : i32
      %dma_start3A_197 = tpu.memref_slice %arg9[%dma_start3A_195, %dma_start3A_196] : memref<1024x16xf32, #tpu.memory_space<vmem>> -> memref<128x16xf32, #tpu.memory_space<vmem>>
      %dma_start3A_198 = arith.constant 0 : i32
      %dma_start3A_199 = tpu.memref_slice %arg7[%dma_start3A_194, %dma_start3A_198] : memref<8x128xi32, #tpu.memory_space<vmem>> -> memref<1x128xi32, #tpu.memory_space<vmem>>
      %dma_start3A_200 = tpu.memref_squeeze %dma_start3A_199 : memref<1x128xi32, #tpu.memory_space<vmem>> -> memref<128xi32, #tpu.memory_space<vmem>>
      %dma_start3A_201 = arith.constant 0 : i32
      %dma_start3A_202 = arith.constant 0 : i32
      %dma_start3A_203 = tpu.memref_slice %arg4[%dma_start3A_201, %dma_start3A_202] : memref<100352x16xf32, #tpu.memory_space<hbm>> -> memref<100352x16xf32, #tpu.memory_space<hbm>>
      tpu.enqueue_indirect_dma source(%dma_start3A_203 : memref<100352x16xf32, #tpu.memory_space<hbm>>) target(%dma_start3A_197 : memref<128x16xf32, #tpu.memory_space<vmem>>) offsets(%dma_start3A_200 : memref<128xi32, #tpu.memory_space<vmem>>) semaphore(%arg11 : memref<!tpu.dma_semaphore, #tpu.memory_space<semaphore_mem>>)
      %dma_wait3A_204 = arith.constant 4 : i32
      %dma_wait3A_205 = arith.constant 512 : i32
      %dma_wait3A_206 = arith.constant 0 : i32
      %dma_wait3A_207 = tpu.memref_slice %arg9[%dma_wait3A_205, %dma_wait3A_206] : memref<1024x16xf32, #tpu.memory_space<vmem>> -> memref<128x16xf32, #tpu.memory_space<vmem>>
      %dma_wait3A_208 = arith.constant 0 : i32
      %dma_wait3A_209 = tpu.memref_slice %arg7[%dma_wait3A_204, %dma_wait3A_208] : memref<8x128xi32, #tpu.memory_space<vmem>> -> memref<1x128xi32, #tpu.memory_space<vmem>>
      %dma_wait3A_210 = tpu.memref_squeeze %dma_wait3A_209 : memref<1x128xi32, #tpu.memory_space<vmem>> -> memref<128xi32, #tpu.memory_space<vmem>>
      %dma_wait3A_211 = arith.constant 0 : i32
      %dma_wait3A_212 = arith.constant 0 : i32
      %dma_wait3A_213 = tpu.memref_slice %arg4[%dma_wait3A_211, %dma_wait3A_212] : memref<100352x16xf32, #tpu.memory_space<hbm>> -> memref<100352x16xf32, #tpu.memory_space<hbm>>
      tpu.wait_indirect_dma semaphore(%arg11 : memref<!tpu.dma_semaphore, #tpu.memory_space<semaphore_mem>>) src(%dma_wait3A_213 : memref<100352x16xf32, #tpu.memory_space<hbm>>) dst(%dma_wait3A_207 : memref<128x16xf32, #tpu.memory_space<vmem>>)
      %dma_start3A_214 = arith.constant 4 : i32
      %dma_start3A_215 = arith.constant 512 : i32
      %dma_start3A_216 = arith.constant 0 : i32
      %dma_start3A_217 = tpu.memref_slice %arg9[%dma_start3A_215, %dma_start3A_216] : memref<1024x16xf32, #tpu.memory_space<vmem>> -> memref<128x16xf32, #tpu.memory_space<vmem>>
      %dma_start3A_218 = arith.constant 0 : i32
      %dma_start3A_219 = tpu.memref_slice %arg8[%dma_start3A_214, %dma_start3A_218] : memref<8x128xi32, #tpu.memory_space<vmem>> -> memref<1x128xi32, #tpu.memory_space<vmem>>
      %dma_start3A_220 = tpu.memref_squeeze %dma_start3A_219 : memref<1x128xi32, #tpu.memory_space<vmem>> -> memref<128xi32, #tpu.memory_space<vmem>>
      %dma_start3A_221 = arith.constant 0 : i32
      %dma_start3A_222 = arith.constant 0 : i32
      %dma_start3A_223 = tpu.memref_slice %arg10[%dma_start3A_221, %dma_start3A_222] : memref<100352x16xf32, #tpu.memory_space<vmem_shared>> -> memref<100352x16xf32, #tpu.memory_space<vmem_shared>>
      tpu.enqueue_indirect_dma source(%dma_start3A_217 : memref<128x16xf32, #tpu.memory_space<vmem>>) target(%dma_start3A_223 : memref<100352x16xf32, #tpu.memory_space<vmem_shared>>) offsets(%dma_start3A_220 : memref<128xi32, #tpu.memory_space<vmem>>) semaphore(%arg12 : memref<!tpu.dma_semaphore, #tpu.memory_space<semaphore_mem>>) {add = true}
      %dma_wait3A_224 = arith.constant 4 : i32
      %dma_wait3A_225 = arith.constant 512 : i32
      %dma_wait3A_226 = arith.constant 0 : i32
      %dma_wait3A_227 = tpu.memref_slice %arg9[%dma_wait3A_225, %dma_wait3A_226] : memref<1024x16xf32, #tpu.memory_space<vmem>> -> memref<128x16xf32, #tpu.memory_space<vmem>>
      %dma_wait3A_228 = arith.constant 0 : i32
      %dma_wait3A_229 = tpu.memref_slice %arg8[%dma_wait3A_224, %dma_wait3A_228] : memref<8x128xi32, #tpu.memory_space<vmem>> -> memref<1x128xi32, #tpu.memory_space<vmem>>
      %dma_wait3A_230 = tpu.memref_squeeze %dma_wait3A_229 : memref<1x128xi32, #tpu.memory_space<vmem>> -> memref<128xi32, #tpu.memory_space<vmem>>
      %dma_wait3A_231 = arith.constant 0 : i32
      %dma_wait3A_232 = arith.constant 0 : i32
      %dma_wait3A_233 = tpu.memref_slice %arg10[%dma_wait3A_231, %dma_wait3A_232] : memref<100352x16xf32, #tpu.memory_space<vmem_shared>> -> memref<100352x16xf32, #tpu.memory_space<vmem_shared>>
      tpu.wait_indirect_dma semaphore(%arg12 : memref<!tpu.dma_semaphore, #tpu.memory_space<semaphore_mem>>) src(%dma_wait3A_227 : memref<128x16xf32, #tpu.memory_space<vmem>>) dst(%dma_wait3A_233 : memref<100352x16xf32, #tpu.memory_space<vmem_shared>>)
      %dma_start3A_234 = arith.constant 5 : i32
      %dma_start3A_235 = arith.constant 640 : i32
      %dma_start3A_236 = arith.constant 0 : i32
      %dma_start3A_237 = tpu.memref_slice %arg9[%dma_start3A_235, %dma_start3A_236] : memref<1024x16xf32, #tpu.memory_space<vmem>> -> memref<128x16xf32, #tpu.memory_space<vmem>>
      %dma_start3A_238 = arith.constant 0 : i32
      %dma_start3A_239 = tpu.memref_slice %arg7[%dma_start3A_234, %dma_start3A_238] : memref<8x128xi32, #tpu.memory_space<vmem>> -> memref<1x128xi32, #tpu.memory_space<vmem>>
      %dma_start3A_240 = tpu.memref_squeeze %dma_start3A_239 : memref<1x128xi32, #tpu.memory_space<vmem>> -> memref<128xi32, #tpu.memory_space<vmem>>
      %dma_start3A_241 = arith.constant 0 : i32
      %dma_start3A_242 = arith.constant 0 : i32
      %dma_start3A_243 = tpu.memref_slice %arg4[%dma_start3A_241, %dma_start3A_242] : memref<100352x16xf32, #tpu.memory_space<hbm>> -> memref<100352x16xf32, #tpu.memory_space<hbm>>
      tpu.enqueue_indirect_dma source(%dma_start3A_243 : memref<100352x16xf32, #tpu.memory_space<hbm>>) target(%dma_start3A_237 : memref<128x16xf32, #tpu.memory_space<vmem>>) offsets(%dma_start3A_240 : memref<128xi32, #tpu.memory_space<vmem>>) semaphore(%arg11 : memref<!tpu.dma_semaphore, #tpu.memory_space<semaphore_mem>>)
      %dma_wait3A_244 = arith.constant 5 : i32
      %dma_wait3A_245 = arith.constant 640 : i32
      %dma_wait3A_246 = arith.constant 0 : i32
      %dma_wait3A_247 = tpu.memref_slice %arg9[%dma_wait3A_245, %dma_wait3A_246] : memref<1024x16xf32, #tpu.memory_space<vmem>> -> memref<128x16xf32, #tpu.memory_space<vmem>>
      %dma_wait3A_248 = arith.constant 0 : i32
      %dma_wait3A_249 = tpu.memref_slice %arg7[%dma_wait3A_244, %dma_wait3A_248] : memref<8x128xi32, #tpu.memory_space<vmem>> -> memref<1x128xi32, #tpu.memory_space<vmem>>
      %dma_wait3A_250 = tpu.memref_squeeze %dma_wait3A_249 : memref<1x128xi32, #tpu.memory_space<vmem>> -> memref<128xi32, #tpu.memory_space<vmem>>
      %dma_wait3A_251 = arith.constant 0 : i32
      %dma_wait3A_252 = arith.constant 0 : i32
      %dma_wait3A_253 = tpu.memref_slice %arg4[%dma_wait3A_251, %dma_wait3A_252] : memref<100352x16xf32, #tpu.memory_space<hbm>> -> memref<100352x16xf32, #tpu.memory_space<hbm>>
      tpu.wait_indirect_dma semaphore(%arg11 : memref<!tpu.dma_semaphore, #tpu.memory_space<semaphore_mem>>) src(%dma_wait3A_253 : memref<100352x16xf32, #tpu.memory_space<hbm>>) dst(%dma_wait3A_247 : memref<128x16xf32, #tpu.memory_space<vmem>>)
      %dma_start3A_254 = arith.constant 5 : i32
      %dma_start3A_255 = arith.constant 640 : i32
      %dma_start3A_256 = arith.constant 0 : i32
      %dma_start3A_257 = tpu.memref_slice %arg9[%dma_start3A_255, %dma_start3A_256] : memref<1024x16xf32, #tpu.memory_space<vmem>> -> memref<128x16xf32, #tpu.memory_space<vmem>>
      %dma_start3A_258 = arith.constant 0 : i32
      %dma_start3A_259 = tpu.memref_slice %arg8[%dma_start3A_254, %dma_start3A_258] : memref<8x128xi32, #tpu.memory_space<vmem>> -> memref<1x128xi32, #tpu.memory_space<vmem>>
      %dma_start3A_260 = tpu.memref_squeeze %dma_start3A_259 : memref<1x128xi32, #tpu.memory_space<vmem>> -> memref<128xi32, #tpu.memory_space<vmem>>
      %dma_start3A_261 = arith.constant 0 : i32
      %dma_start3A_262 = arith.constant 0 : i32
      %dma_start3A_263 = tpu.memref_slice %arg10[%dma_start3A_261, %dma_start3A_262] : memref<100352x16xf32, #tpu.memory_space<vmem_shared>> -> memref<100352x16xf32, #tpu.memory_space<vmem_shared>>
      tpu.enqueue_indirect_dma source(%dma_start3A_257 : memref<128x16xf32, #tpu.memory_space<vmem>>) target(%dma_start3A_263 : memref<100352x16xf32, #tpu.memory_space<vmem_shared>>) offsets(%dma_start3A_260 : memref<128xi32, #tpu.memory_space<vmem>>) semaphore(%arg12 : memref<!tpu.dma_semaphore, #tpu.memory_space<semaphore_mem>>) {add = true}
      %dma_wait3A_264 = arith.constant 5 : i32
      %dma_wait3A_265 = arith.constant 640 : i32
      %dma_wait3A_266 = arith.constant 0 : i32
      %dma_wait3A_267 = tpu.memref_slice %arg9[%dma_wait3A_265, %dma_wait3A_266] : memref<1024x16xf32, #tpu.memory_space<vmem>> -> memref<128x16xf32, #tpu.memory_space<vmem>>
      %dma_wait3A_268 = arith.constant 0 : i32
      %dma_wait3A_269 = tpu.memref_slice %arg8[%dma_wait3A_264, %dma_wait3A_268] : memref<8x128xi32, #tpu.memory_space<vmem>> -> memref<1x128xi32, #tpu.memory_space<vmem>>
      %dma_wait3A_270 = tpu.memref_squeeze %dma_wait3A_269 : memref<1x128xi32, #tpu.memory_space<vmem>> -> memref<128xi32, #tpu.memory_space<vmem>>
      %dma_wait3A_271 = arith.constant 0 : i32
      %dma_wait3A_272 = arith.constant 0 : i32
      %dma_wait3A_273 = tpu.memref_slice %arg10[%dma_wait3A_271, %dma_wait3A_272] : memref<100352x16xf32, #tpu.memory_space<vmem_shared>> -> memref<100352x16xf32, #tpu.memory_space<vmem_shared>>
      tpu.wait_indirect_dma semaphore(%arg12 : memref<!tpu.dma_semaphore, #tpu.memory_space<semaphore_mem>>) src(%dma_wait3A_267 : memref<128x16xf32, #tpu.memory_space<vmem>>) dst(%dma_wait3A_273 : memref<100352x16xf32, #tpu.memory_space<vmem_shared>>)
      %dma_start3A_274 = arith.constant 6 : i32
      %dma_start3A_275 = arith.constant 768 : i32
      %dma_start3A_276 = arith.constant 0 : i32
      %dma_start3A_277 = tpu.memref_slice %arg9[%dma_start3A_275, %dma_start3A_276] : memref<1024x16xf32, #tpu.memory_space<vmem>> -> memref<128x16xf32, #tpu.memory_space<vmem>>
      %dma_start3A_278 = arith.constant 0 : i32
      %dma_start3A_279 = tpu.memref_slice %arg7[%dma_start3A_274, %dma_start3A_278] : memref<8x128xi32, #tpu.memory_space<vmem>> -> memref<1x128xi32, #tpu.memory_space<vmem>>
      %dma_start3A_280 = tpu.memref_squeeze %dma_start3A_279 : memref<1x128xi32, #tpu.memory_space<vmem>> -> memref<128xi32, #tpu.memory_space<vmem>>
      %dma_start3A_281 = arith.constant 0 : i32
      %dma_start3A_282 = arith.constant 0 : i32
      %dma_start3A_283 = tpu.memref_slice %arg4[%dma_start3A_281, %dma_start3A_282] : memref<100352x16xf32, #tpu.memory_space<hbm>> -> memref<100352x16xf32, #tpu.memory_space<hbm>>
      tpu.enqueue_indirect_dma source(%dma_start3A_283 : memref<100352x16xf32, #tpu.memory_space<hbm>>) target(%dma_start3A_277 : memref<128x16xf32, #tpu.memory_space<vmem>>) offsets(%dma_start3A_280 : memref<128xi32, #tpu.memory_space<vmem>>) semaphore(%arg11 : memref<!tpu.dma_semaphore, #tpu.memory_space<semaphore_mem>>)
      %dma_wait3A_284 = arith.constant 6 : i32
      %dma_wait3A_285 = arith.constant 768 : i32
      %dma_wait3A_286 = arith.constant 0 : i32
      %dma_wait3A_287 = tpu.memref_slice %arg9[%dma_wait3A_285, %dma_wait3A_286] : memref<1024x16xf32, #tpu.memory_space<vmem>> -> memref<128x16xf32, #tpu.memory_space<vmem>>
      %dma_wait3A_288 = arith.constant 0 : i32
      %dma_wait3A_289 = tpu.memref_slice %arg7[%dma_wait3A_284, %dma_wait3A_288] : memref<8x128xi32, #tpu.memory_space<vmem>> -> memref<1x128xi32, #tpu.memory_space<vmem>>
      %dma_wait3A_290 = tpu.memref_squeeze %dma_wait3A_289 : memref<1x128xi32, #tpu.memory_space<vmem>> -> memref<128xi32, #tpu.memory_space<vmem>>
      %dma_wait3A_291 = arith.constant 0 : i32
      %dma_wait3A_292 = arith.constant 0 : i32
      %dma_wait3A_293 = tpu.memref_slice %arg4[%dma_wait3A_291, %dma_wait3A_292] : memref<100352x16xf32, #tpu.memory_space<hbm>> -> memref<100352x16xf32, #tpu.memory_space<hbm>>
      tpu.wait_indirect_dma semaphore(%arg11 : memref<!tpu.dma_semaphore, #tpu.memory_space<semaphore_mem>>) src(%dma_wait3A_293 : memref<100352x16xf32, #tpu.memory_space<hbm>>) dst(%dma_wait3A_287 : memref<128x16xf32, #tpu.memory_space<vmem>>)
      %dma_start3A_294 = arith.constant 6 : i32
      %dma_start3A_295 = arith.constant 768 : i32
      %dma_start3A_296 = arith.constant 0 : i32
      %dma_start3A_297 = tpu.memref_slice %arg9[%dma_start3A_295, %dma_start3A_296] : memref<1024x16xf32, #tpu.memory_space<vmem>> -> memref<128x16xf32, #tpu.memory_space<vmem>>
      %dma_start3A_298 = arith.constant 0 : i32
      %dma_start3A_299 = tpu.memref_slice %arg8[%dma_start3A_294, %dma_start3A_298] : memref<8x128xi32, #tpu.memory_space<vmem>> -> memref<1x128xi32, #tpu.memory_space<vmem>>
      %dma_start3A_300 = tpu.memref_squeeze %dma_start3A_299 : memref<1x128xi32, #tpu.memory_space<vmem>> -> memref<128xi32, #tpu.memory_space<vmem>>
      %dma_start3A_301 = arith.constant 0 : i32
      %dma_start3A_302 = arith.constant 0 : i32
      %dma_start3A_303 = tpu.memref_slice %arg10[%dma_start3A_301, %dma_start3A_302] : memref<100352x16xf32, #tpu.memory_space<vmem_shared>> -> memref<100352x16xf32, #tpu.memory_space<vmem_shared>>
      tpu.enqueue_indirect_dma source(%dma_start3A_297 : memref<128x16xf32, #tpu.memory_space<vmem>>) target(%dma_start3A_303 : memref<100352x16xf32, #tpu.memory_space<vmem_shared>>) offsets(%dma_start3A_300 : memref<128xi32, #tpu.memory_space<vmem>>) semaphore(%arg12 : memref<!tpu.dma_semaphore, #tpu.memory_space<semaphore_mem>>) {add = true}
      %dma_wait3A_304 = arith.constant 6 : i32
      %dma_wait3A_305 = arith.constant 768 : i32
      %dma_wait3A_306 = arith.constant 0 : i32
      %dma_wait3A_307 = tpu.memref_slice %arg9[%dma_wait3A_305, %dma_wait3A_306] : memref<1024x16xf32, #tpu.memory_space<vmem>> -> memref<128x16xf32, #tpu.memory_space<vmem>>
      %dma_wait3A_308 = arith.constant 0 : i32
      %dma_wait3A_309 = tpu.memref_slice %arg8[%dma_wait3A_304, %dma_wait3A_308] : memref<8x128xi32, #tpu.memory_space<vmem>> -> memref<1x128xi32, #tpu.memory_space<vmem>>
      %dma_wait3A_310 = tpu.memref_squeeze %dma_wait3A_309 : memref<1x128xi32, #tpu.memory_space<vmem>> -> memref<128xi32, #tpu.memory_space<vmem>>
      %dma_wait3A_311 = arith.constant 0 : i32
      %dma_wait3A_312 = arith.constant 0 : i32
      %dma_wait3A_313 = tpu.memref_slice %arg10[%dma_wait3A_311, %dma_wait3A_312] : memref<100352x16xf32, #tpu.memory_space<vmem_shared>> -> memref<100352x16xf32, #tpu.memory_space<vmem_shared>>
      tpu.wait_indirect_dma semaphore(%arg12 : memref<!tpu.dma_semaphore, #tpu.memory_space<semaphore_mem>>) src(%dma_wait3A_307 : memref<128x16xf32, #tpu.memory_space<vmem>>) dst(%dma_wait3A_313 : memref<100352x16xf32, #tpu.memory_space<vmem_shared>>)
      %dma_start3A_314 = arith.constant 7 : i32
      %dma_start3A_315 = arith.constant 896 : i32
      %dma_start3A_316 = arith.constant 0 : i32
      %dma_start3A_317 = tpu.memref_slice %arg9[%dma_start3A_315, %dma_start3A_316] : memref<1024x16xf32, #tpu.memory_space<vmem>> -> memref<128x16xf32, #tpu.memory_space<vmem>>
      %dma_start3A_318 = arith.constant 0 : i32
      %dma_start3A_319 = tpu.memref_slice %arg7[%dma_start3A_314, %dma_start3A_318] : memref<8x128xi32, #tpu.memory_space<vmem>> -> memref<1x128xi32, #tpu.memory_space<vmem>>
      %dma_start3A_320 = tpu.memref_squeeze %dma_start3A_319 : memref<1x128xi32, #tpu.memory_space<vmem>> -> memref<128xi32, #tpu.memory_space<vmem>>
      %dma_start3A_321 = arith.constant 0 : i32
      %dma_start3A_322 = arith.constant 0 : i32
      %dma_start3A_323 = tpu.memref_slice %arg4[%dma_start3A_321, %dma_start3A_322] : memref<100352x16xf32, #tpu.memory_space<hbm>> -> memref<100352x16xf32, #tpu.memory_space<hbm>>
      tpu.enqueue_indirect_dma source(%dma_start3A_323 : memref<100352x16xf32, #tpu.memory_space<hbm>>) target(%dma_start3A_317 : memref<128x16xf32, #tpu.memory_space<vmem>>) offsets(%dma_start3A_320 : memref<128xi32, #tpu.memory_space<vmem>>) semaphore(%arg11 : memref<!tpu.dma_semaphore, #tpu.memory_space<semaphore_mem>>)
      %dma_wait3A_324 = arith.constant 7 : i32
      %dma_wait3A_325 = arith.constant 896 : i32
      %dma_wait3A_326 = arith.constant 0 : i32
      %dma_wait3A_327 = tpu.memref_slice %arg9[%dma_wait3A_325, %dma_wait3A_326] : memref<1024x16xf32, #tpu.memory_space<vmem>> -> memref<128x16xf32, #tpu.memory_space<vmem>>
      %dma_wait3A_328 = arith.constant 0 : i32
      %dma_wait3A_329 = tpu.memref_slice %arg7[%dma_wait3A_324, %dma_wait3A_328] : memref<8x128xi32, #tpu.memory_space<vmem>> -> memref<1x128xi32, #tpu.memory_space<vmem>>
      %dma_wait3A_330 = tpu.memref_squeeze %dma_wait3A_329 : memref<1x128xi32, #tpu.memory_space<vmem>> -> memref<128xi32, #tpu.memory_space<vmem>>
      %dma_wait3A_331 = arith.constant 0 : i32
      %dma_wait3A_332 = arith.constant 0 : i32
      %dma_wait3A_333 = tpu.memref_slice %arg4[%dma_wait3A_331, %dma_wait3A_332] : memref<100352x16xf32, #tpu.memory_space<hbm>> -> memref<100352x16xf32, #tpu.memory_space<hbm>>
      tpu.wait_indirect_dma semaphore(%arg11 : memref<!tpu.dma_semaphore, #tpu.memory_space<semaphore_mem>>) src(%dma_wait3A_333 : memref<100352x16xf32, #tpu.memory_space<hbm>>) dst(%dma_wait3A_327 : memref<128x16xf32, #tpu.memory_space<vmem>>)
      %dma_start3A_334 = arith.constant 7 : i32
      %dma_start3A_335 = arith.constant 896 : i32
      %dma_start3A_336 = arith.constant 0 : i32
      %dma_start3A_337 = tpu.memref_slice %arg9[%dma_start3A_335, %dma_start3A_336] : memref<1024x16xf32, #tpu.memory_space<vmem>> -> memref<128x16xf32, #tpu.memory_space<vmem>>
      %dma_start3A_338 = arith.constant 0 : i32
      %dma_start3A_339 = tpu.memref_slice %arg8[%dma_start3A_334, %dma_start3A_338] : memref<8x128xi32, #tpu.memory_space<vmem>> -> memref<1x128xi32, #tpu.memory_space<vmem>>
      %dma_start3A_340 = tpu.memref_squeeze %dma_start3A_339 : memref<1x128xi32, #tpu.memory_space<vmem>> -> memref<128xi32, #tpu.memory_space<vmem>>
      %dma_start3A_341 = arith.constant 0 : i32
      %dma_start3A_342 = arith.constant 0 : i32
      %dma_start3A_343 = tpu.memref_slice %arg10[%dma_start3A_341, %dma_start3A_342] : memref<100352x16xf32, #tpu.memory_space<vmem_shared>> -> memref<100352x16xf32, #tpu.memory_space<vmem_shared>>
      tpu.enqueue_indirect_dma source(%dma_start3A_337 : memref<128x16xf32, #tpu.memory_space<vmem>>) target(%dma_start3A_343 : memref<100352x16xf32, #tpu.memory_space<vmem_shared>>) offsets(%dma_start3A_340 : memref<128xi32, #tpu.memory_space<vmem>>) semaphore(%arg12 : memref<!tpu.dma_semaphore, #tpu.memory_space<semaphore_mem>>) {add = true}
      %dma_wait3A_344 = arith.constant 7 : i32
      %dma_wait3A_345 = arith.constant 896 : i32
      %dma_wait3A_346 = arith.constant 0 : i32
      %dma_wait3A_347 = tpu.memref_slice %arg9[%dma_wait3A_345, %dma_wait3A_346] : memref<1024x16xf32, #tpu.memory_space<vmem>> -> memref<128x16xf32, #tpu.memory_space<vmem>>
      %dma_wait3A_348 = arith.constant 0 : i32
      %dma_wait3A_349 = tpu.memref_slice %arg8[%dma_wait3A_344, %dma_wait3A_348] : memref<8x128xi32, #tpu.memory_space<vmem>> -> memref<1x128xi32, #tpu.memory_space<vmem>>
      %dma_wait3A_350 = tpu.memref_squeeze %dma_wait3A_349 : memref<1x128xi32, #tpu.memory_space<vmem>> -> memref<128xi32, #tpu.memory_space<vmem>>
      %dma_wait3A_351 = arith.constant 0 : i32
      %dma_wait3A_352 = arith.constant 0 : i32
      %dma_wait3A_353 = tpu.memref_slice %arg10[%dma_wait3A_351, %dma_wait3A_352] : memref<100352x16xf32, #tpu.memory_space<vmem_shared>> -> memref<100352x16xf32, #tpu.memory_space<vmem_shared>>
      tpu.wait_indirect_dma semaphore(%arg12 : memref<!tpu.dma_semaphore, #tpu.memory_space<semaphore_mem>>) src(%dma_wait3A_347 : memref<128x16xf32, #tpu.memory_space<vmem>>) dst(%dma_wait3A_353 : memref<100352x16xf32, #tpu.memory_space<vmem_shared>>)
      %scan3A_354 = arith.constant 0 : i32
      scf.yield %scan3A_354 : i32
    }
    %scan3A_10 = arith.constant 195 : i32
    %lt3A = arith.constant 10 : i32
    %lt3A_11 = arith.cmpi slt, %add3A, %lt3A : i32
    %convert_element_type3A = arith.extui %lt3A_11 : i1 to i32
    %cond3A = arith.constant 0 : i32
    %cond3A_12 = arith.cmpi ne, %convert_element_type3A, %cond3A : i32
    scf.if %cond3A_12 {
      %add3A_27 = arith.constant 6240 : i32
      %add3A_28 = arith.addi %add3A_27, %add3A : i32
      %mul3A_29 = arith.constant 8 : i32
      %mul3A_30 = arith.muli %add3A_28, %mul3A_29 : i32
      "tpu.region"() ({
        %run_scoped3A = tpu.sem_alloc : memref<!tpu.dma_semaphore, #tpu.memory_space<semaphore_mem>>
        %dma_start3A_349 = arith.constant 0 : i32
        %dma_start3A_350 = arith.constant 0 : i32
        %dma_start3A_351 = tpu.memref_slice %arg7[%dma_start3A_349, %dma_start3A_350] : memref<8x128xi32, #tpu.memory_space<vmem>> -> memref<8x128xi32, #tpu.memory_space<vmem>>
        %dma_start3A_352 = arith.constant 0 : i32
        %dma_start3A_353 = tpu.memref_slice %arg2[%mul3A_30, %dma_start3A_352] : memref<50000x128xi32, #tpu.memory_space<hbm>> -> memref<8x128xi32, #tpu.memory_space<hbm>>
        %dma_start3A_354 = arith.constant 0 : i32
        %dma_start3A_355 = arith.constant 0 : i32
        %dma_start3A_356 = tpu.memref_slice %arg7[%dma_start3A_354, %dma_start3A_355] : memref<8x128xi32, #tpu.memory_space<vmem>> -> memref<8x128xi32, #tpu.memory_space<vmem>>
        %dma_start3A_357 = arith.constant 0 : i32
        %dma_start3A_358 = tpu.memref_slice %arg2[%mul3A_30, %dma_start3A_357] : memref<50000x128xi32, #tpu.memory_space<hbm>> -> memref<8x128xi32, #tpu.memory_space<hbm>>
        tpu.enqueue_dma source(%dma_start3A_358 : memref<8x128xi32, #tpu.memory_space<hbm>>) target(%dma_start3A_356 : memref<8x128xi32, #tpu.memory_space<vmem>>) target_semaphore(%run_scoped3A : memref<!tpu.dma_semaphore, #tpu.memory_space<semaphore_mem>>)
        %dma_wait3A_359 = arith.constant 0 : i32
        %dma_wait3A_360 = arith.constant 0 : i32
        %dma_wait3A_361 = tpu.memref_slice %arg7[%dma_wait3A_359, %dma_wait3A_360] : memref<8x128xi32, #tpu.memory_space<vmem>> -> memref<8x128xi32, #tpu.memory_space<vmem>>
        %dma_wait3A_362 = arith.constant 0 : i32
        %dma_wait3A_363 = tpu.memref_slice %arg2[%mul3A_30, %dma_wait3A_362] : memref<50000x128xi32, #tpu.memory_space<hbm>> -> memref<8x128xi32, #tpu.memory_space<hbm>>
        %dma_wait3A_364 = arith.constant 0 : i32
        %dma_wait3A_365 = arith.constant 0 : i32
        %dma_wait3A_366 = tpu.memref_slice %arg7[%dma_wait3A_364, %dma_wait3A_365] : memref<8x128xi32, #tpu.memory_space<vmem>> -> memref<8x128xi32, #tpu.memory_space<vmem>>
        %dma_wait3A_367 = arith.constant 0 : i32
        %dma_wait3A_368 = tpu.memref_slice %arg2[%mul3A_30, %dma_wait3A_367] : memref<50000x128xi32, #tpu.memory_space<hbm>> -> memref<8x128xi32, #tpu.memory_space<hbm>>
        tpu.wait_dma2 semaphore(%run_scoped3A : memref<!tpu.dma_semaphore, #tpu.memory_space<semaphore_mem>>) src(%dma_wait3A_368 : memref<8x128xi32, #tpu.memory_space<hbm>>) dst(%dma_wait3A_366 : memref<8x128xi32, #tpu.memory_space<vmem>>)
        tpu.yield
      }) : () -> ()
      "tpu.region"() ({
        %run_scoped3A = tpu.sem_alloc : memref<!tpu.dma_semaphore, #tpu.memory_space<semaphore_mem>>
        %dma_start3A_349 = arith.constant 0 : i32
        %dma_start3A_350 = arith.constant 0 : i32
        %dma_start3A_351 = tpu.memref_slice %arg8[%dma_start3A_349, %dma_start3A_350] : memref<8x128xi32, #tpu.memory_space<vmem>> -> memref<8x128xi32, #tpu.memory_space<vmem>>
        %dma_start3A_352 = arith.constant 0 : i32
        %dma_start3A_353 = tpu.memref_slice %arg3[%mul3A_30, %dma_start3A_352] : memref<50000x128xi32, #tpu.memory_space<hbm>> -> memref<8x128xi32, #tpu.memory_space<hbm>>
        %dma_start3A_354 = arith.constant 0 : i32
        %dma_start3A_355 = arith.constant 0 : i32
        %dma_start3A_356 = tpu.memref_slice %arg8[%dma_start3A_354, %dma_start3A_355] : memref<8x128xi32, #tpu.memory_space<vmem>> -> memref<8x128xi32, #tpu.memory_space<vmem>>
        %dma_start3A_357 = arith.constant 0 : i32
        %dma_start3A_358 = tpu.memref_slice %arg3[%mul3A_30, %dma_start3A_357] : memref<50000x128xi32, #tpu.memory_space<hbm>> -> memref<8x128xi32, #tpu.memory_space<hbm>>
        tpu.enqueue_dma source(%dma_start3A_358 : memref<8x128xi32, #tpu.memory_space<hbm>>) target(%dma_start3A_356 : memref<8x128xi32, #tpu.memory_space<vmem>>) target_semaphore(%run_scoped3A : memref<!tpu.dma_semaphore, #tpu.memory_space<semaphore_mem>>)
        %dma_wait3A_359 = arith.constant 0 : i32
        %dma_wait3A_360 = arith.constant 0 : i32
        %dma_wait3A_361 = tpu.memref_slice %arg8[%dma_wait3A_359, %dma_wait3A_360] : memref<8x128xi32, #tpu.memory_space<vmem>> -> memref<8x128xi32, #tpu.memory_space<vmem>>
        %dma_wait3A_362 = arith.constant 0 : i32
        %dma_wait3A_363 = tpu.memref_slice %arg3[%mul3A_30, %dma_wait3A_362] : memref<50000x128xi32, #tpu.memory_space<hbm>> -> memref<8x128xi32, #tpu.memory_space<hbm>>
        %dma_wait3A_364 = arith.constant 0 : i32
        %dma_wait3A_365 = arith.constant 0 : i32
        %dma_wait3A_366 = tpu.memref_slice %arg8[%dma_wait3A_364, %dma_wait3A_365] : memref<8x128xi32, #tpu.memory_space<vmem>> -> memref<8x128xi32, #tpu.memory_space<vmem>>
        %dma_wait3A_367 = arith.constant 0 : i32
        %dma_wait3A_368 = tpu.memref_slice %arg3[%mul3A_30, %dma_wait3A_367] : memref<50000x128xi32, #tpu.memory_space<hbm>> -> memref<8x128xi32, #tpu.memory_space<hbm>>
        tpu.wait_dma2 semaphore(%run_scoped3A : memref<!tpu.dma_semaphore, #tpu.memory_space<semaphore_mem>>) src(%dma_wait3A_368 : memref<8x128xi32, #tpu.memory_space<hbm>>) dst(%dma_wait3A_366 : memref<8x128xi32, #tpu.memory_space<vmem>>)
        tpu.yield
      }) : () -> ()
      %dma_start3A = arith.constant 0 : i32
      %dma_start3A_31 = arith.constant 0 : i32
      %dma_start3A_32 = arith.constant 0 : i32
      %dma_start3A_33 = tpu.memref_slice %arg9[%dma_start3A_31, %dma_start3A_32] : memref<1024x16xf32, #tpu.memory_space<vmem>> -> memref<128x16xf32, #tpu.memory_space<vmem>>
      %dma_start3A_34 = arith.constant 0 : i32
      %dma_start3A_35 = tpu.memref_slice %arg7[%dma_start3A, %dma_start3A_34] : memref<8x128xi32, #tpu.memory_space<vmem>> -> memref<1x128xi32, #tpu.memory_space<vmem>>
      %dma_start3A_36 = tpu.memref_squeeze %dma_start3A_35 : memref<1x128xi32, #tpu.memory_space<vmem>> -> memref<128xi32, #tpu.memory_space<vmem>>
      %dma_start3A_37 = arith.constant 0 : i32
      %dma_start3A_38 = arith.constant 0 : i32
      %dma_start3A_39 = tpu.memref_slice %arg4[%dma_start3A_37, %dma_start3A_38] : memref<100352x16xf32, #tpu.memory_space<hbm>> -> memref<100352x16xf32, #tpu.memory_space<hbm>>
      tpu.enqueue_indirect_dma source(%dma_start3A_39 : memref<100352x16xf32, #tpu.memory_space<hbm>>) target(%dma_start3A_33 : memref<128x16xf32, #tpu.memory_space<vmem>>) offsets(%dma_start3A_36 : memref<128xi32, #tpu.memory_space<vmem>>) semaphore(%arg11 : memref<!tpu.dma_semaphore, #tpu.memory_space<semaphore_mem>>)
      %dma_wait3A = arith.constant 0 : i32
      %dma_wait3A_40 = arith.constant 0 : i32
      %dma_wait3A_41 = arith.constant 0 : i32
      %dma_wait3A_42 = tpu.memref_slice %arg9[%dma_wait3A_40, %dma_wait3A_41] : memref<1024x16xf32, #tpu.memory_space<vmem>> -> memref<128x16xf32, #tpu.memory_space<vmem>>
      %dma_wait3A_43 = arith.constant 0 : i32
      %dma_wait3A_44 = tpu.memref_slice %arg7[%dma_wait3A, %dma_wait3A_43] : memref<8x128xi32, #tpu.memory_space<vmem>> -> memref<1x128xi32, #tpu.memory_space<vmem>>
      %dma_wait3A_45 = tpu.memref_squeeze %dma_wait3A_44 : memref<1x128xi32, #tpu.memory_space<vmem>> -> memref<128xi32, #tpu.memory_space<vmem>>
      %dma_wait3A_46 = arith.constant 0 : i32
      %dma_wait3A_47 = arith.constant 0 : i32
      %dma_wait3A_48 = tpu.memref_slice %arg4[%dma_wait3A_46, %dma_wait3A_47] : memref<100352x16xf32, #tpu.memory_space<hbm>> -> memref<100352x16xf32, #tpu.memory_space<hbm>>
      tpu.wait_indirect_dma semaphore(%arg11 : memref<!tpu.dma_semaphore, #tpu.memory_space<semaphore_mem>>) src(%dma_wait3A_48 : memref<100352x16xf32, #tpu.memory_space<hbm>>) dst(%dma_wait3A_42 : memref<128x16xf32, #tpu.memory_space<vmem>>)
      %dma_start3A_49 = arith.constant 0 : i32
      %dma_start3A_50 = arith.constant 0 : i32
      %dma_start3A_51 = arith.constant 0 : i32
      %dma_start3A_52 = tpu.memref_slice %arg9[%dma_start3A_50, %dma_start3A_51] : memref<1024x16xf32, #tpu.memory_space<vmem>> -> memref<128x16xf32, #tpu.memory_space<vmem>>
      %dma_start3A_53 = arith.constant 0 : i32
      %dma_start3A_54 = tpu.memref_slice %arg8[%dma_start3A_49, %dma_start3A_53] : memref<8x128xi32, #tpu.memory_space<vmem>> -> memref<1x128xi32, #tpu.memory_space<vmem>>
      %dma_start3A_55 = tpu.memref_squeeze %dma_start3A_54 : memref<1x128xi32, #tpu.memory_space<vmem>> -> memref<128xi32, #tpu.memory_space<vmem>>
      %dma_start3A_56 = arith.constant 0 : i32
      %dma_start3A_57 = arith.constant 0 : i32
      %dma_start3A_58 = tpu.memref_slice %arg10[%dma_start3A_56, %dma_start3A_57] : memref<100352x16xf32, #tpu.memory_space<vmem_shared>> -> memref<100352x16xf32, #tpu.memory_space<vmem_shared>>
      tpu.enqueue_indirect_dma source(%dma_start3A_52 : memref<128x16xf32, #tpu.memory_space<vmem>>) target(%dma_start3A_58 : memref<100352x16xf32, #tpu.memory_space<vmem_shared>>) offsets(%dma_start3A_55 : memref<128xi32, #tpu.memory_space<vmem>>) semaphore(%arg12 : memref<!tpu.dma_semaphore, #tpu.memory_space<semaphore_mem>>) {add = true}
      %dma_wait3A_59 = arith.constant 0 : i32
      %dma_wait3A_60 = arith.constant 0 : i32
      %dma_wait3A_61 = arith.constant 0 : i32
      %dma_wait3A_62 = tpu.memref_slice %arg9[%dma_wait3A_60, %dma_wait3A_61] : memref<1024x16xf32, #tpu.memory_space<vmem>> -> memref<128x16xf32, #tpu.memory_space<vmem>>
      %dma_wait3A_63 = arith.constant 0 : i32
      %dma_wait3A_64 = tpu.memref_slice %arg8[%dma_wait3A_59, %dma_wait3A_63] : memref<8x128xi32, #tpu.memory_space<vmem>> -> memref<1x128xi32, #tpu.memory_space<vmem>>
      %dma_wait3A_65 = tpu.memref_squeeze %dma_wait3A_64 : memref<1x128xi32, #tpu.memory_space<vmem>> -> memref<128xi32, #tpu.memory_space<vmem>>
      %dma_wait3A_66 = arith.constant 0 : i32
      %dma_wait3A_67 = arith.constant 0 : i32
      %dma_wait3A_68 = tpu.memref_slice %arg10[%dma_wait3A_66, %dma_wait3A_67] : memref<100352x16xf32, #tpu.memory_space<vmem_shared>> -> memref<100352x16xf32, #tpu.memory_space<vmem_shared>>
      tpu.wait_indirect_dma semaphore(%arg12 : memref<!tpu.dma_semaphore, #tpu.memory_space<semaphore_mem>>) src(%dma_wait3A_62 : memref<128x16xf32, #tpu.memory_space<vmem>>) dst(%dma_wait3A_68 : memref<100352x16xf32, #tpu.memory_space<vmem_shared>>)
      %dma_start3A_69 = arith.constant 1 : i32
      %dma_start3A_70 = arith.constant 128 : i32
      %dma_start3A_71 = arith.constant 0 : i32
      %dma_start3A_72 = tpu.memref_slice %arg9[%dma_start3A_70, %dma_start3A_71] : memref<1024x16xf32, #tpu.memory_space<vmem>> -> memref<128x16xf32, #tpu.memory_space<vmem>>
      %dma_start3A_73 = arith.constant 0 : i32
      %dma_start3A_74 = tpu.memref_slice %arg7[%dma_start3A_69, %dma_start3A_73] : memref<8x128xi32, #tpu.memory_space<vmem>> -> memref<1x128xi32, #tpu.memory_space<vmem>>
      %dma_start3A_75 = tpu.memref_squeeze %dma_start3A_74 : memref<1x128xi32, #tpu.memory_space<vmem>> -> memref<128xi32, #tpu.memory_space<vmem>>
      %dma_start3A_76 = arith.constant 0 : i32
      %dma_start3A_77 = arith.constant 0 : i32
      %dma_start3A_78 = tpu.memref_slice %arg4[%dma_start3A_76, %dma_start3A_77] : memref<100352x16xf32, #tpu.memory_space<hbm>> -> memref<100352x16xf32, #tpu.memory_space<hbm>>
      tpu.enqueue_indirect_dma source(%dma_start3A_78 : memref<100352x16xf32, #tpu.memory_space<hbm>>) target(%dma_start3A_72 : memref<128x16xf32, #tpu.memory_space<vmem>>) offsets(%dma_start3A_75 : memref<128xi32, #tpu.memory_space<vmem>>) semaphore(%arg11 : memref<!tpu.dma_semaphore, #tpu.memory_space<semaphore_mem>>)
      %dma_wait3A_79 = arith.constant 1 : i32
      %dma_wait3A_80 = arith.constant 128 : i32
      %dma_wait3A_81 = arith.constant 0 : i32
      %dma_wait3A_82 = tpu.memref_slice %arg9[%dma_wait3A_80, %dma_wait3A_81] : memref<1024x16xf32, #tpu.memory_space<vmem>> -> memref<128x16xf32, #tpu.memory_space<vmem>>
      %dma_wait3A_83 = arith.constant 0 : i32
      %dma_wait3A_84 = tpu.memref_slice %arg7[%dma_wait3A_79, %dma_wait3A_83] : memref<8x128xi32, #tpu.memory_space<vmem>> -> memref<1x128xi32, #tpu.memory_space<vmem>>
      %dma_wait3A_85 = tpu.memref_squeeze %dma_wait3A_84 : memref<1x128xi32, #tpu.memory_space<vmem>> -> memref<128xi32, #tpu.memory_space<vmem>>
      %dma_wait3A_86 = arith.constant 0 : i32
      %dma_wait3A_87 = arith.constant 0 : i32
      %dma_wait3A_88 = tpu.memref_slice %arg4[%dma_wait3A_86, %dma_wait3A_87] : memref<100352x16xf32, #tpu.memory_space<hbm>> -> memref<100352x16xf32, #tpu.memory_space<hbm>>
      tpu.wait_indirect_dma semaphore(%arg11 : memref<!tpu.dma_semaphore, #tpu.memory_space<semaphore_mem>>) src(%dma_wait3A_88 : memref<100352x16xf32, #tpu.memory_space<hbm>>) dst(%dma_wait3A_82 : memref<128x16xf32, #tpu.memory_space<vmem>>)
      %dma_start3A_89 = arith.constant 1 : i32
      %dma_start3A_90 = arith.constant 128 : i32
      %dma_start3A_91 = arith.constant 0 : i32
      %dma_start3A_92 = tpu.memref_slice %arg9[%dma_start3A_90, %dma_start3A_91] : memref<1024x16xf32, #tpu.memory_space<vmem>> -> memref<128x16xf32, #tpu.memory_space<vmem>>
      %dma_start3A_93 = arith.constant 0 : i32
      %dma_start3A_94 = tpu.memref_slice %arg8[%dma_start3A_89, %dma_start3A_93] : memref<8x128xi32, #tpu.memory_space<vmem>> -> memref<1x128xi32, #tpu.memory_space<vmem>>
      %dma_start3A_95 = tpu.memref_squeeze %dma_start3A_94 : memref<1x128xi32, #tpu.memory_space<vmem>> -> memref<128xi32, #tpu.memory_space<vmem>>
      %dma_start3A_96 = arith.constant 0 : i32
      %dma_start3A_97 = arith.constant 0 : i32
      %dma_start3A_98 = tpu.memref_slice %arg10[%dma_start3A_96, %dma_start3A_97] : memref<100352x16xf32, #tpu.memory_space<vmem_shared>> -> memref<100352x16xf32, #tpu.memory_space<vmem_shared>>
      tpu.enqueue_indirect_dma source(%dma_start3A_92 : memref<128x16xf32, #tpu.memory_space<vmem>>) target(%dma_start3A_98 : memref<100352x16xf32, #tpu.memory_space<vmem_shared>>) offsets(%dma_start3A_95 : memref<128xi32, #tpu.memory_space<vmem>>) semaphore(%arg12 : memref<!tpu.dma_semaphore, #tpu.memory_space<semaphore_mem>>) {add = true}
      %dma_wait3A_99 = arith.constant 1 : i32
      %dma_wait3A_100 = arith.constant 128 : i32
      %dma_wait3A_101 = arith.constant 0 : i32
      %dma_wait3A_102 = tpu.memref_slice %arg9[%dma_wait3A_100, %dma_wait3A_101] : memref<1024x16xf32, #tpu.memory_space<vmem>> -> memref<128x16xf32, #tpu.memory_space<vmem>>
      %dma_wait3A_103 = arith.constant 0 : i32
      %dma_wait3A_104 = tpu.memref_slice %arg8[%dma_wait3A_99, %dma_wait3A_103] : memref<8x128xi32, #tpu.memory_space<vmem>> -> memref<1x128xi32, #tpu.memory_space<vmem>>
      %dma_wait3A_105 = tpu.memref_squeeze %dma_wait3A_104 : memref<1x128xi32, #tpu.memory_space<vmem>> -> memref<128xi32, #tpu.memory_space<vmem>>
      %dma_wait3A_106 = arith.constant 0 : i32
      %dma_wait3A_107 = arith.constant 0 : i32
      %dma_wait3A_108 = tpu.memref_slice %arg10[%dma_wait3A_106, %dma_wait3A_107] : memref<100352x16xf32, #tpu.memory_space<vmem_shared>> -> memref<100352x16xf32, #tpu.memory_space<vmem_shared>>
      tpu.wait_indirect_dma semaphore(%arg12 : memref<!tpu.dma_semaphore, #tpu.memory_space<semaphore_mem>>) src(%dma_wait3A_102 : memref<128x16xf32, #tpu.memory_space<vmem>>) dst(%dma_wait3A_108 : memref<100352x16xf32, #tpu.memory_space<vmem_shared>>)
      %dma_start3A_109 = arith.constant 2 : i32
      %dma_start3A_110 = arith.constant 256 : i32
      %dma_start3A_111 = arith.constant 0 : i32
      %dma_start3A_112 = tpu.memref_slice %arg9[%dma_start3A_110, %dma_start3A_111] : memref<1024x16xf32, #tpu.memory_space<vmem>> -> memref<128x16xf32, #tpu.memory_space<vmem>>
      %dma_start3A_113 = arith.constant 0 : i32
      %dma_start3A_114 = tpu.memref_slice %arg7[%dma_start3A_109, %dma_start3A_113] : memref<8x128xi32, #tpu.memory_space<vmem>> -> memref<1x128xi32, #tpu.memory_space<vmem>>
      %dma_start3A_115 = tpu.memref_squeeze %dma_start3A_114 : memref<1x128xi32, #tpu.memory_space<vmem>> -> memref<128xi32, #tpu.memory_space<vmem>>
      %dma_start3A_116 = arith.constant 0 : i32
      %dma_start3A_117 = arith.constant 0 : i32
      %dma_start3A_118 = tpu.memref_slice %arg4[%dma_start3A_116, %dma_start3A_117] : memref<100352x16xf32, #tpu.memory_space<hbm>> -> memref<100352x16xf32, #tpu.memory_space<hbm>>
      tpu.enqueue_indirect_dma source(%dma_start3A_118 : memref<100352x16xf32, #tpu.memory_space<hbm>>) target(%dma_start3A_112 : memref<128x16xf32, #tpu.memory_space<vmem>>) offsets(%dma_start3A_115 : memref<128xi32, #tpu.memory_space<vmem>>) semaphore(%arg11 : memref<!tpu.dma_semaphore, #tpu.memory_space<semaphore_mem>>)
      %dma_wait3A_119 = arith.constant 2 : i32
      %dma_wait3A_120 = arith.constant 256 : i32
      %dma_wait3A_121 = arith.constant 0 : i32
      %dma_wait3A_122 = tpu.memref_slice %arg9[%dma_wait3A_120, %dma_wait3A_121] : memref<1024x16xf32, #tpu.memory_space<vmem>> -> memref<128x16xf32, #tpu.memory_space<vmem>>
      %dma_wait3A_123 = arith.constant 0 : i32
      %dma_wait3A_124 = tpu.memref_slice %arg7[%dma_wait3A_119, %dma_wait3A_123] : memref<8x128xi32, #tpu.memory_space<vmem>> -> memref<1x128xi32, #tpu.memory_space<vmem>>
      %dma_wait3A_125 = tpu.memref_squeeze %dma_wait3A_124 : memref<1x128xi32, #tpu.memory_space<vmem>> -> memref<128xi32, #tpu.memory_space<vmem>>
      %dma_wait3A_126 = arith.constant 0 : i32
      %dma_wait3A_127 = arith.constant 0 : i32
      %dma_wait3A_128 = tpu.memref_slice %arg4[%dma_wait3A_126, %dma_wait3A_127] : memref<100352x16xf32, #tpu.memory_space<hbm>> -> memref<100352x16xf32, #tpu.memory_space<hbm>>
      tpu.wait_indirect_dma semaphore(%arg11 : memref<!tpu.dma_semaphore, #tpu.memory_space<semaphore_mem>>) src(%dma_wait3A_128 : memref<100352x16xf32, #tpu.memory_space<hbm>>) dst(%dma_wait3A_122 : memref<128x16xf32, #tpu.memory_space<vmem>>)
      %dma_start3A_129 = arith.constant 2 : i32
      %dma_start3A_130 = arith.constant 256 : i32
      %dma_start3A_131 = arith.constant 0 : i32
      %dma_start3A_132 = tpu.memref_slice %arg9[%dma_start3A_130, %dma_start3A_131] : memref<1024x16xf32, #tpu.memory_space<vmem>> -> memref<128x16xf32, #tpu.memory_space<vmem>>
      %dma_start3A_133 = arith.constant 0 : i32
      %dma_start3A_134 = tpu.memref_slice %arg8[%dma_start3A_129, %dma_start3A_133] : memref<8x128xi32, #tpu.memory_space<vmem>> -> memref<1x128xi32, #tpu.memory_space<vmem>>
      %dma_start3A_135 = tpu.memref_squeeze %dma_start3A_134 : memref<1x128xi32, #tpu.memory_space<vmem>> -> memref<128xi32, #tpu.memory_space<vmem>>
      %dma_start3A_136 = arith.constant 0 : i32
      %dma_start3A_137 = arith.constant 0 : i32
      %dma_start3A_138 = tpu.memref_slice %arg10[%dma_start3A_136, %dma_start3A_137] : memref<100352x16xf32, #tpu.memory_space<vmem_shared>> -> memref<100352x16xf32, #tpu.memory_space<vmem_shared>>
      tpu.enqueue_indirect_dma source(%dma_start3A_132 : memref<128x16xf32, #tpu.memory_space<vmem>>) target(%dma_start3A_138 : memref<100352x16xf32, #tpu.memory_space<vmem_shared>>) offsets(%dma_start3A_135 : memref<128xi32, #tpu.memory_space<vmem>>) semaphore(%arg12 : memref<!tpu.dma_semaphore, #tpu.memory_space<semaphore_mem>>) {add = true}
      %dma_wait3A_139 = arith.constant 2 : i32
      %dma_wait3A_140 = arith.constant 256 : i32
      %dma_wait3A_141 = arith.constant 0 : i32
      %dma_wait3A_142 = tpu.memref_slice %arg9[%dma_wait3A_140, %dma_wait3A_141] : memref<1024x16xf32, #tpu.memory_space<vmem>> -> memref<128x16xf32, #tpu.memory_space<vmem>>
      %dma_wait3A_143 = arith.constant 0 : i32
      %dma_wait3A_144 = tpu.memref_slice %arg8[%dma_wait3A_139, %dma_wait3A_143] : memref<8x128xi32, #tpu.memory_space<vmem>> -> memref<1x128xi32, #tpu.memory_space<vmem>>
      %dma_wait3A_145 = tpu.memref_squeeze %dma_wait3A_144 : memref<1x128xi32, #tpu.memory_space<vmem>> -> memref<128xi32, #tpu.memory_space<vmem>>
      %dma_wait3A_146 = arith.constant 0 : i32
      %dma_wait3A_147 = arith.constant 0 : i32
      %dma_wait3A_148 = tpu.memref_slice %arg10[%dma_wait3A_146, %dma_wait3A_147] : memref<100352x16xf32, #tpu.memory_space<vmem_shared>> -> memref<100352x16xf32, #tpu.memory_space<vmem_shared>>
      tpu.wait_indirect_dma semaphore(%arg12 : memref<!tpu.dma_semaphore, #tpu.memory_space<semaphore_mem>>) src(%dma_wait3A_142 : memref<128x16xf32, #tpu.memory_space<vmem>>) dst(%dma_wait3A_148 : memref<100352x16xf32, #tpu.memory_space<vmem_shared>>)
      %dma_start3A_149 = arith.constant 3 : i32
      %dma_start3A_150 = arith.constant 384 : i32
      %dma_start3A_151 = arith.constant 0 : i32
      %dma_start3A_152 = tpu.memref_slice %arg9[%dma_start3A_150, %dma_start3A_151] : memref<1024x16xf32, #tpu.memory_space<vmem>> -> memref<128x16xf32, #tpu.memory_space<vmem>>
      %dma_start3A_153 = arith.constant 0 : i32
      %dma_start3A_154 = tpu.memref_slice %arg7[%dma_start3A_149, %dma_start3A_153] : memref<8x128xi32, #tpu.memory_space<vmem>> -> memref<1x128xi32, #tpu.memory_space<vmem>>
      %dma_start3A_155 = tpu.memref_squeeze %dma_start3A_154 : memref<1x128xi32, #tpu.memory_space<vmem>> -> memref<128xi32, #tpu.memory_space<vmem>>
      %dma_start3A_156 = arith.constant 0 : i32
      %dma_start3A_157 = arith.constant 0 : i32
      %dma_start3A_158 = tpu.memref_slice %arg4[%dma_start3A_156, %dma_start3A_157] : memref<100352x16xf32, #tpu.memory_space<hbm>> -> memref<100352x16xf32, #tpu.memory_space<hbm>>
      tpu.enqueue_indirect_dma source(%dma_start3A_158 : memref<100352x16xf32, #tpu.memory_space<hbm>>) target(%dma_start3A_152 : memref<128x16xf32, #tpu.memory_space<vmem>>) offsets(%dma_start3A_155 : memref<128xi32, #tpu.memory_space<vmem>>) semaphore(%arg11 : memref<!tpu.dma_semaphore, #tpu.memory_space<semaphore_mem>>)
      %dma_wait3A_159 = arith.constant 3 : i32
      %dma_wait3A_160 = arith.constant 384 : i32
      %dma_wait3A_161 = arith.constant 0 : i32
      %dma_wait3A_162 = tpu.memref_slice %arg9[%dma_wait3A_160, %dma_wait3A_161] : memref<1024x16xf32, #tpu.memory_space<vmem>> -> memref<128x16xf32, #tpu.memory_space<vmem>>
      %dma_wait3A_163 = arith.constant 0 : i32
      %dma_wait3A_164 = tpu.memref_slice %arg7[%dma_wait3A_159, %dma_wait3A_163] : memref<8x128xi32, #tpu.memory_space<vmem>> -> memref<1x128xi32, #tpu.memory_space<vmem>>
      %dma_wait3A_165 = tpu.memref_squeeze %dma_wait3A_164 : memref<1x128xi32, #tpu.memory_space<vmem>> -> memref<128xi32, #tpu.memory_space<vmem>>
      %dma_wait3A_166 = arith.constant 0 : i32
      %dma_wait3A_167 = arith.constant 0 : i32
      %dma_wait3A_168 = tpu.memref_slice %arg4[%dma_wait3A_166, %dma_wait3A_167] : memref<100352x16xf32, #tpu.memory_space<hbm>> -> memref<100352x16xf32, #tpu.memory_space<hbm>>
      tpu.wait_indirect_dma semaphore(%arg11 : memref<!tpu.dma_semaphore, #tpu.memory_space<semaphore_mem>>) src(%dma_wait3A_168 : memref<100352x16xf32, #tpu.memory_space<hbm>>) dst(%dma_wait3A_162 : memref<128x16xf32, #tpu.memory_space<vmem>>)
      %dma_start3A_169 = arith.constant 3 : i32
      %dma_start3A_170 = arith.constant 384 : i32
      %dma_start3A_171 = arith.constant 0 : i32
      %dma_start3A_172 = tpu.memref_slice %arg9[%dma_start3A_170, %dma_start3A_171] : memref<1024x16xf32, #tpu.memory_space<vmem>> -> memref<128x16xf32, #tpu.memory_space<vmem>>
      %dma_start3A_173 = arith.constant 0 : i32
      %dma_start3A_174 = tpu.memref_slice %arg8[%dma_start3A_169, %dma_start3A_173] : memref<8x128xi32, #tpu.memory_space<vmem>> -> memref<1x128xi32, #tpu.memory_space<vmem>>
      %dma_start3A_175 = tpu.memref_squeeze %dma_start3A_174 : memref<1x128xi32, #tpu.memory_space<vmem>> -> memref<128xi32, #tpu.memory_space<vmem>>
      %dma_start3A_176 = arith.constant 0 : i32
      %dma_start3A_177 = arith.constant 0 : i32
      %dma_start3A_178 = tpu.memref_slice %arg10[%dma_start3A_176, %dma_start3A_177] : memref<100352x16xf32, #tpu.memory_space<vmem_shared>> -> memref<100352x16xf32, #tpu.memory_space<vmem_shared>>
      tpu.enqueue_indirect_dma source(%dma_start3A_172 : memref<128x16xf32, #tpu.memory_space<vmem>>) target(%dma_start3A_178 : memref<100352x16xf32, #tpu.memory_space<vmem_shared>>) offsets(%dma_start3A_175 : memref<128xi32, #tpu.memory_space<vmem>>) semaphore(%arg12 : memref<!tpu.dma_semaphore, #tpu.memory_space<semaphore_mem>>) {add = true}
      %dma_wait3A_179 = arith.constant 3 : i32
      %dma_wait3A_180 = arith.constant 384 : i32
      %dma_wait3A_181 = arith.constant 0 : i32
      %dma_wait3A_182 = tpu.memref_slice %arg9[%dma_wait3A_180, %dma_wait3A_181] : memref<1024x16xf32, #tpu.memory_space<vmem>> -> memref<128x16xf32, #tpu.memory_space<vmem>>
      %dma_wait3A_183 = arith.constant 0 : i32
      %dma_wait3A_184 = tpu.memref_slice %arg8[%dma_wait3A_179, %dma_wait3A_183] : memref<8x128xi32, #tpu.memory_space<vmem>> -> memref<1x128xi32, #tpu.memory_space<vmem>>
      %dma_wait3A_185 = tpu.memref_squeeze %dma_wait3A_184 : memref<1x128xi32, #tpu.memory_space<vmem>> -> memref<128xi32, #tpu.memory_space<vmem>>
      %dma_wait3A_186 = arith.constant 0 : i32
      %dma_wait3A_187 = arith.constant 0 : i32
      %dma_wait3A_188 = tpu.memref_slice %arg10[%dma_wait3A_186, %dma_wait3A_187] : memref<100352x16xf32, #tpu.memory_space<vmem_shared>> -> memref<100352x16xf32, #tpu.memory_space<vmem_shared>>
      tpu.wait_indirect_dma semaphore(%arg12 : memref<!tpu.dma_semaphore, #tpu.memory_space<semaphore_mem>>) src(%dma_wait3A_182 : memref<128x16xf32, #tpu.memory_space<vmem>>) dst(%dma_wait3A_188 : memref<100352x16xf32, #tpu.memory_space<vmem_shared>>)
      %dma_start3A_189 = arith.constant 4 : i32
      %dma_start3A_190 = arith.constant 512 : i32
      %dma_start3A_191 = arith.constant 0 : i32
      %dma_start3A_192 = tpu.memref_slice %arg9[%dma_start3A_190, %dma_start3A_191] : memref<1024x16xf32, #tpu.memory_space<vmem>> -> memref<128x16xf32, #tpu.memory_space<vmem>>
      %dma_start3A_193 = arith.constant 0 : i32
      %dma_start3A_194 = tpu.memref_slice %arg7[%dma_start3A_189, %dma_start3A_193] : memref<8x128xi32, #tpu.memory_space<vmem>> -> memref<1x128xi32, #tpu.memory_space<vmem>>
      %dma_start3A_195 = tpu.memref_squeeze %dma_start3A_194 : memref<1x128xi32, #tpu.memory_space<vmem>> -> memref<128xi32, #tpu.memory_space<vmem>>
      %dma_start3A_196 = arith.constant 0 : i32
      %dma_start3A_197 = arith.constant 0 : i32
      %dma_start3A_198 = tpu.memref_slice %arg4[%dma_start3A_196, %dma_start3A_197] : memref<100352x16xf32, #tpu.memory_space<hbm>> -> memref<100352x16xf32, #tpu.memory_space<hbm>>
      tpu.enqueue_indirect_dma source(%dma_start3A_198 : memref<100352x16xf32, #tpu.memory_space<hbm>>) target(%dma_start3A_192 : memref<128x16xf32, #tpu.memory_space<vmem>>) offsets(%dma_start3A_195 : memref<128xi32, #tpu.memory_space<vmem>>) semaphore(%arg11 : memref<!tpu.dma_semaphore, #tpu.memory_space<semaphore_mem>>)
      %dma_wait3A_199 = arith.constant 4 : i32
      %dma_wait3A_200 = arith.constant 512 : i32
      %dma_wait3A_201 = arith.constant 0 : i32
      %dma_wait3A_202 = tpu.memref_slice %arg9[%dma_wait3A_200, %dma_wait3A_201] : memref<1024x16xf32, #tpu.memory_space<vmem>> -> memref<128x16xf32, #tpu.memory_space<vmem>>
      %dma_wait3A_203 = arith.constant 0 : i32
      %dma_wait3A_204 = tpu.memref_slice %arg7[%dma_wait3A_199, %dma_wait3A_203] : memref<8x128xi32, #tpu.memory_space<vmem>> -> memref<1x128xi32, #tpu.memory_space<vmem>>
      %dma_wait3A_205 = tpu.memref_squeeze %dma_wait3A_204 : memref<1x128xi32, #tpu.memory_space<vmem>> -> memref<128xi32, #tpu.memory_space<vmem>>
      %dma_wait3A_206 = arith.constant 0 : i32
      %dma_wait3A_207 = arith.constant 0 : i32
      %dma_wait3A_208 = tpu.memref_slice %arg4[%dma_wait3A_206, %dma_wait3A_207] : memref<100352x16xf32, #tpu.memory_space<hbm>> -> memref<100352x16xf32, #tpu.memory_space<hbm>>
      tpu.wait_indirect_dma semaphore(%arg11 : memref<!tpu.dma_semaphore, #tpu.memory_space<semaphore_mem>>) src(%dma_wait3A_208 : memref<100352x16xf32, #tpu.memory_space<hbm>>) dst(%dma_wait3A_202 : memref<128x16xf32, #tpu.memory_space<vmem>>)
      %dma_start3A_209 = arith.constant 4 : i32
      %dma_start3A_210 = arith.constant 512 : i32
      %dma_start3A_211 = arith.constant 0 : i32
      %dma_start3A_212 = tpu.memref_slice %arg9[%dma_start3A_210, %dma_start3A_211] : memref<1024x16xf32, #tpu.memory_space<vmem>> -> memref<128x16xf32, #tpu.memory_space<vmem>>
      %dma_start3A_213 = arith.constant 0 : i32
      %dma_start3A_214 = tpu.memref_slice %arg8[%dma_start3A_209, %dma_start3A_213] : memref<8x128xi32, #tpu.memory_space<vmem>> -> memref<1x128xi32, #tpu.memory_space<vmem>>
      %dma_start3A_215 = tpu.memref_squeeze %dma_start3A_214 : memref<1x128xi32, #tpu.memory_space<vmem>> -> memref<128xi32, #tpu.memory_space<vmem>>
      %dma_start3A_216 = arith.constant 0 : i32
      %dma_start3A_217 = arith.constant 0 : i32
      %dma_start3A_218 = tpu.memref_slice %arg10[%dma_start3A_216, %dma_start3A_217] : memref<100352x16xf32, #tpu.memory_space<vmem_shared>> -> memref<100352x16xf32, #tpu.memory_space<vmem_shared>>
      tpu.enqueue_indirect_dma source(%dma_start3A_212 : memref<128x16xf32, #tpu.memory_space<vmem>>) target(%dma_start3A_218 : memref<100352x16xf32, #tpu.memory_space<vmem_shared>>) offsets(%dma_start3A_215 : memref<128xi32, #tpu.memory_space<vmem>>) semaphore(%arg12 : memref<!tpu.dma_semaphore, #tpu.memory_space<semaphore_mem>>) {add = true}
      %dma_wait3A_219 = arith.constant 4 : i32
      %dma_wait3A_220 = arith.constant 512 : i32
      %dma_wait3A_221 = arith.constant 0 : i32
      %dma_wait3A_222 = tpu.memref_slice %arg9[%dma_wait3A_220, %dma_wait3A_221] : memref<1024x16xf32, #tpu.memory_space<vmem>> -> memref<128x16xf32, #tpu.memory_space<vmem>>
      %dma_wait3A_223 = arith.constant 0 : i32
      %dma_wait3A_224 = tpu.memref_slice %arg8[%dma_wait3A_219, %dma_wait3A_223] : memref<8x128xi32, #tpu.memory_space<vmem>> -> memref<1x128xi32, #tpu.memory_space<vmem>>
      %dma_wait3A_225 = tpu.memref_squeeze %dma_wait3A_224 : memref<1x128xi32, #tpu.memory_space<vmem>> -> memref<128xi32, #tpu.memory_space<vmem>>
      %dma_wait3A_226 = arith.constant 0 : i32
      %dma_wait3A_227 = arith.constant 0 : i32
      %dma_wait3A_228 = tpu.memref_slice %arg10[%dma_wait3A_226, %dma_wait3A_227] : memref<100352x16xf32, #tpu.memory_space<vmem_shared>> -> memref<100352x16xf32, #tpu.memory_space<vmem_shared>>
      tpu.wait_indirect_dma semaphore(%arg12 : memref<!tpu.dma_semaphore, #tpu.memory_space<semaphore_mem>>) src(%dma_wait3A_222 : memref<128x16xf32, #tpu.memory_space<vmem>>) dst(%dma_wait3A_228 : memref<100352x16xf32, #tpu.memory_space<vmem_shared>>)
      %dma_start3A_229 = arith.constant 5 : i32
      %dma_start3A_230 = arith.constant 640 : i32
      %dma_start3A_231 = arith.constant 0 : i32
      %dma_start3A_232 = tpu.memref_slice %arg9[%dma_start3A_230, %dma_start3A_231] : memref<1024x16xf32, #tpu.memory_space<vmem>> -> memref<128x16xf32, #tpu.memory_space<vmem>>
      %dma_start3A_233 = arith.constant 0 : i32
      %dma_start3A_234 = tpu.memref_slice %arg7[%dma_start3A_229, %dma_start3A_233] : memref<8x128xi32, #tpu.memory_space<vmem>> -> memref<1x128xi32, #tpu.memory_space<vmem>>
      %dma_start3A_235 = tpu.memref_squeeze %dma_start3A_234 : memref<1x128xi32, #tpu.memory_space<vmem>> -> memref<128xi32, #tpu.memory_space<vmem>>
      %dma_start3A_236 = arith.constant 0 : i32
      %dma_start3A_237 = arith.constant 0 : i32
      %dma_start3A_238 = tpu.memref_slice %arg4[%dma_start3A_236, %dma_start3A_237] : memref<100352x16xf32, #tpu.memory_space<hbm>> -> memref<100352x16xf32, #tpu.memory_space<hbm>>
      tpu.enqueue_indirect_dma source(%dma_start3A_238 : memref<100352x16xf32, #tpu.memory_space<hbm>>) target(%dma_start3A_232 : memref<128x16xf32, #tpu.memory_space<vmem>>) offsets(%dma_start3A_235 : memref<128xi32, #tpu.memory_space<vmem>>) semaphore(%arg11 : memref<!tpu.dma_semaphore, #tpu.memory_space<semaphore_mem>>)
      %dma_wait3A_239 = arith.constant 5 : i32
      %dma_wait3A_240 = arith.constant 640 : i32
      %dma_wait3A_241 = arith.constant 0 : i32
      %dma_wait3A_242 = tpu.memref_slice %arg9[%dma_wait3A_240, %dma_wait3A_241] : memref<1024x16xf32, #tpu.memory_space<vmem>> -> memref<128x16xf32, #tpu.memory_space<vmem>>
      %dma_wait3A_243 = arith.constant 0 : i32
      %dma_wait3A_244 = tpu.memref_slice %arg7[%dma_wait3A_239, %dma_wait3A_243] : memref<8x128xi32, #tpu.memory_space<vmem>> -> memref<1x128xi32, #tpu.memory_space<vmem>>
      %dma_wait3A_245 = tpu.memref_squeeze %dma_wait3A_244 : memref<1x128xi32, #tpu.memory_space<vmem>> -> memref<128xi32, #tpu.memory_space<vmem>>
      %dma_wait3A_246 = arith.constant 0 : i32
      %dma_wait3A_247 = arith.constant 0 : i32
      %dma_wait3A_248 = tpu.memref_slice %arg4[%dma_wait3A_246, %dma_wait3A_247] : memref<100352x16xf32, #tpu.memory_space<hbm>> -> memref<100352x16xf32, #tpu.memory_space<hbm>>
      tpu.wait_indirect_dma semaphore(%arg11 : memref<!tpu.dma_semaphore, #tpu.memory_space<semaphore_mem>>) src(%dma_wait3A_248 : memref<100352x16xf32, #tpu.memory_space<hbm>>) dst(%dma_wait3A_242 : memref<128x16xf32, #tpu.memory_space<vmem>>)
      %dma_start3A_249 = arith.constant 5 : i32
      %dma_start3A_250 = arith.constant 640 : i32
      %dma_start3A_251 = arith.constant 0 : i32
      %dma_start3A_252 = tpu.memref_slice %arg9[%dma_start3A_250, %dma_start3A_251] : memref<1024x16xf32, #tpu.memory_space<vmem>> -> memref<128x16xf32, #tpu.memory_space<vmem>>
      %dma_start3A_253 = arith.constant 0 : i32
      %dma_start3A_254 = tpu.memref_slice %arg8[%dma_start3A_249, %dma_start3A_253] : memref<8x128xi32, #tpu.memory_space<vmem>> -> memref<1x128xi32, #tpu.memory_space<vmem>>
      %dma_start3A_255 = tpu.memref_squeeze %dma_start3A_254 : memref<1x128xi32, #tpu.memory_space<vmem>> -> memref<128xi32, #tpu.memory_space<vmem>>
      %dma_start3A_256 = arith.constant 0 : i32
      %dma_start3A_257 = arith.constant 0 : i32
      %dma_start3A_258 = tpu.memref_slice %arg10[%dma_start3A_256, %dma_start3A_257] : memref<100352x16xf32, #tpu.memory_space<vmem_shared>> -> memref<100352x16xf32, #tpu.memory_space<vmem_shared>>
      tpu.enqueue_indirect_dma source(%dma_start3A_252 : memref<128x16xf32, #tpu.memory_space<vmem>>) target(%dma_start3A_258 : memref<100352x16xf32, #tpu.memory_space<vmem_shared>>) offsets(%dma_start3A_255 : memref<128xi32, #tpu.memory_space<vmem>>) semaphore(%arg12 : memref<!tpu.dma_semaphore, #tpu.memory_space<semaphore_mem>>) {add = true}
      %dma_wait3A_259 = arith.constant 5 : i32
      %dma_wait3A_260 = arith.constant 640 : i32
      %dma_wait3A_261 = arith.constant 0 : i32
      %dma_wait3A_262 = tpu.memref_slice %arg9[%dma_wait3A_260, %dma_wait3A_261] : memref<1024x16xf32, #tpu.memory_space<vmem>> -> memref<128x16xf32, #tpu.memory_space<vmem>>
      %dma_wait3A_263 = arith.constant 0 : i32
      %dma_wait3A_264 = tpu.memref_slice %arg8[%dma_wait3A_259, %dma_wait3A_263] : memref<8x128xi32, #tpu.memory_space<vmem>> -> memref<1x128xi32, #tpu.memory_space<vmem>>
      %dma_wait3A_265 = tpu.memref_squeeze %dma_wait3A_264 : memref<1x128xi32, #tpu.memory_space<vmem>> -> memref<128xi32, #tpu.memory_space<vmem>>
      %dma_wait3A_266 = arith.constant 0 : i32
      %dma_wait3A_267 = arith.constant 0 : i32
      %dma_wait3A_268 = tpu.memref_slice %arg10[%dma_wait3A_266, %dma_wait3A_267] : memref<100352x16xf32, #tpu.memory_space<vmem_shared>> -> memref<100352x16xf32, #tpu.memory_space<vmem_shared>>
      tpu.wait_indirect_dma semaphore(%arg12 : memref<!tpu.dma_semaphore, #tpu.memory_space<semaphore_mem>>) src(%dma_wait3A_262 : memref<128x16xf32, #tpu.memory_space<vmem>>) dst(%dma_wait3A_268 : memref<100352x16xf32, #tpu.memory_space<vmem_shared>>)
      %dma_start3A_269 = arith.constant 6 : i32
      %dma_start3A_270 = arith.constant 768 : i32
      %dma_start3A_271 = arith.constant 0 : i32
      %dma_start3A_272 = tpu.memref_slice %arg9[%dma_start3A_270, %dma_start3A_271] : memref<1024x16xf32, #tpu.memory_space<vmem>> -> memref<128x16xf32, #tpu.memory_space<vmem>>
      %dma_start3A_273 = arith.constant 0 : i32
      %dma_start3A_274 = tpu.memref_slice %arg7[%dma_start3A_269, %dma_start3A_273] : memref<8x128xi32, #tpu.memory_space<vmem>> -> memref<1x128xi32, #tpu.memory_space<vmem>>
      %dma_start3A_275 = tpu.memref_squeeze %dma_start3A_274 : memref<1x128xi32, #tpu.memory_space<vmem>> -> memref<128xi32, #tpu.memory_space<vmem>>
      %dma_start3A_276 = arith.constant 0 : i32
      %dma_start3A_277 = arith.constant 0 : i32
      %dma_start3A_278 = tpu.memref_slice %arg4[%dma_start3A_276, %dma_start3A_277] : memref<100352x16xf32, #tpu.memory_space<hbm>> -> memref<100352x16xf32, #tpu.memory_space<hbm>>
      tpu.enqueue_indirect_dma source(%dma_start3A_278 : memref<100352x16xf32, #tpu.memory_space<hbm>>) target(%dma_start3A_272 : memref<128x16xf32, #tpu.memory_space<vmem>>) offsets(%dma_start3A_275 : memref<128xi32, #tpu.memory_space<vmem>>) semaphore(%arg11 : memref<!tpu.dma_semaphore, #tpu.memory_space<semaphore_mem>>)
      %dma_wait3A_279 = arith.constant 6 : i32
      %dma_wait3A_280 = arith.constant 768 : i32
      %dma_wait3A_281 = arith.constant 0 : i32
      %dma_wait3A_282 = tpu.memref_slice %arg9[%dma_wait3A_280, %dma_wait3A_281] : memref<1024x16xf32, #tpu.memory_space<vmem>> -> memref<128x16xf32, #tpu.memory_space<vmem>>
      %dma_wait3A_283 = arith.constant 0 : i32
      %dma_wait3A_284 = tpu.memref_slice %arg7[%dma_wait3A_279, %dma_wait3A_283] : memref<8x128xi32, #tpu.memory_space<vmem>> -> memref<1x128xi32, #tpu.memory_space<vmem>>
      %dma_wait3A_285 = tpu.memref_squeeze %dma_wait3A_284 : memref<1x128xi32, #tpu.memory_space<vmem>> -> memref<128xi32, #tpu.memory_space<vmem>>
      %dma_wait3A_286 = arith.constant 0 : i32
      %dma_wait3A_287 = arith.constant 0 : i32
      %dma_wait3A_288 = tpu.memref_slice %arg4[%dma_wait3A_286, %dma_wait3A_287] : memref<100352x16xf32, #tpu.memory_space<hbm>> -> memref<100352x16xf32, #tpu.memory_space<hbm>>
      tpu.wait_indirect_dma semaphore(%arg11 : memref<!tpu.dma_semaphore, #tpu.memory_space<semaphore_mem>>) src(%dma_wait3A_288 : memref<100352x16xf32, #tpu.memory_space<hbm>>) dst(%dma_wait3A_282 : memref<128x16xf32, #tpu.memory_space<vmem>>)
      %dma_start3A_289 = arith.constant 6 : i32
      %dma_start3A_290 = arith.constant 768 : i32
      %dma_start3A_291 = arith.constant 0 : i32
      %dma_start3A_292 = tpu.memref_slice %arg9[%dma_start3A_290, %dma_start3A_291] : memref<1024x16xf32, #tpu.memory_space<vmem>> -> memref<128x16xf32, #tpu.memory_space<vmem>>
      %dma_start3A_293 = arith.constant 0 : i32
      %dma_start3A_294 = tpu.memref_slice %arg8[%dma_start3A_289, %dma_start3A_293] : memref<8x128xi32, #tpu.memory_space<vmem>> -> memref<1x128xi32, #tpu.memory_space<vmem>>
      %dma_start3A_295 = tpu.memref_squeeze %dma_start3A_294 : memref<1x128xi32, #tpu.memory_space<vmem>> -> memref<128xi32, #tpu.memory_space<vmem>>
      %dma_start3A_296 = arith.constant 0 : i32
      %dma_start3A_297 = arith.constant 0 : i32
      %dma_start3A_298 = tpu.memref_slice %arg10[%dma_start3A_296, %dma_start3A_297] : memref<100352x16xf32, #tpu.memory_space<vmem_shared>> -> memref<100352x16xf32, #tpu.memory_space<vmem_shared>>
      tpu.enqueue_indirect_dma source(%dma_start3A_292 : memref<128x16xf32, #tpu.memory_space<vmem>>) target(%dma_start3A_298 : memref<100352x16xf32, #tpu.memory_space<vmem_shared>>) offsets(%dma_start3A_295 : memref<128xi32, #tpu.memory_space<vmem>>) semaphore(%arg12 : memref<!tpu.dma_semaphore, #tpu.memory_space<semaphore_mem>>) {add = true}
      %dma_wait3A_299 = arith.constant 6 : i32
      %dma_wait3A_300 = arith.constant 768 : i32
      %dma_wait3A_301 = arith.constant 0 : i32
      %dma_wait3A_302 = tpu.memref_slice %arg9[%dma_wait3A_300, %dma_wait3A_301] : memref<1024x16xf32, #tpu.memory_space<vmem>> -> memref<128x16xf32, #tpu.memory_space<vmem>>
      %dma_wait3A_303 = arith.constant 0 : i32
      %dma_wait3A_304 = tpu.memref_slice %arg8[%dma_wait3A_299, %dma_wait3A_303] : memref<8x128xi32, #tpu.memory_space<vmem>> -> memref<1x128xi32, #tpu.memory_space<vmem>>
      %dma_wait3A_305 = tpu.memref_squeeze %dma_wait3A_304 : memref<1x128xi32, #tpu.memory_space<vmem>> -> memref<128xi32, #tpu.memory_space<vmem>>
      %dma_wait3A_306 = arith.constant 0 : i32
      %dma_wait3A_307 = arith.constant 0 : i32
      %dma_wait3A_308 = tpu.memref_slice %arg10[%dma_wait3A_306, %dma_wait3A_307] : memref<100352x16xf32, #tpu.memory_space<vmem_shared>> -> memref<100352x16xf32, #tpu.memory_space<vmem_shared>>
      tpu.wait_indirect_dma semaphore(%arg12 : memref<!tpu.dma_semaphore, #tpu.memory_space<semaphore_mem>>) src(%dma_wait3A_302 : memref<128x16xf32, #tpu.memory_space<vmem>>) dst(%dma_wait3A_308 : memref<100352x16xf32, #tpu.memory_space<vmem_shared>>)
      %dma_start3A_309 = arith.constant 7 : i32
      %dma_start3A_310 = arith.constant 896 : i32
      %dma_start3A_311 = arith.constant 0 : i32
      %dma_start3A_312 = tpu.memref_slice %arg9[%dma_start3A_310, %dma_start3A_311] : memref<1024x16xf32, #tpu.memory_space<vmem>> -> memref<128x16xf32, #tpu.memory_space<vmem>>
      %dma_start3A_313 = arith.constant 0 : i32
      %dma_start3A_314 = tpu.memref_slice %arg7[%dma_start3A_309, %dma_start3A_313] : memref<8x128xi32, #tpu.memory_space<vmem>> -> memref<1x128xi32, #tpu.memory_space<vmem>>
      %dma_start3A_315 = tpu.memref_squeeze %dma_start3A_314 : memref<1x128xi32, #tpu.memory_space<vmem>> -> memref<128xi32, #tpu.memory_space<vmem>>
      %dma_start3A_316 = arith.constant 0 : i32
      %dma_start3A_317 = arith.constant 0 : i32
      %dma_start3A_318 = tpu.memref_slice %arg4[%dma_start3A_316, %dma_start3A_317] : memref<100352x16xf32, #tpu.memory_space<hbm>> -> memref<100352x16xf32, #tpu.memory_space<hbm>>
      tpu.enqueue_indirect_dma source(%dma_start3A_318 : memref<100352x16xf32, #tpu.memory_space<hbm>>) target(%dma_start3A_312 : memref<128x16xf32, #tpu.memory_space<vmem>>) offsets(%dma_start3A_315 : memref<128xi32, #tpu.memory_space<vmem>>) semaphore(%arg11 : memref<!tpu.dma_semaphore, #tpu.memory_space<semaphore_mem>>)
      %dma_wait3A_319 = arith.constant 7 : i32
      %dma_wait3A_320 = arith.constant 896 : i32
      %dma_wait3A_321 = arith.constant 0 : i32
      %dma_wait3A_322 = tpu.memref_slice %arg9[%dma_wait3A_320, %dma_wait3A_321] : memref<1024x16xf32, #tpu.memory_space<vmem>> -> memref<128x16xf32, #tpu.memory_space<vmem>>
      %dma_wait3A_323 = arith.constant 0 : i32
      %dma_wait3A_324 = tpu.memref_slice %arg7[%dma_wait3A_319, %dma_wait3A_323] : memref<8x128xi32, #tpu.memory_space<vmem>> -> memref<1x128xi32, #tpu.memory_space<vmem>>
      %dma_wait3A_325 = tpu.memref_squeeze %dma_wait3A_324 : memref<1x128xi32, #tpu.memory_space<vmem>> -> memref<128xi32, #tpu.memory_space<vmem>>
      %dma_wait3A_326 = arith.constant 0 : i32
      %dma_wait3A_327 = arith.constant 0 : i32
      %dma_wait3A_328 = tpu.memref_slice %arg4[%dma_wait3A_326, %dma_wait3A_327] : memref<100352x16xf32, #tpu.memory_space<hbm>> -> memref<100352x16xf32, #tpu.memory_space<hbm>>
      tpu.wait_indirect_dma semaphore(%arg11 : memref<!tpu.dma_semaphore, #tpu.memory_space<semaphore_mem>>) src(%dma_wait3A_328 : memref<100352x16xf32, #tpu.memory_space<hbm>>) dst(%dma_wait3A_322 : memref<128x16xf32, #tpu.memory_space<vmem>>)
      %dma_start3A_329 = arith.constant 7 : i32
      %dma_start3A_330 = arith.constant 896 : i32
      %dma_start3A_331 = arith.constant 0 : i32
      %dma_start3A_332 = tpu.memref_slice %arg9[%dma_start3A_330, %dma_start3A_331] : memref<1024x16xf32, #tpu.memory_space<vmem>> -> memref<128x16xf32, #tpu.memory_space<vmem>>
      %dma_start3A_333 = arith.constant 0 : i32
      %dma_start3A_334 = tpu.memref_slice %arg8[%dma_start3A_329, %dma_start3A_333] : memref<8x128xi32, #tpu.memory_space<vmem>> -> memref<1x128xi32, #tpu.memory_space<vmem>>
      %dma_start3A_335 = tpu.memref_squeeze %dma_start3A_334 : memref<1x128xi32, #tpu.memory_space<vmem>> -> memref<128xi32, #tpu.memory_space<vmem>>
      %dma_start3A_336 = arith.constant 0 : i32
      %dma_start3A_337 = arith.constant 0 : i32
      %dma_start3A_338 = tpu.memref_slice %arg10[%dma_start3A_336, %dma_start3A_337] : memref<100352x16xf32, #tpu.memory_space<vmem_shared>> -> memref<100352x16xf32, #tpu.memory_space<vmem_shared>>
      tpu.enqueue_indirect_dma source(%dma_start3A_332 : memref<128x16xf32, #tpu.memory_space<vmem>>) target(%dma_start3A_338 : memref<100352x16xf32, #tpu.memory_space<vmem_shared>>) offsets(%dma_start3A_335 : memref<128xi32, #tpu.memory_space<vmem>>) semaphore(%arg12 : memref<!tpu.dma_semaphore, #tpu.memory_space<semaphore_mem>>) {add = true}
      %dma_wait3A_339 = arith.constant 7 : i32
      %dma_wait3A_340 = arith.constant 896 : i32
      %dma_wait3A_341 = arith.constant 0 : i32
      %dma_wait3A_342 = tpu.memref_slice %arg9[%dma_wait3A_340, %dma_wait3A_341] : memref<1024x16xf32, #tpu.memory_space<vmem>> -> memref<128x16xf32, #tpu.memory_space<vmem>>
      %dma_wait3A_343 = arith.constant 0 : i32
      %dma_wait3A_344 = tpu.memref_slice %arg8[%dma_wait3A_339, %dma_wait3A_343] : memref<8x128xi32, #tpu.memory_space<vmem>> -> memref<1x128xi32, #tpu.memory_space<vmem>>
      %dma_wait3A_345 = tpu.memref_squeeze %dma_wait3A_344 : memref<1x128xi32, #tpu.memory_space<vmem>> -> memref<128xi32, #tpu.memory_space<vmem>>
      %dma_wait3A_346 = arith.constant 0 : i32
      %dma_wait3A_347 = arith.constant 0 : i32
      %dma_wait3A_348 = tpu.memref_slice %arg10[%dma_wait3A_346, %dma_wait3A_347] : memref<100352x16xf32, #tpu.memory_space<vmem_shared>> -> memref<100352x16xf32, #tpu.memory_space<vmem_shared>>
      tpu.wait_indirect_dma semaphore(%arg12 : memref<!tpu.dma_semaphore, #tpu.memory_space<semaphore_mem>>) src(%dma_wait3A_342 : memref<128x16xf32, #tpu.memory_space<vmem>>) dst(%dma_wait3A_348 : memref<100352x16xf32, #tpu.memory_space<vmem_shared>>)
    } else {
    }
    %barrier3A_13 = arith.constant 0 : index
    tpu.barrier barrier_id(%barrier3A_13)
    %mul3A_14 = arith.constant 6272 : i32
    %mul3A_15 = arith.muli %arg1, %mul3A_14 : i32
    %mul3A_16 = arith.constant 200704 : i32
    %mul3A_17 = arith.muli %scan3A_1, %mul3A_16 : i32
    %mul3A_18 = arith.constant 100352 : i32
    %mul3A_19 = arith.muli %arg0, %mul3A_18 : i32
    %add3A_20 = arith.addi %mul3A_17, %mul3A_19 : i32
    %mul3A_21 = arith.constant 6272 : i32
    %mul3A_22 = arith.muli %arg1, %mul3A_21 : i32
    %add3A_23 = arith.addi %add3A_20, %mul3A_22 : i32
    "tpu.region"() ({
      %run_scoped3A = tpu.sem_alloc : memref<!tpu.dma_semaphore, #tpu.memory_space<semaphore_mem>>
      %dma_start3A = arith.constant 0 : i32
      %dma_start3A_27 = tpu.memref_slice %arg6[%add3A_23, %dma_start3A] : memref<200704x16xf32, #tpu.memory_space<hbm>> -> memref<6272x16xf32, #tpu.memory_space<hbm>>
      %dma_start3A_28 = arith.constant 0 : i32
      %dma_start3A_29 = tpu.memref_slice %arg10[%mul3A_15, %dma_start3A_28] : memref<100352x16xf32, #tpu.memory_space<vmem_shared>> -> memref<6272x16xf32, #tpu.memory_space<vmem_shared>>
      tpu.enqueue_dma source(%dma_start3A_29 : memref<6272x16xf32, #tpu.memory_space<vmem_shared>>) target(%dma_start3A_27 : memref<6272x16xf32, #tpu.memory_space<hbm>>) target_semaphore(%run_scoped3A : memref<!tpu.dma_semaphore, #tpu.memory_space<semaphore_mem>>)
      %dma_wait3A = arith.constant 0 : i32
      %dma_wait3A_30 = tpu.memref_slice %arg6[%add3A_23, %dma_wait3A] : memref<200704x16xf32, #tpu.memory_space<hbm>> -> memref<6272x16xf32, #tpu.memory_space<hbm>>
      %dma_wait3A_31 = arith.constant 0 : i32
      %dma_wait3A_32 = tpu.memref_slice %arg10[%mul3A_15, %dma_wait3A_31] : memref<100352x16xf32, #tpu.memory_space<vmem_shared>> -> memref<6272x16xf32, #tpu.memory_space<vmem_shared>>
      tpu.wait_dma2 semaphore(%run_scoped3A : memref<!tpu.dma_semaphore, #tpu.memory_space<semaphore_mem>>) src(%dma_wait3A_32 : memref<6272x16xf32, #tpu.memory_space<vmem_shared>>) dst(%dma_wait3A_30 : memref<6272x16xf32, #tpu.memory_space<hbm>>)
      tpu.yield
    }) : () -> ()
    %barrier3A_24 = arith.constant 0 : index
    tpu.barrier barrier_id(%barrier3A_24)
    %scan3A_25 = arith.constant 0 : i32
    %scan3A_26 = arith.constant 1 : i32
    return
  }
}

module attributes {stable_mosaic.version = 14 : i64} {
  func.func @body(%arg0: i32, %arg1: memref<32x2048xf32, #tpu.memory_space<vmem>>, %arg2: memref<32x2048xf32, #tpu.memory_space<vmem>>, %arg3: memref<1x2048xf32, #tpu.memory_space<vmem>>, %arg4: memref<1x2048xf32, #tpu.memory_space<vmem>>, %arg5: memref<1x2048xf32, #tpu.memory_space<vmem>>, %arg6: memref<1x2048xf32, #tpu.memory_space<vmem>>, %arg7: memref<16x2048xf32, #tpu.memory_space<vmem>>) attributes {dimension_semantics = [#tpu.dimension_semantics<arbitrary>], iteration_bounds = array<i64: 49>, scalar_prefetch = 0 : i64, scratch_operands = 0 : i64, tpu.core_type = #tpu.core_type<tc>, window_params = [{transform_indices = @transform_0, window_bounds = array<i64: 32, 2048>}, {transform_indices = @transform_1, window_bounds = array<i64: 32, 2048>}, {transform_indices = @transform_2, window_bounds = array<i64: 1, 2048>}, {transform_indices = @transform_3, window_bounds = array<i64: 1, 2048>}, {transform_indices = @transform_4, window_bounds = array<i64: 1, 2048>}, {transform_indices = @transform_5, window_bounds = array<i64: 1, 2048>}, {transform_indices = @transform_6, window_bounds = array<i64: 16, 2048>}]} {
    %get3A = arith.constant 0 : index
    %get3A_0 = arith.constant 0 : index
    %get3A_1 = vector.load %arg1[%get3A, %get3A_0] : memref<32x2048xf32, #tpu.memory_space<vmem>>, vector<32x2048xf32>
    %reduce_sum3A = arith.constant dense<0.000000e+00> : vector<2048xf32>
    %reduce_sum3A_2 = vector.multi_reduction <add>, %get3A_1, %reduce_sum3A [0] : vector<32x2048xf32> to vector<2048xf32>
    %broadcast_in_dim3A = vector.shape_cast %reduce_sum3A_2 : vector<2048xf32> to vector<1x2048xf32>
    %get3A_3 = arith.constant 0 : index
    %get3A_4 = arith.constant 0 : index
    %get3A_5 = vector.load %arg2[%get3A_3, %get3A_4] : memref<32x2048xf32, #tpu.memory_space<vmem>>, vector<32x2048xf32>
    %reduce_sum3A_6 = arith.constant dense<0.000000e+00> : vector<2048xf32>
    %reduce_sum3A_7 = vector.multi_reduction <add>, %get3A_5, %reduce_sum3A_6 [0] : vector<32x2048xf32> to vector<2048xf32>
    %broadcast_in_dim3A_8 = vector.shape_cast %reduce_sum3A_7 : vector<2048xf32> to vector<1x2048xf32>
    %add3A = arith.constant 1.000000e+00 : f32
    %add3A_9 = vector.broadcast %add3A : f32 to vector<1x2048xf32>
    %add3A_10 = arith.addf %broadcast_in_dim3A_8, %add3A_9 : vector<1x2048xf32>
    %rsqrt3A = math.rsqrt %add3A_10 : vector<1x2048xf32>
    %get3A_11 = arith.constant 0 : index
    %get3A_12 = arith.constant 0 : index
    %get3A_13 = vector.load %arg3[%get3A_11, %get3A_12] : memref<1x2048xf32, #tpu.memory_space<vmem>>, vector<1x2048xf32>
    %mul3A = arith.mulf %rsqrt3A, %get3A_13 : vector<1x2048xf32>
    %mul3A_14 = arith.mulf %rsqrt3A, %broadcast_in_dim3A : vector<1x2048xf32>
    %swap3A = arith.constant 0 : index
    %swap3A_15 = arith.constant 0 : index
    %swap3A_16 = vector.load %arg4[%swap3A, %swap3A_15] : memref<1x2048xf32, #tpu.memory_space<vmem>>, vector<1x2048xf32>
    tpu.vector_store %arg4[%swap3A, %swap3A_15], %rsqrt3A {strides = array<i32>} : memref<1x2048xf32, #tpu.memory_space<vmem>>, vector<1x2048xf32>,
    %swap3A_17 = arith.constant 0 : index
    %swap3A_18 = arith.constant 0 : index
    %swap3A_19 = vector.load %arg5[%swap3A_17, %swap3A_18] : memref<1x2048xf32, #tpu.memory_space<vmem>>, vector<1x2048xf32>
    tpu.vector_store %arg5[%swap3A_17, %swap3A_18], %broadcast_in_dim3A_8 {strides = array<i32>} : memref<1x2048xf32, #tpu.memory_space<vmem>>, vector<1x2048xf32>,
    %swap3A_20 = arith.constant 0 : index
    %swap3A_21 = arith.constant 0 : index
    %swap3A_22 = vector.load %arg6[%swap3A_20, %swap3A_21] : memref<1x2048xf32, #tpu.memory_space<vmem>>, vector<1x2048xf32>
    tpu.vector_store %arg6[%swap3A_20, %swap3A_21], %broadcast_in_dim3A {strides = array<i32>} : memref<1x2048xf32, #tpu.memory_space<vmem>>, vector<1x2048xf32>,
    %broadcast_in_dim3A_23 = arith.constant 0.000000e+00 : f32
    %broadcast_in_dim3A_24 = vector.broadcast %broadcast_in_dim3A_23 : f32 to vector<14x2048xf32>
    %concatenate3A = tpu.concatenate %mul3A, %mul3A_14, %broadcast_in_dim3A_24 in 0 : vector<1x2048xf32>, vector<1x2048xf32>, vector<14x2048xf32> -> vector<16x2048xf32>
    %swap3A_25 = arith.constant 0 : index
    %swap3A_26 = arith.constant 0 : index
    %swap3A_27 = vector.load %arg7[%swap3A_25, %swap3A_26] : memref<16x2048xf32, #tpu.memory_space<vmem>>, vector<16x2048xf32>
    tpu.vector_store %arg7[%swap3A_25, %swap3A_26], %concatenate3A {strides = array<i32>} : memref<16x2048xf32, #tpu.memory_space<vmem>>, vector<16x2048xf32>,
    return
  }
  func.func @transform_0(%arg0: i32) -> (i32, i32) {
    %c0_i32 = arith.constant 0 : i32
    %c0_i32_0 = arith.constant 0 : i32
    return %c0_i32, %arg0 : i32, i32
  }
  func.func @transform_1(%arg0: i32) -> (i32, i32) {
    %c0_i32 = arith.constant 0 : i32
    %c0_i32_0 = arith.constant 0 : i32
    return %c0_i32, %arg0 : i32, i32
  }
  func.func @transform_2(%arg0: i32) -> (i32, i32) {
    %c0_i32 = arith.constant 0 : i32
    %c0_i32_0 = arith.constant 0 : i32
    return %c0_i32, %arg0 : i32, i32
  }
  func.func @transform_3(%arg0: i32) -> (i32, i32) {
    %c0_i32 = arith.constant 0 : i32
    %c0_i32_0 = arith.constant 0 : i32
    return %c0_i32, %arg0 : i32, i32
  }
  func.func @transform_4(%arg0: i32) -> (i32, i32) {
    %c0_i32 = arith.constant 0 : i32
    %c0_i32_0 = arith.constant 0 : i32
    return %c0_i32, %arg0 : i32, i32
  }
  func.func @transform_5(%arg0: i32) -> (i32, i32) {
    %c0_i32 = arith.constant 0 : i32
    %c0_i32_0 = arith.constant 0 : i32
    return %c0_i32, %arg0 : i32, i32
  }
  func.func @transform_6(%arg0: i32) -> (i32, i32) {
    %c0_i32 = arith.constant 0 : i32
    %c0_i32_0 = arith.constant 0 : i32
    return %c0_i32, %arg0 : i32, i32
  }
}

module attributes {stable_mosaic.version = 14 : i64} {
  func.func @body(%arg0: i32, %arg1: memref<2x16x2048xf32, #tpu.memory_space<vmem>>, %arg2: memref<1x2048xf32, #tpu.memory_space<vmem>>, %arg3: memref<1x2048xf32, #tpu.memory_space<vmem>>, %arg4: memref<1x2048xf32, #tpu.memory_space<vmem>>, %arg5: memref<128x2xf32, #tpu.memory_space<vmem>>, %arg6: memref<128x1xf32, #tpu.memory_space<vmem>>, %arg7: memref<128x2048xf32, #tpu.memory_space<vmem>>) attributes {dimension_semantics = [#tpu.dimension_semantics<arbitrary>], iteration_bounds = array<i64: 49>, scalar_prefetch = 0 : i64, scratch_operands = 0 : i64, tpu.core_type = #tpu.core_type<tc>, window_params = [{transform_indices = @transform_0, window_bounds = array<i64: 2, 16, 2048>}, {transform_indices = @transform_1, window_bounds = array<i64: 1, 2048>}, {transform_indices = @transform_2, window_bounds = array<i64: 1, 2048>}, {transform_indices = @transform_3, window_bounds = array<i64: 1, 2048>}, {pipeline_mode = #tpu.pipeline_mode<synchronous>, transform_indices = @transform_4, window_bounds = array<i64: 128, 2>}, {pipeline_mode = #tpu.pipeline_mode<synchronous>, transform_indices = @transform_5, window_bounds = array<i64: 128, 1>}, {transform_indices = @transform_6, window_bounds = array<i64: 128, 2048>}]} {
    %get3A = arith.constant 0 : index
    %get3A_0 = arith.constant 0 : index
    %get3A_1 = arith.constant 0 : index
    %get3A_2 = vector.load %arg1[%get3A, %get3A_0, %get3A_1] : memref<2x16x2048xf32, #tpu.memory_space<vmem>>, vector<2x16x2048xf32>
    %slice3A = vector.extract_strided_slice %get3A_2 {offsets = [0, 0, 0], sizes = [1, 1, 2048], strides = [1, 1, 1]} : vector<2x16x2048xf32> to vector<1x1x2048xf32>
    %squeeze3A = vector.shape_cast %slice3A : vector<1x1x2048xf32> to vector<1x2048xf32>
    %slice3A_3 = vector.extract_strided_slice %get3A_2 {offsets = [1, 0, 0], sizes = [1, 1, 2048], strides = [1, 1, 1]} : vector<2x16x2048xf32> to vector<1x1x2048xf32>
    %squeeze3A_4 = vector.shape_cast %slice3A_3 : vector<1x1x2048xf32> to vector<1x2048xf32>
    %add3A = arith.addf %squeeze3A, %squeeze3A_4 : vector<1x2048xf32>
    %slice3A_5 = vector.extract_strided_slice %get3A_2 {offsets = [0, 1, 0], sizes = [1, 1, 2048], strides = [1, 1, 1]} : vector<2x16x2048xf32> to vector<1x1x2048xf32>
    %squeeze3A_6 = vector.shape_cast %slice3A_5 : vector<1x1x2048xf32> to vector<1x2048xf32>
    %slice3A_7 = vector.extract_strided_slice %get3A_2 {offsets = [1, 1, 0], sizes = [1, 1, 2048], strides = [1, 1, 1]} : vector<2x16x2048xf32> to vector<1x1x2048xf32>
    %squeeze3A_8 = vector.shape_cast %slice3A_7 : vector<1x1x2048xf32> to vector<1x2048xf32>
    %add3A_9 = arith.addf %squeeze3A_6, %squeeze3A_8 : vector<1x2048xf32>
    %get3A_10 = arith.constant 0 : index
    %get3A_11 = arith.constant 0 : index
    %get3A_12 = vector.load %arg2[%get3A_10, %get3A_11] : memref<1x2048xf32, #tpu.memory_space<vmem>>, vector<1x2048xf32>
    %get3A_13 = arith.constant 0 : index
    %get3A_14 = arith.constant 0 : index
    %get3A_15 = vector.load %arg3[%get3A_13, %get3A_14] : memref<1x2048xf32, #tpu.memory_space<vmem>>, vector<1x2048xf32>
    %mul3A = arith.mulf %get3A_12, %get3A_15 : vector<1x2048xf32>
    %add3A_16 = arith.addf %add3A, %mul3A : vector<1x2048xf32>
    %mul3A_17 = arith.mulf %get3A_12, %add3A_16 : vector<1x2048xf32>
    %get3A_18 = arith.constant 0 : index
    %get3A_19 = arith.constant 0 : index
    %get3A_20 = vector.load %arg4[%get3A_18, %get3A_19] : memref<1x2048xf32, #tpu.memory_space<vmem>>, vector<1x2048xf32>
    %mul3A_21 = arith.mulf %get3A_12, %get3A_20 : vector<1x2048xf32>
    %add3A_22 = arith.addf %add3A_9, %mul3A_21 : vector<1x2048xf32>
    %mul3A_23 = arith.mulf %get3A_12, %add3A_22 : vector<1x2048xf32>
    %get3A_24 = arith.constant 0 : index
    %get3A_25 = arith.constant 0 : index
    %get3A_26 = vector.load %arg5[%get3A_24, %get3A_25] : memref<128x2xf32, #tpu.memory_space<vmem>>, vector<128x2xf32>
    %slice3A_27 = vector.extract_strided_slice %get3A_26 {offsets = [0, 0], sizes = [128, 1], strides = [1, 1]} : vector<128x2xf32> to vector<128x1xf32>
    %mul3A_28 = vector.broadcast %slice3A_27 : vector<128x1xf32> to vector<128x2048xf32>
    %mul3A_29 = vector.broadcast %mul3A_17 : vector<1x2048xf32> to vector<128x2048xf32>
    %mul3A_30 = arith.mulf %mul3A_28, %mul3A_29 : vector<128x2048xf32>
    %slice3A_31 = vector.extract_strided_slice %get3A_26 {offsets = [0, 1], sizes = [128, 1], strides = [1, 1]} : vector<128x2xf32> to vector<128x1xf32>
    %mul3A_32 = vector.broadcast %slice3A_31 : vector<128x1xf32> to vector<128x2048xf32>
    %mul3A_33 = vector.broadcast %mul3A_23 : vector<1x2048xf32> to vector<128x2048xf32>
    %mul3A_34 = arith.mulf %mul3A_32, %mul3A_33 : vector<128x2048xf32>
    %add3A_35 = arith.addf %mul3A_30, %mul3A_34 : vector<128x2048xf32>
    %get3A_36 = arith.constant 0 : index
    %get3A_37 = arith.constant 0 : index
    %get3A_38 = vector.load %arg6[%get3A_36, %get3A_37] : memref<128x1xf32, #tpu.memory_space<vmem>>, vector<128x1xf32>
    %add3A_39 = vector.broadcast %get3A_38 : vector<128x1xf32> to vector<128x2048xf32>
    %add3A_40 = arith.addf %add3A_35, %add3A_39 : vector<128x2048xf32>
    %mul3A_41 = arith.constant 2048 : i32
    %mul3A_42 = arith.muli %arg0, %mul3A_41 : i32
    %iota3A = tpu.iota {dimensions = array<i32: 1>} : vector<1x2048xi32>
    %add3A_43 = vector.broadcast %mul3A_42 : i32 to vector<1x2048xi32>
    %add3A_44 = arith.addi %add3A_43, %iota3A : vector<1x2048xi32>
    %lt3A = arith.constant 100000 : i32
    %lt3A_45 = vector.broadcast %lt3A : i32 to vector<1x2048xi32>
    %lt3A_46 = arith.cmpi slt, %add3A_44, %lt3A_45 : vector<1x2048xi32>
    %max3A = arith.constant 0.000000e+00 : f32
    %max3A_47 = vector.broadcast %max3A : f32 to vector<128x2048xf32>
    %max3A_48 = arith.maximumf %add3A_40, %max3A_47 : vector<128x2048xf32>
    %jit3A = arith.constant 0.000000e+00 : f32
    %broadcast_in_dim3A = vector.shape_cast %lt3A_46 : vector<1x2048xi1> to vector<1x2048xi1>
    %broadcast_in_dim3A_49 = vector.broadcast %broadcast_in_dim3A : vector<1x2048xi1> to vector<128x2048xi1>
    %broadcast_in_dim3A_50 = vector.broadcast %jit3A : f32 to vector<128x2048xf32>
    %select_n3A = arith.select %broadcast_in_dim3A_49, %max3A_48, %broadcast_in_dim3A_50 : vector<128x2048xi1>, vector<128x2048xf32>
    %swap3A = arith.constant 0 : index
    %swap3A_51 = arith.constant 0 : index
    %swap3A_52 = vector.load %arg7[%swap3A, %swap3A_51] : memref<128x2048xf32, #tpu.memory_space<vmem>>, vector<128x2048xf32>
    tpu.vector_store %arg7[%swap3A, %swap3A_51], %select_n3A {strides = array<i32>} : memref<128x2048xf32, #tpu.memory_space<vmem>>, vector<128x2048xf32>,
    return
  }
  func.func @transform_0(%arg0: i32) -> (i32, i32, i32) {
    %c0_i32 = arith.constant 0 : i32
    %c0_i32_0 = arith.constant 0 : i32
    %c0_i32_1 = arith.constant 0 : i32
    return %c0_i32, %c0_i32_0, %arg0 : i32, i32, i32
  }
  func.func @transform_1(%arg0: i32) -> (i32, i32) {
    %c0_i32 = arith.constant 0 : i32
    %c0_i32_0 = arith.constant 0 : i32
    return %c0_i32, %arg0 : i32, i32
  }
  func.func @transform_2(%arg0: i32) -> (i32, i32) {
    %c0_i32 = arith.constant 0 : i32
    %c0_i32_0 = arith.constant 0 : i32
    return %c0_i32, %arg0 : i32, i32
  }
  func.func @transform_3(%arg0: i32) -> (i32, i32) {
    %c0_i32 = arith.constant 0 : i32
    %c0_i32_0 = arith.constant 0 : i32
    return %c0_i32, %arg0 : i32, i32
  }
  func.func @transform_4(%arg0: i32) -> (i32, i32) {
    %c0_i32 = arith.constant 0 : i32
    %c0_i32_0 = arith.constant 0 : i32
    %c0_i32_1 = arith.constant 0 : i32
    return %c0_i32, %c0_i32_0 : i32, i32
  }
  func.func @transform_5(%arg0: i32) -> (i32, i32) {
    %c0_i32 = arith.constant 0 : i32
    %c0_i32_0 = arith.constant 0 : i32
    %c0_i32_1 = arith.constant 0 : i32
    return %c0_i32, %c0_i32_0 : i32, i32
  }
  func.func @transform_6(%arg0: i32) -> (i32, i32) {
    %c0_i32 = arith.constant 0 : i32
    %c0_i32_0 = arith.constant 0 : i32
    return %c0_i32, %arg0 : i32, i32
  }
}

module attributes {stable_mosaic.version = 14 : i64} {
  func.func @body(%arg0: i32, %arg1: memref<128x2048xf32, #tpu.memory_space<vmem>>, %arg2: memref<128x2048xf32, #tpu.memory_space<vmem>>, %arg3: memref<128x2048xf32, #tpu.memory_space<vmem>>, %arg4: memref<1x2048xf32, #tpu.memory_space<vmem>>, %arg5: memref<128x128xf32, #tpu.memory_space<vmem>>, %arg6: memref<128x128xf32, #tpu.memory_space<vmem>>, %arg7: memref<64x128xf32, #tpu.memory_space<vmem>>, %arg8: memref<1x64xf32, #tpu.memory_space<vmem>>, %arg9: memref<128x1xf32, #tpu.memory_space<vmem>>, %arg10: memref<64x1xf32, #tpu.memory_space<vmem>>, %arg11: memref<1x1xf32, #tpu.memory_space<vmem>>, %arg12: memref<1x1xf32, #tpu.memory_space<vmem>>) attributes {dimension_semantics = [#tpu.dimension_semantics<arbitrary>], iteration_bounds = array<i64: 49>, scalar_prefetch = 0 : i64, scratch_operands = 0 : i64, tpu.core_type = #tpu.core_type<tc>, window_params = [{transform_indices = @transform_0, window_bounds = array<i64: 128, 2048>}, {transform_indices = @transform_1, window_bounds = array<i64: 128, 2048>}, {transform_indices = @transform_2, window_bounds = array<i64: 128, 2048>}, {transform_indices = @transform_3, window_bounds = array<i64: 1, 2048>}, {pipeline_mode = #tpu.pipeline_mode<synchronous>, transform_indices = @transform_4, window_bounds = array<i64: 128, 128>}, {pipeline_mode = #tpu.pipeline_mode<synchronous>, transform_indices = @transform_5, window_bounds = array<i64: 128, 128>}, {pipeline_mode = #tpu.pipeline_mode<synchronous>, transform_indices = @transform_6, window_bounds = array<i64: 64, 128>}, {pipeline_mode = #tpu.pipeline_mode<synchronous>, transform_indices = @transform_7, window_bounds = array<i64: 1, 64>}, {pipeline_mode = #tpu.pipeline_mode<synchronous>, transform_indices = @transform_8, window_bounds = array<i64: 128, 1>}, {pipeline_mode = #tpu.pipeline_mode<synchronous>, transform_indices = @transform_9, window_bounds = array<i64: 64, 1>}, {pipeline_mode = #tpu.pipeline_mode<synchronous>, transform_indices = @transform_10, window_bounds = array<i64: 1, 1>}, {pipeline_mode = #tpu.pipeline_mode<synchronous>, transform_indices = @transform_11, window_bounds = array<i64: 1, 1>}]} {
    %get3A = arith.constant 0 : index
    %get3A_0 = arith.constant 0 : index
    %get3A_1 = vector.load %arg4[%get3A, %get3A_0] : memref<1x2048xf32, #tpu.memory_space<vmem>>, vector<1x2048xf32>
    %max3A = arith.constant 1.000000e+00 : f32
    %max3A_2 = vector.broadcast %max3A : f32 to vector<1x2048xf32>
    %max3A_3 = arith.maximumf %get3A_1, %max3A_2 : vector<1x2048xf32>
    %div3A = arith.constant 1.000000e+00 : f32
    %div3A_4 = vector.broadcast %div3A : f32 to vector<1x2048xf32>
    %div3A_5 = arith.divf %div3A_4, %max3A_3 : vector<1x2048xf32>
    %get3A_6 = arith.constant 0 : index
    %get3A_7 = arith.constant 0 : index
    %get3A_8 = vector.load %arg1[%get3A_6, %get3A_7] : memref<128x2048xf32, #tpu.memory_space<vmem>>, vector<128x2048xf32>
    %get3A_9 = arith.constant 0 : index
    %get3A_10 = arith.constant 0 : index
    %get3A_11 = vector.load %arg2[%get3A_9, %get3A_10] : memref<128x2048xf32, #tpu.memory_space<vmem>>, vector<128x2048xf32>
    %add3A = arith.addf %get3A_8, %get3A_11 : vector<128x2048xf32>
    %mul3A = vector.broadcast %div3A_5 : vector<1x2048xf32> to vector<128x2048xf32>
    %mul3A_12 = arith.mulf %add3A, %mul3A : vector<128x2048xf32>
    %get3A_13 = arith.constant 0 : index
    %get3A_14 = arith.constant 0 : index
    %get3A_15 = vector.load %arg3[%get3A_13, %get3A_14] : memref<128x2048xf32, #tpu.memory_space<vmem>>, vector<128x2048xf32>
    %get3A_16 = arith.constant 0 : index
    %get3A_17 = arith.constant 0 : index
    %get3A_18 = vector.load %arg5[%get3A_16, %get3A_17] : memref<128x128xf32, #tpu.memory_space<vmem>>, vector<128x128xf32>
    %dot_general3A = arith.constant dense<0.000000e+00> : vector<128x2048xf32>
    %dot_general3A_19 = tpu.matmul %get3A_18, %mul3A_12, %dot_general3A {dimension_numbers = #tpu.dot_dimension_numbers<[1], [0], [0], [1], [0, 0, 1, 1], [], []>, transpose_lhs_hint = false} : vector<128x128xf32>, vector<128x2048xf32>, vector<128x2048xf32> -> vector<128x2048xf32>
    %get3A_20 = arith.constant 0 : index
    %get3A_21 = arith.constant 0 : index
    %get3A_22 = vector.load %arg9[%get3A_20, %get3A_21] : memref<128x1xf32, #tpu.memory_space<vmem>>, vector<128x1xf32>
    %add3A_23 = vector.broadcast %get3A_22 : vector<128x1xf32> to vector<128x2048xf32>
    %add3A_24 = arith.addf %dot_general3A_19, %add3A_23 : vector<128x2048xf32>
    %get3A_25 = arith.constant 0 : index
    %get3A_26 = arith.constant 0 : index
    %get3A_27 = vector.load %arg6[%get3A_25, %get3A_26] : memref<128x128xf32, #tpu.memory_space<vmem>>, vector<128x128xf32>
    %dot_general3A_28 = arith.constant dense<0.000000e+00> : vector<128x2048xf32>
    %dot_general3A_29 = tpu.matmul %get3A_27, %get3A_15, %dot_general3A_28 {dimension_numbers = #tpu.dot_dimension_numbers<[1], [0], [0], [1], [0, 0, 1, 1], [], []>, transpose_lhs_hint = false} : vector<128x128xf32>, vector<128x2048xf32>, vector<128x2048xf32> -> vector<128x2048xf32>
    %add3A_30 = arith.addf %add3A_24, %dot_general3A_29 : vector<128x2048xf32>
    %get3A_31 = arith.constant 0 : index
    %get3A_32 = arith.constant 0 : index
    %get3A_33 = vector.load %arg7[%get3A_31, %get3A_32] : memref<64x128xf32, #tpu.memory_space<vmem>>, vector<64x128xf32>
    %dot_general3A_34 = arith.constant dense<0.000000e+00> : vector<64x2048xf32>
    %dot_general3A_35 = tpu.matmul %get3A_33, %add3A_30, %dot_general3A_34 {dimension_numbers = #tpu.dot_dimension_numbers<[1], [0], [0], [1], [0, 0, 1, 1], [], []>, transpose_lhs_hint = false} : vector<64x128xf32>, vector<128x2048xf32>, vector<64x2048xf32> -> vector<64x2048xf32>
    %get3A_36 = arith.constant 0 : index
    %get3A_37 = arith.constant 0 : index
    %get3A_38 = vector.load %arg10[%get3A_36, %get3A_37] : memref<64x1xf32, #tpu.memory_space<vmem>>, vector<64x1xf32>
    %add3A_39 = vector.broadcast %get3A_38 : vector<64x1xf32> to vector<64x2048xf32>
    %add3A_40 = arith.addf %dot_general3A_35, %add3A_39 : vector<64x2048xf32>
    %max3A_41 = arith.constant 0.000000e+00 : f32
    %max3A_42 = vector.broadcast %max3A_41 : f32 to vector<64x2048xf32>
    %max3A_43 = arith.maximumf %add3A_40, %max3A_42 : vector<64x2048xf32>
    %get3A_44 = arith.constant 0 : index
    %get3A_45 = arith.constant 0 : index
    %get3A_46 = vector.load %arg8[%get3A_44, %get3A_45] : memref<1x64xf32, #tpu.memory_space<vmem>>, vector<1x64xf32>
    %dot_general3A_47 = arith.constant dense<0.000000e+00> : vector<1x2048xf32>
    %dot_general3A_48 = tpu.matmul %get3A_46, %max3A_43, %dot_general3A_47 {dimension_numbers = #tpu.dot_dimension_numbers<[1], [0], [0], [1], [0, 0, 1, 1], [], []>, transpose_lhs_hint = false} : vector<1x64xf32>, vector<64x2048xf32>, vector<1x2048xf32> -> vector<1x2048xf32>
    %get3A_49 = arith.constant 0 : index
    %get3A_50 = arith.constant 0 : index
    %get3A_51 = vector.load %arg11[%get3A_49, %get3A_50] : memref<1x1xf32, #tpu.memory_space<vmem>>, vector<1x1xf32>
    %add3A_52 = vector.broadcast %get3A_51 : vector<1x1xf32> to vector<1x2048xf32>
    %add3A_53 = arith.addf %dot_general3A_48, %add3A_52 : vector<1x2048xf32>
    %mul3A_54 = arith.constant 2048 : i32
    %mul3A_55 = arith.muli %arg0, %mul3A_54 : i32
    %iota3A = tpu.iota {dimensions = array<i32: 1>} : vector<1x2048xi32>
    %add3A_56 = vector.broadcast %mul3A_55 : i32 to vector<1x2048xi32>
    %add3A_57 = arith.addi %add3A_56, %iota3A : vector<1x2048xi32>
    %lt3A = arith.constant 100000 : i32
    %lt3A_58 = vector.broadcast %lt3A : i32 to vector<1x2048xi32>
    %lt3A_59 = arith.cmpi slt, %add3A_57, %lt3A_58 : vector<1x2048xi32>
    %jit3A = arith.constant 0.000000e+00 : f32
    %broadcast_in_dim3A = vector.broadcast %jit3A : f32 to vector<1x2048xf32>
    %select_n3A = arith.select %lt3A_59, %add3A_53, %broadcast_in_dim3A : vector<1x2048xi1>, vector<1x2048xf32>
    %reduce_sum3A = vector.shape_cast %select_n3A : vector<1x2048xf32> to vector<1x1x2048xf32>
    %reduce_sum3A_60 = arith.constant dense<0.000000e+00> : vector<1xf32>
    %reduce_sum3A_61 = vector.multi_reduction <add>, %reduce_sum3A, %reduce_sum3A_60 [1, 2] : vector<1x1x2048xf32> to vector<1xf32>
    %reduce_sum3A_62 = vector.shape_cast %reduce_sum3A_61 : vector<1xf32> to vector<1x1x1xf32>
    %reduce_sum3A_63 = vector.extract %reduce_sum3A_62[0, 0, 0] : f32 from vector<1x1x1xf32>
    %reshape3A = vector.broadcast %reduce_sum3A_63 : f32 to vector<1x1xf32>
    %eq3A = arith.constant 0 : i32
    %eq3A_64 = arith.cmpi eq, %arg0, %eq3A : i32
    %broadcast_in_dim3A_65 = arith.constant 0.000000e+00 : f32
    %broadcast_in_dim3A_66 = vector.broadcast %broadcast_in_dim3A_65 : f32 to vector<1x1xf32>
    %get3A_67 = arith.constant 0 : index
    %get3A_68 = arith.constant 0 : index
    %get3A_69 = vector.load %arg12[%get3A_67, %get3A_68] : memref<1x1xf32, #tpu.memory_space<vmem>>, vector<1x1xf32>
    %select_n3A_70 = arith.select %eq3A_64, %broadcast_in_dim3A_66, %get3A_69 : vector<1x1xf32>
    %add3A_71 = arith.addf %select_n3A_70, %reshape3A : vector<1x1xf32>
    %swap3A = arith.constant 0 : index
    %swap3A_72 = arith.constant 0 : index
    %swap3A_73 = vector.load %arg12[%swap3A, %swap3A_72] : memref<1x1xf32, #tpu.memory_space<vmem>>, vector<1x1xf32>
    tpu.vector_store %arg12[%swap3A, %swap3A_72], %add3A_71 {strides = array<i32>} : memref<1x1xf32, #tpu.memory_space<vmem>>, vector<1x1xf32>,
    return
  }
  func.func @transform_0(%arg0: i32) -> (i32, i32) {
    %c0_i32 = arith.constant 0 : i32
    %c0_i32_0 = arith.constant 0 : i32
    return %c0_i32, %arg0 : i32, i32
  }
  func.func @transform_1(%arg0: i32) -> (i32, i32) {
    %c0_i32 = arith.constant 0 : i32
    %c0_i32_0 = arith.constant 0 : i32
    return %c0_i32, %arg0 : i32, i32
  }
  func.func @transform_2(%arg0: i32) -> (i32, i32) {
    %c0_i32 = arith.constant 0 : i32
    %c0_i32_0 = arith.constant 0 : i32
    return %c0_i32, %arg0 : i32, i32
  }
  func.func @transform_3(%arg0: i32) -> (i32, i32) {
    %c0_i32 = arith.constant 0 : i32
    %c0_i32_0 = arith.constant 0 : i32
    return %c0_i32, %arg0 : i32, i32
  }
  func.func @transform_4(%arg0: i32) -> (i32, i32) {
    %c0_i32 = arith.constant 0 : i32
    %c0_i32_0 = arith.constant 0 : i32
    %c0_i32_1 = arith.constant 0 : i32
    return %c0_i32, %c0_i32_0 : i32, i32
  }
  func.func @transform_5(%arg0: i32) -> (i32, i32) {
    %c0_i32 = arith.constant 0 : i32
    %c0_i32_0 = arith.constant 0 : i32
    %c0_i32_1 = arith.constant 0 : i32
    return %c0_i32, %c0_i32_0 : i32, i32
  }
  func.func @transform_6(%arg0: i32) -> (i32, i32) {
    %c0_i32 = arith.constant 0 : i32
    %c0_i32_0 = arith.constant 0 : i32
    %c0_i32_1 = arith.constant 0 : i32
    return %c0_i32, %c0_i32_0 : i32, i32
  }
  func.func @transform_7(%arg0: i32) -> (i32, i32) {
    %c0_i32 = arith.constant 0 : i32
    %c0_i32_0 = arith.constant 0 : i32
    %c0_i32_1 = arith.constant 0 : i32
    return %c0_i32, %c0_i32_0 : i32, i32
  }
  func.func @transform_8(%arg0: i32) -> (i32, i32) {
    %c0_i32 = arith.constant 0 : i32
    %c0_i32_0 = arith.constant 0 : i32
    %c0_i32_1 = arith.constant 0 : i32
    return %c0_i32, %c0_i32_0 : i32, i32
  }
  func.func @transform_9(%arg0: i32) -> (i32, i32) {
    %c0_i32 = arith.constant 0 : i32
    %c0_i32_0 = arith.constant 0 : i32
    %c0_i32_1 = arith.constant 0 : i32
    return %c0_i32, %c0_i32_0 : i32, i32
  }
  func.func @transform_10(%arg0: i32) -> (i32, i32) {
    %c0_i32 = arith.constant 0 : i32
    %c0_i32_0 = arith.constant 0 : i32
    %c0_i32_1 = arith.constant 0 : i32
    return %c0_i32, %c0_i32_0 : i32, i32
  }
  func.func @transform_11(%arg0: i32) -> (i32, i32) {
    %c0_i32 = arith.constant 0 : i32
    %c0_i32_0 = arith.constant 0 : i32
    %c0_i32_1 = arith.constant 0 : i32
    return %c0_i32, %c0_i32_0 : i32, i32
  }
}

</mosaic_0001>

<sc_bundles>
// kernel: sc_degree_hist.3.cloned.1.call-start
scs
__scs_entry_jumppad:
0x0: {  	(pc) =	sbr.rel $0x88, $3  }
0x1: {  	(tag) =	ssettag $0x0;
	lr =	simm.s32 $0x1  }
0x2: {  	[smem:$0x3F96] =	sst lr;
	_ =	strace $0xD0000000  }
0x3: {  	_ = 	snop  }
0x4: {  	_ = 	snop  }
0x5: {  	_ = 	snop  }
0x6: {  	_ = 	snop  }
0x7: {  	_ = 	snop  }
__scs_overlays_trampoline_lowered:
0x8: {  	[smem:$0x3FA5] =	sst s0  }
0x9: {  	[smem:$0x3FA6] =	sst s1  }
0xa: {  	[smem:$0x3FA7] =	sst s2  }
0xb: {  	[smem:$0x3FA8] =	sst s3  }
0xc: {  	[smem:$0x3FA9] =	sst s4  }
0xd: {  	[smem:$0x3FAA] =	sst s5  }
0xe: {  	[smem:$0x3FAB] =	sst s6  }
0xf: {  	[smem:$0x3FAC] =	sst s7  }
0x10: {  	[smem:$0x3FAD] =	sst s8  }
0x11: {  	[smem:$0x3FAE] =	sst s9;
	s0 =	simm.s32 @!p0 $0x0  }
0x12: {  	s1 =	sld [smem:$0x3F94];
	s0 =	simm.s32 @p0 $0x1  }
0x13: {  	[smem:$0x3FAF] =	sst s0;
	s0 =	simm.s32 @!p1 $0x0  }
0x14: {  	s2 =	sld [smem:$0x3F93];
	s0 =	simm.s32 @p1 $0x1  }
0x15: {  	[smem:$0x3FB0] =	sst s0;
	s0 =	simm.s32 @!p2 $0x0  }
0x16: {  	s3 =	sld [smem:$0x3FDB];
	s0 =	simm.s32 @p2 $0x1  }
0x17: {  	s4 =	simm.s32 $0x1BF5;
	[smem:$0x3FB2] =	sst s0  }
0x18: {  	s0 =	sld [smem:$0x3F95];
	_ =	swait.ge [sflag:s4], $0x0  }
0x19: {  	s7 =	sld [smem:$0x3F96]  }
0x1a: {  	s8 =	sadd.s32 $0xFFFFE003, lr  }
0x1b: {  	s9 =	sadd.s32 $0xFFFFFEF7, lr;
	s5 =	simm.s32 $0xFFFFFFFF;
	p2 =	slt.u32 s8, $0xFFFFF086  }
0x1c: {  	p1 =	slt.u32 s9, $0xF7A;
	s5 =	simm.s32 @!p2 $0x0  }
0x1d: {  	s5 =	simm.s32 @p1 $0x1;
	p0 =	seq.s32 s7, s2  }
0x1e: {  	s7 =	smul.u32 @!p0 $0xF7A, s2;
	p2 =	seq.s32 @!p0 s5, $0x0  }
0x1f: {  	s9 =	smul.u32 $0xF7A, s1;
	s8 =	simm.s32 @!p0 $0x1BF5;
	p2 =	por !p2, p0  }
0x20: {  	[sflag:s8] =	ssyncset.s32 @!p0 $0xFFFFF086;
	s6 =	sadd.s32 @!p0 s3, s7;
	s7 =	simm.s32 @!p0 $0x108  }
0x21: {  	s3 =	sadd.s32 s3, s9;
	s6 =	sadd.s32 @!p0 $0x88, s6;
	s7 =	simm.s32 @p2 $0x1082  }
0x22: {  	[simem:s7], [sflag:s8] =	dma.local @!p0 [hbm:s6], $0xF7A  }
0x23: {  	s9 =	sor.u32 $0xD0000000, s2;
	s6 =	simm.s32 $0x108;
	_ =	swait.ge @!p0 [sflag:s8], $0x0  }
0x24: {  	s3 =	sadd.s32 $0x88, s3;
	s6 =	simm.s32 @!p1 $0x1082;
	[sflag:s4] =	ssyncset.s32 $0xFFFFF086  }
0x25: {  	[simem:s6], [sflag:s4] =	dma.local [hbm:s3], $0xF7A  }
0x26: {  	[smem:$0x3F96] =	sst s1;
	(tag) =	ssettag s2;
	_ =	strace s9  }
0x27: {  	s1 =	sld [smem:$0x3FA6]  }
0x28: {  	s2 =	sld [smem:$0x3FA7]  }
0x29: {  	s4 =	sld [smem:$0x3FA9]  }
0x2a: {  	p0 =	seq.s32 s5, $0x0;
	s5 =	sld [smem:$0x3FAA]  }
0x2b: {  	s6 =	sld [smem:$0x3FAB]  }
0x2c: {  	s7 =	sld [smem:$0x3FAC]  }
0x2d: {  	s3 =	simm.s32 $0x108;
	s8 =	sld [smem:$0x3FAD]  }
0x2e: {  	s3 =	simm.s32 @!p0 $0x1082;
	s9 =	sld [smem:$0x3FAE]  }
0x2f: {  	lr =	sadd.s32 s0, s3;
	s0 =	sld [smem:$0x3FA5]  }
0x30: {  	s3 =	sld [smem:$0x3FA8]  }
0x31: {  	[smem:$0x3FB1] =	sst s10  }
0x32: {  	s10 =	sld [smem:$0x3FAF];
	_ =	sdelay $0x3  }
0x33: {  	p0 =	seq.s32 s10, $0x1;
	s10 =	sld [smem:$0x3FB1];
	_ =	sdelay $0x3  }
0x34: {  	[smem:$0x3FB1] =	sst s10  }
0x35: {  	s10 =	sld [smem:$0x3FB0];
	_ =	sdelay $0x3  }
0x36: {  	p1 =	seq.s32 s10, $0x1;
	s10 =	sld [smem:$0x3FB1];
	_ =	sdelay $0x3  }
0x37: {  	[smem:$0x3FB1] =	sst s10  }
0x38: {  	s10 =	sld [smem:$0x3FB2]  }
0x39: {  	_ = 	snop;
	(pc) =	sbr.ind lr, $3  }
0x3a: {  	_ = 	snop  }
0x3b: {  	_ = 	snop  }
0x3c: {  	p2 =	seq.s32 s10, $0x1;
	s10 =	sld [smem:$0x3FB1]  }
0x3d: {  	_ =	shalt  }
0x3e: {  	_ =	shalt  }
0x3f: {  	_ =	shalt  }
0x40: {  	_ =	shalt  }
0x41: {  	_ =	shalt  }
0x42: {  	_ =	shalt  }
0x43: {  	_ =	shalt  }
0x44: {  	_ =	shalt  }
0x45: {  	_ =	shalt  }
0x46: {  	_ =	shalt  }
0x47: {  	_ =	shalt  }
0x48: {  	_ =	shalt  }
0x49: {  	_ =	shalt  }
0x4a: {  	_ =	shalt  }
0x4b: {  	_ =	shalt  }
0x4c: {  	_ =	shalt  }
0x4d: {  	_ =	shalt  }
0x4e: {  	_ =	shalt  }
0x4f: {  	_ =	shalt  }
0x50: {  	_ =	shalt  }
0x51: {  	_ =	shalt  }
0x52: {  	_ =	shalt  }
0x53: {  	_ =	shalt  }
0x54: {  	_ =	shalt  }
0x55: {  	_ =	shalt  }
0x56: {  	_ =	shalt  }
0x57: {  	_ =	shalt  }
0x58: {  	_ =	shalt  }
0x59: {  	_ =	shalt  }
0x5a: {  	_ =	shalt  }
0x5b: {  	_ =	shalt  }
0x5c: {  	_ =	shalt  }
0x5d: {  	_ =	shalt  }
0x5e: {  	_ =	shalt  }
0x5f: {  	_ =	shalt  }
0x60: {  	_ =	shalt  }
0x61: {  	_ =	shalt  }
0x62: {  	_ =	shalt  }
0x63: {  	_ =	shalt  }
0x64: {  	_ =	shalt  }
0x65: {  	_ =	shalt  }
0x66: {  	_ =	shalt  }
0x67: {  	_ =	shalt  }
0x68: {  	_ =	shalt  }
0x69: {  	_ =	shalt  }
0x6a: {  	_ =	shalt  }
0x6b: {  	_ =	shalt  }
0x6c: {  	_ =	shalt  }
0x6d: {  	_ =	shalt  }
0x6e: {  	_ =	shalt  }
0x6f: {  	_ =	shalt  }
0x70: {  	_ =	shalt  }
0x71: {  	_ =	shalt  }
0x72: {  	_ =	shalt  }
0x73: {  	_ =	shalt  }
0x74: {  	_ =	shalt  }
0x75: {  	_ =	shalt  }
0x76: {  	_ =	shalt  }
0x77: {  	_ =	shalt  }
0x78: {  	_ =	shalt  }
0x79: {  	_ =	shalt  }
0x7a: {  	_ =	shalt  }
0x7b: {  	_ =	shalt  }
0x7c: {  	_ =	shalt  }
0x7d: {  	_ =	shalt  }
0x7e: {  	_ =	shalt  }
0x7f: {  	_ =	shalt  }
0x80: {  	_ =	shalt  }
0x81: {  	_ =	shalt  }
0x82: {  	_ =	shalt  }
0x83: {  	_ =	shalt  }
0x84: {  	_ =	shalt  }
0x85: {  	_ =	shalt  }
0x86: {  	_ =	shalt  }
0x87: {  	_ =	shalt  }
.Lfunc_end0:
.L_simem_size_0:
called_computation.1_lowered:
.L_overlay_start_0:
0x88: {  	s2 =	sld [smem:$0x3FD9]  }
0x89: {  	s3 =	sld [smem:$0x3FFE];
	_ =	sdelay $0x1  }
0x8a: {  	s1 =	srdreg.scid  }
0x8b: {  	s0 =	sand.u32 $0x1, s1  }
0x8c: {  	s16 =	sshll.u32 s0, $0xA;
	s2 =	sadd.s32 s3, s2  }
0x8d: {  	s2 =	sadd.s32 s2, s16  }
0x8e: {  	[smem:$0x3FBD] =	sst s2  }
0x8f: {  	_ = 	snop  }
0x90: {  	(tm) =	ssettm $0x1  }
0x91: {  	s17 =	sld [smem:$0x3FFB];
	_ =	sdelay $0x3  }
0x92: {  	_ =	strace s17  }
0x93: {  	s2 =	sld [smem:$0x3FFC];
	_ =	sdelay $0x3  }
0x94: {  	_ =	strace s2  }
0x95: {  	s2 =	sld [smem:$0x3FFD];
	_ =	sdelay $0x3  }
0x96: {  	_ =	strace s2  }
0x97: {  	_ =	strace $0x8FFFFFFF  }
0x98: {  	s18 =	sld [smem:$0x3FDB];
	_ =	sdelay $0x1  }
0x99: {  	s19 =	simm.s32 $_scs_section_size  }
0x9a: {  	s4 =	simm.s32 $_size__tile_overlayer_lowered;
	s5 =	simm.s32 $_tile_overlayer_lowered  }
0x9b: {  	s22 =	simm.s32 $0x1BFF;
	s21 =	sshll.u32 s5, $0x1;
	s2 =	sadd.s32 s19, s18  }
0x9c: {  	s6 =	simm.s32 $0x0;
	s20 =	sshll.u32 s4, $0x1;
	s4 =	sadd.s32 s21, s2  }
0x9d: {  	[timem:s6], [sflag:s22] =	dma.local [hbm:s4], s20  }
0x9e: {  	_ =	swait.ge [sflag:s22], s20  }
0x9f: {  	s3 =	ssub.s32 $0x0, s20;
	[sflag:s22] =	ssyncset.done $0x0  }
0xa0: {  	[sflag:s22] =	ssyncadd.s32 s3;
	_ =	sdelay $0x1  }
0xa1: {  	s23 =	simm.s32 $0x1B8B  }
0xa2: {  	_ =	swait.ge [sflag:s23], $0x1  }
0xa3: {  	[sflag:s23] =	ssyncset.done $0x0  }
0xa4: {  	s25 =	simm.s32 $0x1B8E;
	s24 =	sld [smem:$0x3FFE];
	[sflag:s23] =	ssyncadd.s32 $0xFFFFFFFF  }
0xa5: {  	s26 =	simm.s32 $execute0_lowered;
	[smem:$0x3FD2] =	sst s25  }
0xa6: {  	s4 =	sshll.u32 s26, $0x1;
	_ =	strace $0x80000046;
	[dreg:$0x1] =	wrdreg $0xFFFFFFFF  }
0xa7: {  	s28 =	simm.s32 $_size_execute0_lowered;
	s2 =	sadd.s32 s2, s4;
	[dreg:$0x0] =	wrdreg $0x0  }
0xa8: {  	s4 =	sshll.u32 s28, $0x1;
	[dreg:$0x2] =	wrdreg s2  }
0xa9: {  	[dreg:$0x3] =	wrdreg s4  }
0xaa: {  	[dreg:$0x4] =	wrdreg $0xC0  }
0xab: {  	_ =	task [dreg:s6], $0x5FFFF  }
0xac: {  	[dreg:$0x1] =	wrdreg $0xFFFFFFFF  }
0xad: {  	[dreg:$0x0] =	wrdreg $0x60  }
0xae: {  	[dreg:$0x2] =	wrdreg s24  }
0xaf: {  	[dreg:$0x3] =	wrdreg $0x9  }
0xb0: {  	_ =	task.clear_ibuf [dreg:s6], $0x4FFFF;
	_ =	strace $0x90000046  }
0xb1: {  	s29 =	simm.s32 $0x9;
	_ =	strace $0x80000048  }
0xb2: {  	_ =	swait.ge [sflag:s29], $0x1  }
0xb3: {  	[sflag:s29] =	ssyncadd.s32 $0xFFFFFFFF  }
0xb4: {  	_ =	strace $0x90000048  }
0xb5: {  	_ =	sfence  }
0xb6: {  	s30 =	sld [smem:$0x0];
	_ =	sdelay $0x2  }
0xb7: {  	s31 =	sshll.u32 s1, $0xD;
	s1 =	sshrl.u32 s1, $0x2  }
0xb8: {  	s3 =	sand.u32 $0x4000, s31;
	s1 =	sadd.s32 s1, s30  }
0xb9: {  	s0 =	sor.u32 s3, s0;
	s1 =	sshll.u32 s1, $0x11  }
0xba: {  	s0 =	sor.u32 s1, s0  }
0xbb: {  	s0 =	sadd.s32 $0x8F2B, s0  }
0xbc: {  	[sflag:s0] =	ssyncadd.remote.s32 $0x1  }
0xbd: {  	_ =	sfence.sel $0xFFFF  }
0xbe: {  	[dreg:$0x0] =	wrdreg $0xFFFFFFFF;
	(pc) =	sbr.abs _section_cstart, $3  }
0xbf: {  	[dreg:$0x1] =	wrdreg $0xFFFFFFFF  }
0xc0: {  	_ =	task.clear_ibuf [dreg:s6], $0x2FFFF;
	_ =	strace $0x9FFFFFFF  }
0xc1: {  	(tm) =	ssettm $0x7FFFFFFF  }
tec
execute0_lowered:
.L_overlay_start_1:
0x0: {  	(tag) =	ssettag $0x1  }
0x1: {  	s3 =	rddreg [dreg:$0x0]  }
0x2: {  	s0 =	rddreg [dreg:$0x1];
	s2 =	simm.s32 $0x0;
	s4 =	srdreg.scid  }
0x3: {  	s1 =	stileid.u32;
	[smem:$0x7FF] =	sst s2  }
0x4: {  	s7 =	sand.u32 $0x1, s4;
	s26 =	sshll.u32 s1, $0x1;
	s8 =	sadd.s32 $0xC7600, s3  }
0x5: {  	s10 =	sadd.s32 $0x4000, s3;
	s30 =	smul.u32 $0xC300, s1;
	p0 =	sgt.u32 s1, $0x4  }
0x6: {  	_ =	strace $0x80000047;
	s4 =	sor.u32 s7, s26;
	s6 =	ssub.s32 $0x2, s7  }
0x7: {  	s31 =	smul.u32 $0x6180, s7;
	s9 =	sshll.u32 s4, $0x7;
	s28 =	sshrl.u32 s6, $0x1  }
0x8: {  	s5 =	smul.u32 $0x3100, s4;
	s11 =	sadd.s32 s9, s8;
	s13 =	ssub.s32 s6, s28  }
.Ltmp0:
0x9: {  	s29 =	sadd.s32 s9, s10;
	s8 =	sadd.s32 s30, s8;
	(pc) =	sbr.rel .LBB2_1-.Ltmp0, $4  }
0xa: {  	s9 =	sadd.s32 s30, s10;
	s10 =	simm.s32 $0x1;
	s12 =	sadd.s32 s5, s3  }
0xb: {  	s3 =	sadd.s32 $0xC3000, s11;
	s5 =	sadd.s32 $0xC3000, s29;
	s7 =	smax.u32 s13, $0x1  }
0xc: {  	s8 =	sadd.s32 s31, s8;
	s9 =	sadd.s32 s31, s9;
	s11 =	simm.s32 $0x400  }
0xd: {  	v0 =	vimm.f32 $0.0e+00;
	v1 =	vimm.f32 $1.000000000e+00;
	s4 =	sadd.s32 $0x18AC00, s12;
	s6 =	sadd.s32 $0x1ECC00, s12;
	s12 =	simm.s32 $0x0  }
.LBB2_13:
0xe: {  	s12 =	sadd.s32 $0x1, s12  }
0xf: {  	p1 =	sne.s32 s12, s7  }
.Ltmp1:
0x10: {  	_ = 	snop;
	(pc) =	sbr.rel @!p1 .LBB2_14-.Ltmp1, $4  }
0x11: {  	[hbm4b:s6+s2] =	stream.linear.scatter [tilespmem:s11], [sflag:$0x1], $0x18800, $0x38;
	[tilespmem:$0x18C00] =	vst v63  }
0x12: {  	_ =	swait.ge [sflag:s10], $0x18800  }
0x13: {  	[sflag:s10] =	ssyncset.done $0x0  }
0x14: {  	[sflag:s10] =	ssyncadd.s32 $0xFFFE7800  }
.LBB2_1:
0x15: {  	s13 =	simm.s32 $0x0  }
.LBB2_2:
0x16: {  	p1 =	sne.s32 s13, $0x61FC0  }
.Ltmp2:
0x17: {  	_ = 	snop;
	(pc) =	sbr.rel @p1 .LBB2_2-.Ltmp2, $3  }
0x18: {  	_ =	sdelay $0x1  }
0x19: {  	s14 =	sshra.s32 s13, $0x2  }
0x1a: {  	s13 =	sadd.s32 $0x40, s13;
	[tilespmem:s14+$0x400] =	vst v0  }
0x1b: {  	s13 =	simm.s32 $0x0  }
.LBB2_4:
0x1c: {  	s14 =	sadd.s32 s13, s8  }
0x1d: {  	[tilespmem:s2], [sflag:$0x1] =	stream.linear.gather [hbm4b:s14+s2], $0x400, $0x38;
	[tilespmem:$0x18C00] =	vst v63  }
0x1e: {  	_ =	swait.ge [sflag:s10], $0x400  }
0x1f: {  	[sflag:s10] =	ssyncset.done $0x0  }
0x20: {  	[sflag:s10] =	ssyncadd.s32 $0xFFFFFC00  }
0x21: {  	v2 =	vld [tilespmem:$0x0];
	_ =	sdelay $0x7  }
0x22: {  	[tilespmem:v2+s11+$0x0] =	vst.idx.add.f32.msk $0xffff, v1  }
0x23: {  	v2 =	vld [tilespmem:$0x10];
	_ =	sdelay $0x7  }
0x24: {  	[tilespmem:v2+s11+$0x0] =	vst.idx.add.f32.msk $0xffff, v1  }
0x25: {  	v2 =	vld [tilespmem:$0x20];
	_ =	sdelay $0x7  }
0x26: {  	[tilespmem:v2+s11+$0x0] =	vst.idx.add.f32.msk $0xffff, v1  }
0x27: {  	v2 =	vld [tilespmem:$0x30];
	_ =	sdelay $0x7  }
0x28: {  	[tilespmem:v2+s11+$0x0] =	vst.idx.add.f32.msk $0xffff, v1  }
0x29: {  	v2 =	vld [tilespmem:$0x40];
	_ =	sdelay $0x7  }
0x2a: {  	[tilespmem:v2+s11+$0x0] =	vst.idx.add.f32.msk $0xffff, v1  }
0x2b: {  	v2 =	vld [tilespmem:$0x50];
	_ =	sdelay $0x7  }
0x2c: {  	[tilespmem:v2+s11+$0x0] =	vst.idx.add.f32.msk $0xffff, v1  }
0x2d: {  	v2 =	vld [tilespmem:$0x60];
	_ =	sdelay $0x7  }
0x2e: {  	[tilespmem:v2+s11+$0x0] =	vst.idx.add.f32.msk $0xffff, v1  }
0x2f: {  	v2 =	vld [tilespmem:$0x70];
	_ =	sdelay $0x7  }
0x30: {  	[tilespmem:v2+s11+$0x0] =	vst.idx.add.f32.msk $0xffff, v1  }
0x31: {  	v2 =	vld [tilespmem:$0x80];
	_ =	sdelay $0x7  }
0x32: {  	[tilespmem:v2+s11+$0x0] =	vst.idx.add.f32.msk $0xffff, v1  }
0x33: {  	v2 =	vld [tilespmem:$0x90];
	_ =	sdelay $0x7  }
0x34: {  	[tilespmem:v2+s11+$0x0] =	vst.idx.add.f32.msk $0xffff, v1  }
0x35: {  	v2 =	vld [tilespmem:$0xA0];
	_ =	sdelay $0x7  }
0x36: {  	[tilespmem:v2+s11+$0x0] =	vst.idx.add.f32.msk $0xffff, v1  }
0x37: {  	v2 =	vld [tilespmem:$0xB0];
	_ =	sdelay $0x7  }
0x38: {  	[tilespmem:v2+s11+$0x0] =	vst.idx.add.f32.msk $0xffff, v1  }
0x39: {  	v2 =	vld [tilespmem:$0xC0];
	_ =	sdelay $0x7  }
0x3a: {  	[tilespmem:v2+s11+$0x0] =	vst.idx.add.f32.msk $0xffff, v1  }
0x3b: {  	v2 =	vld [tilespmem:$0xD0];
	_ =	sdelay $0x7  }
0x3c: {  	[tilespmem:v2+s11+$0x0] =	vst.idx.add.f32.msk $0xffff, v1  }
0x3d: {  	v2 =	vld [tilespmem:$0xE0];
	_ =	sdelay $0x7  }
0x3e: {  	[tilespmem:v2+s11+$0x0] =	vst.idx.add.f32.msk $0xffff, v1  }
0x3f: {  	v2 =	vld [tilespmem:$0xF0];
	_ =	sdelay $0x7  }
0x40: {  	[tilespmem:v2+s11+$0x0] =	vst.idx.add.f32.msk $0xffff, v1  }
0x41: {  	v2 =	vld [tilespmem:$0x100];
	_ =	sdelay $0x7  }
0x42: {  	[tilespmem:v2+s11+$0x0] =	vst.idx.add.f32.msk $0xffff, v1  }
0x43: {  	v2 =	vld [tilespmem:$0x110];
	_ =	sdelay $0x7  }
0x44: {  	[tilespmem:v2+s11+$0x0] =	vst.idx.add.f32.msk $0xffff, v1  }
0x45: {  	v2 =	vld [tilespmem:$0x120];
	_ =	sdelay $0x7  }
0x46: {  	[tilespmem:v2+s11+$0x0] =	vst.idx.add.f32.msk $0xffff, v1  }
0x47: {  	v2 =	vld [tilespmem:$0x130];
	_ =	sdelay $0x7  }
0x48: {  	[tilespmem:v2+s11+$0x0] =	vst.idx.add.f32.msk $0xffff, v1  }
0x49: {  	v2 =	vld [tilespmem:$0x140];
	_ =	sdelay $0x7  }
0x4a: {  	[tilespmem:v2+s11+$0x0] =	vst.idx.add.f32.msk $0xffff, v1  }
0x4b: {  	v2 =	vld [tilespmem:$0x150];
	_ =	sdelay $0x7  }
0x4c: {  	[tilespmem:v2+s11+$0x0] =	vst.idx.add.f32.msk $0xffff, v1  }
0x4d: {  	v2 =	vld [tilespmem:$0x160];
	_ =	sdelay $0x7  }
0x4e: {  	[tilespmem:v2+s11+$0x0] =	vst.idx.add.f32.msk $0xffff, v1  }
0x4f: {  	v2 =	vld [tilespmem:$0x170];
	_ =	sdelay $0x7  }
0x50: {  	[tilespmem:v2+s11+$0x0] =	vst.idx.add.f32.msk $0xffff, v1  }
0x51: {  	v2 =	vld [tilespmem:$0x180];
	_ =	sdelay $0x7  }
0x52: {  	[tilespmem:v2+s11+$0x0] =	vst.idx.add.f32.msk $0xffff, v1  }
0x53: {  	v2 =	vld [tilespmem:$0x190];
	_ =	sdelay $0x7  }
0x54: {  	[tilespmem:v2+s11+$0x0] =	vst.idx.add.f32.msk $0xffff, v1  }
0x55: {  	v2 =	vld [tilespmem:$0x1A0];
	_ =	sdelay $0x7  }
0x56: {  	[tilespmem:v2+s11+$0x0] =	vst.idx.add.f32.msk $0xffff, v1  }
0x57: {  	v2 =	vld [tilespmem:$0x1B0];
	_ =	sdelay $0x7  }
0x58: {  	[tilespmem:v2+s11+$0x0] =	vst.idx.add.f32.msk $0xffff, v1  }
0x59: {  	v2 =	vld [tilespmem:$0x1C0];
	_ =	sdelay $0x7  }
0x5a: {  	[tilespmem:v2+s11+$0x0] =	vst.idx.add.f32.msk $0xffff, v1  }
0x5b: {  	v2 =	vld [tilespmem:$0x1D0];
	_ =	sdelay $0x7  }
0x5c: {  	[tilespmem:v2+s11+$0x0] =	vst.idx.add.f32.msk $0xffff, v1  }
0x5d: {  	v2 =	vld [tilespmem:$0x1E0];
	_ =	sdelay $0x7  }
0x5e: {  	[tilespmem:v2+s11+$0x0] =	vst.idx.add.f32.msk $0xffff, v1  }
0x5f: {  	v2 =	vld [tilespmem:$0x1F0];
	_ =	sdelay $0x7  }
0x60: {  	[tilespmem:v2+s11+$0x0] =	vst.idx.add.f32.msk $0xffff, v1  }
0x61: {  	v2 =	vld [tilespmem:$0x200];
	_ =	sdelay $0x7  }
0x62: {  	[tilespmem:v2+s11+$0x0] =	vst.idx.add.f32.msk $0xffff, v1  }
0x63: {  	v2 =	vld [tilespmem:$0x210];
	_ =	sdelay $0x7  }
0x64: {  	[tilespmem:v2+s11+$0x0] =	vst.idx.add.f32.msk $0xffff, v1  }
0x65: {  	v2 =	vld [tilespmem:$0x220];
	_ =	sdelay $0x7  }
0x66: {  	[tilespmem:v2+s11+$0x0] =	vst.idx.add.f32.msk $0xffff, v1  }
0x67: {  	v2 =	vld [tilespmem:$0x230];
	_ =	sdelay $0x7  }
0x68: {  	[tilespmem:v2+s11+$0x0] =	vst.idx.add.f32.msk $0xffff, v1  }
0x69: {  	v2 =	vld [tilespmem:$0x240];
	_ =	sdelay $0x7  }
0x6a: {  	[tilespmem:v2+s11+$0x0] =	vst.idx.add.f32.msk $0xffff, v1  }
0x6b: {  	v2 =	vld [tilespmem:$0x250];
	_ =	sdelay $0x7  }
0x6c: {  	[tilespmem:v2+s11+$0x0] =	vst.idx.add.f32.msk $0xffff, v1  }
0x6d: {  	v2 =	vld [tilespmem:$0x260];
	_ =	sdelay $0x7  }
0x6e: {  	[tilespmem:v2+s11+$0x0] =	vst.idx.add.f32.msk $0xffff, v1  }
0x6f: {  	v2 =	vld [tilespmem:$0x270];
	_ =	sdelay $0x7  }
0x70: {  	[tilespmem:v2+s11+$0x0] =	vst.idx.add.f32.msk $0xffff, v1  }
0x71: {  	v2 =	vld [tilespmem:$0x280];
	_ =	sdelay $0x7  }
0x72: {  	[tilespmem:v2+s11+$0x0] =	vst.idx.add.f32.msk $0xffff, v1  }
0x73: {  	v2 =	vld [tilespmem:$0x290];
	_ =	sdelay $0x7  }
0x74: {  	[tilespmem:v2+s11+$0x0] =	vst.idx.add.f32.msk $0xffff, v1  }
0x75: {  	v2 =	vld [tilespmem:$0x2A0];
	_ =	sdelay $0x7  }
0x76: {  	[tilespmem:v2+s11+$0x0] =	vst.idx.add.f32.msk $0xffff, v1  }
0x77: {  	v2 =	vld [tilespmem:$0x2B0];
	_ =	sdelay $0x7  }
0x78: {  	[tilespmem:v2+s11+$0x0] =	vst.idx.add.f32.msk $0xffff, v1  }
0x79: {  	v2 =	vld [tilespmem:$0x2C0];
	_ =	sdelay $0x7  }
0x7a: {  	[tilespmem:v2+s11+$0x0] =	vst.idx.add.f32.msk $0xffff, v1  }
0x7b: {  	v2 =	vld [tilespmem:$0x2D0];
	_ =	sdelay $0x7  }
0x7c: {  	[tilespmem:v2+s11+$0x0] =	vst.idx.add.f32.msk $0xffff, v1  }
0x7d: {  	v2 =	vld [tilespmem:$0x2E0];
	_ =	sdelay $0x7  }
0x7e: {  	[tilespmem:v2+s11+$0x0] =	vst.idx.add.f32.msk $0xffff, v1  }
0x7f: {  	v2 =	vld [tilespmem:$0x2F0];
	_ =	sdelay $0x7  }
0x80: {  	[tilespmem:v2+s11+$0x0] =	vst.idx.add.f32.msk $0xffff, v1  }
0x81: {  	v2 =	vld [tilespmem:$0x300];
	_ =	sdelay $0x7  }
0x82: {  	[tilespmem:v2+s11+$0x0] =	vst.idx.add.f32.msk $0xffff, v1  }
0x83: {  	v2 =	vld [tilespmem:$0x310];
	_ =	sdelay $0x7  }
0x84: {  	[tilespmem:v2+s11+$0x0] =	vst.idx.add.f32.msk $0xffff, v1  }
0x85: {  	v2 =	vld [tilespmem:$0x320];
	_ =	sdelay $0x7  }
0x86: {  	[tilespmem:v2+s11+$0x0] =	vst.idx.add.f32.msk $0xffff, v1  }
0x87: {  	v2 =	vld [tilespmem:$0x330];
	_ =	sdelay $0x7  }
0x88: {  	[tilespmem:v2+s11+$0x0] =	vst.idx.add.f32.msk $0xffff, v1  }
0x89: {  	v2 =	vld [tilespmem:$0x340];
	_ =	sdelay $0x7  }
0x8a: {  	[tilespmem:v2+s11+$0x0] =	vst.idx.add.f32.msk $0xffff, v1  }
0x8b: {  	v2 =	vld [tilespmem:$0x350];
	_ =	sdelay $0x7  }
0x8c: {  	[tilespmem:v2+s11+$0x0] =	vst.idx.add.f32.msk $0xffff, v1  }
0x8d: {  	v2 =	vld [tilespmem:$0x360];
	_ =	sdelay $0x7  }
0x8e: {  	[tilespmem:v2+s11+$0x0] =	vst.idx.add.f32.msk $0xffff, v1  }
0x8f: {  	v2 =	vld [tilespmem:$0x370];
	_ =	sdelay $0x7  }
0x90: {  	[tilespmem:v2+s11+$0x0] =	vst.idx.add.f32.msk $0xffff, v1  }
0x91: {  	v2 =	vld [tilespmem:$0x380];
	_ =	sdelay $0x7  }
0x92: {  	[tilespmem:v2+s11+$0x0] =	vst.idx.add.f32.msk $0xffff, v1  }
0x93: {  	v2 =	vld [tilespmem:$0x390];
	_ =	sdelay $0x7  }
0x94: {  	[tilespmem:v2+s11+$0x0] =	vst.idx.add.f32.msk $0xffff, v1  }
0x95: {  	v2 =	vld [tilespmem:$0x3A0];
	_ =	sdelay $0x7  }
0x96: {  	[tilespmem:v2+s11+$0x0] =	vst.idx.add.f32.msk $0xffff, v1  }
0x97: {  	v2 =	vld [tilespmem:$0x3B0];
	_ =	sdelay $0x7  }
0x98: {  	[tilespmem:v2+s11+$0x0] =	vst.idx.add.f32.msk $0xffff, v1  }
0x99: {  	v2 =	vld [tilespmem:$0x3C0];
	_ =	sdelay $0x7  }
0x9a: {  	[tilespmem:v2+s11+$0x0] =	vst.idx.add.f32.msk $0xffff, v1  }
0x9b: {  	v2 =	vld [tilespmem:$0x3D0];
	_ =	sdelay $0x7  }
0x9c: {  	[tilespmem:v2+s11+$0x0] =	vst.idx.add.f32.msk $0xffff, v1  }
0x9d: {  	v2 =	vld [tilespmem:$0x3E0];
	_ =	sdelay $0x7  }
0x9e: {  	[tilespmem:v2+s11+$0x0] =	vst.idx.add.f32.msk $0xffff, v1  }
0x9f: {  	v2 =	vld [tilespmem:$0x3F0];
	_ =	sdelay $0x2  }
0xa0: {  	p1 =	sne.s32 s13, $0x6100  }
.Ltmp3:
0xa1: {  	_ = 	snop;
	(pc) =	sbr.rel @p1 .LBB2_4-.Ltmp3, $2  }
0xa2: {  	_ =	sdelay $0x2  }
0xa3: {  	s13 =	sadd.s32 $0x80, s13;
	[tilespmem:v2+s11+$0x0] =	vst.idx.add.f32.msk $0xffff, v1  }
.Ltmp4:
0xa4: {  	(pc) =	sbr.rel @p0 .LBB2_7-.Ltmp4, $1  }
0xa5: {  	_ =	sdelay $0x3  }
0xa6: {  	[tilespmem:s2], [sflag:$0x1] =	stream.linear.gather [hbm4b:s3+s2], $0x400, $0x38;
	[tilespmem:$0x18C00] =	vst v63  }
0xa7: {  	_ =	swait.ge [sflag:s10], $0x400  }
0xa8: {  	[sflag:s10] =	ssyncset.done $0x0  }
0xa9: {  	[sflag:s10] =	ssyncadd.s32 $0xFFFFFC00  }
0xaa: {  	v2 =	vld [tilespmem:$0x0];
	_ =	sdelay $0x7  }
0xab: {  	[tilespmem:v2+s11+$0x0] =	vst.idx.add.f32.msk $0xffff, v1  }
0xac: {  	v2 =	vld [tilespmem:$0x10];
	_ =	sdelay $0x7  }
0xad: {  	[tilespmem:v2+s11+$0x0] =	vst.idx.add.f32.msk $0xffff, v1  }
0xae: {  	v2 =	vld [tilespmem:$0x20];
	_ =	sdelay $0x7  }
0xaf: {  	[tilespmem:v2+s11+$0x0] =	vst.idx.add.f32.msk $0xffff, v1  }
0xb0: {  	v2 =	vld [tilespmem:$0x30];
	_ =	sdelay $0x7  }
0xb1: {  	[tilespmem:v2+s11+$0x0] =	vst.idx.add.f32.msk $0xffff, v1  }
0xb2: {  	v2 =	vld [tilespmem:$0x40];
	_ =	sdelay $0x7  }
0xb3: {  	[tilespmem:v2+s11+$0x0] =	vst.idx.add.f32.msk $0xffff, v1  }
0xb4: {  	v2 =	vld [tilespmem:$0x50];
	_ =	sdelay $0x7  }
0xb5: {  	[tilespmem:v2+s11+$0x0] =	vst.idx.add.f32.msk $0xffff, v1  }
0xb6: {  	v2 =	vld [tilespmem:$0x60];
	_ =	sdelay $0x7  }
0xb7: {  	[tilespmem:v2+s11+$0x0] =	vst.idx.add.f32.msk $0xffff, v1  }
0xb8: {  	v2 =	vld [tilespmem:$0x70];
	_ =	sdelay $0x7  }
0xb9: {  	[tilespmem:v2+s11+$0x0] =	vst.idx.add.f32.msk $0xffff, v1  }
0xba: {  	v2 =	vld [tilespmem:$0x80];
	_ =	sdelay $0x7  }
0xbb: {  	[tilespmem:v2+s11+$0x0] =	vst.idx.add.f32.msk $0xffff, v1  }
0xbc: {  	v2 =	vld [tilespmem:$0x90];
	_ =	sdelay $0x7  }
0xbd: {  	[tilespmem:v2+s11+$0x0] =	vst.idx.add.f32.msk $0xffff, v1  }
0xbe: {  	v2 =	vld [tilespmem:$0xA0];
	_ =	sdelay $0x7  }
0xbf: {  	[tilespmem:v2+s11+$0x0] =	vst.idx.add.f32.msk $0xffff, v1  }
0xc0: {  	v2 =	vld [tilespmem:$0xB0];
	_ =	sdelay $0x7  }
0xc1: {  	[tilespmem:v2+s11+$0x0] =	vst.idx.add.f32.msk $0xffff, v1  }
0xc2: {  	v2 =	vld [tilespmem:$0xC0];
	_ =	sdelay $0x7  }
0xc3: {  	[tilespmem:v2+s11+$0x0] =	vst.idx.add.f32.msk $0xffff, v1  }
0xc4: {  	v2 =	vld [tilespmem:$0xD0];
	_ =	sdelay $0x7  }
0xc5: {  	[tilespmem:v2+s11+$0x0] =	vst.idx.add.f32.msk $0xffff, v1  }
0xc6: {  	v2 =	vld [tilespmem:$0xE0];
	_ =	sdelay $0x7  }
0xc7: {  	[tilespmem:v2+s11+$0x0] =	vst.idx.add.f32.msk $0xffff, v1  }
0xc8: {  	v2 =	vld [tilespmem:$0xF0];
	_ =	sdelay $0x7  }
0xc9: {  	[tilespmem:v2+s11+$0x0] =	vst.idx.add.f32.msk $0xffff, v1  }
0xca: {  	v2 =	vld [tilespmem:$0x100];
	_ =	sdelay $0x7  }
0xcb: {  	[tilespmem:v2+s11+$0x0] =	vst.idx.add.f32.msk $0xffff, v1  }
0xcc: {  	v2 =	vld [tilespmem:$0x110];
	_ =	sdelay $0x7  }
0xcd: {  	[tilespmem:v2+s11+$0x0] =	vst.idx.add.f32.msk $0xffff, v1  }
0xce: {  	v2 =	vld [tilespmem:$0x120];
	_ =	sdelay $0x7  }
0xcf: {  	[tilespmem:v2+s11+$0x0] =	vst.idx.add.f32.msk $0xffff, v1  }
0xd0: {  	v2 =	vld [tilespmem:$0x130];
	_ =	sdelay $0x7  }
0xd1: {  	[tilespmem:v2+s11+$0x0] =	vst.idx.add.f32.msk $0xffff, v1  }
0xd2: {  	v2 =	vld [tilespmem:$0x140];
	_ =	sdelay $0x7  }
0xd3: {  	[tilespmem:v2+s11+$0x0] =	vst.idx.add.f32.msk $0xffff, v1  }
0xd4: {  	v2 =	vld [tilespmem:$0x150];
	_ =	sdelay $0x7  }
0xd5: {  	[tilespmem:v2+s11+$0x0] =	vst.idx.add.f32.msk $0xffff, v1  }
0xd6: {  	v2 =	vld [tilespmem:$0x160];
	_ =	sdelay $0x7  }
0xd7: {  	[tilespmem:v2+s11+$0x0] =	vst.idx.add.f32.msk $0xffff, v1  }
0xd8: {  	v2 =	vld [tilespmem:$0x170];
	_ =	sdelay $0x7  }
0xd9: {  	[tilespmem:v2+s11+$0x0] =	vst.idx.add.f32.msk $0xffff, v1  }
0xda: {  	v2 =	vld [tilespmem:$0x180];
	_ =	sdelay $0x7  }
0xdb: {  	[tilespmem:v2+s11+$0x0] =	vst.idx.add.f32.msk $0xffff, v1  }
0xdc: {  	v2 =	vld [tilespmem:$0x190];
	_ =	sdelay $0x7  }
0xdd: {  	[tilespmem:v2+s11+$0x0] =	vst.idx.add.f32.msk $0xffff, v1  }
0xde: {  	v2 =	vld [tilespmem:$0x1A0];
	_ =	sdelay $0x7  }
0xdf: {  	[tilespmem:v2+s11+$0x0] =	vst.idx.add.f32.msk $0xffff, v1  }
0xe0: {  	v2 =	vld [tilespmem:$0x1B0];
	_ =	sdelay $0x7  }
0xe1: {  	[tilespmem:v2+s11+$0x0] =	vst.idx.add.f32.msk $0xffff, v1  }
0xe2: {  	v2 =	vld [tilespmem:$0x1C0];
	_ =	sdelay $0x7  }
0xe3: {  	[tilespmem:v2+s11+$0x0] =	vst.idx.add.f32.msk $0xffff, v1  }
0xe4: {  	v2 =	vld [tilespmem:$0x1D0];
	_ =	sdelay $0x7  }
0xe5: {  	[tilespmem:v2+s11+$0x0] =	vst.idx.add.f32.msk $0xffff, v1  }
0xe6: {  	v2 =	vld [tilespmem:$0x1E0];
	_ =	sdelay $0x7  }
0xe7: {  	[tilespmem:v2+s11+$0x0] =	vst.idx.add.f32.msk $0xffff, v1  }
0xe8: {  	v2 =	vld [tilespmem:$0x1F0];
	_ =	sdelay $0x7  }
0xe9: {  	[tilespmem:v2+s11+$0x0] =	vst.idx.add.f32.msk $0xffff, v1  }
0xea: {  	v2 =	vld [tilespmem:$0x200];
	_ =	sdelay $0x7  }
0xeb: {  	[tilespmem:v2+s11+$0x0] =	vst.idx.add.f32.msk $0xffff, v1  }
0xec: {  	v2 =	vld [tilespmem:$0x210];
	_ =	sdelay $0x7  }
0xed: {  	[tilespmem:v2+s11+$0x0] =	vst.idx.add.f32.msk $0xffff, v1  }
0xee: {  	v2 =	vld [tilespmem:$0x220];
	_ =	sdelay $0x7  }
0xef: {  	[tilespmem:v2+s11+$0x0] =	vst.idx.add.f32.msk $0xffff, v1  }
0xf0: {  	v2 =	vld [tilespmem:$0x230];
	_ =	sdelay $0x7  }
0xf1: {  	[tilespmem:v2+s11+$0x0] =	vst.idx.add.f32.msk $0xffff, v1  }
0xf2: {  	v2 =	vld [tilespmem:$0x240];
	_ =	sdelay $0x7  }
0xf3: {  	[tilespmem:v2+s11+$0x0] =	vst.idx.add.f32.msk $0xffff, v1  }
0xf4: {  	v2 =	vld [tilespmem:$0x250];
	_ =	sdelay $0x7  }
0xf5: {  	[tilespmem:v2+s11+$0x0] =	vst.idx.add.f32.msk $0xffff, v1  }
0xf6: {  	v2 =	vld [tilespmem:$0x260];
	_ =	sdelay $0x7  }
0xf7: {  	[tilespmem:v2+s11+$0x0] =	vst.idx.add.f32.msk $0xffff, v1  }
0xf8: {  	v2 =	vld [tilespmem:$0x270];
	_ =	sdelay $0x7  }
0xf9: {  	[tilespmem:v2+s11+$0x0] =	vst.idx.add.f32.msk $0xffff, v1  }
0xfa: {  	v2 =	vld [tilespmem:$0x280];
	_ =	sdelay $0x7  }
0xfb: {  	[tilespmem:v2+s11+$0x0] =	vst.idx.add.f32.msk $0xffff, v1  }
0xfc: {  	v2 =	vld [tilespmem:$0x290];
	_ =	sdelay $0x7  }
0xfd: {  	[tilespmem:v2+s11+$0x0] =	vst.idx.add.f32.msk $0xffff, v1  }
0xfe: {  	v2 =	vld [tilespmem:$0x2A0];
	_ =	sdelay $0x7  }
0xff: {  	[tilespmem:v2+s11+$0x0] =	vst.idx.add.f32.msk $0xffff, v1  }
0x100: {  	v2 =	vld [tilespmem:$0x2B0];
	_ =	sdelay $0x7  }
0x101: {  	[tilespmem:v2+s11+$0x0] =	vst.idx.add.f32.msk $0xffff, v1  }
0x102: {  	v2 =	vld [tilespmem:$0x2C0];
	_ =	sdelay $0x7  }
0x103: {  	[tilespmem:v2+s11+$0x0] =	vst.idx.add.f32.msk $0xffff, v1  }
0x104: {  	v2 =	vld [tilespmem:$0x2D0];
	_ =	sdelay $0x7  }
0x105: {  	[tilespmem:v2+s11+$0x0] =	vst.idx.add.f32.msk $0xffff, v1  }
0x106: {  	v2 =	vld [tilespmem:$0x2E0];
	_ =	sdelay $0x7  }
0x107: {  	[tilespmem:v2+s11+$0x0] =	vst.idx.add.f32.msk $0xffff, v1  }
0x108: {  	v2 =	vld [tilespmem:$0x2F0];
	_ =	sdelay $0x7  }
0x109: {  	[tilespmem:v2+s11+$0x0] =	vst.idx.add.f32.msk $0xffff, v1  }
0x10a: {  	v2 =	vld [tilespmem:$0x300];
	_ =	sdelay $0x7  }
0x10b: {  	[tilespmem:v2+s11+$0x0] =	vst.idx.add.f32.msk $0xffff, v1  }
0x10c: {  	v2 =	vld [tilespmem:$0x310];
	_ =	sdelay $0x7  }
0x10d: {  	[tilespmem:v2+s11+$0x0] =	vst.idx.add.f32.msk $0xffff, v1  }
0x10e: {  	v2 =	vld [tilespmem:$0x320];
	_ =	sdelay $0x7  }
0x10f: {  	[tilespmem:v2+s11+$0x0] =	vst.idx.add.f32.msk $0xffff, v1  }
0x110: {  	v2 =	vld [tilespmem:$0x330];
	_ =	sdelay $0x7  }
0x111: {  	[tilespmem:v2+s11+$0x0] =	vst.idx.add.f32.msk $0xffff, v1  }
0x112: {  	v2 =	vld [tilespmem:$0x340];
	_ =	sdelay $0x7  }
0x113: {  	[tilespmem:v2+s11+$0x0] =	vst.idx.add.f32.msk $0xffff, v1  }
0x114: {  	v2 =	vld [tilespmem:$0x350];
	_ =	sdelay $0x7  }
0x115: {  	[tilespmem:v2+s11+$0x0] =	vst.idx.add.f32.msk $0xffff, v1  }
0x116: {  	v2 =	vld [tilespmem:$0x360];
	_ =	sdelay $0x7  }
0x117: {  	[tilespmem:v2+s11+$0x0] =	vst.idx.add.f32.msk $0xffff, v1  }
0x118: {  	v2 =	vld [tilespmem:$0x370];
	_ =	sdelay $0x7  }
0x119: {  	[tilespmem:v2+s11+$0x0] =	vst.idx.add.f32.msk $0xffff, v1  }
0x11a: {  	v2 =	vld [tilespmem:$0x380];
	_ =	sdelay $0x7  }
0x11b: {  	[tilespmem:v2+s11+$0x0] =	vst.idx.add.f32.msk $0xffff, v1  }
0x11c: {  	v2 =	vld [tilespmem:$0x390];
	_ =	sdelay $0x7  }
0x11d: {  	[tilespmem:v2+s11+$0x0] =	vst.idx.add.f32.msk $0xffff, v1  }
0x11e: {  	v2 =	vld [tilespmem:$0x3A0];
	_ =	sdelay $0x7  }
0x11f: {  	[tilespmem:v2+s11+$0x0] =	vst.idx.add.f32.msk $0xffff, v1  }
0x120: {  	v2 =	vld [tilespmem:$0x3B0];
	_ =	sdelay $0x7  }
0x121: {  	[tilespmem:v2+s11+$0x0] =	vst.idx.add.f32.msk $0xffff, v1  }
0x122: {  	v2 =	vld [tilespmem:$0x3C0];
	_ =	sdelay $0x7  }
0x123: {  	[tilespmem:v2+s11+$0x0] =	vst.idx.add.f32.msk $0xffff, v1  }
0x124: {  	v2 =	vld [tilespmem:$0x3D0];
	_ =	sdelay $0x7  }
0x125: {  	[tilespmem:v2+s11+$0x0] =	vst.idx.add.f32.msk $0xffff, v1  }
0x126: {  	v2 =	vld [tilespmem:$0x3E0];
	_ =	sdelay $0x7  }
0x127: {  	[tilespmem:v2+s11+$0x0] =	vst.idx.add.f32.msk $0xffff, v1  }
0x128: {  	v2 =	vld [tilespmem:$0x3F0];
	_ =	sdelay $0x7  }
0x129: {  	[tilespmem:v2+s11+$0x0] =	vst.idx.add.f32.msk $0xffff, v1  }
.LBB2_7:
0x12a: {  	s13 =	simm.s32 $0x0  }
0x12b: {  	[hbm4b:s4+s13] =	stream.linear.scatter [tilespmem:s11], [sflag:$0x1], $0x18800, $0x38;
	[tilespmem:$0x18C00] =	vst v63  }
0x12c: {  	_ =	swait.ge [sflag:s10], $0x18800  }
0x12d: {  	[sflag:s10] =	ssyncset.done $0x0  }
0x12e: {  	s14 =	simm.s32 $0x40;
	s15 =	simm.s32 $0x0;
	[sflag:s10] =	ssyncadd.s32 $0xFFFE7800  }
.LBB2_8:
0x12f: {  	p1 =	sne.s32 s14, $0x61FC0;
	[tilespmem:s15+$0x400] =	vst v0;
	s15 =	smov.u32 s14;
	s14 =	sadd.s32 $0x40, s14  }
.Ltmp5:
0x130: {  	(pc) =	sbr.rel @p1 .LBB2_8-.Ltmp5, $2  }
0x131: {  	_ =	sdelay $0x2  }
0x132: {  	s15 =	sshra.s32 s15, $0x2  }
0x133: {  	[tilespmem:s15+$0x400] =	vst v0  }
.LBB2_10:
0x134: {  	s14 =	sadd.s32 s13, s9  }
0x135: {  	[tilespmem:s2], [sflag:$0x1] =	stream.linear.gather [hbm4b:s14+s2], $0x400, $0x38;
	[tilespmem:$0x18C00] =	vst v63  }
0x136: {  	_ =	swait.ge [sflag:s10], $0x400  }
0x137: {  	[sflag:s10] =	ssyncset.done $0x0  }
0x138: {  	[sflag:s10] =	ssyncadd.s32 $0xFFFFFC00  }
0x139: {  	v2 =	vld [tilespmem:$0x0];
	_ =	sdelay $0x7  }
0x13a: {  	[tilespmem:v2+s11+$0x0] =	vst.idx.add.f32.msk $0xffff, v1  }
0x13b: {  	v2 =	vld [tilespmem:$0x10];
	_ =	sdelay $0x7  }
0x13c: {  	[tilespmem:v2+s11+$0x0] =	vst.idx.add.f32.msk $0xffff, v1  }
0x13d: {  	v2 =	vld [tilespmem:$0x20];
	_ =	sdelay $0x7  }
0x13e: {  	[tilespmem:v2+s11+$0x0] =	vst.idx.add.f32.msk $0xffff, v1  }
0x13f: {  	v2 =	vld [tilespmem:$0x30];
	_ =	sdelay $0x7  }
0x140: {  	[tilespmem:v2+s11+$0x0] =	vst.idx.add.f32.msk $0xffff, v1  }
0x141: {  	v2 =	vld [tilespmem:$0x40];
	_ =	sdelay $0x7  }
0x142: {  	[tilespmem:v2+s11+$0x0] =	vst.idx.add.f32.msk $0xffff, v1  }
0x143: {  	v2 =	vld [tilespmem:$0x50];
	_ =	sdelay $0x7  }
0x144: {  	[tilespmem:v2+s11+$0x0] =	vst.idx.add.f32.msk $0xffff, v1  }
0x145: {  	v2 =	vld [tilespmem:$0x60];
	_ =	sdelay $0x7  }
0x146: {  	[tilespmem:v2+s11+$0x0] =	vst.idx.add.f32.msk $0xffff, v1  }
0x147: {  	v2 =	vld [tilespmem:$0x70];
	_ =	sdelay $0x7  }
0x148: {  	[tilespmem:v2+s11+$0x0] =	vst.idx.add.f32.msk $0xffff, v1  }
0x149: {  	v2 =	vld [tilespmem:$0x80];
	_ =	sdelay $0x7  }
0x14a: {  	[tilespmem:v2+s11+$0x0] =	vst.idx.add.f32.msk $0xffff, v1  }
0x14b: {  	v2 =	vld [tilespmem:$0x90];
	_ =	sdelay $0x7  }
0x14c: {  	[tilespmem:v2+s11+$0x0] =	vst.idx.add.f32.msk $0xffff, v1  }
0x14d: {  	v2 =	vld [tilespmem:$0xA0];
	_ =	sdelay $0x7  }
0x14e: {  	[tilespmem:v2+s11+$0x0] =	vst.idx.add.f32.msk $0xffff, v1  }
0x14f: {  	v2 =	vld [tilespmem:$0xB0];
	_ =	sdelay $0x7  }
0x150: {  	[tilespmem:v2+s11+$0x0] =	vst.idx.add.f32.msk $0xffff, v1  }
0x151: {  	v2 =	vld [tilespmem:$0xC0];
	_ =	sdelay $0x7  }
0x152: {  	[tilespmem:v2+s11+$0x0] =	vst.idx.add.f32.msk $0xffff, v1  }
0x153: {  	v2 =	vld [tilespmem:$0xD0];
	_ =	sdelay $0x7  }
0x154: {  	[tilespmem:v2+s11+$0x0] =	vst.idx.add.f32.msk $0xffff, v1  }
0x155: {  	v2 =	vld [tilespmem:$0xE0];
	_ =	sdelay $0x7  }
0x156: {  	[tilespmem:v2+s11+$0x0] =	vst.idx.add.f32.msk $0xffff, v1  }
0x157: {  	v2 =	vld [tilespmem:$0xF0];
	_ =	sdelay $0x7  }
0x158: {  	[tilespmem:v2+s11+$0x0] =	vst.idx.add.f32.msk $0xffff, v1  }
0x159: {  	v2 =	vld [tilespmem:$0x100];
	_ =	sdelay $0x7  }
0x15a: {  	[tilespmem:v2+s11+$0x0] =	vst.idx.add.f32.msk $0xffff, v1  }
0x15b: {  	v2 =	vld [tilespmem:$0x110];
	_ =	sdelay $0x7  }
0x15c: {  	[tilespmem:v2+s11+$0x0] =	vst.idx.add.f32.msk $0xffff, v1  }
0x15d: {  	v2 =	vld [tilespmem:$0x120];
	_ =	sdelay $0x7  }
0x15e: {  	[tilespmem:v2+s11+$0x0] =	vst.idx.add.f32.msk $0xffff, v1  }
0x15f: {  	v2 =	vld [tilespmem:$0x130];
	_ =	sdelay $0x7  }
0x160: {  	[tilespmem:v2+s11+$0x0] =	vst.idx.add.f32.msk $0xffff, v1  }
0x161: {  	v2 =	vld [tilespmem:$0x140];
	_ =	sdelay $0x7  }
0x162: {  	[tilespmem:v2+s11+$0x0] =	vst.idx.add.f32.msk $0xffff, v1  }
0x163: {  	v2 =	vld [tilespmem:$0x150];
	_ =	sdelay $0x7  }
0x164: {  	[tilespmem:v2+s11+$0x0] =	vst.idx.add.f32.msk $0xffff, v1  }
0x165: {  	v2 =	vld [tilespmem:$0x160];
	_ =	sdelay $0x7  }
0x166: {  	[tilespmem:v2+s11+$0x0] =	vst.idx.add.f32.msk $0xffff, v1  }
0x167: {  	v2 =	vld [tilespmem:$0x170];
	_ =	sdelay $0x7  }
0x168: {  	[tilespmem:v2+s11+$0x0] =	vst.idx.add.f32.msk $0xffff, v1  }
0x169: {  	v2 =	vld [tilespmem:$0x180];
	_ =	sdelay $0x7  }
0x16a: {  	[tilespmem:v2+s11+$0x0] =	vst.idx.add.f32.msk $0xffff, v1  }
0x16b: {  	v2 =	vld [tilespmem:$0x190];
	_ =	sdelay $0x7  }
0x16c: {  	[tilespmem:v2+s11+$0x0] =	vst.idx.add.f32.msk $0xffff, v1  }
0x16d: {  	v2 =	vld [tilespmem:$0x1A0];
	_ =	sdelay $0x7  }
0x16e: {  	[tilespmem:v2+s11+$0x0] =	vst.idx.add.f32.msk $0xffff, v1  }
0x16f: {  	v2 =	vld [tilespmem:$0x1B0];
	_ =	sdelay $0x7  }
0x170: {  	[tilespmem:v2+s11+$0x0] =	vst.idx.add.f32.msk $0xffff, v1  }
0x171: {  	v2 =	vld [tilespmem:$0x1C0];
	_ =	sdelay $0x7  }
0x172: {  	[tilespmem:v2+s11+$0x0] =	vst.idx.add.f32.msk $0xffff, v1  }
0x173: {  	v2 =	vld [tilespmem:$0x1D0];
	_ =	sdelay $0x7  }
0x174: {  	[tilespmem:v2+s11+$0x0] =	vst.idx.add.f32.msk $0xffff, v1  }
0x175: {  	v2 =	vld [tilespmem:$0x1E0];
	_ =	sdelay $0x7  }
0x176: {  	[tilespmem:v2+s11+$0x0] =	vst.idx.add.f32.msk $0xffff, v1  }
0x177: {  	v2 =	vld [tilespmem:$0x1F0];
	_ =	sdelay $0x7  }
0x178: {  	[tilespmem:v2+s11+$0x0] =	vst.idx.add.f32.msk $0xffff, v1  }
0x179: {  	v2 =	vld [tilespmem:$0x200];
	_ =	sdelay $0x7  }
0x17a: {  	[tilespmem:v2+s11+$0x0] =	vst.idx.add.f32.msk $0xffff, v1  }
0x17b: {  	v2 =	vld [tilespmem:$0x210];
	_ =	sdelay $0x7  }
0x17c: {  	[tilespmem:v2+s11+$0x0] =	vst.idx.add.f32.msk $0xffff, v1  }
0x17d: {  	v2 =	vld [tilespmem:$0x220];
	_ =	sdelay $0x7  }
0x17e: {  	[tilespmem:v2+s11+$0x0] =	vst.idx.add.f32.msk $0xffff, v1  }
0x17f: {  	v2 =	vld [tilespmem:$0x230];
	_ =	sdelay $0x7  }
0x180: {  	[tilespmem:v2+s11+$0x0] =	vst.idx.add.f32.msk $0xffff, v1  }
0x181: {  	v2 =	vld [tilespmem:$0x240];
	_ =	sdelay $0x7  }
0x182: {  	[tilespmem:v2+s11+$0x0] =	vst.idx.add.f32.msk $0xffff, v1  }
0x183: {  	v2 =	vld [tilespmem:$0x250];
	_ =	sdelay $0x7  }
0x184: {  	[tilespmem:v2+s11+$0x0] =	vst.idx.add.f32.msk $0xffff, v1  }
0x185: {  	v2 =	vld [tilespmem:$0x260];
	_ =	sdelay $0x7  }
0x186: {  	[tilespmem:v2+s11+$0x0] =	vst.idx.add.f32.msk $0xffff, v1  }
0x187: {  	v2 =	vld [tilespmem:$0x270];
	_ =	sdelay $0x7  }
0x188: {  	[tilespmem:v2+s11+$0x0] =	vst.idx.add.f32.msk $0xffff, v1  }
0x189: {  	v2 =	vld [tilespmem:$0x280];
	_ =	sdelay $0x7  }
0x18a: {  	[tilespmem:v2+s11+$0x0] =	vst.idx.add.f32.msk $0xffff, v1  }
0x18b: {  	v2 =	vld [tilespmem:$0x290];
	_ =	sdelay $0x7  }
0x18c: {  	[tilespmem:v2+s11+$0x0] =	vst.idx.add.f32.msk $0xffff, v1  }
0x18d: {  	v2 =	vld [tilespmem:$0x2A0];
	_ =	sdelay $0x7  }
0x18e: {  	[tilespmem:v2+s11+$0x0] =	vst.idx.add.f32.msk $0xffff, v1  }
0x18f: {  	v2 =	vld [tilespmem:$0x2B0];
	_ =	sdelay $0x7  }
0x190: {  	[tilespmem:v2+s11+$0x0] =	vst.idx.add.f32.msk $0xffff, v1  }
0x191: {  	v2 =	vld [tilespmem:$0x2C0];
	_ =	sdelay $0x7  }
0x192: {  	[tilespmem:v2+s11+$0x0] =	vst.idx.add.f32.msk $0xffff, v1  }
0x193: {  	v2 =	vld [tilespmem:$0x2D0];
	_ =	sdelay $0x7  }
0x194: {  	[tilespmem:v2+s11+$0x0] =	vst.idx.add.f32.msk $0xffff, v1  }
0x195: {  	v2 =	vld [tilespmem:$0x2E0];
	_ =	sdelay $0x7  }
0x196: {  	[tilespmem:v2+s11+$0x0] =	vst.idx.add.f32.msk $0xffff, v1  }
0x197: {  	v2 =	vld [tilespmem:$0x2F0];
	_ =	sdelay $0x7  }
0x198: {  	[tilespmem:v2+s11+$0x0] =	vst.idx.add.f32.msk $0xffff, v1  }
0x199: {  	v2 =	vld [tilespmem:$0x300];
	_ =	sdelay $0x7  }
0x19a: {  	[tilespmem:v2+s11+$0x0] =	vst.idx.add.f32.msk $0xffff, v1  }
0x19b: {  	v2 =	vld [tilespmem:$0x310];
	_ =	sdelay $0x7  }
0x19c: {  	[tilespmem:v2+s11+$0x0] =	vst.idx.add.f32.msk $0xffff, v1  }
0x19d: {  	v2 =	vld [tilespmem:$0x320];
	_ =	sdelay $0x7  }
0x19e: {  	[tilespmem:v2+s11+$0x0] =	vst.idx.add.f32.msk $0xffff, v1  }
0x19f: {  	v2 =	vld [tilespmem:$0x330];
	_ =	sdelay $0x7  }
0x1a0: {  	[tilespmem:v2+s11+$0x0] =	vst.idx.add.f32.msk $0xffff, v1  }
0x1a1: {  	v2 =	vld [tilespmem:$0x340];
	_ =	sdelay $0x7  }
0x1a2: {  	[tilespmem:v2+s11+$0x0] =	vst.idx.add.f32.msk $0xffff, v1  }
0x1a3: {  	v2 =	vld [tilespmem:$0x350];
	_ =	sdelay $0x7  }
0x1a4: {  	[tilespmem:v2+s11+$0x0] =	vst.idx.add.f32.msk $0xffff, v1  }
0x1a5: {  	v2 =	vld [tilespmem:$0x360];
	_ =	sdelay $0x7  }
0x1a6: {  	[tilespmem:v2+s11+$0x0] =	vst.idx.add.f32.msk $0xffff, v1  }
0x1a7: {  	v2 =	vld [tilespmem:$0x370];
	_ =	sdelay $0x7  }
0x1a8: {  	[tilespmem:v2+s11+$0x0] =	vst.idx.add.f32.msk $0xffff, v1  }
0x1a9: {  	v2 =	vld [tilespmem:$0x380];
	_ =	sdelay $0x7  }
0x1aa: {  	[tilespmem:v2+s11+$0x0] =	vst.idx.add.f32.msk $0xffff, v1  }
0x1ab: {  	v2 =	vld [tilespmem:$0x390];
	_ =	sdelay $0x7  }
0x1ac: {  	[tilespmem:v2+s11+$0x0] =	vst.idx.add.f32.msk $0xffff, v1  }
0x1ad: {  	v2 =	vld [tilespmem:$0x3A0];
	_ =	sdelay $0x7  }
0x1ae: {  	[tilespmem:v2+s11+$0x0] =	vst.idx.add.f32.msk $0xffff, v1  }
0x1af: {  	v2 =	vld [tilespmem:$0x3B0];
	_ =	sdelay $0x7  }
0x1b0: {  	[tilespmem:v2+s11+$0x0] =	vst.idx.add.f32.msk $0xffff, v1  }
0x1b1: {  	v2 =	vld [tilespmem:$0x3C0];
	_ =	sdelay $0x7  }
0x1b2: {  	[tilespmem:v2+s11+$0x0] =	vst.idx.add.f32.msk $0xffff, v1  }
0x1b3: {  	v2 =	vld [tilespmem:$0x3D0];
	_ =	sdelay $0x7  }
0x1b4: {  	[tilespmem:v2+s11+$0x0] =	vst.idx.add.f32.msk $0xffff, v1  }
0x1b5: {  	v2 =	vld [tilespmem:$0x3E0];
	_ =	sdelay $0x7  }
0x1b6: {  	[tilespmem:v2+s11+$0x0] =	vst.idx.add.f32.msk $0xffff, v1  }
0x1b7: {  	v2 =	vld [tilespmem:$0x3F0];
	_ =	sdelay $0x2  }
0x1b8: {  	p1 =	sne.s32 s13, $0x6100  }
.Ltmp6:
0x1b9: {  	_ = 	snop;
	(pc) =	sbr.rel @p1 .LBB2_10-.Ltmp6, $2  }
0x1ba: {  	_ =	sdelay $0x2  }
0x1bb: {  	s13 =	sadd.s32 $0x80, s13;
	[tilespmem:v2+s11+$0x0] =	vst.idx.add.f32.msk $0xffff, v1  }
.Ltmp7:
0x1bc: {  	(pc) =	sbr.rel @p0 .LBB2_13-.Ltmp7, $1  }
0x1bd: {  	_ =	sdelay $0x3  }
0x1be: {  	[tilespmem:s2], [sflag:$0x1] =	stream.linear.gather [hbm4b:s5+s2], $0x400, $0x38;
	[tilespmem:$0x18C00] =	vst v63  }
0x1bf: {  	_ =	swait.ge [sflag:s10], $0x400  }
0x1c0: {  	[sflag:s10] =	ssyncset.done $0x0  }
0x1c1: {  	[sflag:s10] =	ssyncadd.s32 $0xFFFFFC00  }
0x1c2: {  	v2 =	vld [tilespmem:$0x0];
	_ =	sdelay $0x7  }
0x1c3: {  	[tilespmem:v2+s11+$0x0] =	vst.idx.add.f32.msk $0xffff, v1  }
0x1c4: {  	v2 =	vld [tilespmem:$0x10];
	_ =	sdelay $0x7  }
0x1c5: {  	[tilespmem:v2+s11+$0x0] =	vst.idx.add.f32.msk $0xffff, v1  }
0x1c6: {  	v2 =	vld [tilespmem:$0x20];
	_ =	sdelay $0x7  }
0x1c7: {  	[tilespmem:v2+s11+$0x0] =	vst.idx.add.f32.msk $0xffff, v1  }
0x1c8: {  	v2 =	vld [tilespmem:$0x30];
	_ =	sdelay $0x7  }
0x1c9: {  	[tilespmem:v2+s11+$0x0] =	vst.idx.add.f32.msk $0xffff, v1  }
0x1ca: {  	v2 =	vld [tilespmem:$0x40];
	_ =	sdelay $0x7  }
0x1cb: {  	[tilespmem:v2+s11+$0x0] =	vst.idx.add.f32.msk $0xffff, v1  }
0x1cc: {  	v2 =	vld [tilespmem:$0x50];
	_ =	sdelay $0x7  }
0x1cd: {  	[tilespmem:v2+s11+$0x0] =	vst.idx.add.f32.msk $0xffff, v1  }
0x1ce: {  	v2 =	vld [tilespmem:$0x60];
	_ =	sdelay $0x7  }
0x1cf: {  	[tilespmem:v2+s11+$0x0] =	vst.idx.add.f32.msk $0xffff, v1  }
0x1d0: {  	v2 =	vld [tilespmem:$0x70];
	_ =	sdelay $0x7  }
0x1d1: {  	[tilespmem:v2+s11+$0x0] =	vst.idx.add.f32.msk $0xffff, v1  }
0x1d2: {  	v2 =	vld [tilespmem:$0x80];
	_ =	sdelay $0x7  }
0x1d3: {  	[tilespmem:v2+s11+$0x0] =	vst.idx.add.f32.msk $0xffff, v1  }
0x1d4: {  	v2 =	vld [tilespmem:$0x90];
	_ =	sdelay $0x7  }
0x1d5: {  	[tilespmem:v2+s11+$0x0] =	vst.idx.add.f32.msk $0xffff, v1  }
0x1d6: {  	v2 =	vld [tilespmem:$0xA0];
	_ =	sdelay $0x7  }
0x1d7: {  	[tilespmem:v2+s11+$0x0] =	vst.idx.add.f32.msk $0xffff, v1  }
0x1d8: {  	v2 =	vld [tilespmem:$0xB0];
	_ =	sdelay $0x7  }
0x1d9: {  	[tilespmem:v2+s11+$0x0] =	vst.idx.add.f32.msk $0xffff, v1  }
0x1da: {  	v2 =	vld [tilespmem:$0xC0];
	_ =	sdelay $0x7  }
0x1db: {  	[tilespmem:v2+s11+$0x0] =	vst.idx.add.f32.msk $0xffff, v1  }
0x1dc: {  	v2 =	vld [tilespmem:$0xD0];
	_ =	sdelay $0x7  }
0x1dd: {  	[tilespmem:v2+s11+$0x0] =	vst.idx.add.f32.msk $0xffff, v1  }
0x1de: {  	v2 =	vld [tilespmem:$0xE0];
	_ =	sdelay $0x7  }
0x1df: {  	[tilespmem:v2+s11+$0x0] =	vst.idx.add.f32.msk $0xffff, v1  }
0x1e0: {  	v2 =	vld [tilespmem:$0xF0];
	_ =	sdelay $0x7  }
0x1e1: {  	[tilespmem:v2+s11+$0x0] =	vst.idx.add.f32.msk $0xffff, v1  }
0x1e2: {  	v2 =	vld [tilespmem:$0x100];
	_ =	sdelay $0x7  }
0x1e3: {  	[tilespmem:v2+s11+$0x0] =	vst.idx.add.f32.msk $0xffff, v1  }
0x1e4: {  	v2 =	vld [tilespmem:$0x110];
	_ =	sdelay $0x7  }
0x1e5: {  	[tilespmem:v2+s11+$0x0] =	vst.idx.add.f32.msk $0xffff, v1  }
0x1e6: {  	v2 =	vld [tilespmem:$0x120];
	_ =	sdelay $0x7  }
0x1e7: {  	[tilespmem:v2+s11+$0x0] =	vst.idx.add.f32.msk $0xffff, v1  }
0x1e8: {  	v2 =	vld [tilespmem:$0x130];
	_ =	sdelay $0x7  }
0x1e9: {  	[tilespmem:v2+s11+$0x0] =	vst.idx.add.f32.msk $0xffff, v1  }
0x1ea: {  	v2 =	vld [tilespmem:$0x140];
	_ =	sdelay $0x7  }
0x1eb: {  	[tilespmem:v2+s11+$0x0] =	vst.idx.add.f32.msk $0xffff, v1  }
0x1ec: {  	v2 =	vld [tilespmem:$0x150];
	_ =	sdelay $0x7  }
0x1ed: {  	[tilespmem:v2+s11+$0x0] =	vst.idx.add.f32.msk $0xffff, v1  }
0x1ee: {  	v2 =	vld [tilespmem:$0x160];
	_ =	sdelay $0x7  }
0x1ef: {  	[tilespmem:v2+s11+$0x0] =	vst.idx.add.f32.msk $0xffff, v1  }
0x1f0: {  	v2 =	vld [tilespmem:$0x170];
	_ =	sdelay $0x7  }
0x1f1: {  	[tilespmem:v2+s11+$0x0] =	vst.idx.add.f32.msk $0xffff, v1  }
0x1f2: {  	v2 =	vld [tilespmem:$0x180];
	_ =	sdelay $0x7  }
0x1f3: {  	[tilespmem:v2+s11+$0x0] =	vst.idx.add.f32.msk $0xffff, v1  }
0x1f4: {  	v2 =	vld [tilespmem:$0x190];
	_ =	sdelay $0x7  }
0x1f5: {  	[tilespmem:v2+s11+$0x0] =	vst.idx.add.f32.msk $0xffff, v1  }
0x1f6: {  	v2 =	vld [tilespmem:$0x1A0];
	_ =	sdelay $0x7  }
0x1f7: {  	[tilespmem:v2+s11+$0x0] =	vst.idx.add.f32.msk $0xffff, v1  }
0x1f8: {  	v2 =	vld [tilespmem:$0x1B0];
	_ =	sdelay $0x7  }
0x1f9: {  	[tilespmem:v2+s11+$0x0] =	vst.idx.add.f32.msk $0xffff, v1  }
0x1fa: {  	v2 =	vld [tilespmem:$0x1C0];
	_ =	sdelay $0x7  }
0x1fb: {  	[tilespmem:v2+s11+$0x0] =	vst.idx.add.f32.msk $0xffff, v1  }
0x1fc: {  	v2 =	vld [tilespmem:$0x1D0];
	_ =	sdelay $0x7  }
0x1fd: {  	[tilespmem:v2+s11+$0x0] =	vst.idx.add.f32.msk $0xffff, v1  }
0x1fe: {  	v2 =	vld [tilespmem:$0x1E0];
	_ =	sdelay $0x7  }
0x1ff: {  	[tilespmem:v2+s11+$0x0] =	vst.idx.add.f32.msk $0xffff, v1  }
0x200: {  	v2 =	vld [tilespmem:$0x1F0];
	_ =	sdelay $0x7  }
0x201: {  	[tilespmem:v2+s11+$0x0] =	vst.idx.add.f32.msk $0xffff, v1  }
0x202: {  	v2 =	vld [tilespmem:$0x200];
	_ =	sdelay $0x7  }
0x203: {  	[tilespmem:v2+s11+$0x0] =	vst.idx.add.f32.msk $0xffff, v1  }
0x204: {  	v2 =	vld [tilespmem:$0x210];
	_ =	sdelay $0x7  }
0x205: {  	[tilespmem:v2+s11+$0x0] =	vst.idx.add.f32.msk $0xffff, v1  }
0x206: {  	v2 =	vld [tilespmem:$0x220];
	_ =	sdelay $0x7  }
0x207: {  	[tilespmem:v2+s11+$0x0] =	vst.idx.add.f32.msk $0xffff, v1  }
0x208: {  	v2 =	vld [tilespmem:$0x230];
	_ =	sdelay $0x7  }
0x209: {  	[tilespmem:v2+s11+$0x0] =	vst.idx.add.f32.msk $0xffff, v1  }
0x20a: {  	v2 =	vld [tilespmem:$0x240];
	_ =	sdelay $0x7  }
0x20b: {  	[tilespmem:v2+s11+$0x0] =	vst.idx.add.f32.msk $0xffff, v1  }
0x20c: {  	v2 =	vld [tilespmem:$0x250];
	_ =	sdelay $0x7  }
0x20d: {  	[tilespmem:v2+s11+$0x0] =	vst.idx.add.f32.msk $0xffff, v1  }
0x20e: {  	v2 =	vld [tilespmem:$0x260];
	_ =	sdelay $0x7  }
0x20f: {  	[tilespmem:v2+s11+$0x0] =	vst.idx.add.f32.msk $0xffff, v1  }
0x210: {  	v2 =	vld [tilespmem:$0x270];
	_ =	sdelay $0x7  }
0x211: {  	[tilespmem:v2+s11+$0x0] =	vst.idx.add.f32.msk $0xffff, v1  }
0x212: {  	v2 =	vld [tilespmem:$0x280];
	_ =	sdelay $0x7  }
0x213: {  	[tilespmem:v2+s11+$0x0] =	vst.idx.add.f32.msk $0xffff, v1  }
0x214: {  	v2 =	vld [tilespmem:$0x290];
	_ =	sdelay $0x7  }
0x215: {  	[tilespmem:v2+s11+$0x0] =	vst.idx.add.f32.msk $0xffff, v1  }
0x216: {  	v2 =	vld [tilespmem:$0x2A0];
	_ =	sdelay $0x7  }
0x217: {  	[tilespmem:v2+s11+$0x0] =	vst.idx.add.f32.msk $0xffff, v1  }
0x218: {  	v2 =	vld [tilespmem:$0x2B0];
	_ =	sdelay $0x7  }
0x219: {  	[tilespmem:v2+s11+$0x0] =	vst.idx.add.f32.msk $0xffff, v1  }
0x21a: {  	v2 =	vld [tilespmem:$0x2C0];
	_ =	sdelay $0x7  }
0x21b: {  	[tilespmem:v2+s11+$0x0] =	vst.idx.add.f32.msk $0xffff, v1  }
0x21c: {  	v2 =	vld [tilespmem:$0x2D0];
	_ =	sdelay $0x7  }
0x21d: {  	[tilespmem:v2+s11+$0x0] =	vst.idx.add.f32.msk $0xffff, v1  }
0x21e: {  	v2 =	vld [tilespmem:$0x2E0];
	_ =	sdelay $0x7  }
0x21f: {  	[tilespmem:v2+s11+$0x0] =	vst.idx.add.f32.msk $0xffff, v1  }
0x220: {  	v2 =	vld [tilespmem:$0x2F0];
	_ =	sdelay $0x7  }
0x221: {  	[tilespmem:v2+s11+$0x0] =	vst.idx.add.f32.msk $0xffff, v1  }
0x222: {  	v2 =	vld [tilespmem:$0x300];
	_ =	sdelay $0x7  }
0x223: {  	[tilespmem:v2+s11+$0x0] =	vst.idx.add.f32.msk $0xffff, v1  }
0x224: {  	v2 =	vld [tilespmem:$0x310];
	_ =	sdelay $0x7  }
0x225: {  	[tilespmem:v2+s11+$0x0] =	vst.idx.add.f32.msk $0xffff, v1  }
0x226: {  	v2 =	vld [tilespmem:$0x320];
	_ =	sdelay $0x7  }
0x227: {  	[tilespmem:v2+s11+$0x0] =	vst.idx.add.f32.msk $0xffff, v1  }
0x228: {  	v2 =	vld [tilespmem:$0x330];
	_ =	sdelay $0x7  }
0x229: {  	[tilespmem:v2+s11+$0x0] =	vst.idx.add.f32.msk $0xffff, v1  }
0x22a: {  	v2 =	vld [tilespmem:$0x340];
	_ =	sdelay $0x7  }
0x22b: {  	[tilespmem:v2+s11+$0x0] =	vst.idx.add.f32.msk $0xffff, v1  }
0x22c: {  	v2 =	vld [tilespmem:$0x350];
	_ =	sdelay $0x7  }
0x22d: {  	[tilespmem:v2+s11+$0x0] =	vst.idx.add.f32.msk $0xffff, v1  }
0x22e: {  	v2 =	vld [tilespmem:$0x360];
	_ =	sdelay $0x7  }
0x22f: {  	[tilespmem:v2+s11+$0x0] =	vst.idx.add.f32.msk $0xffff, v1  }
0x230: {  	v2 =	vld [tilespmem:$0x370];
	_ =	sdelay $0x7  }
0x231: {  	[tilespmem:v2+s11+$0x0] =	vst.idx.add.f32.msk $0xffff, v1  }
0x232: {  	v2 =	vld [tilespmem:$0x380];
	_ =	sdelay $0x7  }
0x233: {  	[tilespmem:v2+s11+$0x0] =	vst.idx.add.f32.msk $0xffff, v1  }
0x234: {  	v2 =	vld [tilespmem:$0x390];
	_ =	sdelay $0x7  }
0x235: {  	[tilespmem:v2+s11+$0x0] =	vst.idx.add.f32.msk $0xffff, v1  }
0x236: {  	v2 =	vld [tilespmem:$0x3A0];
	_ =	sdelay $0x7  }
0x237: {  	[tilespmem:v2+s11+$0x0] =	vst.idx.add.f32.msk $0xffff, v1  }
0x238: {  	v2 =	vld [tilespmem:$0x3B0];
	_ =	sdelay $0x7  }
0x239: {  	[tilespmem:v2+s11+$0x0] =	vst.idx.add.f32.msk $0xffff, v1  }
0x23a: {  	v2 =	vld [tilespmem:$0x3C0];
	_ =	sdelay $0x7  }
0x23b: {  	[tilespmem:v2+s11+$0x0] =	vst.idx.add.f32.msk $0xffff, v1  }
0x23c: {  	v2 =	vld [tilespmem:$0x3D0];
	_ =	sdelay $0x7  }
0x23d: {  	[tilespmem:v2+s11+$0x0] =	vst.idx.add.f32.msk $0xffff, v1  }
0x23e: {  	v2 =	vld [tilespmem:$0x3E0];
	_ =	sdelay $0x7  }
0x23f: {  	[tilespmem:v2+s11+$0x0] =	vst.idx.add.f32.msk $0xffff, v1  }
0x240: {  	v2 =	vld [tilespmem:$0x3F0];
	_ =	sdelay $0x3  }
.Ltmp8:
0x241: {  	_ = 	snop;
	(pc) =	sbr.rel .LBB2_13-.Ltmp8, $2  }
0x242: {  	_ =	sdelay $0x2  }
0x243: {  	[tilespmem:v2+s11+$0x0] =	vst.idx.add.f32.msk $0xffff, v1  }
.LBB2_14:
0x244: {  	_ =	sfence.sel $0x180000  }
0x245: {  	[bflag:$0x0] =	sbarrier.arrive $0xFFFF  }
0x246: {  	p0 =	sne.s32 s1, $0x0;
	_ =	strace $0x90000047  }
0x247: {  	s0 =	sadd.s32 @!p0 $0x100000, s0;
	[bflag:$0x2] =	sbarrier.arrive $0xFFFF  }
0x248: {  	[sflag:s0] =	ssyncadd.tile.s32 @!p0 $0x1;
	_ =	shalt  }
.Lfunc_end2:
_tile_overlayer_lowered:
.L_overlay_start_2:
0x249: {  	(tag) =	ssettag $0x2  }
0x24a: {  	s0 =	rddreg [dreg:$0x0];
	s2 =	stileid.u32  }
0x24b: {  	s1 =	rddreg [dreg:$0x1];
	p0 =	sne.s32 s2, $0x0  }
0x24c: {  	s3 =	rddreg [dreg:$0x2];
	[bflag:$0x3] =	sbarrier.arrive $0xFFFF;
	s2 =	simm.s32 @!p0 $0x1C01  }
0x24d: {  	[timem:s3], [sflag:s2] =	dma.local @!p0 [hbm:s0], s1  }
0x24e: {  	s0 =	simm.s32 @!p0 $0x1  }
0x24f: {  	_ =	swait.ge @!p0 [sflag:s0], s1  }
0x250: {  	s1 =	ssub.s32 @!p0 $0x0, s1;
	[sflag:s0] =	ssyncset.done @!p0 $0x0  }
0x251: {  	[sflag:s0] =	ssyncadd.s32 @!p0 s1  }
0x252: {  	[bflag:$0x3] =	sbarrier.arrive $0xFFFF  }
0x253: {  	_ =	shalt  }

// kernel: sc_gather_scatter_f1.3.cloned.1.call-start
scs
__scs_entry_jumppad:
0x0: {  	(pc) =	sbr.rel $0x88, $3  }
0x1: {  	(tag) =	ssettag $0x0;
	lr =	simm.s32 $0x1  }
0x2: {  	[smem:$0x3F96] =	sst lr;
	_ =	strace $0xD0000000  }
0x3: {  	_ = 	snop  }
0x4: {  	_ = 	snop  }
0x5: {  	_ = 	snop  }
0x6: {  	_ = 	snop  }
0x7: {  	_ = 	snop  }
__scs_overlays_trampoline_lowered:
0x8: {  	[smem:$0x3FA5] =	sst s0  }
0x9: {  	[smem:$0x3FA6] =	sst s1  }
0xa: {  	[smem:$0x3FA7] =	sst s2  }
0xb: {  	[smem:$0x3FA8] =	sst s3  }
0xc: {  	[smem:$0x3FA9] =	sst s4  }
0xd: {  	[smem:$0x3FAA] =	sst s5  }
0xe: {  	[smem:$0x3FAB] =	sst s6  }
0xf: {  	[smem:$0x3FAC] =	sst s7  }
0x10: {  	[smem:$0x3FAD] =	sst s8  }
0x11: {  	[smem:$0x3FAE] =	sst s9;
	s0 =	simm.s32 @!p0 $0x0  }
0x12: {  	s1 =	sld [smem:$0x3F94];
	s0 =	simm.s32 @p0 $0x1  }
0x13: {  	[smem:$0x3FAF] =	sst s0;
	s0 =	simm.s32 @!p1 $0x0  }
0x14: {  	s2 =	sld [smem:$0x3F93];
	s0 =	simm.s32 @p1 $0x1  }
0x15: {  	[smem:$0x3FB0] =	sst s0;
	s0 =	simm.s32 @!p2 $0x0  }
0x16: {  	s3 =	sld [smem:$0x3FDB];
	s0 =	simm.s32 @p2 $0x1  }
0x17: {  	s4 =	simm.s32 $0x1BF5;
	[smem:$0x3FB2] =	sst s0  }
0x18: {  	s0 =	sld [smem:$0x3F95];
	_ =	swait.ge [sflag:s4], $0x0  }
0x19: {  	s7 =	sld [smem:$0x3F96]  }
0x1a: {  	s8 =	sadd.s32 $0xFFFFE003, lr  }
0x1b: {  	s9 =	sadd.s32 $0xFFFFFEF7, lr;
	s5 =	simm.s32 $0xFFFFFFFF;
	p2 =	slt.u32 s8, $0xFFFFF086  }
0x1c: {  	p1 =	slt.u32 s9, $0xF7A;
	s5 =	simm.s32 @!p2 $0x0  }
0x1d: {  	s5 =	simm.s32 @p1 $0x1;
	p0 =	seq.s32 s7, s2  }
0x1e: {  	s7 =	smul.u32 @!p0 $0xF7A, s2;
	p2 =	seq.s32 @!p0 s5, $0x0  }
0x1f: {  	s9 =	smul.u32 $0xF7A, s1;
	s8 =	simm.s32 @!p0 $0x1BF5;
	p2 =	por !p2, p0  }
0x20: {  	[sflag:s8] =	ssyncset.s32 @!p0 $0xFFFFF086;
	s6 =	sadd.s32 @!p0 s3, s7;
	s7 =	simm.s32 @!p0 $0x108  }
0x21: {  	s3 =	sadd.s32 s3, s9;
	s6 =	sadd.s32 @!p0 $0x88, s6;
	s7 =	simm.s32 @p2 $0x1082  }
0x22: {  	[simem:s7], [sflag:s8] =	dma.local @!p0 [hbm:s6], $0xF7A  }
0x23: {  	s9 =	sor.u32 $0xD0000000, s2;
	s6 =	simm.s32 $0x108;
	_ =	swait.ge @!p0 [sflag:s8], $0x0  }
0x24: {  	s3 =	sadd.s32 $0x88, s3;
	s6 =	simm.s32 @!p1 $0x1082;
	[sflag:s4] =	ssyncset.s32 $0xFFFFF086  }
0x25: {  	[simem:s6], [sflag:s4] =	dma.local [hbm:s3], $0xF7A  }
0x26: {  	[smem:$0x3F96] =	sst s1;
	(tag) =	ssettag s2;
	_ =	strace s9  }
0x27: {  	s1 =	sld [smem:$0x3FA6]  }
0x28: {  	s2 =	sld [smem:$0x3FA7]  }
0x29: {  	s4 =	sld [smem:$0x3FA9]  }
0x2a: {  	p0 =	seq.s32 s5, $0x0;
	s5 =	sld [smem:$0x3FAA]  }
0x2b: {  	s6 =	sld [smem:$0x3FAB]  }
0x2c: {  	s7 =	sld [smem:$0x3FAC]  }
0x2d: {  	s3 =	simm.s32 $0x108;
	s8 =	sld [smem:$0x3FAD]  }
0x2e: {  	s3 =	simm.s32 @!p0 $0x1082;
	s9 =	sld [smem:$0x3FAE]  }
0x2f: {  	lr =	sadd.s32 s0, s3;
	s0 =	sld [smem:$0x3FA5]  }
0x30: {  	s3 =	sld [smem:$0x3FA8]  }
0x31: {  	[smem:$0x3FB1] =	sst s10  }
0x32: {  	s10 =	sld [smem:$0x3FAF];
	_ =	sdelay $0x3  }
0x33: {  	p0 =	seq.s32 s10, $0x1;
	s10 =	sld [smem:$0x3FB1];
	_ =	sdelay $0x3  }
0x34: {  	[smem:$0x3FB1] =	sst s10  }
0x35: {  	s10 =	sld [smem:$0x3FB0];
	_ =	sdelay $0x3  }
0x36: {  	p1 =	seq.s32 s10, $0x1;
	s10 =	sld [smem:$0x3FB1];
	_ =	sdelay $0x3  }
0x37: {  	[smem:$0x3FB1] =	sst s10  }
0x38: {  	s10 =	sld [smem:$0x3FB2]  }
0x39: {  	_ = 	snop;
	(pc) =	sbr.ind lr, $3  }
0x3a: {  	_ = 	snop  }
0x3b: {  	_ = 	snop  }
0x3c: {  	p2 =	seq.s32 s10, $0x1;
	s10 =	sld [smem:$0x3FB1]  }
0x3d: {  	_ =	shalt  }
0x3e: {  	_ =	shalt  }
0x3f: {  	_ =	shalt  }
0x40: {  	_ =	shalt  }
0x41: {  	_ =	shalt  }
0x42: {  	_ =	shalt  }
0x43: {  	_ =	shalt  }
0x44: {  	_ =	shalt  }
0x45: {  	_ =	shalt  }
0x46: {  	_ =	shalt  }
0x47: {  	_ =	shalt  }
0x48: {  	_ =	shalt  }
0x49: {  	_ =	shalt  }
0x4a: {  	_ =	shalt  }
0x4b: {  	_ =	shalt  }
0x4c: {  	_ =	shalt  }
0x4d: {  	_ =	shalt  }
0x4e: {  	_ =	shalt  }
0x4f: {  	_ =	shalt  }
0x50: {  	_ =	shalt  }
0x51: {  	_ =	shalt  }
0x52: {  	_ =	shalt  }
0x53: {  	_ =	shalt  }
0x54: {  	_ =	shalt  }
0x55: {  	_ =	shalt  }
0x56: {  	_ =	shalt  }
0x57: {  	_ =	shalt  }
0x58: {  	_ =	shalt  }
0x59: {  	_ =	shalt  }
0x5a: {  	_ =	shalt  }
0x5b: {  	_ =	shalt  }
0x5c: {  	_ =	shalt  }
0x5d: {  	_ =	shalt  }
0x5e: {  	_ =	shalt  }
0x5f: {  	_ =	shalt  }
0x60: {  	_ =	shalt  }
0x61: {  	_ =	shalt  }
0x62: {  	_ =	shalt  }
0x63: {  	_ =	shalt  }
0x64: {  	_ =	shalt  }
0x65: {  	_ =	shalt  }
0x66: {  	_ =	shalt  }
0x67: {  	_ =	shalt  }
0x68: {  	_ =	shalt  }
0x69: {  	_ =	shalt  }
0x6a: {  	_ =	shalt  }
0x6b: {  	_ =	shalt  }
0x6c: {  	_ =	shalt  }
0x6d: {  	_ =	shalt  }
0x6e: {  	_ =	shalt  }
0x6f: {  	_ =	shalt  }
0x70: {  	_ =	shalt  }
0x71: {  	_ =	shalt  }
0x72: {  	_ =	shalt  }
0x73: {  	_ =	shalt  }
0x74: {  	_ =	shalt  }
0x75: {  	_ =	shalt  }
0x76: {  	_ =	shalt  }
0x77: {  	_ =	shalt  }
0x78: {  	_ =	shalt  }
0x79: {  	_ =	shalt  }
0x7a: {  	_ =	shalt  }
0x7b: {  	_ =	shalt  }
0x7c: {  	_ =	shalt  }
0x7d: {  	_ =	shalt  }
0x7e: {  	_ =	shalt  }
0x7f: {  	_ =	shalt  }
0x80: {  	_ =	shalt  }
0x81: {  	_ =	shalt  }
0x82: {  	_ =	shalt  }
0x83: {  	_ =	shalt  }
0x84: {  	_ =	shalt  }
0x85: {  	_ =	shalt  }
0x86: {  	_ =	shalt  }
0x87: {  	_ =	shalt  }
.Lfunc_end0:
.L_simem_size_0:
called_computation.2_lowered:
.L_overlay_start_0:
0x88: {  	s2 =	sld [smem:$0x3FD9]  }
0x89: {  	s3 =	sld [smem:$0x3FFE];
	_ =	sdelay $0x1  }
0x8a: {  	s1 =	srdreg.scid  }
0x8b: {  	s0 =	sand.u32 $0x1, s1  }
0x8c: {  	s16 =	sshll.u32 s0, $0xA;
	s2 =	sadd.s32 s3, s2  }
0x8d: {  	s2 =	sadd.s32 s2, s16  }
0x8e: {  	[smem:$0x3FBD] =	sst s2  }
0x8f: {  	_ = 	snop  }
0x90: {  	(tm) =	ssettm $0x1  }
0x91: {  	s17 =	sld [smem:$0x3FFB];
	_ =	sdelay $0x3  }
0x92: {  	_ =	strace s17  }
0x93: {  	s2 =	sld [smem:$0x3FFC];
	_ =	sdelay $0x3  }
0x94: {  	_ =	strace s2  }
0x95: {  	s2 =	sld [smem:$0x3FFD];
	_ =	sdelay $0x3  }
0x96: {  	_ =	strace s2  }
0x97: {  	_ =	strace $0x8FFFFFFF  }
0x98: {  	s18 =	sld [smem:$0x3FDB];
	_ =	sdelay $0x1  }
0x99: {  	s19 =	simm.s32 $_scs_section_size  }
0x9a: {  	s4 =	simm.s32 $_size__tile_overlayer_lowered;
	s5 =	simm.s32 $_tile_overlayer_lowered  }
0x9b: {  	s22 =	simm.s32 $0x1BFF;
	s21 =	sshll.u32 s5, $0x1;
	s2 =	sadd.s32 s19, s18  }
0x9c: {  	s6 =	simm.s32 $0x0;
	s20 =	sshll.u32 s4, $0x1;
	s4 =	sadd.s32 s21, s2  }
0x9d: {  	[timem:s6], [sflag:s22] =	dma.local [hbm:s4], s20  }
0x9e: {  	_ =	swait.ge [sflag:s22], s20  }
0x9f: {  	s3 =	ssub.s32 $0x0, s20;
	[sflag:s22] =	ssyncset.done $0x0  }
0xa0: {  	[sflag:s22] =	ssyncadd.s32 s3;
	_ =	sdelay $0x1  }
0xa1: {  	s23 =	simm.s32 $0x1B8B  }
0xa2: {  	_ =	swait.ge [sflag:s23], $0x1  }
0xa3: {  	[sflag:s23] =	ssyncset.done $0x0  }
0xa4: {  	s25 =	simm.s32 $0x1B8E;
	s24 =	sld [smem:$0x3FFE];
	[sflag:s23] =	ssyncadd.s32 $0xFFFFFFFF  }
0xa5: {  	s26 =	simm.s32 $execute0_lowered;
	[smem:$0x3FD2] =	sst s25  }
0xa6: {  	s4 =	sshll.u32 s26, $0x1;
	_ =	strace $0x80000049;
	[dreg:$0x1] =	wrdreg $0xFFFFFFFF  }
0xa7: {  	s28 =	simm.s32 $_size_execute0_lowered;
	s2 =	sadd.s32 s2, s4;
	[dreg:$0x0] =	wrdreg $0x0  }
0xa8: {  	s4 =	sshll.u32 s28, $0x1;
	[dreg:$0x2] =	wrdreg s2  }
0xa9: {  	[dreg:$0x3] =	wrdreg s4  }
0xaa: {  	[dreg:$0x4] =	wrdreg $0xC0  }
0xab: {  	_ =	task [dreg:s6], $0x5FFFF  }
0xac: {  	[dreg:$0x1] =	wrdreg $0xFFFFFFFF  }
0xad: {  	[dreg:$0x0] =	wrdreg $0x60  }
0xae: {  	[dreg:$0x2] =	wrdreg s24  }
0xaf: {  	[dreg:$0x3] =	wrdreg $0x48000  }
0xb0: {  	[dreg:$0x4] =	wrdreg $0x9  }
0xb1: {  	_ =	task.clear_ibuf [dreg:s6], $0x5FFFF;
	_ =	strace $0x90000049  }
0xb2: {  	s29 =	simm.s32 $0x9;
	_ =	strace $0x8000004B  }
0xb3: {  	_ =	swait.ge [sflag:s29], $0x1  }
0xb4: {  	[sflag:s29] =	ssyncadd.s32 $0xFFFFFFFF  }
0xb5: {  	_ =	strace $0x9000004B  }
0xb6: {  	_ =	sfence  }
0xb7: {  	s30 =	sld [smem:$0x0];
	_ =	sdelay $0x2  }
0xb8: {  	s31 =	sshll.u32 s1, $0xD;
	s1 =	sshrl.u32 s1, $0x2  }
0xb9: {  	s3 =	sand.u32 $0x4000, s31;
	s1 =	sadd.s32 s1, s30  }
0xba: {  	s0 =	sor.u32 s3, s0;
	s1 =	sshll.u32 s1, $0x11  }
0xbb: {  	s0 =	sor.u32 s1, s0  }
0xbc: {  	s0 =	sadd.s32 $0x8F2B, s0  }
0xbd: {  	[sflag:s0] =	ssyncadd.remote.s32 $0x1  }
0xbe: {  	_ =	sfence.sel $0xFFFF  }
0xbf: {  	[dreg:$0x0] =	wrdreg $0xFFFFFFFF;
	(pc) =	sbr.abs _section_cstart, $3  }
0xc0: {  	[dreg:$0x1] =	wrdreg $0xFFFFFFFF  }
0xc1: {  	_ =	task.clear_ibuf [dreg:s6], $0x2FFFF;
	_ =	strace $0x9FFFFFFF  }
0xc2: {  	(tm) =	ssettm $0x7FFFFFFF  }
0xc3: {  	_ =	shalt  }
tec
execute0_lowered:
.L_overlay_start_1:
0x0: {  	(tag) =	ssettag $0x1  }
0x1: {  	s0 =	rddreg [dreg:$0x0]  }
0x2: {  	s1 =	rddreg [dreg:$0x1]  }
0x3: {  	s3 =	simm.s32 $0x0;
	s2 =	srdreg.scid;
	s19 =	stileid.u32  }
0x4: {  	s13 =	simm.s32 $0x400;
	s14 =	simm.s32 $0x80;
	s15 =	simm.s32 $0x800  }
0x5: {  	s28 =	simm.s32 $0x2800;
	s29 =	simm.s32 $0x600;
	s30 =	simm.s32 $0x280  }
0x6: {  	s31 =	simm.s32 $0x3000;
	[smem:$0x7FF] =	sst s3;
	s2 =	sand.u32 $0x1, s2  }
0x7: {  	s5 =	smul.u32 $0x3100, s19;
	s6 =	sadd.s32 $0xC7600, s0;
	s4 =	sadd.s32 $0x194200, s0  }
0x8: {  	s7 =	sadd.s32 $0x4000, s0;
	s10 =	smul.u32 $0x62000, s19;
	s11 =	sadd.s32 $0x1C5200, s0  }
0x9: {  	s20 =	sshll.u32 s19, $0x8;
	s22 =	sshll.u32 s19, $0x6;
	s23 =	smul.u32 $0xC300, s19  }
0xa: {  	p0 =	sgt.u32 s19, $0x4;
	_ =	strace $0x8000004A;
	s8 =	smul.u32 $0x31000, s2  }
0xb: {  	s9 =	ssub.s32 $0x2, s2;
	[dreg:$0x5] =	wrdreg s11;
	s21 =	sshll.u32 s2, $0x7  }
0xc: {  	s11 =	sor.u32 $0x1C03, s22;
	s2 =	smul.u32 $0x6180, s2;
	s22 =	simm.s32 $0x500  }
0xd: {  	s16 =	sshrl.u32 s9, $0x1;
	s18 =	sshrl.u32 s10, $0x2;
	s10 =	simm.s32 $0x780  }
0xe: {  	[dreg:$0x6] =	wrdreg s11;
	s5 =	sadd.s32 s5, s8;
	s17 =	ssub.s32 s9, s16  }
0xf: {  	s8 =	sadd.s32 s18, s1;
	s9 =	sor.u32 s21, s20;
	s16 =	simm.s32 $0x1  }
0x10: {  	s18 =	simm.s32 $0x1000;
	s20 =	simm.s32 $0x100;
	s21 =	simm.s32 $0x1800  }
0x11: {  	s0 =	sadd.s32 s5, s0;
	s9 =	sor.u32 $0xC3000, s9;
	s5 =	smax.u32 s17, $0x1  }
0x12: {  	s26 =	sshrl.u32 s8, $0x3;
	s17 =	simm.s32 $0x2;
	s8 =	simm.s32 $0x700  }
0x13: {  	s12 =	sadd.s32 s6, s9;
	s9 =	sadd.s32 s7, s9;
	s7 =	sadd.s32 s23, s7  }
0x14: {  	s0 =	sadd.s32 $0x1C8400, s0;
	s6 =	sadd.s32 s23, s6;
	[dreg:$0xa] =	wrdreg s5  }
0x15: {  	s23 =	simm.s32 $0x180;
	s19 =	smov.u32 s26;
	[dreg:$0x7] =	wrdreg s12  }
0x16: {  	s26 =	simm.s32 $0x200;
	s5 =	simm.s32 $0x380;
	[dreg:$0x8] =	wrdreg s9  }
.Ltmp0:
0x17: {  	[dreg:$0x9] =	wrdreg s0;
	s24 =	sadd.s32 s2, s7;
	(pc) =	sbr.rel .LBB2_1-.Ltmp0, $4  }
0x18: {  	s25 =	sadd.s32 s2, s6;
	s12 =	simm.s32 $0x3;
	s0 =	simm.s32 $0x680  }
0x19: {  	s2 =	simm.s32 $0x300;
	s7 =	simm.s32 $0x3800;
	[dreg:$0xb] =	wrdreg s19  }
0x1a: {  	s9 =	simm.s32 $0x4000;
	s6 =	simm.s32 $0x0;
	[dreg:$0x3] =	wrdreg s24  }
0x1b: {  	[dreg:$0x4] =	wrdreg s25;
	s24 =	simm.s32 $0x2000;
	s25 =	simm.s32 $0x580  }
.LBB2_5:
0x1c: {  	[bflag:$0x0] =	sbarrier.arrive $0xFFFF  }
0x1d: {  	s11 =	rddreg [dreg:$0x6]  }
0x1e: {  	s6 =	rddreg [dreg:$0x9]  }
0x1f: {  	s19 =	rddreg [dreg:$0xb]  }
0x20: {  	[hbm:s6], [sflag:s11] =	dma.local [spmem:s19], $0x3100  }
0x21: {  	_ =	swait.ge [sflag:s12], $0x3100  }
0x22: {  	s6 =	rddreg [dreg:$0xc]  }
0x23: {  	s11 =	sadd.s32 $0x1, s6;
	s6 =	rddreg [dreg:$0xa]  }
0x24: {  	p1 =	sne.s32 s11, s6  }
.Ltmp1:
0x25: {  	_ = 	snop;
	(pc) =	sbr.rel @!p1 .LBB2_6-.Ltmp1, $4  }
0x26: {  	[sflag:s12] =	ssyncset.done $0x0  }
0x27: {  	[sflag:s12] =	ssyncadd.s32 $0xFFFFCF00  }
0x28: {  	[bflag:$0x0] =	sbarrier.arrive $0xFFFF  }
0x29: {  	s6 =	smov.u32 s11;
	s11 =	rddreg [dreg:$0x6]  }
.LBB2_1:
0x2a: {  	[dreg:$0xc] =	wrdreg s6  }
0x2b: {  	s6 =	rddreg [dreg:$0x5]  }
0x2c: {  	[spmem:s19], [sflag:s11] =	dma.local [hbm:s6], $0x3100  }
0x2d: {  	_ =	swait.ge [sflag:s12], $0x3100  }
0x2e: {  	[sflag:s12] =	ssyncset.done $0x0  }
0x2f: {  	[sflag:s12] =	ssyncadd.s32 $0xFFFFCF00  }
0x30: {  	[bflag:$0x0] =	sbarrier.arrive $0xFFFF  }
0x31: {  	s19 =	rddreg [dreg:$0x4]  }
0x32: {  	s11 =	sadd.s32 $0x0, s19  }
0x33: {  	[tilespmem:s3], [sflag:$0x3] =	stream.linear.gather [hbm4b:s11+s3], $0x400, $0x38;
	[tilespmem:$0x1D000] =	vst v63  }
0x34: {  	_ =	swait.ge [sflag:s12], $0x400  }
0x35: {  	s6 =	rddreg [dreg:$0x3];
	[sflag:s12] =	ssyncset.done $0x0  }
0x36: {  	[sflag:s12] =	ssyncadd.s32 $0xFFFFFC00;
	s11 =	sadd.s32 $0x0, s6  }
0x37: {  	[tilespmem:s13], [sflag:$0x3] =	stream.linear.gather [hbm4b:s11+s3], $0x400, $0x38;
	[tilespmem:$0x1D000] =	vst v63  }
0x38: {  	_ =	swait.ge [sflag:s12], $0x400  }
0x39: {  	[sflag:s12] =	ssyncset.done $0x0  }
0x3a: {  	[sflag:s12] =	ssyncadd.s32 $0xFFFFFC00  }
0x3b: {  	[tilespmem:s15], [sflag:$0x1] =	stream.indirect.gather [hbm4b:s4+s14], $0x10, s3, s14, $0xb8;
	[tilespmem:$0x1D000] =	vst v63  }
0x3c: {  	_ =	swait.ge [sflag:s16], $0x800  }
0x3d: {  	[sflag:s16] =	ssyncset.done $0x0  }
0x3e: {  	[sflag:s16] =	ssyncadd.s32 $0xFFFFF800  }
0x3f: {  	[spmem:s1] =	stream.indirect.scatter.add.f32 [tilespmem:s15], [sflag:$0x2], $0x10, s13, s14, $0xb8;
	[tilespmem:$0x1D000] =	vst v63  }
0x40: {  	_ =	swait.ge [sflag:s17], $0x800  }
0x41: {  	[sflag:s17] =	ssyncset.done $0x0  }
0x42: {  	[sflag:s17] =	ssyncadd.s32 $0xFFFFF800  }
0x43: {  	[tilespmem:s18], [sflag:$0x1] =	stream.indirect.gather [hbm4b:s4+s14], $0x10, s14, s14, $0xb8;
	[tilespmem:$0x1D000] =	vst v63  }
0x44: {  	_ =	swait.ge [sflag:s16], $0x800  }
0x45: {  	[sflag:s16] =	ssyncset.done $0x0  }
0x46: {  	s19 =	simm.s32 $0x480;
	[sflag:s16] =	ssyncadd.s32 $0xFFFFF800  }
0x47: {  	[spmem:s1] =	stream.indirect.scatter.add.f32 [tilespmem:s18], [sflag:$0x2], $0x10, s19, s14, $0xb8;
	[tilespmem:$0x1D000] =	vst v63  }
0x48: {  	_ =	swait.ge [sflag:s17], $0x800  }
0x49: {  	[sflag:s17] =	ssyncset.done $0x0  }
0x4a: {  	[sflag:s17] =	ssyncadd.s32 $0xFFFFF800  }
0x4b: {  	[tilespmem:s21], [sflag:$0x1] =	stream.indirect.gather [hbm4b:s4+s14], $0x10, s20, s14, $0xb8;
	[tilespmem:$0x1D000] =	vst v63  }
0x4c: {  	_ =	swait.ge [sflag:s16], $0x800  }
0x4d: {  	[sflag:s16] =	ssyncset.done $0x0  }
0x4e: {  	[sflag:s16] =	ssyncadd.s32 $0xFFFFF800  }
0x4f: {  	[spmem:s1] =	stream.indirect.scatter.add.f32 [tilespmem:s21], [sflag:$0x2], $0x10, s22, s14, $0xb8;
	[tilespmem:$0x1D000] =	vst v63  }
0x50: {  	_ =	swait.ge [sflag:s17], $0x800  }
0x51: {  	[sflag:s17] =	ssyncset.done $0x0  }
0x52: {  	[sflag:s17] =	ssyncadd.s32 $0xFFFFF800  }
0x53: {  	[tilespmem:s24], [sflag:$0x1] =	stream.indirect.gather [hbm4b:s4+s14], $0x10, s23, s14, $0xb8;
	[tilespmem:$0x1D000] =	vst v63  }
0x54: {  	_ =	swait.ge [sflag:s16], $0x800  }
0x55: {  	[sflag:s16] =	ssyncset.done $0x0  }
0x56: {  	[sflag:s16] =	ssyncadd.s32 $0xFFFFF800  }
0x57: {  	[spmem:s1] =	stream.indirect.scatter.add.f32 [tilespmem:s24], [sflag:$0x2], $0x10, s25, s14, $0xb8;
	[tilespmem:$0x1D000] =	vst v63  }
0x58: {  	_ =	swait.ge [sflag:s17], $0x800  }
0x59: {  	[sflag:s17] =	ssyncset.done $0x0  }
0x5a: {  	[sflag:s17] =	ssyncadd.s32 $0xFFFFF800  }
0x5b: {  	[tilespmem:s28], [sflag:$0x1] =	stream.indirect.gather [hbm4b:s4+s14], $0x10, s26, s14, $0xb8;
	[tilespmem:$0x1D000] =	vst v63  }
0x5c: {  	_ =	swait.ge [sflag:s16], $0x800  }
0x5d: {  	[sflag:s16] =	ssyncset.done $0x0  }
0x5e: {  	[sflag:s16] =	ssyncadd.s32 $0xFFFFF800  }
0x5f: {  	[spmem:s1] =	stream.indirect.scatter.add.f32 [tilespmem:s28], [sflag:$0x2], $0x10, s29, s14, $0xb8;
	[tilespmem:$0x1D000] =	vst v63  }
0x60: {  	_ =	swait.ge [sflag:s17], $0x800  }
0x61: {  	[sflag:s17] =	ssyncset.done $0x0  }
0x62: {  	[sflag:s17] =	ssyncadd.s32 $0xFFFFF800  }
0x63: {  	[tilespmem:s31], [sflag:$0x1] =	stream.indirect.gather [hbm4b:s4+s14], $0x10, s30, s14, $0xb8;
	[tilespmem:$0x1D000] =	vst v63  }
0x64: {  	_ =	swait.ge [sflag:s16], $0x800  }
0x65: {  	[sflag:s16] =	ssyncset.done $0x0  }
0x66: {  	[sflag:s16] =	ssyncadd.s32 $0xFFFFF800  }
0x67: {  	[spmem:s1] =	stream.indirect.scatter.add.f32 [tilespmem:s31], [sflag:$0x2], $0x10, s0, s14, $0xb8;
	[tilespmem:$0x1D000] =	vst v63  }
0x68: {  	_ =	swait.ge [sflag:s17], $0x800  }
0x69: {  	[sflag:s17] =	ssyncset.done $0x0  }
0x6a: {  	[sflag:s17] =	ssyncadd.s32 $0xFFFFF800  }
0x6b: {  	[tilespmem:s7], [sflag:$0x1] =	stream.indirect.gather [hbm4b:s4+s14], $0x10, s2, s14, $0xb8;
	[tilespmem:$0x1D000] =	vst v63  }
0x6c: {  	_ =	swait.ge [sflag:s16], $0x800  }
0x6d: {  	[sflag:s16] =	ssyncset.done $0x0  }
0x6e: {  	[sflag:s16] =	ssyncadd.s32 $0xFFFFF800  }
0x6f: {  	[spmem:s1] =	stream.indirect.scatter.add.f32 [tilespmem:s7], [sflag:$0x2], $0x10, s8, s14, $0xb8;
	[tilespmem:$0x1D000] =	vst v63  }
0x70: {  	_ =	swait.ge [sflag:s17], $0x800  }
0x71: {  	[sflag:s17] =	ssyncset.done $0x0  }
0x72: {  	[sflag:s17] =	ssyncadd.s32 $0xFFFFF800  }
0x73: {  	[tilespmem:s9], [sflag:$0x1] =	stream.indirect.gather [hbm4b:s4+s14], $0x10, s5, s14, $0xb8;
	[tilespmem:$0x1D000] =	vst v63  }
0x74: {  	_ =	swait.ge [sflag:s16], $0x800  }
0x75: {  	[sflag:s16] =	ssyncset.done $0x0  }
0x76: {  	[sflag:s16] =	ssyncadd.s32 $0xFFFFF800  }
0x77: {  	[spmem:s1] =	stream.indirect.scatter.add.f32 [tilespmem:s9], [sflag:$0x2], $0x10, s10, s14, $0xb8;
	[tilespmem:$0x1D000] =	vst v63  }
0x78: {  	s11 =	simm.s32 $0x80;
	_ =	swait.ge [sflag:s17], $0x800  }
.LBB2_2:
0x79: {  	s6 =	rddreg [dreg:$0x4];
	s19 =	smov.u32 s11;
	[sflag:s17] =	ssyncset.done $0x0  }
0x7a: {  	s6 =	sadd.s32 s19, s6;
	[sflag:s17] =	ssyncadd.s32 $0xFFFFF800  }
0x7b: {  	[tilespmem:s3], [sflag:$0x3] =	stream.linear.gather [hbm4b:s6+s3], $0x400, $0x38;
	[tilespmem:$0x1D000] =	vst v63  }
0x7c: {  	_ =	swait.ge [sflag:s12], $0x400  }
0x7d: {  	s6 =	rddreg [dreg:$0x3];
	[sflag:s12] =	ssyncset.done $0x0  }
0x7e: {  	[sflag:s12] =	ssyncadd.s32 $0xFFFFFC00;
	s6 =	sadd.s32 s19, s6  }
0x7f: {  	[tilespmem:s13], [sflag:$0x3] =	stream.linear.gather [hbm4b:s6+s3], $0x400, $0x38;
	[tilespmem:$0x1D000] =	vst v63  }
0x80: {  	_ =	swait.ge [sflag:s12], $0x400  }
0x81: {  	[sflag:s12] =	ssyncset.done $0x0  }
0x82: {  	[sflag:s12] =	ssyncadd.s32 $0xFFFFFC00  }
0x83: {  	[tilespmem:s15], [sflag:$0x1] =	stream.indirect.gather [hbm4b:s4+s14], $0x10, s3, s14, $0xb8;
	[tilespmem:$0x1D000] =	vst v63  }
0x84: {  	_ =	swait.ge [sflag:s16], $0x800  }
0x85: {  	[sflag:s16] =	ssyncset.done $0x0  }
0x86: {  	[sflag:s16] =	ssyncadd.s32 $0xFFFFF800  }
0x87: {  	[spmem:s1] =	stream.indirect.scatter.add.f32 [tilespmem:s15], [sflag:$0x2], $0x10, s13, s14, $0xb8;
	[tilespmem:$0x1D000] =	vst v63  }
0x88: {  	_ =	swait.ge [sflag:s17], $0x800  }
0x89: {  	[sflag:s17] =	ssyncset.done $0x0  }
0x8a: {  	[sflag:s17] =	ssyncadd.s32 $0xFFFFF800  }
0x8b: {  	[tilespmem:s18], [sflag:$0x1] =	stream.indirect.gather [hbm4b:s4+s14], $0x10, s14, s14, $0xb8;
	[tilespmem:$0x1D000] =	vst v63  }
0x8c: {  	_ =	swait.ge [sflag:s16], $0x800  }
0x8d: {  	[sflag:s16] =	ssyncset.done $0x0  }
0x8e: {  	s19 =	simm.s32 $0x480;
	[sflag:s16] =	ssyncadd.s32 $0xFFFFF800  }
0x8f: {  	[spmem:s1] =	stream.indirect.scatter.add.f32 [tilespmem:s18], [sflag:$0x2], $0x10, s19, s14, $0xb8;
	[tilespmem:$0x1D000] =	vst v63  }
0x90: {  	_ =	swait.ge [sflag:s17], $0x800  }
0x91: {  	[sflag:s17] =	ssyncset.done $0x0  }
0x92: {  	[sflag:s17] =	ssyncadd.s32 $0xFFFFF800  }
0x93: {  	[tilespmem:s21], [sflag:$0x1] =	stream.indirect.gather [hbm4b:s4+s14], $0x10, s20, s14, $0xb8;
	[tilespmem:$0x1D000] =	vst v63  }
0x94: {  	_ =	swait.ge [sflag:s16], $0x800  }
0x95: {  	[sflag:s16] =	ssyncset.done $0x0  }
0x96: {  	[sflag:s16] =	ssyncadd.s32 $0xFFFFF800  }
0x97: {  	[spmem:s1] =	stream.indirect.scatter.add.f32 [tilespmem:s21], [sflag:$0x2], $0x10, s22, s14, $0xb8;
	[tilespmem:$0x1D000] =	vst v63  }
0x98: {  	_ =	swait.ge [sflag:s17], $0x800  }
0x99: {  	[sflag:s17] =	ssyncset.done $0x0  }
0x9a: {  	[sflag:s17] =	ssyncadd.s32 $0xFFFFF800  }
0x9b: {  	[tilespmem:s24], [sflag:$0x1] =	stream.indirect.gather [hbm4b:s4+s14], $0x10, s23, s14, $0xb8;
	[tilespmem:$0x1D000] =	vst v63  }
0x9c: {  	_ =	swait.ge [sflag:s16], $0x800  }
0x9d: {  	[sflag:s16] =	ssyncset.done $0x0  }
0x9e: {  	[sflag:s16] =	ssyncadd.s32 $0xFFFFF800  }
0x9f: {  	[spmem:s1] =	stream.indirect.scatter.add.f32 [tilespmem:s24], [sflag:$0x2], $0x10, s25, s14, $0xb8;
	[tilespmem:$0x1D000] =	vst v63  }
0xa0: {  	_ =	swait.ge [sflag:s17], $0x800  }
0xa1: {  	[sflag:s17] =	ssyncset.done $0x0  }
0xa2: {  	[sflag:s17] =	ssyncadd.s32 $0xFFFFF800  }
0xa3: {  	[tilespmem:s28], [sflag:$0x1] =	stream.indirect.gather [hbm4b:s4+s14], $0x10, s26, s14, $0xb8;
	[tilespmem:$0x1D000] =	vst v63  }
0xa4: {  	_ =	swait.ge [sflag:s16], $0x800  }
0xa5: {  	[sflag:s16] =	ssyncset.done $0x0  }
0xa6: {  	[sflag:s16] =	ssyncadd.s32 $0xFFFFF800  }
0xa7: {  	[spmem:s1] =	stream.indirect.scatter.add.f32 [tilespmem:s28], [sflag:$0x2], $0x10, s29, s14, $0xb8;
	[tilespmem:$0x1D000] =	vst v63  }
0xa8: {  	_ =	swait.ge [sflag:s17], $0x800  }
0xa9: {  	[sflag:s17] =	ssyncset.done $0x0  }
0xaa: {  	[sflag:s17] =	ssyncadd.s32 $0xFFFFF800  }
0xab: {  	[tilespmem:s31], [sflag:$0x1] =	stream.indirect.gather [hbm4b:s4+s14], $0x10, s30, s14, $0xb8;
	[tilespmem:$0x1D000] =	vst v63  }
0xac: {  	_ =	swait.ge [sflag:s16], $0x800  }
0xad: {  	[sflag:s16] =	ssyncset.done $0x0  }
0xae: {  	[sflag:s16] =	ssyncadd.s32 $0xFFFFF800  }
0xaf: {  	[spmem:s1] =	stream.indirect.scatter.add.f32 [tilespmem:s31], [sflag:$0x2], $0x10, s0, s14, $0xb8;
	[tilespmem:$0x1D000] =	vst v63  }
0xb0: {  	_ =	swait.ge [sflag:s17], $0x800  }
0xb1: {  	[sflag:s17] =	ssyncset.done $0x0  }
0xb2: {  	[sflag:s17] =	ssyncadd.s32 $0xFFFFF800  }
0xb3: {  	[tilespmem:s7], [sflag:$0x1] =	stream.indirect.gather [hbm4b:s4+s14], $0x10, s2, s14, $0xb8;
	[tilespmem:$0x1D000] =	vst v63  }
0xb4: {  	_ =	swait.ge [sflag:s16], $0x800  }
0xb5: {  	[sflag:s16] =	ssyncset.done $0x0  }
0xb6: {  	[sflag:s16] =	ssyncadd.s32 $0xFFFFF800  }
0xb7: {  	[spmem:s1] =	stream.indirect.scatter.add.f32 [tilespmem:s7], [sflag:$0x2], $0x10, s8, s14, $0xb8;
	[tilespmem:$0x1D000] =	vst v63  }
0xb8: {  	_ =	swait.ge [sflag:s17], $0x800  }
0xb9: {  	[sflag:s17] =	ssyncset.done $0x0  }
0xba: {  	p1 =	sne.s32 s11, $0x6100;
	[sflag:s17] =	ssyncadd.s32 $0xFFFFF800  }
0xbb: {  	[tilespmem:s9], [sflag:$0x1] =	stream.indirect.gather [hbm4b:s4+s14], $0x10, s5, s14, $0xb8;
	[tilespmem:$0x1D000] =	vst v63  }
.Ltmp2:
0xbc: {  	_ =	swait.ge [sflag:s16], $0x800;
	(pc) =	sbr.rel @p1 .LBB2_2-.Ltmp2, $4  }
0xbd: {  	[sflag:s16] =	ssyncset.done $0x0  }
0xbe: {  	[sflag:s16] =	ssyncadd.s32 $0xFFFFF800  }
0xbf: {  	[spmem:s1] =	stream.indirect.scatter.add.f32 [tilespmem:s9], [sflag:$0x2], $0x10, s10, s14, $0xb8;
	[tilespmem:$0x1D000] =	vst v63  }
0xc0: {  	s11 =	sadd.s32 $0x80, s11;
	_ =	swait.ge [sflag:s17], $0x800  }
.Ltmp3:
0xc1: {  	(pc) =	sbr.rel @p0 .LBB2_5-.Ltmp3, $3  }
0xc2: {  	_ =	sdelay $0x1  }
0xc3: {  	[sflag:s17] =	ssyncset.done $0x0  }
0xc4: {  	[sflag:s17] =	ssyncadd.s32 $0xFFFFF800  }
0xc5: {  	s6 =	rddreg [dreg:$0x7]  }
0xc6: {  	[tilespmem:s3], [sflag:$0x3] =	stream.linear.gather [hbm4b:s6+s3], $0x400, $0x38;
	[tilespmem:$0x1D000] =	vst v63  }
0xc7: {  	_ =	swait.ge [sflag:s12], $0x400  }
0xc8: {  	[sflag:s12] =	ssyncset.done $0x0  }
0xc9: {  	s11 =	rddreg [dreg:$0x8];
	[sflag:s12] =	ssyncadd.s32 $0xFFFFFC00  }
0xca: {  	[tilespmem:s13], [sflag:$0x3] =	stream.linear.gather [hbm4b:s11+s3], $0x400, $0x38;
	[tilespmem:$0x1D000] =	vst v63  }
0xcb: {  	_ =	swait.ge [sflag:s12], $0x400  }
0xcc: {  	[sflag:s12] =	ssyncset.done $0x0  }
0xcd: {  	[sflag:s12] =	ssyncadd.s32 $0xFFFFFC00  }
0xce: {  	[tilespmem:s15], [sflag:$0x1] =	stream.indirect.gather [hbm4b:s4+s14], $0x10, s3, s14, $0xb8;
	[tilespmem:$0x1D000] =	vst v63  }
0xcf: {  	_ =	swait.ge [sflag:s16], $0x800  }
0xd0: {  	[sflag:s16] =	ssyncset.done $0x0  }
0xd1: {  	[sflag:s16] =	ssyncadd.s32 $0xFFFFF800  }
0xd2: {  	[spmem:s1] =	stream.indirect.scatter.add.f32 [tilespmem:s15], [sflag:$0x2], $0x10, s13, s14, $0xb8;
	[tilespmem:$0x1D000] =	vst v63  }
0xd3: {  	_ =	swait.ge [sflag:s17], $0x800  }
0xd4: {  	[sflag:s17] =	ssyncset.done $0x0  }
0xd5: {  	[sflag:s17] =	ssyncadd.s32 $0xFFFFF800  }
0xd6: {  	[tilespmem:s18], [sflag:$0x1] =	stream.indirect.gather [hbm4b:s4+s14], $0x10, s14, s14, $0xb8;
	[tilespmem:$0x1D000] =	vst v63  }
0xd7: {  	_ =	swait.ge [sflag:s16], $0x800  }
0xd8: {  	[sflag:s16] =	ssyncset.done $0x0  }
0xd9: {  	[sflag:s16] =	ssyncadd.s32 $0xFFFFF800  }
0xda: {  	[spmem:s1] =	stream.indirect.scatter.add.f32 [tilespmem:s18], [sflag:$0x2], $0x10, s19, s14, $0xb8;
	[tilespmem:$0x1D000] =	vst v63  }
0xdb: {  	_ =	swait.ge [sflag:s17], $0x800  }
0xdc: {  	[sflag:s17] =	ssyncset.done $0x0  }
0xdd: {  	[sflag:s17] =	ssyncadd.s32 $0xFFFFF800  }
0xde: {  	[tilespmem:s21], [sflag:$0x1] =	stream.indirect.gather [hbm4b:s4+s14], $0x10, s20, s14, $0xb8;
	[tilespmem:$0x1D000] =	vst v63  }
0xdf: {  	_ =	swait.ge [sflag:s16], $0x800  }
0xe0: {  	[sflag:s16] =	ssyncset.done $0x0  }
0xe1: {  	[sflag:s16] =	ssyncadd.s32 $0xFFFFF800  }
0xe2: {  	[spmem:s1] =	stream.indirect.scatter.add.f32 [tilespmem:s21], [sflag:$0x2], $0x10, s22, s14, $0xb8;
	[tilespmem:$0x1D000] =	vst v63  }
0xe3: {  	_ =	swait.ge [sflag:s17], $0x800  }
0xe4: {  	[sflag:s17] =	ssyncset.done $0x0  }
0xe5: {  	[sflag:s17] =	ssyncadd.s32 $0xFFFFF800  }
0xe6: {  	[tilespmem:s24], [sflag:$0x1] =	stream.indirect.gather [hbm4b:s4+s14], $0x10, s23, s14, $0xb8;
	[tilespmem:$0x1D000] =	vst v63  }
0xe7: {  	_ =	swait.ge [sflag:s16], $0x800  }
0xe8: {  	[sflag:s16] =	ssyncset.done $0x0  }
0xe9: {  	[sflag:s16] =	ssyncadd.s32 $0xFFFFF800  }
0xea: {  	[spmem:s1] =	stream.indirect.scatter.add.f32 [tilespmem:s24], [sflag:$0x2], $0x10, s25, s14, $0xb8;
	[tilespmem:$0x1D000] =	vst v63  }
0xeb: {  	_ =	swait.ge [sflag:s17], $0x800  }
0xec: {  	[sflag:s17] =	ssyncset.done $0x0  }
0xed: {  	[sflag:s17] =	ssyncadd.s32 $0xFFFFF800  }
0xee: {  	[tilespmem:s28], [sflag:$0x1] =	stream.indirect.gather [hbm4b:s4+s14], $0x10, s26, s14, $0xb8;
	[tilespmem:$0x1D000] =	vst v63  }
0xef: {  	_ =	swait.ge [sflag:s16], $0x800  }
0xf0: {  	[sflag:s16] =	ssyncset.done $0x0  }
0xf1: {  	[sflag:s16] =	ssyncadd.s32 $0xFFFFF800  }
0xf2: {  	[spmem:s1] =	stream.indirect.scatter.add.f32 [tilespmem:s28], [sflag:$0x2], $0x10, s29, s14, $0xb8;
	[tilespmem:$0x1D000] =	vst v63  }
0xf3: {  	_ =	swait.ge [sflag:s17], $0x800  }
0xf4: {  	[sflag:s17] =	ssyncset.done $0x0  }
0xf5: {  	[sflag:s17] =	ssyncadd.s32 $0xFFFFF800  }
0xf6: {  	[tilespmem:s31], [sflag:$0x1] =	stream.indirect.gather [hbm4b:s4+s14], $0x10, s30, s14, $0xb8;
	[tilespmem:$0x1D000] =	vst v63  }
0xf7: {  	_ =	swait.ge [sflag:s16], $0x800  }
0xf8: {  	[sflag:s16] =	ssyncset.done $0x0  }
0xf9: {  	[sflag:s16] =	ssyncadd.s32 $0xFFFFF800  }
0xfa: {  	[spmem:s1] =	stream.indirect.scatter.add.f32 [tilespmem:s31], [sflag:$0x2], $0x10, s0, s14, $0xb8;
	[tilespmem:$0x1D000] =	vst v63  }
0xfb: {  	_ =	swait.ge [sflag:s17], $0x800  }
0xfc: {  	[sflag:s17] =	ssyncset.done $0x0  }
0xfd: {  	[sflag:s17] =	ssyncadd.s32 $0xFFFFF800  }
0xfe: {  	[tilespmem:s7], [sflag:$0x1] =	stream.indirect.gather [hbm4b:s4+s14], $0x10, s2, s14, $0xb8;
	[tilespmem:$0x1D000] =	vst v63  }
0xff: {  	_ =	swait.ge [sflag:s16], $0x800  }
0x100: {  	[sflag:s16] =	ssyncset.done $0x0  }
0x101: {  	[sflag:s16] =	ssyncadd.s32 $0xFFFFF800  }
0x102: {  	[spmem:s1] =	stream.indirect.scatter.add.f32 [tilespmem:s7], [sflag:$0x2], $0x10, s8, s14, $0xb8;
	[tilespmem:$0x1D000] =	vst v63  }
0x103: {  	_ =	swait.ge [sflag:s17], $0x800  }
0x104: {  	[sflag:s17] =	ssyncset.done $0x0  }
0x105: {  	[sflag:s17] =	ssyncadd.s32 $0xFFFFF800  }
0x106: {  	[tilespmem:s9], [sflag:$0x1] =	stream.indirect.gather [hbm4b:s4+s14], $0x10, s5, s14, $0xb8;
	[tilespmem:$0x1D000] =	vst v63  }
0x107: {  	_ =	swait.ge [sflag:s16], $0x800  }
0x108: {  	[sflag:s16] =	ssyncset.done $0x0  }
.Ltmp4:
0x109: {  	[sflag:s16] =	ssyncadd.s32 $0xFFFFF800;
	(pc) =	sbr.rel .LBB2_5-.Ltmp4, $4  }
0x10a: {  	[spmem:s1] =	stream.indirect.scatter.add.f32 [tilespmem:s9], [sflag:$0x2], $0x10, s10, s14, $0xb8;
	[tilespmem:$0x1D000] =	vst v63  }
0x10b: {  	_ =	swait.ge [sflag:s17], $0x800  }
0x10c: {  	[sflag:s17] =	ssyncset.done $0x0  }
0x10d: {  	[sflag:s17] =	ssyncadd.s32 $0xFFFFF800  }
.LBB2_6:
0x10e: {  	_ =	sfence.sel $0x180000  }
0x10f: {  	[bflag:$0x0] =	sbarrier.arrive $0xFFFF  }
0x110: {  	_ =	strace $0x9000004A  }
0x111: {  	s0 =	stileid.u32;
	[bflag:$0x2] =	sbarrier.arrive $0xFFFF  }
0x112: {  	p0 =	sne.s32 s0, $0x0;
	s0 =	rddreg [dreg:$0x2]  }
0x113: {  	s0 =	sadd.s32 @!p0 $0x100000, s0  }
0x114: {  	[sflag:s0] =	ssyncadd.tile.s32 @!p0 $0x1;
	_ =	shalt  }
.Lfunc_end2:
_tile_overlayer_lowered:
.L_overlay_start_2:
0x115: {  	(tag) =	ssettag $0x2  }
0x116: {  	s0 =	rddreg [dreg:$0x0];
	s2 =	stileid.u32  }
0x117: {  	s1 =	rddreg [dreg:$0x1];
	p0 =	sne.s32 s2, $0x0  }
0x118: {  	s3 =	rddreg [dreg:$0x2];
	[bflag:$0x3] =	sbarrier.arrive $0xFFFF;
	s2 =	simm.s32 @!p0 $0x1C03  }
0x119: {  	[timem:s3], [sflag:s2] =	dma.local @!p0 [hbm:s0], s1  }
0x11a: {  	s0 =	simm.s32 @!p0 $0x3  }
0x11b: {  	_ =	swait.ge @!p0 [sflag:s0], s1  }
0x11c: {  	s1 =	ssub.s32 @!p0 $0x0, s1;
	[sflag:s0] =	ssyncset.done @!p0 $0x0  }
0x11d: {  	[sflag:s0] =	ssyncadd.s32 @!p0 s1  }
0x11e: {  	[bflag:$0x3] =	sbarrier.arrive $0xFFFF  }
0x11f: {  	_ =	shalt  }

// kernel: sc_gather_scatter_f8.3.cloned.1.call-start
scs
__scs_entry_jumppad:
0x0: {  	(pc) =	sbr.rel $0x88, $3  }
0x1: {  	(tag) =	ssettag $0x0;
	lr =	simm.s32 $0x1  }
0x2: {  	[smem:$0x3F96] =	sst lr;
	_ =	strace $0xD0000000  }
0x3: {  	_ = 	snop  }
0x4: {  	_ = 	snop  }
0x5: {  	_ = 	snop  }
0x6: {  	_ = 	snop  }
0x7: {  	_ = 	snop  }
__scs_overlays_trampoline_lowered:
0x8: {  	[smem:$0x3FA5] =	sst s0  }
0x9: {  	[smem:$0x3FA6] =	sst s1  }
0xa: {  	[smem:$0x3FA7] =	sst s2  }
0xb: {  	[smem:$0x3FA8] =	sst s3  }
0xc: {  	[smem:$0x3FA9] =	sst s4  }
0xd: {  	[smem:$0x3FAA] =	sst s5  }
0xe: {  	[smem:$0x3FAB] =	sst s6  }
0xf: {  	[smem:$0x3FAC] =	sst s7  }
0x10: {  	[smem:$0x3FAD] =	sst s8  }
0x11: {  	[smem:$0x3FAE] =	sst s9;
	s0 =	simm.s32 @!p0 $0x0  }
0x12: {  	s1 =	sld [smem:$0x3F94];
	s0 =	simm.s32 @p0 $0x1  }
0x13: {  	[smem:$0x3FAF] =	sst s0;
	s0 =	simm.s32 @!p1 $0x0  }
0x14: {  	s2 =	sld [smem:$0x3F93];
	s0 =	simm.s32 @p1 $0x1  }
0x15: {  	[smem:$0x3FB0] =	sst s0;
	s0 =	simm.s32 @!p2 $0x0  }
0x16: {  	s3 =	sld [smem:$0x3FDB];
	s0 =	simm.s32 @p2 $0x1  }
0x17: {  	s4 =	simm.s32 $0x1BF5;
	[smem:$0x3FB2] =	sst s0  }
0x18: {  	s0 =	sld [smem:$0x3F95];
	_ =	swait.ge [sflag:s4], $0x0  }
0x19: {  	s7 =	sld [smem:$0x3F96]  }
0x1a: {  	s8 =	sadd.s32 $0xFFFFE003, lr  }
0x1b: {  	s9 =	sadd.s32 $0xFFFFFEF7, lr;
	s5 =	simm.s32 $0xFFFFFFFF;
	p2 =	slt.u32 s8, $0xFFFFF086  }
0x1c: {  	p1 =	slt.u32 s9, $0xF7A;
	s5 =	simm.s32 @!p2 $0x0  }
0x1d: {  	s5 =	simm.s32 @p1 $0x1;
	p0 =	seq.s32 s7, s2  }
0x1e: {  	s7 =	smul.u32 @!p0 $0xF7A, s2;
	p2 =	seq.s32 @!p0 s5, $0x0  }
0x1f: {  	s9 =	smul.u32 $0xF7A, s1;
	s8 =	simm.s32 @!p0 $0x1BF5;
	p2 =	por !p2, p0  }
0x20: {  	[sflag:s8] =	ssyncset.s32 @!p0 $0xFFFFF086;
	s6 =	sadd.s32 @!p0 s3, s7;
	s7 =	simm.s32 @!p0 $0x108  }
0x21: {  	s3 =	sadd.s32 s3, s9;
	s6 =	sadd.s32 @!p0 $0x88, s6;
	s7 =	simm.s32 @p2 $0x1082  }
0x22: {  	[simem:s7], [sflag:s8] =	dma.local @!p0 [hbm:s6], $0xF7A  }
0x23: {  	s9 =	sor.u32 $0xD0000000, s2;
	s6 =	simm.s32 $0x108;
	_ =	swait.ge @!p0 [sflag:s8], $0x0  }
0x24: {  	s3 =	sadd.s32 $0x88, s3;
	s6 =	simm.s32 @!p1 $0x1082;
	[sflag:s4] =	ssyncset.s32 $0xFFFFF086  }
0x25: {  	[simem:s6], [sflag:s4] =	dma.local [hbm:s3], $0xF7A  }
0x26: {  	[smem:$0x3F96] =	sst s1;
	(tag) =	ssettag s2;
	_ =	strace s9  }
0x27: {  	s1 =	sld [smem:$0x3FA6]  }
0x28: {  	s2 =	sld [smem:$0x3FA7]  }
0x29: {  	s4 =	sld [smem:$0x3FA9]  }
0x2a: {  	p0 =	seq.s32 s5, $0x0;
	s5 =	sld [smem:$0x3FAA]  }
0x2b: {  	s6 =	sld [smem:$0x3FAB]  }
0x2c: {  	s7 =	sld [smem:$0x3FAC]  }
0x2d: {  	s3 =	simm.s32 $0x108;
	s8 =	sld [smem:$0x3FAD]  }
0x2e: {  	s3 =	simm.s32 @!p0 $0x1082;
	s9 =	sld [smem:$0x3FAE]  }
0x2f: {  	lr =	sadd.s32 s0, s3;
	s0 =	sld [smem:$0x3FA5]  }
0x30: {  	s3 =	sld [smem:$0x3FA8]  }
0x31: {  	[smem:$0x3FB1] =	sst s10  }
0x32: {  	s10 =	sld [smem:$0x3FAF];
	_ =	sdelay $0x3  }
0x33: {  	p0 =	seq.s32 s10, $0x1;
	s10 =	sld [smem:$0x3FB1];
	_ =	sdelay $0x3  }
0x34: {  	[smem:$0x3FB1] =	sst s10  }
0x35: {  	s10 =	sld [smem:$0x3FB0];
	_ =	sdelay $0x3  }
0x36: {  	p1 =	seq.s32 s10, $0x1;
	s10 =	sld [smem:$0x3FB1];
	_ =	sdelay $0x3  }
0x37: {  	[smem:$0x3FB1] =	sst s10  }
0x38: {  	s10 =	sld [smem:$0x3FB2]  }
0x39: {  	_ = 	snop;
	(pc) =	sbr.ind lr, $3  }
0x3a: {  	_ = 	snop  }
0x3b: {  	_ = 	snop  }
0x3c: {  	p2 =	seq.s32 s10, $0x1;
	s10 =	sld [smem:$0x3FB1]  }
0x3d: {  	_ =	shalt  }
0x3e: {  	_ =	shalt  }
0x3f: {  	_ =	shalt  }
0x40: {  	_ =	shalt  }
0x41: {  	_ =	shalt  }
0x42: {  	_ =	shalt  }
0x43: {  	_ =	shalt  }
0x44: {  	_ =	shalt  }
0x45: {  	_ =	shalt  }
0x46: {  	_ =	shalt  }
0x47: {  	_ =	shalt  }
0x48: {  	_ =	shalt  }
0x49: {  	_ =	shalt  }
0x4a: {  	_ =	shalt  }
0x4b: {  	_ =	shalt  }
0x4c: {  	_ =	shalt  }
0x4d: {  	_ =	shalt  }
0x4e: {  	_ =	shalt  }
0x4f: {  	_ =	shalt  }
0x50: {  	_ =	shalt  }
0x51: {  	_ =	shalt  }
0x52: {  	_ =	shalt  }
0x53: {  	_ =	shalt  }
0x54: {  	_ =	shalt  }
0x55: {  	_ =	shalt  }
0x56: {  	_ =	shalt  }
0x57: {  	_ =	shalt  }
0x58: {  	_ =	shalt  }
0x59: {  	_ =	shalt  }
0x5a: {  	_ =	shalt  }
0x5b: {  	_ =	shalt  }
0x5c: {  	_ =	shalt  }
0x5d: {  	_ =	shalt  }
0x5e: {  	_ =	shalt  }
0x5f: {  	_ =	shalt  }
0x60: {  	_ =	shalt  }
0x61: {  	_ =	shalt  }
0x62: {  	_ =	shalt  }
0x63: {  	_ =	shalt  }
0x64: {  	_ =	shalt  }
0x65: {  	_ =	shalt  }
0x66: {  	_ =	shalt  }
0x67: {  	_ =	shalt  }
0x68: {  	_ =	shalt  }
0x69: {  	_ =	shalt  }
0x6a: {  	_ =	shalt  }
0x6b: {  	_ =	shalt  }
0x6c: {  	_ =	shalt  }
0x6d: {  	_ =	shalt  }
0x6e: {  	_ =	shalt  }
0x6f: {  	_ =	shalt  }
0x70: {  	_ =	shalt  }
0x71: {  	_ =	shalt  }
0x72: {  	_ =	shalt  }
0x73: {  	_ =	shalt  }
0x74: {  	_ =	shalt  }
0x75: {  	_ =	shalt  }
0x76: {  	_ =	shalt  }
0x77: {  	_ =	shalt  }
0x78: {  	_ =	shalt  }
0x79: {  	_ =	shalt  }
0x7a: {  	_ =	shalt  }
0x7b: {  	_ =	shalt  }
0x7c: {  	_ =	shalt  }
0x7d: {  	_ =	shalt  }
0x7e: {  	_ =	shalt  }
0x7f: {  	_ =	shalt  }
0x80: {  	_ =	shalt  }
0x81: {  	_ =	shalt  }
0x82: {  	_ =	shalt  }
0x83: {  	_ =	shalt  }
0x84: {  	_ =	shalt  }
0x85: {  	_ =	shalt  }
0x86: {  	_ =	shalt  }
0x87: {  	_ =	shalt  }
.Lfunc_end0:
.L_simem_size_0:
called_computation.3_lowered:
.L_overlay_start_0:
0x88: {  	s2 =	sld [smem:$0x3FD9]  }
0x89: {  	s3 =	sld [smem:$0x3FFE];
	_ =	sdelay $0x1  }
0x8a: {  	s1 =	srdreg.scid  }
0x8b: {  	s0 =	sand.u32 $0x1, s1  }
0x8c: {  	s16 =	sshll.u32 s0, $0xA;
	s2 =	sadd.s32 s3, s2  }
0x8d: {  	s2 =	sadd.s32 s2, s16  }
0x8e: {  	[smem:$0x3FBD] =	sst s2  }
0x8f: {  	_ = 	snop  }
0x90: {  	(tm) =	ssettm $0x1  }
0x91: {  	s17 =	sld [smem:$0x3FFB];
	_ =	sdelay $0x3  }
0x92: {  	_ =	strace s17  }
0x93: {  	s2 =	sld [smem:$0x3FFC];
	_ =	sdelay $0x3  }
0x94: {  	_ =	strace s2  }
0x95: {  	s2 =	sld [smem:$0x3FFD];
	_ =	sdelay $0x3  }
0x96: {  	_ =	strace s2  }
0x97: {  	_ =	strace $0x8FFFFFFF  }
0x98: {  	s18 =	sld [smem:$0x3FDB];
	_ =	sdelay $0x1  }
0x99: {  	s19 =	simm.s32 $_scs_section_size  }
0x9a: {  	s4 =	simm.s32 $_size__tile_overlayer_lowered;
	s5 =	simm.s32 $_tile_overlayer_lowered  }
0x9b: {  	s22 =	simm.s32 $0x1BFF;
	s21 =	sshll.u32 s5, $0x1;
	s2 =	sadd.s32 s19, s18  }
0x9c: {  	s6 =	simm.s32 $0x0;
	s20 =	sshll.u32 s4, $0x1;
	s4 =	sadd.s32 s21, s2  }
0x9d: {  	[timem:s6], [sflag:s22] =	dma.local [hbm:s4], s20  }
0x9e: {  	_ =	swait.ge [sflag:s22], s20  }
0x9f: {  	s3 =	ssub.s32 $0x0, s20;
	[sflag:s22] =	ssyncset.done $0x0  }
0xa0: {  	[sflag:s22] =	ssyncadd.s32 s3;
	_ =	sdelay $0x1  }
0xa1: {  	s23 =	simm.s32 $0x1B8B  }
0xa2: {  	_ =	swait.ge [sflag:s23], $0x1  }
0xa3: {  	[sflag:s23] =	ssyncset.done $0x0  }
0xa4: {  	s25 =	simm.s32 $0x1B8E;
	s24 =	sld [smem:$0x3FFE];
	[sflag:s23] =	ssyncadd.s32 $0xFFFFFFFF  }
0xa5: {  	s26 =	simm.s32 $execute0_lowered;
	[smem:$0x3FD2] =	sst s25  }
0xa6: {  	s4 =	sshll.u32 s26, $0x1;
	_ =	strace $0x8000004F;
	[dreg:$0x1] =	wrdreg $0xFFFFFFFF  }
0xa7: {  	s28 =	simm.s32 $_size_execute0_lowered;
	s2 =	sadd.s32 s2, s4;
	[dreg:$0x0] =	wrdreg $0x0  }
0xa8: {  	s4 =	sshll.u32 s28, $0x1;
	[dreg:$0x2] =	wrdreg s2  }
0xa9: {  	[dreg:$0x3] =	wrdreg s4  }
0xaa: {  	[dreg:$0x4] =	wrdreg $0xC0  }
0xab: {  	_ =	task [dreg:s6], $0x5FFFF  }
0xac: {  	[dreg:$0x1] =	wrdreg $0xFFFFFFFF  }
0xad: {  	[dreg:$0x0] =	wrdreg $0x60  }
0xae: {  	[dreg:$0x2] =	wrdreg s24  }
0xaf: {  	[dreg:$0x3] =	wrdreg $0x48000  }
0xb0: {  	[dreg:$0x4] =	wrdreg $0x9  }
0xb1: {  	_ =	task.clear_ibuf [dreg:s6], $0x5FFFF;
	_ =	strace $0x9000004F  }
0xb2: {  	s29 =	simm.s32 $0x9;
	_ =	strace $0x80000051  }
0xb3: {  	_ =	swait.ge [sflag:s29], $0x1  }
0xb4: {  	[sflag:s29] =	ssyncadd.s32 $0xFFFFFFFF  }
0xb5: {  	_ =	strace $0x90000051  }
0xb6: {  	_ =	sfence  }
0xb7: {  	s30 =	sld [smem:$0x0];
	_ =	sdelay $0x2  }
0xb8: {  	s31 =	sshll.u32 s1, $0xD;
	s1 =	sshrl.u32 s1, $0x2  }
0xb9: {  	s3 =	sand.u32 $0x4000, s31;
	s1 =	sadd.s32 s1, s30  }
0xba: {  	s0 =	sor.u32 s3, s0;
	s1 =	sshll.u32 s1, $0x11  }
0xbb: {  	s0 =	sor.u32 s1, s0  }
0xbc: {  	s0 =	sadd.s32 $0x8F2B, s0  }
0xbd: {  	[sflag:s0] =	ssyncadd.remote.s32 $0x1  }
0xbe: {  	_ =	sfence.sel $0xFFFF  }
0xbf: {  	[dreg:$0x0] =	wrdreg $0xFFFFFFFF;
	(pc) =	sbr.abs _section_cstart, $3  }
0xc0: {  	[dreg:$0x1] =	wrdreg $0xFFFFFFFF  }
0xc1: {  	_ =	task.clear_ibuf [dreg:s6], $0x2FFFF;
	_ =	strace $0x9FFFFFFF  }
0xc2: {  	(tm) =	ssettm $0x7FFFFFFF  }
0xc3: {  	_ =	shalt  }
tec
execute0_lowered:
.L_overlay_start_1:
0x0: {  	(tag) =	ssettag $0x1  }
0x1: {  	s0 =	rddreg [dreg:$0x0]  }
0x2: {  	s1 =	rddreg [dreg:$0x1]  }
0x3: {  	s2 =	simm.s32 $0x0;
	s31 =	simm.s32 $0x0;
	s22 =	srdreg.scid  }
0x4: {  	s12 =	stileid.u32;
	s16 =	simm.s32 $0x3;
	s17 =	simm.s32 $0x400  }
0x5: {  	s18 =	simm.s32 $0x80;
	s19 =	simm.s32 $0x800;
	s20 =	simm.s32 $0x1  }
0x6: {  	s21 =	simm.s32 $0x2;
	s29 =	simm.s32 $0x2000;
	s14 =	simm.s32 $0x280  }
0x7: {  	s13 =	simm.s32 $0x700;
	s15 =	simm.s32 $0x4000;
	s28 =	simm.s32 $0x0  }
0x8: {  	[smem:$0x7FF] =	sst s2;
	s4 =	sadd.s32 $0xC7600, s0;
	s5 =	sadd.s32 $0x4000, s0  }
0x9: {  	s2 =	sand.u32 $0x1, s22;
	s6 =	sadd.s32 $0xF90400, s0;
	s7 =	smul.u32 $0x62000, s12  }
0xa: {  	s8 =	sadd.s32 $0x1C5200, s0;
	s0 =	sadd.s32 $0x350400, s0;
	s24 =	sshll.u32 s12, $0x1  }
0xb: {  	s25 =	smul.u32 $0x1880, s12;
	s9 =	sshll.u32 s12, $0x6;
	s22 =	simm.s32 $0x1000  }
0xc: {  	p0 =	sgt.u32 s12, $0x4;
	_ =	strace $0x80000050;
	[dreg:$0x3] =	wrdreg s8  }
0xd: {  	s12 =	simm.s32 $0x680;
	s3 =	ssub.s32 $0x2, s2;
	[dreg:$0x4] =	wrdreg s0  }
0xe: {  	s8 =	simm.s32 $0x3800;
	s23 =	sshrl.u32 s3, $0x1;
	s7 =	sshrl.u32 s7, $0x2  }
0xf: {  	s0 =	ssub.s32 s3, s23;
	s3 =	sor.u32 s2, s24;
	s7 =	sadd.s32 s7, s1  }
0x10: {  	s2 =	smul.u32 $0x18800, s2;
	s24 =	sor.u32 $0x1C03, s9;
	s9 =	simm.s32 $0x380  }
0x11: {  	s11 =	sshll.u32 s3, $0x7;
	s10 =	smul.u32 $0xC3, s3;
	s0 =	smax.u32 s0, $0x1  }
0x12: {  	[dreg:$0x5] =	wrdreg s24;
	s26 =	sor.u32 $0xC3000, s11;
	s2 =	sadd.s32 s2, s25  }
.Ltmp0:
0x13: {  	[dreg:$0x9] =	wrdreg s0;
	s25 =	simm.s32 $0x1800;
	(pc) =	sbr.rel .LBB2_1-.Ltmp0, $4  }
0x14: {  	s0 =	simm.s32 $0x2800;
	s30 =	sadd.s32 s4, s26;
	[dreg:$0x8] =	wrdreg s2  }
0x15: {  	s11 =	simm.s32 $0x3000;
	s3 =	sadd.s32 s5, s26;
	[dreg:$0x6] =	wrdreg s30  }
0x16: {  	s26 =	sshrl.u32 s7, $0x3;
	s7 =	simm.s32 $0x300;
	[dreg:$0x7] =	wrdreg s3  }
0x17: {  	s2 =	simm.s32 $0x780;
	s3 =	simm.s32 $0x600;
	[dreg:$0xa] =	wrdreg s26  }
.LBB2_9:
0x18: {  	s28 =	rddreg [dreg:$0xb]  }
0x19: {  	s23 =	rddreg [dreg:$0x9];
	s28 =	sadd.s32 $0x1, s28  }
0x1a: {  	p1 =	sne.s32 s28, s23  }
.Ltmp1:
0x1b: {  	_ = 	snop;
	(pc) =	sbr.rel @!p1 .LBB2_10-.Ltmp1, $1  }
0x1c: {  	_ =	sdelay $0x3  }
.LBB2_1:
.Ltmp2:
0x1d: {  	(pc) =	sbr.rel .LBB2_2-.Ltmp2, $2  }
0x1e: {  	_ =	sdelay $0x2  }
0x1f: {  	[dreg:$0xb] =	wrdreg s28;
	s28 =	simm.s32 $0x0  }
.LBB2_8:
0x20: {  	s28 =	rddreg [dreg:$0xc]  }
0x21: {  	s23 =	smul.u32 $0x31000, s28  }
0x22: {  	s24 =	rddreg [dreg:$0x8];
	[bflag:$0x0] =	sbarrier.arrive $0xFFFF  }
0x23: {  	s30 =	rddreg [dreg:$0x4];
	s23 =	sadd.s32 s23, s24  }
0x24: {  	s26 =	rddreg [dreg:$0xa];
	s28 =	sadd.s32 $0x1, s28;
	s23 =	sshll.u32 s23, $0x1  }
0x25: {  	p1 =	sne.s32 s28, $0x8;
	s24 =	rddreg [dreg:$0x5];
	s23 =	sadd.s32 s30, s23  }
0x26: {  	[hbm:s23], [sflag:s24] =	dma.local [spmem:s26], $0x3100  }
.Ltmp3:
0x27: {  	_ =	swait.ge [sflag:s16], $0x3100;
	(pc) =	sbr.rel @!p1 .LBB2_9-.Ltmp3, $3  }
0x28: {  	[sflag:s16] =	ssyncset.done $0x0  }
0x29: {  	[sflag:s16] =	ssyncadd.s32 $0xFFFFCF00  }
0x2a: {  	[bflag:$0x0] =	sbarrier.arrive $0xFFFF;
	_ =	sdelay $0x1  }
.LBB2_2:
0x2b: {  	s23 =	rddreg [dreg:$0x3]  }
0x2c: {  	[spmem:s26], [sflag:s24] =	dma.local [hbm:s23], $0x3100  }
0x2d: {  	_ =	swait.ge [sflag:s16], $0x3100  }
0x2e: {  	[sflag:s16] =	ssyncset.done $0x0  }
0x2f: {  	s30 =	smul.u32 $0x18800, s28;
	[dreg:$0xc] =	wrdreg s28;
	[sflag:s16] =	ssyncadd.s32 $0xFFFFCF00  }
0x30: {  	[bflag:$0x0] =	sbarrier.arrive $0xFFFF  }
0x31: {  	s23 =	simm.s32 $0x0;
	s24 =	simm.s32 $0x0;
	v0 =	vmov s30;
	[dreg:$0xd] =	wrdreg s30  }
.LBB2_3:
0x32: {  	s26 =	sadd.s32 s10, s24  }
0x33: {  	s26 =	sshll.u32 s26, $0x7  }
0x34: {  	s28 =	sadd.s32 s4, s26  }
0x35: {  	[tilespmem:s23], [sflag:$0x3] =	stream.linear.gather [hbm4b:s28+s23], $0x400, $0x38;
	[tilespmem:$0x1D000] =	vst v63  }
0x36: {  	_ =	swait.ge [sflag:s16], $0x400  }
0x37: {  	[sflag:s16] =	ssyncset.done $0x0  }
0x38: {  	s26 =	sadd.s32 s5, s26;
	[sflag:s16] =	ssyncadd.s32 $0xFFFFFC00  }
0x39: {  	[tilespmem:s17], [sflag:$0x3] =	stream.linear.gather [hbm4b:s26+s23], $0x400, $0x38;
	[tilespmem:$0x1D000] =	vst v63  }
0x3a: {  	_ =	swait.ge [sflag:s16], $0x400  }
0x3b: {  	[sflag:s16] =	ssyncset.done $0x0  }
0x3c: {  	s26 =	simm.s32 $0x0;
	[sflag:s16] =	ssyncadd.s32 $0xFFFFFC00  }
0x3d: {  	v3 =	vld [tilespmem:s26+$0x0]  }
0x3e: {  	v5 =	vld [tilespmem:s26+$0x10]  }
0x3f: {  	v4 =	vld [tilespmem:s26+$0x20]  }
0x40: {  	v2 =	vld [tilespmem:s26+$0x30]  }
0x41: {  	v1 =	vld [tilespmem:s26+$0x40]  }
0x42: {  	v6 =	vadd.s32 v0, v3;
	v3 =	vld [tilespmem:s26+$0x50]  }
0x43: {  	s28 =	simm.s32 $0x200;
	[tilespmem:s26+$0x0] =	vst v6;
	v6 =	vadd.s32 v0, v5;
	v5 =	vld [tilespmem:s26+$0x60]  }
.LBB2_4:
0x44: {  	s30 =	sshra.s32 s28, $0x2;
	p1 =	sne.s32 s28, $0xE00;
	[tilespmem:s26+$0x10] =	vst v6;
	v4 =	vadd.s32 v0, v4;
	v6 =	vld [tilespmem:s26+$0x70]  }
0x45: {  	v7 =	vld [tilespmem:s30+$0x0];
	[tilespmem:s26+$0x20] =	vst v4;
	v2 =	vadd.s32 v0, v2  }
0x46: {  	v8 =	vld [tilespmem:s30+$0x10];
	[tilespmem:s26+$0x30] =	vst v2;
	v1 =	vadd.s32 v0, v1  }
.Ltmp4:
0x47: {  	v4 =	vld [tilespmem:s30+$0x20];
	[tilespmem:s26+$0x40] =	vst v1;
	v1 =	vadd.s32 v0, v3;
	(pc) =	sbr.rel @p1 .LBB2_4-.Ltmp4, $4  }
0x48: {  	v2 =	vld [tilespmem:s30+$0x30];
	[tilespmem:s26+$0x50] =	vst v1;
	v3 =	vadd.s32 v0, v5  }
0x49: {  	v1 =	vld [tilespmem:s30+$0x40];
	[tilespmem:s26+$0x60] =	vst v3;
	v5 =	vadd.s32 v0, v6  }
0x4a: {  	v6 =	vadd.s32 v0, v7;
	v3 =	vld [tilespmem:s30+$0x50];
	[tilespmem:s26+$0x70] =	vst v5;
	s26 =	smov.u32 s30  }
0x4b: {  	s28 =	sadd.s32 $0x200, s28;
	[tilespmem:s26+$0x0] =	vst v6;
	v6 =	vadd.s32 v0, v8;
	v5 =	vld [tilespmem:s26+$0x60]  }
0x4c: {  	[tilespmem:s26+$0x10] =	vst v6;
	v4 =	vadd.s32 v0, v4;
	v63 =	vld [tilespmem:s26+$0x70]  }
0x4d: {  	[tilespmem:s26+$0x20] =	vst v4;
	v2 =	vadd.s32 v0, v2  }
0x4e: {  	[tilespmem:s26+$0x30] =	vst v2;
	v1 =	vadd.s32 v0, v1  }
0x4f: {  	[tilespmem:s26+$0x40] =	vst v1;
	v1 =	vadd.s32 v0, v3  }
0x50: {  	[tilespmem:s26+$0x50] =	vst v1;
	v1 =	vadd.s32 v0, v5  }
0x51: {  	[tilespmem:s26+$0x60] =	vst v1;
	v1 =	vadd.s32 v0, v63  }
0x52: {  	[tilespmem:s26+$0x70] =	vst v1  }
0x53: {  	[tilespmem:s19], [sflag:$0x1] =	stream.indirect.gather [hbm4b:s6+s18], $0x10, s31, s18, $0xb8;
	[tilespmem:$0x1D000] =	vst v63  }
0x54: {  	_ =	swait.ge [sflag:s20], $0x800  }
0x55: {  	[sflag:s20] =	ssyncset.done $0x0  }
0x56: {  	[sflag:s20] =	ssyncadd.s32 $0xFFFFF800  }
0x57: {  	[spmem:s1] =	stream.indirect.scatter.add.f32 [tilespmem:s19], [sflag:$0x2], $0x10, s17, s18, $0xb8;
	[tilespmem:$0x1D000] =	vst v63  }
0x58: {  	_ =	swait.ge [sflag:s21], $0x800  }
0x59: {  	[sflag:s21] =	ssyncset.done $0x0  }
0x5a: {  	[sflag:s21] =	ssyncadd.s32 $0xFFFFF800  }
0x5b: {  	[tilespmem:s22], [sflag:$0x1] =	stream.indirect.gather [hbm4b:s6+s18], $0x10, s18, s18, $0xb8;
	[tilespmem:$0x1D000] =	vst v63  }
0x5c: {  	_ =	swait.ge [sflag:s20], $0x800  }
0x5d: {  	[sflag:s20] =	ssyncset.done $0x0  }
0x5e: {  	s28 =	simm.s32 $0x480;
	[sflag:s20] =	ssyncadd.s32 $0xFFFFF800  }
0x5f: {  	[spmem:s1] =	stream.indirect.scatter.add.f32 [tilespmem:s22], [sflag:$0x2], $0x10, s28, s18, $0xb8;
	[tilespmem:$0x1D000] =	vst v63  }
0x60: {  	_ =	swait.ge [sflag:s21], $0x800  }
0x61: {  	[sflag:s21] =	ssyncset.done $0x0  }
0x62: {  	s30 =	simm.s32 $0x100;
	[sflag:s21] =	ssyncadd.s32 $0xFFFFF800  }
0x63: {  	[tilespmem:s25], [sflag:$0x1] =	stream.indirect.gather [hbm4b:s6+s18], $0x10, s30, s18, $0xb8;
	[tilespmem:$0x1D000] =	vst v63  }
0x64: {  	_ =	swait.ge [sflag:s20], $0x800  }
0x65: {  	[sflag:s20] =	ssyncset.done $0x0  }
0x66: {  	s28 =	simm.s32 $0x500;
	[sflag:s20] =	ssyncadd.s32 $0xFFFFF800  }
0x67: {  	[spmem:s1] =	stream.indirect.scatter.add.f32 [tilespmem:s25], [sflag:$0x2], $0x10, s28, s18, $0xb8;
	[tilespmem:$0x1D000] =	vst v63  }
0x68: {  	_ =	swait.ge [sflag:s21], $0x800  }
0x69: {  	[sflag:s21] =	ssyncset.done $0x0  }
0x6a: {  	s30 =	simm.s32 $0x180;
	[sflag:s21] =	ssyncadd.s32 $0xFFFFF800  }
0x6b: {  	[tilespmem:s29], [sflag:$0x1] =	stream.indirect.gather [hbm4b:s6+s18], $0x10, s30, s18, $0xb8;
	[tilespmem:$0x1D000] =	vst v63  }
0x6c: {  	_ =	swait.ge [sflag:s20], $0x800  }
0x6d: {  	[sflag:s20] =	ssyncset.done $0x0  }
0x6e: {  	s28 =	simm.s32 $0x580;
	[sflag:s20] =	ssyncadd.s32 $0xFFFFF800  }
0x6f: {  	[spmem:s1] =	stream.indirect.scatter.add.f32 [tilespmem:s29], [sflag:$0x2], $0x10, s28, s18, $0xb8;
	[tilespmem:$0x1D000] =	vst v63  }
0x70: {  	_ =	swait.ge [sflag:s21], $0x800  }
0x71: {  	[sflag:s21] =	ssyncset.done $0x0  }
0x72: {  	s30 =	simm.s32 $0x200;
	[sflag:s21] =	ssyncadd.s32 $0xFFFFF800  }
0x73: {  	[tilespmem:s0], [sflag:$0x1] =	stream.indirect.gather [hbm4b:s6+s18], $0x10, s30, s18, $0xb8;
	[tilespmem:$0x1D000] =	vst v63  }
0x74: {  	_ =	swait.ge [sflag:s20], $0x800  }
0x75: {  	[sflag:s20] =	ssyncset.done $0x0  }
0x76: {  	[sflag:s20] =	ssyncadd.s32 $0xFFFFF800  }
0x77: {  	[spmem:s1] =	stream.indirect.scatter.add.f32 [tilespmem:s0], [sflag:$0x2], $0x10, s3, s18, $0xb8;
	[tilespmem:$0x1D000] =	vst v63  }
0x78: {  	_ =	swait.ge [sflag:s21], $0x800  }
0x79: {  	[sflag:s21] =	ssyncset.done $0x0  }
0x7a: {  	[sflag:s21] =	ssyncadd.s32 $0xFFFFF800  }
0x7b: {  	[tilespmem:s11], [sflag:$0x1] =	stream.indirect.gather [hbm4b:s6+s18], $0x10, s14, s18, $0xb8;
	[tilespmem:$0x1D000] =	vst v63  }
0x7c: {  	_ =	swait.ge [sflag:s20], $0x800  }
0x7d: {  	[sflag:s20] =	ssyncset.done $0x0  }
0x7e: {  	[sflag:s20] =	ssyncadd.s32 $0xFFFFF800  }
0x7f: {  	[spmem:s1] =	stream.indirect.scatter.add.f32 [tilespmem:s11], [sflag:$0x2], $0x10, s12, s18, $0xb8;
	[tilespmem:$0x1D000] =	vst v63  }
0x80: {  	_ =	swait.ge [sflag:s21], $0x800  }
0x81: {  	[sflag:s21] =	ssyncset.done $0x0  }
0x82: {  	[sflag:s21] =	ssyncadd.s32 $0xFFFFF800  }
0x83: {  	[tilespmem:s8], [sflag:$0x1] =	stream.indirect.gather [hbm4b:s6+s18], $0x10, s7, s18, $0xb8;
	[tilespmem:$0x1D000] =	vst v63  }
0x84: {  	_ =	swait.ge [sflag:s20], $0x800  }
0x85: {  	[sflag:s20] =	ssyncset.done $0x0  }
0x86: {  	[sflag:s20] =	ssyncadd.s32 $0xFFFFF800  }
0x87: {  	[spmem:s1] =	stream.indirect.scatter.add.f32 [tilespmem:s8], [sflag:$0x2], $0x10, s13, s18, $0xb8;
	[tilespmem:$0x1D000] =	vst v63  }
0x88: {  	_ =	swait.ge [sflag:s21], $0x800  }
0x89: {  	[sflag:s21] =	ssyncset.done $0x0  }
0x8a: {  	[sflag:s21] =	ssyncadd.s32 $0xFFFFF800  }
0x8b: {  	[tilespmem:s15], [sflag:$0x1] =	stream.indirect.gather [hbm4b:s6+s18], $0x10, s9, s18, $0xb8;
	[tilespmem:$0x1D000] =	vst v63  }
0x8c: {  	s24 =	sadd.s32 $0x1, s24;
	_ =	swait.ge [sflag:s20], $0x800  }
0x8d: {  	p1 =	sne.s32 s24, $0xC3;
	[sflag:s20] =	ssyncset.done $0x0  }
.Ltmp5:
0x8e: {  	[sflag:s20] =	ssyncadd.s32 $0xFFFFF800;
	(pc) =	sbr.rel @p1 .LBB2_3-.Ltmp5, $4  }
0x8f: {  	[spmem:s1] =	stream.indirect.scatter.add.f32 [tilespmem:s15], [sflag:$0x2], $0x10, s2, s18, $0xb8;
	[tilespmem:$0x1D000] =	vst v63  }
0x90: {  	_ =	swait.ge [sflag:s21], $0x800  }
0x91: {  	[sflag:s21] =	ssyncset.done $0x0  }
0x92: {  	[sflag:s21] =	ssyncadd.s32 $0xFFFFF800  }
.Ltmp6:
0x93: {  	(pc) =	sbr.rel @p0 .LBB2_8-.Ltmp6, $1  }
0x94: {  	_ =	sdelay $0x3  }
0x95: {  	s24 =	simm.s32 $0x0;
	s23 =	rddreg [dreg:$0x6]  }
0x96: {  	[tilespmem:s24], [sflag:$0x3] =	stream.linear.gather [hbm4b:s23+s24], $0x400, $0x38;
	[tilespmem:$0x1D000] =	vst v63  }
0x97: {  	_ =	swait.ge [sflag:s16], $0x400  }
0x98: {  	[sflag:s16] =	ssyncset.done $0x0  }
0x99: {  	s30 =	rddreg [dreg:$0x7];
	[sflag:s16] =	ssyncadd.s32 $0xFFFFFC00  }
0x9a: {  	[tilespmem:s17], [sflag:$0x3] =	stream.linear.gather [hbm4b:s30+s24], $0x400, $0x38;
	[tilespmem:$0x1D000] =	vst v63  }
0x9b: {  	_ =	swait.ge [sflag:s16], $0x400  }
0x9c: {  	[sflag:s16] =	ssyncset.done $0x0  }
0x9d: {  	[sflag:s16] =	ssyncadd.s32 $0xFFFFFC00  }
0x9e: {  	v0 =	vld [tilespmem:$0x0]  }
0x9f: {  	v1 =	vld [tilespmem:$0x10]  }
0xa0: {  	v2 =	vld [tilespmem:$0x20]  }
0xa1: {  	s26 =	rddreg [dreg:$0xd];
	v3 =	vld [tilespmem:$0x30]  }
0xa2: {  	s23 =	sshll.u32 s26, $0x3;
	v4 =	vld [tilespmem:$0x40]  }
0xa3: {  	v5 =	vld [tilespmem:$0x50];
	v0 =	vadd.s32 s23, v0  }
0xa4: {  	v6 =	vld [tilespmem:$0x60];
	v1 =	vadd.s32 s23, v1;
	[tilespmem:$0x0] =	vst v0  }
0xa5: {  	v59 =	vld [tilespmem:$0x70];
	v2 =	vadd.s32 s23, v2;
	[tilespmem:$0x10] =	vst v1  }
0xa6: {  	v60 =	vadd.s32 s23, v3;
	[tilespmem:$0x20] =	vst v2  }
0xa7: {  	v61 =	vadd.s32 s23, v4;
	[tilespmem:$0x30] =	vst v60  }
0xa8: {  	v62 =	vadd.s32 s23, v5;
	[tilespmem:$0x40] =	vst v61  }
0xa9: {  	v63 =	vadd.s32 s23, v6;
	[tilespmem:$0x50] =	vst v62  }
0xaa: {  	v0 =	vadd.s32 s23, v59;
	[tilespmem:$0x60] =	vst v63  }
0xab: {  	[tilespmem:$0x70] =	vst v0  }
0xac: {  	[tilespmem:s19], [sflag:$0x1] =	stream.indirect.gather [hbm4b:s6+s18], $0x10, s24, s18, $0xb8;
	[tilespmem:$0x1D000] =	vst v63  }
0xad: {  	_ =	swait.ge [sflag:s20], $0x800  }
0xae: {  	[sflag:s20] =	ssyncset.done $0x0  }
0xaf: {  	[sflag:s20] =	ssyncadd.s32 $0xFFFFF800  }
0xb0: {  	[spmem:s1] =	stream.indirect.scatter.add.f32 [tilespmem:s19], [sflag:$0x2], $0x10, s17, s18, $0xb8;
	[tilespmem:$0x1D000] =	vst v63  }
0xb1: {  	_ =	swait.ge [sflag:s21], $0x800  }
0xb2: {  	[sflag:s21] =	ssyncset.done $0x0  }
0xb3: {  	[sflag:s21] =	ssyncadd.s32 $0xFFFFF800  }
0xb4: {  	[tilespmem:s22], [sflag:$0x1] =	stream.indirect.gather [hbm4b:s6+s18], $0x10, s18, s18, $0xb8;
	[tilespmem:$0x1D000] =	vst v63  }
0xb5: {  	_ =	swait.ge [sflag:s20], $0x800  }
0xb6: {  	[sflag:s20] =	ssyncset.done $0x0  }
0xb7: {  	s28 =	simm.s32 $0x480;
	[sflag:s20] =	ssyncadd.s32 $0xFFFFF800  }
0xb8: {  	[spmem:s1] =	stream.indirect.scatter.add.f32 [tilespmem:s22], [sflag:$0x2], $0x10, s28, s18, $0xb8;
	[tilespmem:$0x1D000] =	vst v63  }
0xb9: {  	_ =	swait.ge [sflag:s21], $0x800  }
0xba: {  	[sflag:s21] =	ssyncset.done $0x0  }
0xbb: {  	s30 =	simm.s32 $0x100;
	[sflag:s21] =	ssyncadd.s32 $0xFFFFF800  }
0xbc: {  	[tilespmem:s25], [sflag:$0x1] =	stream.indirect.gather [hbm4b:s6+s18], $0x10, s30, s18, $0xb8;
	[tilespmem:$0x1D000] =	vst v63  }
0xbd: {  	_ =	swait.ge [sflag:s20], $0x800  }
0xbe: {  	[sflag:s20] =	ssyncset.done $0x0  }
0xbf: {  	s24 =	simm.s32 $0x500;
	[sflag:s20] =	ssyncadd.s32 $0xFFFFF800  }
0xc0: {  	[spmem:s1] =	stream.indirect.scatter.add.f32 [tilespmem:s25], [sflag:$0x2], $0x10, s24, s18, $0xb8;
	[tilespmem:$0x1D000] =	vst v63  }
0xc1: {  	_ =	swait.ge [sflag:s21], $0x800  }
0xc2: {  	[sflag:s21] =	ssyncset.done $0x0  }
0xc3: {  	s26 =	simm.s32 $0x180;
	[sflag:s21] =	ssyncadd.s32 $0xFFFFF800  }
0xc4: {  	[tilespmem:s29], [sflag:$0x1] =	stream.indirect.gather [hbm4b:s6+s18], $0x10, s26, s18, $0xb8;
	[tilespmem:$0x1D000] =	vst v63  }
0xc5: {  	_ =	swait.ge [sflag:s20], $0x800  }
0xc6: {  	[sflag:s20] =	ssyncset.done $0x0  }
0xc7: {  	s28 =	simm.s32 $0x580;
	[sflag:s20] =	ssyncadd.s32 $0xFFFFF800  }
0xc8: {  	[spmem:s1] =	stream.indirect.scatter.add.f32 [tilespmem:s29], [sflag:$0x2], $0x10, s28, s18, $0xb8;
	[tilespmem:$0x1D000] =	vst v63  }
0xc9: {  	_ =	swait.ge [sflag:s21], $0x800  }
0xca: {  	[sflag:s21] =	ssyncset.done $0x0  }
0xcb: {  	s30 =	simm.s32 $0x200;
	[sflag:s21] =	ssyncadd.s32 $0xFFFFF800  }
0xcc: {  	[tilespmem:s0], [sflag:$0x1] =	stream.indirect.gather [hbm4b:s6+s18], $0x10, s30, s18, $0xb8;
	[tilespmem:$0x1D000] =	vst v63  }
0xcd: {  	_ =	swait.ge [sflag:s20], $0x800  }
0xce: {  	[sflag:s20] =	ssyncset.done $0x0  }
0xcf: {  	[sflag:s20] =	ssyncadd.s32 $0xFFFFF800  }
0xd0: {  	[spmem:s1] =	stream.indirect.scatter.add.f32 [tilespmem:s0], [sflag:$0x2], $0x10, s3, s18, $0xb8;
	[tilespmem:$0x1D000] =	vst v63  }
0xd1: {  	_ =	swait.ge [sflag:s21], $0x800  }
0xd2: {  	[sflag:s21] =	ssyncset.done $0x0  }
0xd3: {  	[sflag:s21] =	ssyncadd.s32 $0xFFFFF800  }
0xd4: {  	[tilespmem:s11], [sflag:$0x1] =	stream.indirect.gather [hbm4b:s6+s18], $0x10, s14, s18, $0xb8;
	[tilespmem:$0x1D000] =	vst v63  }
0xd5: {  	_ =	swait.ge [sflag:s20], $0x800  }
0xd6: {  	[sflag:s20] =	ssyncset.done $0x0  }
0xd7: {  	[sflag:s20] =	ssyncadd.s32 $0xFFFFF800  }
0xd8: {  	[spmem:s1] =	stream.indirect.scatter.add.f32 [tilespmem:s11], [sflag:$0x2], $0x10, s12, s18, $0xb8;
	[tilespmem:$0x1D000] =	vst v63  }
0xd9: {  	_ =	swait.ge [sflag:s21], $0x800  }
0xda: {  	[sflag:s21] =	ssyncset.done $0x0  }
0xdb: {  	[sflag:s21] =	ssyncadd.s32 $0xFFFFF800  }
0xdc: {  	[tilespmem:s8], [sflag:$0x1] =	stream.indirect.gather [hbm4b:s6+s18], $0x10, s7, s18, $0xb8;
	[tilespmem:$0x1D000] =	vst v63  }
0xdd: {  	_ =	swait.ge [sflag:s20], $0x800  }
0xde: {  	[sflag:s20] =	ssyncset.done $0x0  }
0xdf: {  	[sflag:s20] =	ssyncadd.s32 $0xFFFFF800  }
0xe0: {  	[spmem:s1] =	stream.indirect.scatter.add.f32 [tilespmem:s8], [sflag:$0x2], $0x10, s13, s18, $0xb8;
	[tilespmem:$0x1D000] =	vst v63  }
0xe1: {  	_ =	swait.ge [sflag:s21], $0x800  }
0xe2: {  	[sflag:s21] =	ssyncset.done $0x0  }
0xe3: {  	[sflag:s21] =	ssyncadd.s32 $0xFFFFF800  }
0xe4: {  	[tilespmem:s15], [sflag:$0x1] =	stream.indirect.gather [hbm4b:s6+s18], $0x10, s9, s18, $0xb8;
	[tilespmem:$0x1D000] =	vst v63  }
0xe5: {  	_ =	swait.ge [sflag:s20], $0x800  }
0xe6: {  	[sflag:s20] =	ssyncset.done $0x0  }
.Ltmp7:
0xe7: {  	[sflag:s20] =	ssyncadd.s32 $0xFFFFF800;
	(pc) =	sbr.rel .LBB2_8-.Ltmp7, $4  }
0xe8: {  	[spmem:s1] =	stream.indirect.scatter.add.f32 [tilespmem:s15], [sflag:$0x2], $0x10, s2, s18, $0xb8;
	[tilespmem:$0x1D000] =	vst v63  }
0xe9: {  	_ =	swait.ge [sflag:s21], $0x800  }
0xea: {  	[sflag:s21] =	ssyncset.done $0x0  }
0xeb: {  	s31 =	simm.s32 $0x0;
	[sflag:s21] =	ssyncadd.s32 $0xFFFFF800  }
.LBB2_10:
0xec: {  	_ =	sfence.sel $0x180000  }
0xed: {  	[bflag:$0x0] =	sbarrier.arrive $0xFFFF  }
0xee: {  	_ =	strace $0x90000050  }
0xef: {  	s0 =	stileid.u32;
	[bflag:$0x2] =	sbarrier.arrive $0xFFFF  }
0xf0: {  	p0 =	sne.s32 s0, $0x0;
	s0 =	rddreg [dreg:$0x2]  }
0xf1: {  	s0 =	sadd.s32 @!p0 $0x100000, s0  }
0xf2: {  	[sflag:s0] =	ssyncadd.tile.s32 @!p0 $0x1;
	_ =	shalt  }
.Lfunc_end2:
_tile_overlayer_lowered:
.L_overlay_start_2:
0xf3: {  	(tag) =	ssettag $0x2  }
0xf4: {  	s0 =	rddreg [dreg:$0x0];
	s2 =	stileid.u32  }
0xf5: {  	s1 =	rddreg [dreg:$0x1];
	p0 =	sne.s32 s2, $0x0  }
0xf6: {  	s3 =	rddreg [dreg:$0x2];
	[bflag:$0x3] =	sbarrier.arrive $0xFFFF;
	s2 =	simm.s32 @!p0 $0x1C03  }
0xf7: {  	[timem:s3], [sflag:s2] =	dma.local @!p0 [hbm:s0], s1  }
0xf8: {  	s0 =	simm.s32 @!p0 $0x3  }
0xf9: {  	_ =	swait.ge @!p0 [sflag:s0], s1  }
0xfa: {  	s1 =	ssub.s32 @!p0 $0x0, s1;
	[sflag:s0] =	ssyncset.done @!p0 $0x0  }
0xfb: {  	[sflag:s0] =	ssyncadd.s32 @!p0 s1  }
0xfc: {  	[bflag:$0x3] =	sbarrier.arrive $0xFFFF  }
0xfd: {  	_ =	shalt  }

// kernel: sparse-core-data-format-call.cloned.1.call-start
scs
called_computation_lowered:
.L_overlay_start_0:
0x0: {  	s1 =	sld [smem:$0x3FD9]  }
0x1: {  	s2 =	sld [smem:$0x3FFE];
	_ =	sdelay $0x1  }
0x2: {  	s3 =	srdreg.scid  }
0x3: {  	s0 =	sand.u32 $0x1, s3  }
0x4: {  	s17 =	sshll.u32 s0, $0xA;
	s1 =	sadd.s32 s2, s1  }
0x5: {  	s1 =	sadd.s32 s1, s17  }
0x6: {  	[smem:$0x3FBD] =	sst s1  }
0x7: {  	_ = 	snop  }
0x8: {  	(tm) =	ssettm $0x1  }
0x9: {  	s18 =	sld [smem:$0x3FFB];
	_ =	sdelay $0x3  }
0xa: {  	_ =	strace s18  }
0xb: {  	s1 =	sld [smem:$0x3FFC];
	_ =	sdelay $0x3  }
0xc: {  	_ =	strace s1  }
0xd: {  	s1 =	sld [smem:$0x3FFD];
	_ =	sdelay $0x3  }
0xe: {  	_ =	strace s1  }
0xf: {  	_ =	strace $0x8FFFFFFF  }
0x10: {  	s19 =	sld [smem:$0x3FDB];
	_ =	sdelay $0x1  }
0x11: {  	s20 =	simm.s32 $_scs_section_size  }
0x12: {  	s4 =	simm.s32 $_size__tile_overlayer_lowered;
	s5 =	simm.s32 $_tile_overlayer_lowered  }
0x13: {  	s23 =	simm.s32 $0x1BFF;
	s22 =	sshll.u32 s5, $0x1;
	s1 =	sadd.s32 s20, s19  }
0x14: {  	s6 =	simm.s32 $0x0;
	s21 =	sshll.u32 s4, $0x1;
	s4 =	sadd.s32 s22, s1  }
0x15: {  	[timem:s6], [sflag:s23] =	dma.local [hbm:s4], s21  }
0x16: {  	_ =	swait.ge [sflag:s23], s21  }
0x17: {  	s2 =	ssub.s32 $0x0, s21;
	[sflag:s23] =	ssyncset.done $0x0  }
0x18: {  	[sflag:s23] =	ssyncadd.s32 s2;
	_ =	sdelay $0x1  }
0x19: {  	s24 =	simm.s32 $0x1B8B  }
0x1a: {  	_ =	swait.ge [sflag:s24], $0x1  }
0x1b: {  	[sflag:s24] =	ssyncset.done $0x0  }
0x1c: {  	s26 =	simm.s32 $0x1B8E;
	s25 =	sld [smem:$0x3FFE];
	[sflag:s24] =	ssyncadd.s32 $0xFFFFFFFF  }
0x1d: {  	s27 =	simm.s32 $execute0_lowered;
	[smem:$0x3FD2] =	sst s26  }
0x1e: {  	s4 =	sshll.u32 s27, $0x1;
	_ =	strace $0x8000004C;
	[dreg:$0x1] =	wrdreg $0xFFFFFFFF  }
0x1f: {  	s28 =	simm.s32 $_size_execute0_lowered;
	s1 =	sadd.s32 s1, s4;
	[dreg:$0x0] =	wrdreg $0x0  }
0x20: {  	s4 =	sshll.u32 s28, $0x1;
	[dreg:$0x2] =	wrdreg s1  }
0x21: {  	[dreg:$0x3] =	wrdreg s4  }
0x22: {  	[dreg:$0x4] =	wrdreg $0xC0  }
0x23: {  	_ =	task [dreg:s6], $0x5FFFF  }
0x24: {  	[dreg:$0x1] =	wrdreg $0xFFFFFFFF  }
0x25: {  	[dreg:$0x0] =	wrdreg $0x60  }
0x26: {  	[dreg:$0x2] =	wrdreg s25  }
0x27: {  	[dreg:$0x3] =	wrdreg $0x9  }
0x28: {  	_ =	task.clear_ibuf [dreg:s6], $0x4FFFF;
	_ =	strace $0x9000004C  }
0x29: {  	s29 =	simm.s32 $0x9;
	_ =	strace $0x8000004E  }
0x2a: {  	_ =	swait.ge [sflag:s29], $0x1  }
0x2b: {  	[sflag:s29] =	ssyncadd.s32 $0xFFFFFFFF  }
0x2c: {  	_ =	strace $0x9000004E  }
0x2d: {  	_ =	sfence  }
0x2e: {  	s30 =	sld [smem:$0x0];
	_ =	sdelay $0x2  }
0x2f: {  	s31 =	sshll.u32 s3, $0xD;
	s3 =	sshrl.u32 s3, $0x2  }
0x30: {  	s2 =	sand.u32 $0x4000, s31;
	s1 =	sadd.s32 s3, s30  }
0x31: {  	s0 =	sor.u32 s2, s0;
	s1 =	sshll.u32 s1, $0x11  }
0x32: {  	s0 =	sor.u32 s1, s0  }
0x33: {  	s0 =	sadd.s32 $0x8F2B, s0  }
0x34: {  	[sflag:s0] =	ssyncadd.remote.s32 $0x1  }
0x35: {  	_ =	sfence.sel $0xFFFF  }
0x36: {  	[dreg:$0x0] =	wrdreg $0xFFFFFFFF;
	(pc) =	sbr.abs _section_cstart, $3  }
0x37: {  	[dreg:$0x1] =	wrdreg $0xFFFFFFFF  }
0x38: {  	_ =	task.clear_ibuf [dreg:s6], $0x2FFFF;
	_ =	strace $0x9FFFFFFF  }
0x39: {  	(tm) =	ssettm $0x7FFFFFFF  }
tec
execute0_lowered:
.L_overlay_start_1:
0x0: {  	(tag) =	ssettag $0x1  }
0x1: {  	s3 =	stileid.u32  }
0x2: {  	s0 =	srdreg.scid;
	s2 =	rddreg [dreg:$0x0];
	_ =	strace $0x8000004D  }
0x3: {  	s30 =	simm.s32 $0x1;
	s31 =	simm.s32 $0x2;
	s16 =	simm.s32 $0x0  }
0x4: {  	s14 =	simm.s32 $0x0;
	s1 =	sshll.u32 s3, $0x7;
	s0 =	sshll.u32 s0, $0xB  }
0x5: {  	s15 =	simm.s32 $0x0;
	s11 =	simm.s32 $0x0;
	s0 =	sor.u32 s1, s0  }
0x6: {  	s13 =	simm.s32 $0x0;
	s6 =	sadd.s32 $0x1C8400, s2;
	s5 =	sand.u32 $0xC00, s0  }
0x7: {  	s2 =	sadd.s32 $0x350400, s2;
	s8 =	sand.u32 $0x7, s3;
	s0 =	ssub.s32 $0x18800, s5  }
0x8: {  	[dreg:$0x4] =	wrdreg s2;
	s1 =	simm.s32 $0x1;
	s29 =	sand.u32 $0xC00, s0  }
.Ltmp0:
0x9: {  	[dreg:$0x3] =	wrdreg s6;
	p0 =	sne.s32 s29, $0x0;
	(pc) =	sbr.rel .LBB1_1-.Ltmp0, $4  }
0xa: {  	[dreg:$0x6] =	wrdreg s8;
	s0 =	sshrl.u32 s0, $0xC;
	s1 =	simm.s32 @!p0 $0x0  }
0xb: {  	[sflag:s30] =	ssyncpa.u1 $0x0;
	[dreg:$0x2] =	wrdreg s5;
	s7 =	sadd.s32 s1, s0  }
0xc: {  	[sflag:s31] =	ssyncpa.u1 $0x0;
	s9 =	sadd.s32 $0x1, s7;
	[dreg:$0x5] =	wrdreg s7  }
0xd: {  	s12 =	smov.u32 s8;
	s10 =	smov.u32 s5;
	[dreg:$0x7] =	wrdreg s9  }
.LBB1_7:
0xe: {  	s0 =	sadd.s32 $0x1000, s10  }
0xf: {  	s1 =	sadd.s32 $0x10, s11;
	s2 =	smov.u32 s11;
	p1 =	sgt.s32 s0, $0x187FF  }
0x10: {  	s2 =	smov.u32 @p1 s1  }
0x11: {  	s3 =	sadd.s32 $0x8, s12;
	s4 =	smov.u32 s12;
	p2 =	sgt.s32 s2, $0xF  }
0x12: {  	s4 =	smov.u32 @p2 s3  }
0x13: {  	s0 =	smov.u32 @p1 s5;
	p1 =	sgt.s32 s4, $0x7  }
0x14: {  	p0 =	slt.u32 s13, $0x2;
	s4 =	smov.u32 @p1 s8;
	p1 =	sne.s32 s13, s9  }
.Ltmp1:
0x15: {  	s1 =	simm.s32 @!p0 $0x2;
	(pc) =	sbr.rel @!p1 .LBB1_8-.Ltmp1, $4  }
0x16: {  	s16 =	smov.u32 s10;
	_ =	swait.ge @!p0 [sflag:s1], $0x4000  }
0x17: {  	s14 =	smov.u32 s11;
	s15 =	smov.u32 s12;
	[sflag:s1] =	ssyncset.done @!p0 $0x0  }
0x18: {  	s10 =	smov.u32 s0;
	s2 =	simm.s32 @p2 $0x0;
	[sflag:s1] =	ssyncadd.s32 @!p0 $0xFFFFC000  }
0x19: {  	s11 =	smov.u32 s2;
	s13 =	sadd.s32 $0x1, s13;
	s12 =	smov.u32 s4  }
.LBB1_1:
0x1a: {  	p0 =	sge.u32 s13, s7  }
0x1b: {  	s0 =	sshrl.u32 @!p0 s11, $0x3  }
0x1c: {  	s1 =	sshll.u32 @!p0 s10, $0x3;
	s2 =	sshll.u32 @!p0 s11, $0x7;
	s0 =	smul.u32 @!p0 $0xC4000, s0  }
0x1d: {  	s3 =	sand.u32 @!p0 $0x7F, s10;
	s1 =	sand.u32 @!p0 $0xFFFFFC00, s1;
	s2 =	sand.u32 @!p0 $0x380, s2  }
0x1e: {  	s0 =	sadd.s32 @!p0 s0, s1;
	s1 =	sor.u32 @!p0 s3, s2  }
0x1f: {  	s1 =	sor.u32 @!p0 s0, s1  }
0x20: {  	s2 =	smulhi.u32 @!p0 $0x5397829D, s1  }
0x21: {  	s0 =	smulhi.u32 @!p0 $0x5397829D, s0  }
0x22: {  	s2 =	sshrl.u32 @!p0 s2, $0xF  }
0x23: {  	s31 =	sadd.s32 $0xFFFFFFFF, s13;
	s0 =	sshrl.u32 @!p0 s0, $0xF;
	s2 =	smul.u32 @!p0 $0x18800, s2  }
0x24: {  	s4 =	smul.u32 @!p0 $0x31000, s12;
	s3 =	sxor.u32 @!p0 $0xFFFFFFFF, s13;
	s0 =	sand.u32 @!p0 $0xF, s0  }
0x25: {  	s3 =	sshll.u32 @!p0 s3, $0xE;
	s0 =	smul.u32 @!p0 $0x3100, s0;
	s1 =	ssub.s32 @!p0 s1, s2  }
0x26: {  	s2 =	sand.u32 @!p0 $0x4000, s3;
	s3 =	sadd.s32 @!p0 s6, s4;
	s4 =	sand.u32 @!p0 $0x7, s1  }
0x27: {  	s1 =	sshrl.u32 @!p0 s1, $0x3;
	s0 =	sadd.s32 @!p0 s0, s3;
	s3 =	sshll.u32 @!p0 s4, $0x12  }
0x28: {  	s0 =	sadd.s32 @!p0 s1, s0;
	s1 =	sor.u32 @!p0 $0x2000, s3;
	s3 =	simm.s32 @!p0 $0xC4000  }
0x29: {  	[tilespmem:s2], [sflag:$0x1] =	stream.strided.gather @!p0 [hbm4b:s0+s1], $0x4000, s3, s1, $0x38;
	[tilespmem:$0x10800] =	vst v63  }
0x2a: {  	p0 =	sge.u32 s31, s7  }
.Ltmp2:
0x2b: {  	_ = 	snop;
	(pc) =	sbr.rel @p0 .LBB1_7-.Ltmp2, $1  }
0x2c: {  	_ =	sdelay $0x3  }
0x2d: {  	[dreg:$0xb] =	wrdreg s16  }
0x2e: {  	[dreg:$0xa] =	wrdreg s15  }
0x2f: {  	[dreg:$0x9] =	wrdreg s14;
	s0 =	sand.u32 $0x1, s13  }
0x30: {  	[dreg:$0x8] =	wrdreg s10;
	s2 =	simm.s32 $0x1;
	s1 =	smul.u32 $0x11000, s0  }
0x31: {  	_ =	swait.ge [sflag:s2], $0x4000  }
0x32: {  	s19 =	simm.s32 $0x0;
	[sflag:s2] =	ssyncset.done $0x0;
	s1 =	sshrl.u32 s1, $0x2  }
0x33: {  	s18 =	sshll.u32 s0, $0xE;
	[sflag:s2] =	ssyncadd.s32 $0xFFFFC000;
	s17 =	sor.u32 $0x8000, s1  }
.LBB1_3:
0x34: {  	s0 =	sshll.u32 s19, $0xA  }
0x35: {  	s1 =	sshll.u32 s19, $0x7;
	s0 =	sand.u32 $0x2000, s0  }
0x36: {  	s1 =	sand.u32 $0x380, s1;
	s0 =	sadd.s32 s0, s18  }
0x37: {  	s0 =	sadd.s32 s1, s0  }
0x38: {  	s20 =	sadd.s32 s19, s17;
	p0 =	por $0x1, $0x1;
	s21 =	simm.s32 $0x0;
	v0 =	vmov s0  }
.LBB1_4:
0x39: {  	s0 =	smul.u32 $0x44, s21;
	s1 =	sshll.u32 s21, $0x3;
	s2 =	sor.u32 $0x80, s21  }
0x3a: {  	s5 =	sor.u32 $0x90, s21;
	s6 =	sor.u32 $0xA0, s21;
	s10 =	sor.u32 $0xB0, s21  }
0x3b: {  	s16 =	sor.u32 $0xC0, s21;
	s28 =	sor.u32 $0xD0, s21;
	p1 =	por p0, p0  }
0x3c: {  	s1 =	sand.u32 $0x3FFFFFF8, s1;
	s3 =	smul.u32 $0x44, s2;
	s4 =	sshll.u32 s2, $0x3  }
0x3d: {  	s2 =	sshll.u32 s5, $0x3;
	s8 =	sshll.u32 s6, $0x3;
	s15 =	sshll.u32 s10, $0x3  }
0x3e: {  	s27 =	smul.u32 $0x44, s16;
	s29 =	sshll.u32 s16, $0x3;
	s0 =	sshra.s32 s0, $0x2  }
0x3f: {  	s31 =	sshll.u32 s28, $0x3;
	s9 =	sand.u32 $0x1400, s2;
	s0 =	sadd.s32 s0, s17  }
0x40: {  	s22 =	sadd.s32 s19, s0;
	s0 =	sand.u32 $0x3FFFFFF8, s4;
	s4 =	smul.u32 $0x44, s5  }
0x41: {  	s3 =	sshra.s32 s3, $0x2;
	s30 =	sshra.s32 s27, $0x2;
	s5 =	smul.u32 $0x44, s6  }
0x42: {  	s23 =	sadd.s32 s3, s20;
	s3 =	sand.u32 $0x1400, s29;
	s29 =	smul.u32 $0x44, s28  }
0x43: {  	v1 =	vld.idx.msk [tilespmem:v0+s1+$0x0 ss:$0x1], $0xffff;
	s27 =	sadd.s32 s30, s20;
	s30 =	sor.u32 $0xE0, s21;
	s7 =	sshra.s32 s4, $0x2  }
0x44: {  	v2 =	vld.idx.msk [tilespmem:v0+s1+$0x10 ss:$0x1], $0xffff;
	s4 =	sand.u32 $0x1400, s8;
	s14 =	sshra.s32 s5, $0x2;
	s8 =	smul.u32 $0x44, s10  }
0x45: {  	v3 =	vld.idx.msk [tilespmem:v0+s1+$0x20 ss:$0x1], $0xffff;
	s5 =	sand.u32 $0x1400, s15;
	s6 =	sshra.s32 s29, $0x2;
	s10 =	sshll.u32 s30, $0x3  }
0x46: {  	v4 =	vld.idx.msk [tilespmem:v0+s1+$0x30 ss:$0x1], $0xffff;
	s24 =	sadd.s32 s7, s20;
	s25 =	sadd.s32 s14, s20;
	s7 =	smul.u32 $0x44, s30  }
0x47: {  	v54 =	vld.idx.msk [tilespmem:v0+s0+$0x0 ss:$0x1], $0xffff;
	s28 =	sadd.s32 s6, s20;
	s14 =	sor.u32 $0xF0, s21;
	s2 =	sand.u32 $0x1400, s10  }
0x48: {  	[tilespmem:s22+$0x0 ss:$0x11] =	vst.msk $0xffff, v1;
	v1 =	vld.idx.msk [tilespmem:v0+s1+$0x50 ss:$0x1], $0xffff;
	s26 =	sshra.s32 s8, $0x2;
	s8 =	sand.u32 $0x1400, s31;
	s31 =	smul.u32 $0x44, s14  }
0x49: {  	[tilespmem:s22+$0x110 ss:$0x11] =	vst.msk $0xffff, v2;
	v2 =	vld.idx.msk [tilespmem:v0+s1+$0x60 ss:$0x1], $0xffff;
	s30 =	sshll.u32 s14, $0x3;
	s14 =	sor.u32 $0x120, s21;
	s26 =	sadd.s32 s26, s20  }
0x4a: {  	[tilespmem:s22+$0x220 ss:$0x11] =	vst.msk $0xffff, v3;
	v3 =	vld.idx.msk [tilespmem:v0+s1+$0x70 ss:$0x1], $0xffff;
	s29 =	sshra.s32 s7, $0x2;
	s7 =	sor.u32 $0x100, s21;
	s10 =	smul.u32 $0x44, s14  }
0x4b: {  	v57 =	vld.idx.msk [tilespmem:v0+s2+$0x60 ss:$0x1], $0xffff;
	s6 =	sand.u32 $0x1400, s30;
	s15 =	sshra.s32 s31, $0x2;
	s16 =	smul.u32 $0x44, s7  }
0x4c: {  	s14 =	sshll.u32 s14, $0x3;
	v56 =	vld.idx.msk [tilespmem:v0+s8+$0x50 ss:$0x1], $0xffff;
	s30 =	sadd.s32 s15, s20;
	s15 =	sor.u32 $0x110, s21  }
0x4d: {  	s7 =	sshll.u32 s7, $0x3;
	s31 =	sshra.s32 s16, $0x2;
	s16 =	smul.u32 $0x44, s15;
	[tilespmem:s22+$0x550 ss:$0x11] =	vst.msk $0xffff, v1;
	v1 =	vld.idx.msk [tilespmem:v0+s4+$0x20 ss:$0x1], $0xffff  }
0x4e: {  	s29 =	sadd.s32 s29, s20;
	s14 =	sand.u32 $0x1800, s14;
	s7 =	sand.u32 $0x3FFFFFF8, s7;
	[tilespmem:s22+$0x660 ss:$0x11] =	vst.msk $0xffff, v2;
	v2 =	vld.idx.msk [tilespmem:v0+s5+$0x30 ss:$0x1], $0xffff  }
0x4f: {  	s0 =	sshra.s32 s10, $0x2;
	s15 =	sshll.u32 s15, $0x3;
	[tilespmem:s22+$0x770 ss:$0x11] =	vst.msk $0xffff, v3;
	v3 =	vld.idx.msk [tilespmem:v0+s3+$0x40 ss:$0x1], $0xffff;
	s16 =	sshra.s32 s16, $0x2  }
0x50: {  	v5 =	vld.idx.msk [tilespmem:v0+s1+$0x40 ss:$0x1], $0xffff;
	s0 =	sadd.s32 s0, s20;
	[tilespmem:s29+$0x0 ss:$0x11] =	vst.msk $0xffff, v57;
	s1 =	sadd.s32 s16, s20;
	s16 =	sor.u32 $0x130, s21  }
0x51: {  	v55 =	vld.idx.msk [tilespmem:v0+s9+$0x10 ss:$0x1], $0xffff;
	s31 =	sadd.s32 s31, s20;
	[tilespmem:s28+$0x0 ss:$0x11] =	vst.msk $0xffff, v56;
	s10 =	smul.u32 $0x44, s16;
	s9 =	sshll.u32 s16, $0x3  }
0x52: {  	s15 =	sand.u32 $0x1800, s15;
	s16 =	sor.u32 $0x140, s21;
	s4 =	sand.u32 $0x1800, s9;
	[tilespmem:s25+$0x0 ss:$0x11] =	vst.msk $0xffff, v1  }
0x53: {  	[tilespmem:s26+$0x0 ss:$0x11] =	vst.msk $0xffff, v2;
	s26 =	sor.u32 $0x180, s21;
	s9 =	sshra.s32 s10, $0x2;
	s10 =	smul.u32 $0x44, s16  }
0x54: {  	s29 =	sor.u32 $0x190, s21;
	v1 =	vld.idx.msk [tilespmem:v0+s6+$0x70 ss:$0x1], $0xffff;
	[tilespmem:s27+$0x0 ss:$0x11] =	vst.msk $0xffff, v3;
	s27 =	smul.u32 $0x44, s26;
	s28 =	sshll.u32 s26, $0x3  }
0x55: {  	[tilespmem:s22+$0x330 ss:$0x11] =	vst.msk $0xffff, v4;
	s5 =	sadd.s32 s9, s20;
	s9 =	sshll.u32 s16, $0x3;
	s16 =	sor.u32 $0x150, s21  }
0x56: {  	[tilespmem:s22+$0x440 ss:$0x11] =	vst.msk $0xffff, v5;
	s3 =	sand.u32 $0x1800, s9;
	s22 =	sshra.s32 s10, $0x2;
	s10 =	smul.u32 $0x44, s16  }
0x57: {  	[tilespmem:s24+$0x0 ss:$0x11] =	vst.msk $0xffff, v55;
	s16 =	sshll.u32 s16, $0x3;
	s8 =	sadd.s32 s22, s20;
	s22 =	sor.u32 $0x160, s21  }
0x58: {  	[tilespmem:s23+$0x0 ss:$0x11] =	vst.msk $0xffff, v54;
	v2 =	vld.idx.msk [tilespmem:v0+s7+$0x0 ss:$0x1], $0xffff;
	s2 =	sand.u32 $0x1800, s16;
	s23 =	sshra.s32 s10, $0x2;
	s24 =	smul.u32 $0x44, s22  }
0x59: {  	s16 =	sshll.u32 s22, $0x3;
	s22 =	sor.u32 $0x170, s21;
	[tilespmem:s30+$0x0 ss:$0x11] =	vst.msk $0xffff, v1;
	v1 =	vld.idx.msk [tilespmem:v0+s3+$0x40 ss:$0x1], $0xffff;
	s3 =	sand.u32 $0x3FFFFFF8, s28  }
0x5a: {  	v3 =	vld.idx.msk [tilespmem:v0+s15+$0x10 ss:$0x1], $0xffff;
	s30 =	sor.u32 $0x1B0, s21;
	s6 =	sadd.s32 s23, s20;
	s7 =	sand.u32 $0x1800, s16  }
0x5b: {  	v58 =	vld.idx.msk [tilespmem:v0+s14+$0x20 ss:$0x1], $0xffff;
	s25 =	sshll.u32 s22, $0x3;
	s15 =	sshll.u32 s30, $0x3;
	s23 =	sshra.s32 s24, $0x2  }
0x5c: {  	v59 =	vld.idx.msk [tilespmem:v0+s4+$0x30 ss:$0x1], $0xffff;
	s24 =	smul.u32 $0x44, s22;
	s14 =	sand.u32 $0x1800, s25;
	s22 =	sshra.s32 s27, $0x2  }
0x5d: {  	s25 =	sor.u32 $0x1A0, s21;
	s9 =	sadd.s32 s23, s20;
	s23 =	smul.u32 $0x44, s29  }
0x5e: {  	[tilespmem:s31+$0x0 ss:$0x11] =	vst.msk $0xffff, v2;
	v2 =	vld.idx.msk [tilespmem:v0+s2+$0x50 ss:$0x1], $0xffff;
	s16 =	sand.u32 $0x1C00, s15;
	s2 =	sadd.s32 s22, s20;
	s28 =	smul.u32 $0x44, s25  }
0x5f: {  	[tilespmem:s1+$0x0 ss:$0x11] =	vst.msk $0xffff, v3;
	v3 =	vld.idx.msk [tilespmem:v0+s7+$0x60 ss:$0x1], $0xffff;
	s22 =	sor.u32 $0x1C0, s21;
	s10 =	sshra.s32 s24, $0x2;
	s24 =	sshll.u32 s29, $0x3  }
0x60: {  	[tilespmem:s0+$0x0 ss:$0x11] =	vst.msk $0xffff, v58;
	v61 =	vld.idx.msk [tilespmem:v0+s3+$0x0 ss:$0x1], $0xffff;
	s29 =	sshll.u32 s25, $0x3;
	s25 =	sor.u32 $0x1D0, s21;
	s7 =	smul.u32 $0x44, s22  }
0x61: {  	[tilespmem:s5+$0x0 ss:$0x11] =	vst.msk $0xffff, v59;
	v60 =	vld.idx.msk [tilespmem:v0+s14+$0x70 ss:$0x1], $0xffff;
	s4 =	sadd.s32 s10, s20;
	s26 =	sand.u32 $0x1C00, s24;
	s27 =	sshra.s32 s23, $0x2  }
0x62: {  	s31 =	sand.u32 $0x1C00, s29;
	s10 =	sshra.s32 s28, $0x2;
	[tilespmem:s8+$0x0 ss:$0x11] =	vst.msk $0xffff, v1;
	s23 =	smul.u32 $0x44, s30;
	v1 =	vld.idx.msk [tilespmem:v0+s26+$0x10 ss:$0x1], $0xffff  }
0x63: {  	[tilespmem:s6+$0x0 ss:$0x11] =	vst.msk $0xffff, v2;
	s24 =	sshll.u32 s22, $0x3;
	s28 =	sor.u32 $0x1E0, s21;
	s0 =	sadd.s32 s27, s20;
	v2 =	vld.idx.msk [tilespmem:v0+s31+$0x20 ss:$0x1], $0xffff  }
0x64: {  	s1 =	sadd.s32 s10, s20;
	s26 =	sand.u32 $0x1C00, s24;
	s27 =	sshll.u32 s25, $0x3;
	[tilespmem:s9+$0x0 ss:$0x11] =	vst.msk $0xffff, v3;
	v3 =	vld.idx.msk [tilespmem:v0+s16+$0x30 ss:$0x1], $0xffff  }
0x65: {  	s30 =	sshll.u32 s28, $0x3;
	s31 =	sor.u32 $0x1F0, s21;
	[tilespmem:s2+$0x0 ss:$0x11] =	vst.msk $0xffff, v61;
	v62 =	vld.idx.msk [tilespmem:v0+s26+$0x40 ss:$0x1], $0xffff;
	s29 =	sand.u32 $0x1C00, s27  }
0x66: {  	s10 =	sand.u32 $0x1C00, s30;
	s14 =	sshll.u32 s31, $0x3;
	s16 =	smul.u32 $0x44, s25;
	[tilespmem:s4+$0x0 ss:$0x11] =	vst.msk $0xffff, v60;
	v63 =	vld.idx.msk [tilespmem:v0+s29+$0x50 ss:$0x1], $0xffff  }
0x67: {  	s15 =	sshra.s32 s23, $0x2;
	s23 =	smul.u32 $0x44, s28;
	s21 =	sand.u32 $0x1C00, s14;
	[tilespmem:s0+$0x0 ss:$0x11] =	vst.msk $0xffff, v1;
	v1 =	vld.idx.msk [tilespmem:v0+s10+$0x60 ss:$0x1], $0xffff  }
0x68: {  	s22 =	sshra.s32 s7, $0x2;
	s26 =	smul.u32 $0x44, s31;
	[tilespmem:s1+$0x0 ss:$0x11] =	vst.msk $0xffff, v2;
	v2 =	vld.idx.msk [tilespmem:v0+s21+$0x70 ss:$0x1], $0xffff;
	s0 =	sadd.s32 s15, s20  }
.Ltmp3:
0x69: {  	s24 =	sadd.s32 s22, s20;
	s25 =	sshra.s32 s16, $0x2;
	[tilespmem:s0+$0x0 ss:$0x11] =	vst.msk $0xffff, v3;
	(pc) =	sbr.rel @p1 .LBB1_4-.Ltmp3, $4  }
0x6a: {  	s28 =	sshra.s32 s23, $0x2;
	s27 =	sadd.s32 s25, s20;
	[tilespmem:s24+$0x0 ss:$0x11] =	vst.msk $0xffff, v62  }
0x6b: {  	s30 =	sshra.s32 s26, $0x2;
	s29 =	sadd.s32 s28, s20;
	[tilespmem:s27+$0x0 ss:$0x11] =	vst.msk $0xffff, v63  }
0x6c: {  	s31 =	sadd.s32 s30, s20;
	[tilespmem:s29+$0x0 ss:$0x11] =	vst.msk $0xffff, v1  }
0x6d: {  	p0 =	por $0x0, $0x0;
	s21 =	simm.s32 $0x200;
	[tilespmem:s31+$0x0 ss:$0x11] =	vst.msk $0xffff, v2  }
0x6e: {  	s19 =	sadd.s32 $0x1, s19  }
0x6f: {  	p0 =	sne.s32 s19, $0x10  }
.Ltmp4:
0x70: {  	_ = 	snop;
	(pc) =	sbr.rel @p0 .LBB1_3-.Ltmp4, $1  }
0x71: {  	_ =	sdelay $0x3  }
0x72: {  	s0 =	rddreg [dreg:$0xb]  }
0x73: {  	s4 =	rddreg [dreg:$0x9]  }
0x74: {  	s0 =	sshll.u32 s0, $0x7;
	s1 =	sshll.u32 s4, $0x3  }
0x75: {  	s2 =	sand.u32 $0xFFFFFC00, s0;
	s1 =	sand.u32 $0xFFFFFC00, s1  }
0x76: {  	s26 =	rddreg [dreg:$0xa];
	s0 =	sand.u32 $0x380, s0;
	s1 =	sadd.s32 s1, s2  }
0x77: {  	s3 =	rddreg [dreg:$0x4];
	s0 =	sor.u32 s0, s1  }
0x78: {  	s5 =	rddreg [dreg:$0x2];
	s0 =	sshrl.u32 s0, $0x7  }
0x79: {  	s6 =	rddreg [dreg:$0x3];
	s25 =	smulhi.u32 $0x14E5E0B, s0  }
0x7a: {  	s7 =	rddreg [dreg:$0x5]  }
0x7b: {  	s8 =	rddreg [dreg:$0x6];
	s2 =	smul.u32 $0x188000, s26;
	s1 =	sshrl.u32 s25, $0x9  }
0x7c: {  	s31 =	simm.s32 $0x80;
	s9 =	rddreg [dreg:$0x7];
	s1 =	smul.u32 $0x18800, s1  }
.Ltmp5:
0x7d: {  	s27 =	sshrl.u32 s4, $0x3;
	s28 =	sand.u32 $0x7, s4;
	(pc) =	sbr.rel .LBB1_7-.Ltmp5, $4  }
0x7e: {  	s2 =	sadd.s32 s3, s2;
	s0 =	ssub.s32 s0, s1;
	s1 =	sand.u32 $0xF, s27  }
0x7f: {  	s29 =	sshll.u32 s28, $0x12;
	s0 =	sshll.u32 s0, $0x4;
	s1 =	sadd.s32 s1, s2  }
0x80: {  	s10 =	rddreg [dreg:$0x8];
	s30 =	sor.u32 $0x10, s29;
	s0 =	sadd.s32 s0, s1  }
0x81: {  	[hbm4b:s0+s30] =	stream.strided.scatter [tilespmem:s17], [sflag:$0x2], $0x4000, s31, s30, $0x8;
	[tilespmem:$0x10800] =	vst v63  }
.LBB1_8:
0x82: {  	_ =	sfence.sel $0x180000  }
0x83: {  	s0 =	simm.s32 $0x1;
	[bflag:$0x0] =	sbarrier.arrive $0xFFFF  }
0x84: {  	s30 =	simm.s32 $0x2;
	[sflag:s0] =	ssyncpa.u1 $0x1  }
0x85: {  	[sflag:s30] =	ssyncpa.u1 $0x1  }
0x86: {  	_ =	strace $0x9000004D  }
0x87: {  	s31 =	stileid.u32;
	[bflag:$0x2] =	sbarrier.arrive $0xFFFF  }
0x88: {  	p0 =	sne.s32 s31, $0x0;
	s0 =	rddreg [dreg:$0x1]  }
0x89: {  	s0 =	sadd.s32 @!p0 $0x100000, s0  }
0x8a: {  	[sflag:s0] =	ssyncadd.tile.s32 @!p0 $0x1;
	_ =	shalt  }
.Lfunc_end1:
_tile_overlayer_lowered:
.L_overlay_start_2:
0x8b: {  	(tag) =	ssettag $0x2  }
0x8c: {  	s0 =	rddreg [dreg:$0x0];
	s2 =	stileid.u32  }
0x8d: {  	s1 =	rddreg [dreg:$0x1];
	p0 =	sne.s32 s2, $0x0  }
0x8e: {  	s3 =	rddreg [dreg:$0x2];
	[bflag:$0x3] =	sbarrier.arrive $0xFFFF;
	s2 =	simm.s32 @!p0 $0x1C01  }
0x8f: {  	[timem:s3], [sflag:s2] =	dma.local @!p0 [hbm:s0], s1  }
0x90: {  	s0 =	simm.s32 @!p0 $0x1  }
0x91: {  	_ =	swait.ge @!p0 [sflag:s0], s1  }
0x92: {  	s1 =	ssub.s32 @!p0 $0x0, s1;
	[sflag:s0] =	ssyncset.done @!p0 $0x0  }
0x93: {  	[sflag:s0] =	ssyncadd.s32 @!p0 s1  }
0x94: {  	[bflag:$0x3] =	sbarrier.arrive $0xFFFF  }
0x95: {  	_ =	shalt  }

</sc_bundles>
